<compile_context>
chip_gen: v7x
topology: tpu7x:2x2x1
jax: 0.10.2.dev20260603
libtpu: 0.0.44.dev20260713+nightly
codegen_flags: <defaults>
</compile_context>

<pallas_src>
import jax
import jax.numpy as jnp
from jax import lax
from jax.experimental import pallas as pl
from jax.experimental.pallas import tpu as pltpu
from jax.experimental.pallas import tpu_sc as plsc

_NC, _NS, _L = 2, 16, 16
_NW = _NC * _NS
_CHUNK = 32
_NBUF = 3
_PF = 2


def _sc_body(tid_hbm, emb_hbm, tok_hbm, out_hbm, idx_v, row_v, buf, *sems):
    wid = lax.axis_index("s") * _NC + lax.axis_index("c")
    rows, d_model = tok_hbm.shape
    rows_per_w = rows // _NW
    base = wid * rows_per_w
    nchunks = rows_per_w // _CHUNK

    pltpu.sync_copy(tid_hbm, idx_v)
    pltpu.async_copy(emb_hbm.at[idx_v], row_v, sems[0]).wait()

    def bufslice(b):
        return buf.at[pl.ds(b * _CHUNK, _CHUNK)]

    def tokslice(c):
        return tok_hbm.at[pl.ds(base + c * _CHUNK, _CHUNK)]

    def outslice(c):
        return out_hbm.at[pl.ds(base + c * _CHUNK, _CHUNK)]

    def compute(b):
        @pl.loop(0, d_model // (8 * _L))
        def _d8(d8):
            col0 = d8 * (8 * _L)
            rvs = [row_v[0, pl.ds(col0 + k * _L, _L)] for k in range(8)]

            @plsc.parallel_loop(0, _CHUNK, unroll=2)
            def _r(r):
                for k in range(8):
                    buf[b * _CHUNK + r, pl.ds(col0 + k * _L, _L)] += rvs[k]

    for c in range(_PF):
        pltpu.async_copy(tokslice(c), bufslice(c % _NBUF), sems[c % _NBUF])

    for c in range(nchunks):
        b = c % _NBUF
        pltpu.make_async_copy(tokslice(c), bufslice(b), sems[b]).wait()
        compute(b)
        pltpu.async_copy(bufslice(b), outslice(c), sems[b])
        pc = c + _PF
        if pc < nchunks:
            pb = pc % _NBUF
            if pc >= _NBUF:
                pltpu.make_async_copy(
                    bufslice(pb), outslice(pc - _NBUF), sems[pb]).wait()
            pltpu.async_copy(tokslice(pc), bufslice(pb), sems[pb])

    for c in range(nchunks - _NBUF, nchunks):
        b = c % _NBUF
        pltpu.make_async_copy(bufslice(b), outslice(c), sems[b]).wait()


def kernel(tokens, embed_weight, type_id):
    B, N, D = tokens.shape
    rows = B * N
    flat = tokens.reshape(rows, D)
    tid_vec = jnp.full((8,), type_id, jnp.int32)

    mesh = plsc.VectorSubcoreMesh(
        core_axis_name="c", subcore_axis_name="s",
        num_cores=_NC, num_subcores=_NS)
    sc = pl.kernel(
        _sc_body,
        out_type=jax.ShapeDtypeStruct((rows, D), tokens.dtype),
        mesh=mesh,
        scratch_types=[
            pltpu.VMEM((8,), jnp.int32),
            pltpu.VMEM((8, D), jnp.float32),
            pltpu.VMEM((_NBUF * _CHUNK, D), jnp.float32),
        ] + [pltpu.SemaphoreType.DMA] * _NBUF,
    )
    out = sc(tid_vec, embed_weight, flat)
    return out.reshape(B, N, D)

# --- scband reference (transcript-rebuilt; emitter-appended) ---
"""Pipeline reference for scband-type-embedding-51573967290777 (READ-ONLY COPY).

The authoritative reference and input builder live on the scoring server;
editing this copy changes nothing except your own understanding.
"""

import jax, jax.numpy as jnp
import numpy as np


def setup_inputs(seed: int = 0) -> dict:
    key = jax.random.key(seed)
    k_tok, k_emb = jax.random.split(key)
    tokens = jax.random.normal(k_tok, (4, 4096, 1024), dtype=jnp.float32)
    # learned type embedding table: trunc_normal std=0.02 approximated by clipped normal
    embed_weight = jnp.clip(jax.random.normal(k_emb, (3, 1024), dtype=jnp.float32) * 0.02, -0.04, 0.04)
    type_id = 1
    return {"tokens": tokens, "embed_weight": embed_weight, "type_id": type_id}


def reference(tokens, embed_weight, type_id):
    # embedding lookup of a single scalar index, then broadcast-add over (B, N)
    type_emb = jnp.take(embed_weight, type_id, axis=0)  # (embed_dim,)
    return tokens + type_emb[None, None, :]

if __name__ == "__main__":
    import jax
    _d = setup_inputs()
    print(jax.jit(kernel)(*tuple(_d.values())))

</pallas_src>

<mosaic_0001>
#map = affine_map<(d0, d1) -> (0)>
#map1 = affine_map<(d0, d1) -> (0, 0)>
module attributes {stable_mosaic.version = 14 : i64} {
  func.func @_sc_body(%arg0: i32, %arg1: i32, %arg2: memref<8xi32, #tpu.memory_space<hbm>>, %arg3: memref<3x1024xf32, #tpu.memory_space<hbm>>, %arg4: memref<16384x1024xf32, #tpu.memory_space<hbm>>, %arg5: memref<16384x1024xf32, #tpu.memory_space<hbm>>, %arg6: memref<8xi32, #tpu.memory_space<vmem>>, %arg7: memref<8x1024xf32, #tpu.memory_space<vmem>>, %arg8: memref<96x1024xf32, #tpu.memory_space<vmem>>, %arg9: memref<!tpu.dma_semaphore, #tpu.memory_space<semaphore_mem>>, %arg10: memref<!tpu.dma_semaphore, #tpu.memory_space<semaphore_mem>>, %arg11: memref<!tpu.dma_semaphore, #tpu.memory_space<semaphore_mem>>) attributes {dimension_semantics = [#tpu.dimension_semantics<core_parallel>, #tpu.dimension_semantics<subcore_parallel>], iteration_bounds = array<i64: 2, 16>, scalar_prefetch = 0 : i64, scratch_operands = 6 : i64, tpu.core_type = #tpu.core_type<sc_vector_subcore>, window_params = [{transform_indices = #map}, {transform_indices = #map1}, {transform_indices = #map1}, {transform_indices = #map1}]} {
    %mul3A = arith.constant 2 : i32
    %mul3A_0 = arith.muli %arg1, %mul3A : i32
    %add3A = arith.addi %mul3A_0, %arg0 : i32
    %mul3A_1 = arith.constant 512 : i32
    %mul3A_2 = arith.muli %add3A, %mul3A_1 : i32
    "tpu.region"() ({
      %run_scoped3A = tpu.sem_alloc : memref<!tpu.dma_semaphore, #tpu.memory_space<semaphore_mem>>
      tpu.enqueue_dma source(%arg2 : memref<8xi32, #tpu.memory_space<hbm>>) target(%arg6 : memref<8xi32, #tpu.memory_space<vmem>>) target_semaphore(%run_scoped3A : memref<!tpu.dma_semaphore, #tpu.memory_space<semaphore_mem>>)
      tpu.wait_dma2 semaphore(%run_scoped3A : memref<!tpu.dma_semaphore, #tpu.memory_space<semaphore_mem>>) src(%arg2 : memref<8xi32, #tpu.memory_space<hbm>>) dst(%arg6 : memref<8xi32, #tpu.memory_space<vmem>>)
      tpu.yield
    }) : () -> ()
    %dma_start3A = arith.constant 0 : i32
    %dma_start3A_3 = arith.constant 0 : i32
    %dma_start3A_4 = tpu.memref_slice %arg3[%dma_start3A, %dma_start3A_3] : memref<3x1024xf32, #tpu.memory_space<hbm>> -> memref<3x1024xf32, #tpu.memory_space<hbm>>
    tpu.enqueue_indirect_dma source(%dma_start3A_4 : memref<3x1024xf32, #tpu.memory_space<hbm>>) target(%arg7 : memref<8x1024xf32, #tpu.memory_space<vmem>>) offsets(%arg6 : memref<8xi32, #tpu.memory_space<vmem>>) semaphore(%arg9 : memref<!tpu.dma_semaphore, #tpu.memory_space<semaphore_mem>>)
    %dma_wait3A = arith.constant 0 : i32
    %dma_wait3A_5 = arith.constant 0 : i32
    %dma_wait3A_6 = tpu.memref_slice %arg3[%dma_wait3A, %dma_wait3A_5] : memref<3x1024xf32, #tpu.memory_space<hbm>> -> memref<3x1024xf32, #tpu.memory_space<hbm>>
    tpu.wait_indirect_dma semaphore(%arg9 : memref<!tpu.dma_semaphore, #tpu.memory_space<semaphore_mem>>) src(%dma_wait3A_6 : memref<3x1024xf32, #tpu.memory_space<hbm>>) dst(%arg7 : memref<8x1024xf32, #tpu.memory_space<vmem>>)
    %add3A_7 = arith.constant 0 : i32
    %add3A_8 = arith.addi %mul3A_2, %add3A_7 : i32
    %dma_start3A_9 = arith.constant 0 : i32
    %dma_start3A_10 = arith.constant 0 : i32
    %dma_start3A_11 = tpu.memref_slice %arg8[%dma_start3A_9, %dma_start3A_10] : memref<96x1024xf32, #tpu.memory_space<vmem>> -> memref<32x1024xf32, #tpu.memory_space<vmem>>
    %dma_start3A_12 = arith.constant 0 : i32
    %dma_start3A_13 = tpu.memref_slice %arg4[%add3A_8, %dma_start3A_12] : memref<16384x1024xf32, #tpu.memory_space<hbm>> -> memref<32x1024xf32, #tpu.memory_space<hbm>>
    %dma_start3A_14 = arith.constant 0 : i32
    %dma_start3A_15 = arith.constant 0 : i32
    %dma_start3A_16 = tpu.memref_slice %arg8[%dma_start3A_14, %dma_start3A_15] : memref<96x1024xf32, #tpu.memory_space<vmem>> -> memref<32x1024xf32, #tpu.memory_space<vmem>>
    %dma_start3A_17 = arith.constant 0 : i32
    %dma_start3A_18 = tpu.memref_slice %arg4[%add3A_8, %dma_start3A_17] : memref<16384x1024xf32, #tpu.memory_space<hbm>> -> memref<32x1024xf32, #tpu.memory_space<hbm>>
    tpu.enqueue_dma source(%dma_start3A_18 : memref<32x1024xf32, #tpu.memory_space<hbm>>) target(%dma_start3A_16 : memref<32x1024xf32, #tpu.memory_space<vmem>>) target_semaphore(%arg9 : memref<!tpu.dma_semaphore, #tpu.memory_space<semaphore_mem>>)
    %add3A_19 = arith.constant 32 : i32
    %add3A_20 = arith.addi %mul3A_2, %add3A_19 : i32
    %dma_start3A_21 = arith.constant 32 : i32
    %dma_start3A_22 = arith.constant 0 : i32
    %dma_start3A_23 = tpu.memref_slice %arg8[%dma_start3A_21, %dma_start3A_22] : memref<96x1024xf32, #tpu.memory_space<vmem>> -> memref<32x1024xf32, #tpu.memory_space<vmem>>
    %dma_start3A_24 = arith.constant 0 : i32
    %dma_start3A_25 = tpu.memref_slice %arg4[%add3A_20, %dma_start3A_24] : memref<16384x1024xf32, #tpu.memory_space<hbm>> -> memref<32x1024xf32, #tpu.memory_space<hbm>>
    %dma_start3A_26 = arith.constant 32 : i32
    %dma_start3A_27 = arith.constant 0 : i32
    %dma_start3A_28 = tpu.memref_slice %arg8[%dma_start3A_26, %dma_start3A_27] : memref<96x1024xf32, #tpu.memory_space<vmem>> -> memref<32x1024xf32, #tpu.memory_space<vmem>>
    %dma_start3A_29 = arith.constant 0 : i32
    %dma_start3A_30 = tpu.memref_slice %arg4[%add3A_20, %dma_start3A_29] : memref<16384x1024xf32, #tpu.memory_space<hbm>> -> memref<32x1024xf32, #tpu.memory_space<hbm>>
    tpu.enqueue_dma source(%dma_start3A_30 : memref<32x1024xf32, #tpu.memory_space<hbm>>) target(%dma_start3A_28 : memref<32x1024xf32, #tpu.memory_space<vmem>>) target_semaphore(%arg10 : memref<!tpu.dma_semaphore, #tpu.memory_space<semaphore_mem>>)
    %add3A_31 = arith.constant 0 : i32
    %add3A_32 = arith.addi %mul3A_2, %add3A_31 : i32
    %dma_wait3A_33 = arith.constant 0 : i32
    %dma_wait3A_34 = arith.constant 0 : i32
    %dma_wait3A_35 = tpu.memref_slice %arg8[%dma_wait3A_33, %dma_wait3A_34] : memref<96x1024xf32, #tpu.memory_space<vmem>> -> memref<32x1024xf32, #tpu.memory_space<vmem>>
    %dma_wait3A_36 = arith.constant 0 : i32
    %dma_wait3A_37 = tpu.memref_slice %arg4[%add3A_32, %dma_wait3A_36] : memref<16384x1024xf32, #tpu.memory_space<hbm>> -> memref<32x1024xf32, #tpu.memory_space<hbm>>
    %dma_wait3A_38 = arith.constant 0 : i32
    %dma_wait3A_39 = arith.constant 0 : i32
    %dma_wait3A_40 = tpu.memref_slice %arg8[%dma_wait3A_38, %dma_wait3A_39] : memref<96x1024xf32, #tpu.memory_space<vmem>> -> memref<32x1024xf32, #tpu.memory_space<vmem>>
    %dma_wait3A_41 = arith.constant 0 : i32
    %dma_wait3A_42 = tpu.memref_slice %arg4[%add3A_32, %dma_wait3A_41] : memref<16384x1024xf32, #tpu.memory_space<hbm>> -> memref<32x1024xf32, #tpu.memory_space<hbm>>
    tpu.wait_dma2 semaphore(%arg9 : memref<!tpu.dma_semaphore, #tpu.memory_space<semaphore_mem>>) src(%dma_wait3A_42 : memref<32x1024xf32, #tpu.memory_space<hbm>>) dst(%dma_wait3A_40 : memref<32x1024xf32, #tpu.memory_space<vmem>>)
    %scan3A = arith.constant 0 : i32
    %scan3A_43 = arith.constant 8 : i32
    %scan3A_44 = arith.addi %scan3A, %scan3A_43 : i32
    %scan3A_45 = arith.constant 1 : i32
    scf.for %scan3A_854 = %scan3A to %scan3A_44 step %scan3A_45  : i32 {
      %mul3A_855 = arith.constant 1 : i32
      %mul3A_856 = arith.muli %scan3A_854, %mul3A_855 : i32
      %add3A_857 = arith.constant 0 : i32
      %add3A_858 = arith.addi %add3A_857, %mul3A_856 : i32
      %mul3A_859 = arith.constant 128 : i32
      %mul3A_860 = arith.muli %add3A_858, %mul3A_859 : i32
      %add3A_861 = arith.constant 0 : i32
      %add3A_862 = arith.addi %mul3A_860, %add3A_861 : i32
      %get3A = arith.constant 0 : i32
      %get3A_863 = arith.index_cast %get3A : i32 to index
      %get3A_864 = arith.index_cast %add3A_862 : i32 to index
      %get3A_865 = tpu.vector_load %arg7[%get3A_863, %get3A_864] {strides = array<i32>} : memref<8x1024xf32, #tpu.memory_space<vmem>>, vector<1x16xf32>,
      %get3A_866 = vector.shape_cast %get3A_865 : vector<1x16xf32> to vector<16xf32>
      %add3A_867 = arith.constant 16 : i32
      %add3A_868 = arith.addi %mul3A_860, %add3A_867 : i32
      %get3A_869 = arith.constant 0 : i32
      %get3A_870 = arith.index_cast %get3A_869 : i32 to index
      %get3A_871 = arith.index_cast %add3A_868 : i32 to index
      %get3A_872 = tpu.vector_load %arg7[%get3A_870, %get3A_871] {strides = array<i32>} : memref<8x1024xf32, #tpu.memory_space<vmem>>, vector<1x16xf32>,
      %get3A_873 = vector.shape_cast %get3A_872 : vector<1x16xf32> to vector<16xf32>
      %add3A_874 = arith.constant 32 : i32
      %add3A_875 = arith.addi %mul3A_860, %add3A_874 : i32
      %get3A_876 = arith.constant 0 : i32
      %get3A_877 = arith.index_cast %get3A_876 : i32 to index
      %get3A_878 = arith.index_cast %add3A_875 : i32 to index
      %get3A_879 = tpu.vector_load %arg7[%get3A_877, %get3A_878] {strides = array<i32>} : memref<8x1024xf32, #tpu.memory_space<vmem>>, vector<1x16xf32>,
      %get3A_880 = vector.shape_cast %get3A_879 : vector<1x16xf32> to vector<16xf32>
      %add3A_881 = arith.constant 48 : i32
      %add3A_882 = arith.addi %mul3A_860, %add3A_881 : i32
      %get3A_883 = arith.constant 0 : i32
      %get3A_884 = arith.index_cast %get3A_883 : i32 to index
      %get3A_885 = arith.index_cast %add3A_882 : i32 to index
      %get3A_886 = tpu.vector_load %arg7[%get3A_884, %get3A_885] {strides = array<i32>} : memref<8x1024xf32, #tpu.memory_space<vmem>>, vector<1x16xf32>,
      %get3A_887 = vector.shape_cast %get3A_886 : vector<1x16xf32> to vector<16xf32>
      %add3A_888 = arith.constant 64 : i32
      %add3A_889 = arith.addi %mul3A_860, %add3A_888 : i32
      %get3A_890 = arith.constant 0 : i32
      %get3A_891 = arith.index_cast %get3A_890 : i32 to index
      %get3A_892 = arith.index_cast %add3A_889 : i32 to index
      %get3A_893 = tpu.vector_load %arg7[%get3A_891, %get3A_892] {strides = array<i32>} : memref<8x1024xf32, #tpu.memory_space<vmem>>, vector<1x16xf32>,
      %get3A_894 = vector.shape_cast %get3A_893 : vector<1x16xf32> to vector<16xf32>
      %add3A_895 = arith.constant 80 : i32
      %add3A_896 = arith.addi %mul3A_860, %add3A_895 : i32
      %get3A_897 = arith.constant 0 : i32
      %get3A_898 = arith.index_cast %get3A_897 : i32 to index
      %get3A_899 = arith.index_cast %add3A_896 : i32 to index
      %get3A_900 = tpu.vector_load %arg7[%get3A_898, %get3A_899] {strides = array<i32>} : memref<8x1024xf32, #tpu.memory_space<vmem>>, vector<1x16xf32>,
      %get3A_901 = vector.shape_cast %get3A_900 : vector<1x16xf32> to vector<16xf32>
      %add3A_902 = arith.constant 96 : i32
      %add3A_903 = arith.addi %mul3A_860, %add3A_902 : i32
      %get3A_904 = arith.constant 0 : i32
      %get3A_905 = arith.index_cast %get3A_904 : i32 to index
      %get3A_906 = arith.index_cast %add3A_903 : i32 to index
      %get3A_907 = tpu.vector_load %arg7[%get3A_905, %get3A_906] {strides = array<i32>} : memref<8x1024xf32, #tpu.memory_space<vmem>>, vector<1x16xf32>,
      %get3A_908 = vector.shape_cast %get3A_907 : vector<1x16xf32> to vector<16xf32>
      %add3A_909 = arith.constant 112 : i32
      %add3A_910 = arith.addi %mul3A_860, %add3A_909 : i32
      %get3A_911 = arith.constant 0 : i32
      %get3A_912 = arith.index_cast %get3A_911 : i32 to index
      %get3A_913 = arith.index_cast %add3A_910 : i32 to index
      %get3A_914 = tpu.vector_load %arg7[%get3A_912, %get3A_913] {strides = array<i32>} : memref<8x1024xf32, #tpu.memory_space<vmem>>, vector<1x16xf32>,
      %get3A_915 = vector.shape_cast %get3A_914 : vector<1x16xf32> to vector<16xf32>
      %parallel_loop3A = arith.constant 0 : i32
      %parallel_loop3A_916 = arith.constant 32 : i32
      %parallel_loop3A_917 = arith.constant 1 : i32
      scf.for %parallel_loop3A_918 = %parallel_loop3A to %parallel_loop3A_916 step %parallel_loop3A_917  : i32 {
        %parallel_loop3A_919 = arith.constant 0 : i32
        %parallel_loop3A_920 = arith.addi %parallel_loop3A_919, %parallel_loop3A_918 : i32
        %parallel_loop3A_921 = arith.constant 0 : i32
        %parallel_loop3A_922 = arith.addi %mul3A_860, %parallel_loop3A_921 : i32
        %parallel_loop3A_923 = arith.index_cast %parallel_loop3A_920 : i32 to index
        %parallel_loop3A_924 = arith.index_cast %parallel_loop3A_922 : i32 to index
        %parallel_loop3A_925 = tpu.vector_load %arg8[%parallel_loop3A_923, %parallel_loop3A_924] {strides = array<i32>} : memref<96x1024xf32, #tpu.memory_space<vmem>>, vector<1x16xf32>,
        %parallel_loop3A_926 = vector.shape_cast %parallel_loop3A_925 : vector<1x16xf32> to vector<16xf32>
        %parallel_loop3A_927 = arith.addf %parallel_loop3A_926, %get3A_866 : vector<16xf32>
        %parallel_loop3A_928 = arith.index_cast %parallel_loop3A_920 : i32 to index
        %parallel_loop3A_929 = arith.index_cast %parallel_loop3A_922 : i32 to index
        %parallel_loop3A_930 = tpu.vector_load %arg8[%parallel_loop3A_928, %parallel_loop3A_929] {strides = array<i32>} : memref<96x1024xf32, #tpu.memory_space<vmem>>, vector<1x16xf32>,
        %parallel_loop3A_931 = vector.shape_cast %parallel_loop3A_930 : vector<1x16xf32> to vector<16xf32>
        %parallel_loop3A_932 = vector.shape_cast %parallel_loop3A_927 : vector<16xf32> to vector<1x16xf32>
        tpu.vector_store %arg8[%parallel_loop3A_928, %parallel_loop3A_929], %parallel_loop3A_932 {strides = array<i32>} : memref<96x1024xf32, #tpu.memory_space<vmem>>, vector<1x16xf32>,
        %parallel_loop3A_933 = arith.constant 0 : i32
        %parallel_loop3A_934 = arith.addi %parallel_loop3A_933, %parallel_loop3A_918 : i32
        %parallel_loop3A_935 = arith.constant 16 : i32
        %parallel_loop3A_936 = arith.addi %mul3A_860, %parallel_loop3A_935 : i32
        %parallel_loop3A_937 = arith.index_cast %parallel_loop3A_934 : i32 to index
        %parallel_loop3A_938 = arith.index_cast %parallel_loop3A_936 : i32 to index
        %parallel_loop3A_939 = tpu.vector_load %arg8[%parallel_loop3A_937, %parallel_loop3A_938] {strides = array<i32>} : memref<96x1024xf32, #tpu.memory_space<vmem>>, vector<1x16xf32>,
        %parallel_loop3A_940 = vector.shape_cast %parallel_loop3A_939 : vector<1x16xf32> to vector<16xf32>
        %parallel_loop3A_941 = arith.addf %parallel_loop3A_940, %get3A_873 : vector<16xf32>
        %parallel_loop3A_942 = arith.index_cast %parallel_loop3A_934 : i32 to index
        %parallel_loop3A_943 = arith.index_cast %parallel_loop3A_936 : i32 to index
        %parallel_loop3A_944 = tpu.vector_load %arg8[%parallel_loop3A_942, %parallel_loop3A_943] {strides = array<i32>} : memref<96x1024xf32, #tpu.memory_space<vmem>>, vector<1x16xf32>,
        %parallel_loop3A_945 = vector.shape_cast %parallel_loop3A_944 : vector<1x16xf32> to vector<16xf32>
        %parallel_loop3A_946 = vector.shape_cast %parallel_loop3A_941 : vector<16xf32> to vector<1x16xf32>
        tpu.vector_store %arg8[%parallel_loop3A_942, %parallel_loop3A_943], %parallel_loop3A_946 {strides = array<i32>} : memref<96x1024xf32, #tpu.memory_space<vmem>>, vector<1x16xf32>,
        %parallel_loop3A_947 = arith.constant 0 : i32
        %parallel_loop3A_948 = arith.addi %parallel_loop3A_947, %parallel_loop3A_918 : i32
        %parallel_loop3A_949 = arith.constant 32 : i32
        %parallel_loop3A_950 = arith.addi %mul3A_860, %parallel_loop3A_949 : i32
        %parallel_loop3A_951 = arith.index_cast %parallel_loop3A_948 : i32 to index
        %parallel_loop3A_952 = arith.index_cast %parallel_loop3A_950 : i32 to index
        %parallel_loop3A_953 = tpu.vector_load %arg8[%parallel_loop3A_951, %parallel_loop3A_952] {strides = array<i32>} : memref<96x1024xf32, #tpu.memory_space<vmem>>, vector<1x16xf32>,
        %parallel_loop3A_954 = vector.shape_cast %parallel_loop3A_953 : vector<1x16xf32> to vector<16xf32>
        %parallel_loop3A_955 = arith.addf %parallel_loop3A_954, %get3A_880 : vector<16xf32>
        %parallel_loop3A_956 = arith.index_cast %parallel_loop3A_948 : i32 to index
        %parallel_loop3A_957 = arith.index_cast %parallel_loop3A_950 : i32 to index
        %parallel_loop3A_958 = tpu.vector_load %arg8[%parallel_loop3A_956, %parallel_loop3A_957] {strides = array<i32>} : memref<96x1024xf32, #tpu.memory_space<vmem>>, vector<1x16xf32>,
        %parallel_loop3A_959 = vector.shape_cast %parallel_loop3A_958 : vector<1x16xf32> to vector<16xf32>
        %parallel_loop3A_960 = vector.shape_cast %parallel_loop3A_955 : vector<16xf32> to vector<1x16xf32>
        tpu.vector_store %arg8[%parallel_loop3A_956, %parallel_loop3A_957], %parallel_loop3A_960 {strides = array<i32>} : memref<96x1024xf32, #tpu.memory_space<vmem>>, vector<1x16xf32>,
        %parallel_loop3A_961 = arith.constant 0 : i32
        %parallel_loop3A_962 = arith.addi %parallel_loop3A_961, %parallel_loop3A_918 : i32
        %parallel_loop3A_963 = arith.constant 48 : i32
        %parallel_loop3A_964 = arith.addi %mul3A_860, %parallel_loop3A_963 : i32
        %parallel_loop3A_965 = arith.index_cast %parallel_loop3A_962 : i32 to index
        %parallel_loop3A_966 = arith.index_cast %parallel_loop3A_964 : i32 to index
        %parallel_loop3A_967 = tpu.vector_load %arg8[%parallel_loop3A_965, %parallel_loop3A_966] {strides = array<i32>} : memref<96x1024xf32, #tpu.memory_space<vmem>>, vector<1x16xf32>,
        %parallel_loop3A_968 = vector.shape_cast %parallel_loop3A_967 : vector<1x16xf32> to vector<16xf32>
        %parallel_loop3A_969 = arith.addf %parallel_loop3A_968, %get3A_887 : vector<16xf32>
        %parallel_loop3A_970 = arith.index_cast %parallel_loop3A_962 : i32 to index
        %parallel_loop3A_971 = arith.index_cast %parallel_loop3A_964 : i32 to index
        %parallel_loop3A_972 = tpu.vector_load %arg8[%parallel_loop3A_970, %parallel_loop3A_971] {strides = array<i32>} : memref<96x1024xf32, #tpu.memory_space<vmem>>, vector<1x16xf32>,
        %parallel_loop3A_973 = vector.shape_cast %parallel_loop3A_972 : vector<1x16xf32> to vector<16xf32>
        %parallel_loop3A_974 = vector.shape_cast %parallel_loop3A_969 : vector<16xf32> to vector<1x16xf32>
        tpu.vector_store %arg8[%parallel_loop3A_970, %parallel_loop3A_971], %parallel_loop3A_974 {strides = array<i32>} : memref<96x1024xf32, #tpu.memory_space<vmem>>, vector<1x16xf32>,
        %parallel_loop3A_975 = arith.constant 0 : i32
        %parallel_loop3A_976 = arith.addi %parallel_loop3A_975, %parallel_loop3A_918 : i32
        %parallel_loop3A_977 = arith.constant 64 : i32
        %parallel_loop3A_978 = arith.addi %mul3A_860, %parallel_loop3A_977 : i32
        %parallel_loop3A_979 = arith.index_cast %parallel_loop3A_976 : i32 to index
        %parallel_loop3A_980 = arith.index_cast %parallel_loop3A_978 : i32 to index
        %parallel_loop3A_981 = tpu.vector_load %arg8[%parallel_loop3A_979, %parallel_loop3A_980] {strides = array<i32>} : memref<96x1024xf32, #tpu.memory_space<vmem>>, vector<1x16xf32>,
        %parallel_loop3A_982 = vector.shape_cast %parallel_loop3A_981 : vector<1x16xf32> to vector<16xf32>
        %parallel_loop3A_983 = arith.addf %parallel_loop3A_982, %get3A_894 : vector<16xf32>
        %parallel_loop3A_984 = arith.index_cast %parallel_loop3A_976 : i32 to index
        %parallel_loop3A_985 = arith.index_cast %parallel_loop3A_978 : i32 to index
        %parallel_loop3A_986 = tpu.vector_load %arg8[%parallel_loop3A_984, %parallel_loop3A_985] {strides = array<i32>} : memref<96x1024xf32, #tpu.memory_space<vmem>>, vector<1x16xf32>,
        %parallel_loop3A_987 = vector.shape_cast %parallel_loop3A_986 : vector<1x16xf32> to vector<16xf32>
        %parallel_loop3A_988 = vector.shape_cast %parallel_loop3A_983 : vector<16xf32> to vector<1x16xf32>
        tpu.vector_store %arg8[%parallel_loop3A_984, %parallel_loop3A_985], %parallel_loop3A_988 {strides = array<i32>} : memref<96x1024xf32, #tpu.memory_space<vmem>>, vector<1x16xf32>,
        %parallel_loop3A_989 = arith.constant 0 : i32
        %parallel_loop3A_990 = arith.addi %parallel_loop3A_989, %parallel_loop3A_918 : i32
        %parallel_loop3A_991 = arith.constant 80 : i32
        %parallel_loop3A_992 = arith.addi %mul3A_860, %parallel_loop3A_991 : i32
        %parallel_loop3A_993 = arith.index_cast %parallel_loop3A_990 : i32 to index
        %parallel_loop3A_994 = arith.index_cast %parallel_loop3A_992 : i32 to index
        %parallel_loop3A_995 = tpu.vector_load %arg8[%parallel_loop3A_993, %parallel_loop3A_994] {strides = array<i32>} : memref<96x1024xf32, #tpu.memory_space<vmem>>, vector<1x16xf32>,
        %parallel_loop3A_996 = vector.shape_cast %parallel_loop3A_995 : vector<1x16xf32> to vector<16xf32>
        %parallel_loop3A_997 = arith.addf %parallel_loop3A_996, %get3A_901 : vector<16xf32>
        %parallel_loop3A_998 = arith.index_cast %parallel_loop3A_990 : i32 to index
        %parallel_loop3A_999 = arith.index_cast %parallel_loop3A_992 : i32 to index
        %parallel_loop3A_1000 = tpu.vector_load %arg8[%parallel_loop3A_998, %parallel_loop3A_999] {strides = array<i32>} : memref<96x1024xf32, #tpu.memory_space<vmem>>, vector<1x16xf32>,
        %parallel_loop3A_1001 = vector.shape_cast %parallel_loop3A_1000 : vector<1x16xf32> to vector<16xf32>
        %parallel_loop3A_1002 = vector.shape_cast %parallel_loop3A_997 : vector<16xf32> to vector<1x16xf32>
        tpu.vector_store %arg8[%parallel_loop3A_998, %parallel_loop3A_999], %parallel_loop3A_1002 {strides = array<i32>} : memref<96x1024xf32, #tpu.memory_space<vmem>>, vector<1x16xf32>,
        %parallel_loop3A_1003 = arith.constant 0 : i32
        %parallel_loop3A_1004 = arith.addi %parallel_loop3A_1003, %parallel_loop3A_918 : i32
        %parallel_loop3A_1005 = arith.constant 96 : i32
        %parallel_loop3A_1006 = arith.addi %mul3A_860, %parallel_loop3A_1005 : i32
        %parallel_loop3A_1007 = arith.index_cast %parallel_loop3A_1004 : i32 to index
        %parallel_loop3A_1008 = arith.index_cast %parallel_loop3A_1006 : i32 to index
        %parallel_loop3A_1009 = tpu.vector_load %arg8[%parallel_loop3A_1007, %parallel_loop3A_1008] {strides = array<i32>} : memref<96x1024xf32, #tpu.memory_space<vmem>>, vector<1x16xf32>,
        %parallel_loop3A_1010 = vector.shape_cast %parallel_loop3A_1009 : vector<1x16xf32> to vector<16xf32>
        %parallel_loop3A_1011 = arith.addf %parallel_loop3A_1010, %get3A_908 : vector<16xf32>
        %parallel_loop3A_1012 = arith.index_cast %parallel_loop3A_1004 : i32 to index
        %parallel_loop3A_1013 = arith.index_cast %parallel_loop3A_1006 : i32 to index
        %parallel_loop3A_1014 = tpu.vector_load %arg8[%parallel_loop3A_1012, %parallel_loop3A_1013] {strides = array<i32>} : memref<96x1024xf32, #tpu.memory_space<vmem>>, vector<1x16xf32>,
        %parallel_loop3A_1015 = vector.shape_cast %parallel_loop3A_1014 : vector<1x16xf32> to vector<16xf32>
        %parallel_loop3A_1016 = vector.shape_cast %parallel_loop3A_1011 : vector<16xf32> to vector<1x16xf32>
        tpu.vector_store %arg8[%parallel_loop3A_1012, %parallel_loop3A_1013], %parallel_loop3A_1016 {strides = array<i32>} : memref<96x1024xf32, #tpu.memory_space<vmem>>, vector<1x16xf32>,
        %parallel_loop3A_1017 = arith.constant 0 : i32
        %parallel_loop3A_1018 = arith.addi %parallel_loop3A_1017, %parallel_loop3A_918 : i32
        %parallel_loop3A_1019 = arith.constant 112 : i32
        %parallel_loop3A_1020 = arith.addi %mul3A_860, %parallel_loop3A_1019 : i32
        %parallel_loop3A_1021 = arith.index_cast %parallel_loop3A_1018 : i32 to index
        %parallel_loop3A_1022 = arith.index_cast %parallel_loop3A_1020 : i32 to index
        %parallel_loop3A_1023 = tpu.vector_load %arg8[%parallel_loop3A_1021, %parallel_loop3A_1022] {strides = array<i32>} : memref<96x1024xf32, #tpu.memory_space<vmem>>, vector<1x16xf32>,
        %parallel_loop3A_1024 = vector.shape_cast %parallel_loop3A_1023 : vector<1x16xf32> to vector<16xf32>
        %parallel_loop3A_1025 = arith.addf %parallel_loop3A_1024, %get3A_915 : vector<16xf32>
        %parallel_loop3A_1026 = arith.index_cast %parallel_loop3A_1018 : i32 to index
        %parallel_loop3A_1027 = arith.index_cast %parallel_loop3A_1020 : i32 to index
        %parallel_loop3A_1028 = tpu.vector_load %arg8[%parallel_loop3A_1026, %parallel_loop3A_1027] {strides = array<i32>} : memref<96x1024xf32, #tpu.memory_space<vmem>>, vector<1x16xf32>,
        %parallel_loop3A_1029 = vector.shape_cast %parallel_loop3A_1028 : vector<1x16xf32> to vector<16xf32>
        %parallel_loop3A_1030 = vector.shape_cast %parallel_loop3A_1025 : vector<16xf32> to vector<1x16xf32>
        tpu.vector_store %arg8[%parallel_loop3A_1026, %parallel_loop3A_1027], %parallel_loop3A_1030 {strides = array<i32>} : memref<96x1024xf32, #tpu.memory_space<vmem>>, vector<1x16xf32>,
      } {sc.loop_unroll_factor = 2 : i64, sc.parallel_access}
    }
    %scan3A_46 = arith.constant 8 : i32
    %add3A_47 = arith.constant 0 : i32
    %add3A_48 = arith.addi %mul3A_2, %add3A_47 : i32
    %dma_start3A_49 = arith.constant 0 : i32
    %dma_start3A_50 = arith.constant 0 : i32
    %dma_start3A_51 = tpu.memref_slice %arg8[%dma_start3A_49, %dma_start3A_50] : memref<96x1024xf32, #tpu.memory_space<vmem>> -> memref<32x1024xf32, #tpu.memory_space<vmem>>
    %dma_start3A_52 = arith.constant 0 : i32
    %dma_start3A_53 = tpu.memref_slice %arg5[%add3A_48, %dma_start3A_52] : memref<16384x1024xf32, #tpu.memory_space<hbm>> -> memref<32x1024xf32, #tpu.memory_space<hbm>>
    %dma_start3A_54 = arith.constant 0 : i32
    %dma_start3A_55 = tpu.memref_slice %arg5[%add3A_48, %dma_start3A_54] : memref<16384x1024xf32, #tpu.memory_space<hbm>> -> memref<32x1024xf32, #tpu.memory_space<hbm>>
    %dma_start3A_56 = arith.constant 0 : i32
    %dma_start3A_57 = arith.constant 0 : i32
    %dma_start3A_58 = tpu.memref_slice %arg8[%dma_start3A_56, %dma_start3A_57] : memref<96x1024xf32, #tpu.memory_space<vmem>> -> memref<32x1024xf32, #tpu.memory_space<vmem>>
    tpu.enqueue_dma source(%dma_start3A_58 : memref<32x1024xf32, #tpu.memory_space<vmem>>) target(%dma_start3A_55 : memref<32x1024xf32, #tpu.memory_space<hbm>>) target_semaphore(%arg9 : memref<!tpu.dma_semaphore, #tpu.memory_space<semaphore_mem>>)
    %add3A_59 = arith.constant 64 : i32
    %add3A_60 = arith.addi %mul3A_2, %add3A_59 : i32
    %dma_start3A_61 = arith.constant 64 : i32
    %dma_start3A_62 = arith.constant 0 : i32
    %dma_start3A_63 = tpu.memref_slice %arg8[%dma_start3A_61, %dma_start3A_62] : memref<96x1024xf32, #tpu.memory_space<vmem>> -> memref<32x1024xf32, #tpu.memory_space<vmem>>
    %dma_start3A_64 = arith.constant 0 : i32
    %dma_start3A_65 = tpu.memref_slice %arg4[%add3A_60, %dma_start3A_64] : memref<16384x1024xf32, #tpu.memory_space<hbm>> -> memref<32x1024xf32, #tpu.memory_space<hbm>>
    %dma_start3A_66 = arith.constant 64 : i32
    %dma_start3A_67 = arith.constant 0 : i32
    %dma_start3A_68 = tpu.memref_slice %arg8[%dma_start3A_66, %dma_start3A_67] : memref<96x1024xf32, #tpu.memory_space<vmem>> -> memref<32x1024xf32, #tpu.memory_space<vmem>>
    %dma_start3A_69 = arith.constant 0 : i32
    %dma_start3A_70 = tpu.memref_slice %arg4[%add3A_60, %dma_start3A_69] : memref<16384x1024xf32, #tpu.memory_space<hbm>> -> memref<32x1024xf32, #tpu.memory_space<hbm>>
    tpu.enqueue_dma source(%dma_start3A_70 : memref<32x1024xf32, #tpu.memory_space<hbm>>) target(%dma_start3A_68 : memref<32x1024xf32, #tpu.memory_space<vmem>>) target_semaphore(%arg11 : memref<!tpu.dma_semaphore, #tpu.memory_space<semaphore_mem>>)
    %add3A_71 = arith.constant 32 : i32
    %add3A_72 = arith.addi %mul3A_2, %add3A_71 : i32
    %dma_wait3A_73 = arith.constant 32 : i32
    %dma_wait3A_74 = arith.constant 0 : i32
    %dma_wait3A_75 = tpu.memref_slice %arg8[%dma_wait3A_73, %dma_wait3A_74] : memref<96x1024xf32, #tpu.memory_space<vmem>> -> memref<32x1024xf32, #tpu.memory_space<vmem>>
    %dma_wait3A_76 = arith.constant 0 : i32
    %dma_wait3A_77 = tpu.memref_slice %arg4[%add3A_72, %dma_wait3A_76] : memref<16384x1024xf32, #tpu.memory_space<hbm>> -> memref<32x1024xf32, #tpu.memory_space<hbm>>
    %dma_wait3A_78 = arith.constant 32 : i32
    %dma_wait3A_79 = arith.constant 0 : i32
    %dma_wait3A_80 = tpu.memref_slice %arg8[%dma_wait3A_78, %dma_wait3A_79] : memref<96x1024xf32, #tpu.memory_space<vmem>> -> memref<32x1024xf32, #tpu.memory_space<vmem>>
    %dma_wait3A_81 = arith.constant 0 : i32
    %dma_wait3A_82 = tpu.memref_slice %arg4[%add3A_72, %dma_wait3A_81] : memref<16384x1024xf32, #tpu.memory_space<hbm>> -> memref<32x1024xf32, #tpu.memory_space<hbm>>
    tpu.wait_dma2 semaphore(%arg10 : memref<!tpu.dma_semaphore, #tpu.memory_space<semaphore_mem>>) src(%dma_wait3A_82 : memref<32x1024xf32, #tpu.memory_space<hbm>>) dst(%dma_wait3A_80 : memref<32x1024xf32, #tpu.memory_space<vmem>>)
    %scan3A_83 = arith.constant 0 : i32
    %scan3A_84 = arith.constant 8 : i32
    %scan3A_85 = arith.addi %scan3A_83, %scan3A_84 : i32
    %scan3A_86 = arith.constant 1 : i32
    scf.for %scan3A_854 = %scan3A_83 to %scan3A_85 step %scan3A_86  : i32 {
      %mul3A_855 = arith.constant 1 : i32
      %mul3A_856 = arith.muli %scan3A_854, %mul3A_855 : i32
      %add3A_857 = arith.constant 0 : i32
      %add3A_858 = arith.addi %add3A_857, %mul3A_856 : i32
      %mul3A_859 = arith.constant 128 : i32
      %mul3A_860 = arith.muli %add3A_858, %mul3A_859 : i32
      %add3A_861 = arith.constant 0 : i32
      %add3A_862 = arith.addi %mul3A_860, %add3A_861 : i32
      %get3A = arith.constant 0 : i32
      %get3A_863 = arith.index_cast %get3A : i32 to index
      %get3A_864 = arith.index_cast %add3A_862 : i32 to index
      %get3A_865 = tpu.vector_load %arg7[%get3A_863, %get3A_864] {strides = array<i32>} : memref<8x1024xf32, #tpu.memory_space<vmem>>, vector<1x16xf32>,
      %get3A_866 = vector.shape_cast %get3A_865 : vector<1x16xf32> to vector<16xf32>
      %add3A_867 = arith.constant 16 : i32
      %add3A_868 = arith.addi %mul3A_860, %add3A_867 : i32
      %get3A_869 = arith.constant 0 : i32
      %get3A_870 = arith.index_cast %get3A_869 : i32 to index
      %get3A_871 = arith.index_cast %add3A_868 : i32 to index
      %get3A_872 = tpu.vector_load %arg7[%get3A_870, %get3A_871] {strides = array<i32>} : memref<8x1024xf32, #tpu.memory_space<vmem>>, vector<1x16xf32>,
      %get3A_873 = vector.shape_cast %get3A_872 : vector<1x16xf32> to vector<16xf32>
      %add3A_874 = arith.constant 32 : i32
      %add3A_875 = arith.addi %mul3A_860, %add3A_874 : i32
      %get3A_876 = arith.constant 0 : i32
      %get3A_877 = arith.index_cast %get3A_876 : i32 to index
      %get3A_878 = arith.index_cast %add3A_875 : i32 to index
      %get3A_879 = tpu.vector_load %arg7[%get3A_877, %get3A_878] {strides = array<i32>} : memref<8x1024xf32, #tpu.memory_space<vmem>>, vector<1x16xf32>,
      %get3A_880 = vector.shape_cast %get3A_879 : vector<1x16xf32> to vector<16xf32>
      %add3A_881 = arith.constant 48 : i32
      %add3A_882 = arith.addi %mul3A_860, %add3A_881 : i32
      %get3A_883 = arith.constant 0 : i32
      %get3A_884 = arith.index_cast %get3A_883 : i32 to index
      %get3A_885 = arith.index_cast %add3A_882 : i32 to index
      %get3A_886 = tpu.vector_load %arg7[%get3A_884, %get3A_885] {strides = array<i32>} : memref<8x1024xf32, #tpu.memory_space<vmem>>, vector<1x16xf32>,
      %get3A_887 = vector.shape_cast %get3A_886 : vector<1x16xf32> to vector<16xf32>
      %add3A_888 = arith.constant 64 : i32
      %add3A_889 = arith.addi %mul3A_860, %add3A_888 : i32
      %get3A_890 = arith.constant 0 : i32
      %get3A_891 = arith.index_cast %get3A_890 : i32 to index
      %get3A_892 = arith.index_cast %add3A_889 : i32 to index
      %get3A_893 = tpu.vector_load %arg7[%get3A_891, %get3A_892] {strides = array<i32>} : memref<8x1024xf32, #tpu.memory_space<vmem>>, vector<1x16xf32>,
      %get3A_894 = vector.shape_cast %get3A_893 : vector<1x16xf32> to vector<16xf32>
      %add3A_895 = arith.constant 80 : i32
      %add3A_896 = arith.addi %mul3A_860, %add3A_895 : i32
      %get3A_897 = arith.constant 0 : i32
      %get3A_898 = arith.index_cast %get3A_897 : i32 to index
      %get3A_899 = arith.index_cast %add3A_896 : i32 to index
      %get3A_900 = tpu.vector_load %arg7[%get3A_898, %get3A_899] {strides = array<i32>} : memref<8x1024xf32, #tpu.memory_space<vmem>>, vector<1x16xf32>,
      %get3A_901 = vector.shape_cast %get3A_900 : vector<1x16xf32> to vector<16xf32>
      %add3A_902 = arith.constant 96 : i32
      %add3A_903 = arith.addi %mul3A_860, %add3A_902 : i32
      %get3A_904 = arith.constant 0 : i32
      %get3A_905 = arith.index_cast %get3A_904 : i32 to index
      %get3A_906 = arith.index_cast %add3A_903 : i32 to index
      %get3A_907 = tpu.vector_load %arg7[%get3A_905, %get3A_906] {strides = array<i32>} : memref<8x1024xf32, #tpu.memory_space<vmem>>, vector<1x16xf32>,
      %get3A_908 = vector.shape_cast %get3A_907 : vector<1x16xf32> to vector<16xf32>
      %add3A_909 = arith.constant 112 : i32
      %add3A_910 = arith.addi %mul3A_860, %add3A_909 : i32
      %get3A_911 = arith.constant 0 : i32
      %get3A_912 = arith.index_cast %get3A_911 : i32 to index
      %get3A_913 = arith.index_cast %add3A_910 : i32 to index
      %get3A_914 = tpu.vector_load %arg7[%get3A_912, %get3A_913] {strides = array<i32>} : memref<8x1024xf32, #tpu.memory_space<vmem>>, vector<1x16xf32>,
      %get3A_915 = vector.shape_cast %get3A_914 : vector<1x16xf32> to vector<16xf32>
      %parallel_loop3A = arith.constant 0 : i32
      %parallel_loop3A_916 = arith.constant 32 : i32
      %parallel_loop3A_917 = arith.constant 1 : i32
      scf.for %parallel_loop3A_918 = %parallel_loop3A to %parallel_loop3A_916 step %parallel_loop3A_917  : i32 {
        %parallel_loop3A_919 = arith.constant 32 : i32
        %parallel_loop3A_920 = arith.addi %parallel_loop3A_919, %parallel_loop3A_918 : i32
        %parallel_loop3A_921 = arith.constant 0 : i32
        %parallel_loop3A_922 = arith.addi %mul3A_860, %parallel_loop3A_921 : i32
        %parallel_loop3A_923 = arith.index_cast %parallel_loop3A_920 : i32 to index
        %parallel_loop3A_924 = arith.index_cast %parallel_loop3A_922 : i32 to index
        %parallel_loop3A_925 = tpu.vector_load %arg8[%parallel_loop3A_923, %parallel_loop3A_924] {strides = array<i32>} : memref<96x1024xf32, #tpu.memory_space<vmem>>, vector<1x16xf32>,
        %parallel_loop3A_926 = vector.shape_cast %parallel_loop3A_925 : vector<1x16xf32> to vector<16xf32>
        %parallel_loop3A_927 = arith.addf %parallel_loop3A_926, %get3A_866 : vector<16xf32>
        %parallel_loop3A_928 = arith.index_cast %parallel_loop3A_920 : i32 to index
        %parallel_loop3A_929 = arith.index_cast %parallel_loop3A_922 : i32 to index
        %parallel_loop3A_930 = tpu.vector_load %arg8[%parallel_loop3A_928, %parallel_loop3A_929] {strides = array<i32>} : memref<96x1024xf32, #tpu.memory_space<vmem>>, vector<1x16xf32>,
        %parallel_loop3A_931 = vector.shape_cast %parallel_loop3A_930 : vector<1x16xf32> to vector<16xf32>
        %parallel_loop3A_932 = vector.shape_cast %parallel_loop3A_927 : vector<16xf32> to vector<1x16xf32>
        tpu.vector_store %arg8[%parallel_loop3A_928, %parallel_loop3A_929], %parallel_loop3A_932 {strides = array<i32>} : memref<96x1024xf32, #tpu.memory_space<vmem>>, vector<1x16xf32>,
        %parallel_loop3A_933 = arith.constant 32 : i32
        %parallel_loop3A_934 = arith.addi %parallel_loop3A_933, %parallel_loop3A_918 : i32
        %parallel_loop3A_935 = arith.constant 16 : i32
        %parallel_loop3A_936 = arith.addi %mul3A_860, %parallel_loop3A_935 : i32
        %parallel_loop3A_937 = arith.index_cast %parallel_loop3A_934 : i32 to index
        %parallel_loop3A_938 = arith.index_cast %parallel_loop3A_936 : i32 to index
        %parallel_loop3A_939 = tpu.vector_load %arg8[%parallel_loop3A_937, %parallel_loop3A_938] {strides = array<i32>} : memref<96x1024xf32, #tpu.memory_space<vmem>>, vector<1x16xf32>,
        %parallel_loop3A_940 = vector.shape_cast %parallel_loop3A_939 : vector<1x16xf32> to vector<16xf32>
        %parallel_loop3A_941 = arith.addf %parallel_loop3A_940, %get3A_873 : vector<16xf32>
        %parallel_loop3A_942 = arith.index_cast %parallel_loop3A_934 : i32 to index
        %parallel_loop3A_943 = arith.index_cast %parallel_loop3A_936 : i32 to index
        %parallel_loop3A_944 = tpu.vector_load %arg8[%parallel_loop3A_942, %parallel_loop3A_943] {strides = array<i32>} : memref<96x1024xf32, #tpu.memory_space<vmem>>, vector<1x16xf32>,
        %parallel_loop3A_945 = vector.shape_cast %parallel_loop3A_944 : vector<1x16xf32> to vector<16xf32>
        %parallel_loop3A_946 = vector.shape_cast %parallel_loop3A_941 : vector<16xf32> to vector<1x16xf32>
        tpu.vector_store %arg8[%parallel_loop3A_942, %parallel_loop3A_943], %parallel_loop3A_946 {strides = array<i32>} : memref<96x1024xf32, #tpu.memory_space<vmem>>, vector<1x16xf32>,
        %parallel_loop3A_947 = arith.constant 32 : i32
        %parallel_loop3A_948 = arith.addi %parallel_loop3A_947, %parallel_loop3A_918 : i32
        %parallel_loop3A_949 = arith.constant 32 : i32
        %parallel_loop3A_950 = arith.addi %mul3A_860, %parallel_loop3A_949 : i32
        %parallel_loop3A_951 = arith.index_cast %parallel_loop3A_948 : i32 to index
        %parallel_loop3A_952 = arith.index_cast %parallel_loop3A_950 : i32 to index
        %parallel_loop3A_953 = tpu.vector_load %arg8[%parallel_loop3A_951, %parallel_loop3A_952] {strides = array<i32>} : memref<96x1024xf32, #tpu.memory_space<vmem>>, vector<1x16xf32>,
        %parallel_loop3A_954 = vector.shape_cast %parallel_loop3A_953 : vector<1x16xf32> to vector<16xf32>
        %parallel_loop3A_955 = arith.addf %parallel_loop3A_954, %get3A_880 : vector<16xf32>
        %parallel_loop3A_956 = arith.index_cast %parallel_loop3A_948 : i32 to index
        %parallel_loop3A_957 = arith.index_cast %parallel_loop3A_950 : i32 to index
        %parallel_loop3A_958 = tpu.vector_load %arg8[%parallel_loop3A_956, %parallel_loop3A_957] {strides = array<i32>} : memref<96x1024xf32, #tpu.memory_space<vmem>>, vector<1x16xf32>,
        %parallel_loop3A_959 = vector.shape_cast %parallel_loop3A_958 : vector<1x16xf32> to vector<16xf32>
        %parallel_loop3A_960 = vector.shape_cast %parallel_loop3A_955 : vector<16xf32> to vector<1x16xf32>
        tpu.vector_store %arg8[%parallel_loop3A_956, %parallel_loop3A_957], %parallel_loop3A_960 {strides = array<i32>} : memref<96x1024xf32, #tpu.memory_space<vmem>>, vector<1x16xf32>,
        %parallel_loop3A_961 = arith.constant 32 : i32
        %parallel_loop3A_962 = arith.addi %parallel_loop3A_961, %parallel_loop3A_918 : i32
        %parallel_loop3A_963 = arith.constant 48 : i32
        %parallel_loop3A_964 = arith.addi %mul3A_860, %parallel_loop3A_963 : i32
        %parallel_loop3A_965 = arith.index_cast %parallel_loop3A_962 : i32 to index
        %parallel_loop3A_966 = arith.index_cast %parallel_loop3A_964 : i32 to index
        %parallel_loop3A_967 = tpu.vector_load %arg8[%parallel_loop3A_965, %parallel_loop3A_966] {strides = array<i32>} : memref<96x1024xf32, #tpu.memory_space<vmem>>, vector<1x16xf32>,
        %parallel_loop3A_968 = vector.shape_cast %parallel_loop3A_967 : vector<1x16xf32> to vector<16xf32>
        %parallel_loop3A_969 = arith.addf %parallel_loop3A_968, %get3A_887 : vector<16xf32>
        %parallel_loop3A_970 = arith.index_cast %parallel_loop3A_962 : i32 to index
        %parallel_loop3A_971 = arith.index_cast %parallel_loop3A_964 : i32 to index
        %parallel_loop3A_972 = tpu.vector_load %arg8[%parallel_loop3A_970, %parallel_loop3A_971] {strides = array<i32>} : memref<96x1024xf32, #tpu.memory_space<vmem>>, vector<1x16xf32>,
        %parallel_loop3A_973 = vector.shape_cast %parallel_loop3A_972 : vector<1x16xf32> to vector<16xf32>
        %parallel_loop3A_974 = vector.shape_cast %parallel_loop3A_969 : vector<16xf32> to vector<1x16xf32>
        tpu.vector_store %arg8[%parallel_loop3A_970, %parallel_loop3A_971], %parallel_loop3A_974 {strides = array<i32>} : memref<96x1024xf32, #tpu.memory_space<vmem>>, vector<1x16xf32>,
        %parallel_loop3A_975 = arith.constant 32 : i32
        %parallel_loop3A_976 = arith.addi %parallel_loop3A_975, %parallel_loop3A_918 : i32
        %parallel_loop3A_977 = arith.constant 64 : i32
        %parallel_loop3A_978 = arith.addi %mul3A_860, %parallel_loop3A_977 : i32
        %parallel_loop3A_979 = arith.index_cast %parallel_loop3A_976 : i32 to index
        %parallel_loop3A_980 = arith.index_cast %parallel_loop3A_978 : i32 to index
        %parallel_loop3A_981 = tpu.vector_load %arg8[%parallel_loop3A_979, %parallel_loop3A_980] {strides = array<i32>} : memref<96x1024xf32, #tpu.memory_space<vmem>>, vector<1x16xf32>,
        %parallel_loop3A_982 = vector.shape_cast %parallel_loop3A_981 : vector<1x16xf32> to vector<16xf32>
        %parallel_loop3A_983 = arith.addf %parallel_loop3A_982, %get3A_894 : vector<16xf32>
        %parallel_loop3A_984 = arith.index_cast %parallel_loop3A_976 : i32 to index
        %parallel_loop3A_985 = arith.index_cast %parallel_loop3A_978 : i32 to index
        %parallel_loop3A_986 = tpu.vector_load %arg8[%parallel_loop3A_984, %parallel_loop3A_985] {strides = array<i32>} : memref<96x1024xf32, #tpu.memory_space<vmem>>, vector<1x16xf32>,
        %parallel_loop3A_987 = vector.shape_cast %parallel_loop3A_986 : vector<1x16xf32> to vector<16xf32>
        %parallel_loop3A_988 = vector.shape_cast %parallel_loop3A_983 : vector<16xf32> to vector<1x16xf32>
        tpu.vector_store %arg8[%parallel_loop3A_984, %parallel_loop3A_985], %parallel_loop3A_988 {strides = array<i32>} : memref<96x1024xf32, #tpu.memory_space<vmem>>, vector<1x16xf32>,
        %parallel_loop3A_989 = arith.constant 32 : i32
        %parallel_loop3A_990 = arith.addi %parallel_loop3A_989, %parallel_loop3A_918 : i32
        %parallel_loop3A_991 = arith.constant 80 : i32
        %parallel_loop3A_992 = arith.addi %mul3A_860, %parallel_loop3A_991 : i32
        %parallel_loop3A_993 = arith.index_cast %parallel_loop3A_990 : i32 to index
        %parallel_loop3A_994 = arith.index_cast %parallel_loop3A_992 : i32 to index
        %parallel_loop3A_995 = tpu.vector_load %arg8[%parallel_loop3A_993, %parallel_loop3A_994] {strides = array<i32>} : memref<96x1024xf32, #tpu.memory_space<vmem>>, vector<1x16xf32>,
        %parallel_loop3A_996 = vector.shape_cast %parallel_loop3A_995 : vector<1x16xf32> to vector<16xf32>
        %parallel_loop3A_997 = arith.addf %parallel_loop3A_996, %get3A_901 : vector<16xf32>
        %parallel_loop3A_998 = arith.index_cast %parallel_loop3A_990 : i32 to index
        %parallel_loop3A_999 = arith.index_cast %parallel_loop3A_992 : i32 to index
        %parallel_loop3A_1000 = tpu.vector_load %arg8[%parallel_loop3A_998, %parallel_loop3A_999] {strides = array<i32>} : memref<96x1024xf32, #tpu.memory_space<vmem>>, vector<1x16xf32>,
        %parallel_loop3A_1001 = vector.shape_cast %parallel_loop3A_1000 : vector<1x16xf32> to vector<16xf32>
        %parallel_loop3A_1002 = vector.shape_cast %parallel_loop3A_997 : vector<16xf32> to vector<1x16xf32>
        tpu.vector_store %arg8[%parallel_loop3A_998, %parallel_loop3A_999], %parallel_loop3A_1002 {strides = array<i32>} : memref<96x1024xf32, #tpu.memory_space<vmem>>, vector<1x16xf32>,
        %parallel_loop3A_1003 = arith.constant 32 : i32
        %parallel_loop3A_1004 = arith.addi %parallel_loop3A_1003, %parallel_loop3A_918 : i32
        %parallel_loop3A_1005 = arith.constant 96 : i32
        %parallel_loop3A_1006 = arith.addi %mul3A_860, %parallel_loop3A_1005 : i32
        %parallel_loop3A_1007 = arith.index_cast %parallel_loop3A_1004 : i32 to index
        %parallel_loop3A_1008 = arith.index_cast %parallel_loop3A_1006 : i32 to index
        %parallel_loop3A_1009 = tpu.vector_load %arg8[%parallel_loop3A_1007, %parallel_loop3A_1008] {strides = array<i32>} : memref<96x1024xf32, #tpu.memory_space<vmem>>, vector<1x16xf32>,
        %parallel_loop3A_1010 = vector.shape_cast %parallel_loop3A_1009 : vector<1x16xf32> to vector<16xf32>
        %parallel_loop3A_1011 = arith.addf %parallel_loop3A_1010, %get3A_908 : vector<16xf32>
        %parallel_loop3A_1012 = arith.index_cast %parallel_loop3A_1004 : i32 to index
        %parallel_loop3A_1013 = arith.index_cast %parallel_loop3A_1006 : i32 to index
        %parallel_loop3A_1014 = tpu.vector_load %arg8[%parallel_loop3A_1012, %parallel_loop3A_1013] {strides = array<i32>} : memref<96x1024xf32, #tpu.memory_space<vmem>>, vector<1x16xf32>,
        %parallel_loop3A_1015 = vector.shape_cast %parallel_loop3A_1014 : vector<1x16xf32> to vector<16xf32>
        %parallel_loop3A_1016 = vector.shape_cast %parallel_loop3A_1011 : vector<16xf32> to vector<1x16xf32>
        tpu.vector_store %arg8[%parallel_loop3A_1012, %parallel_loop3A_1013], %parallel_loop3A_1016 {strides = array<i32>} : memref<96x1024xf32, #tpu.memory_space<vmem>>, vector<1x16xf32>,
        %parallel_loop3A_1017 = arith.constant 32 : i32
        %parallel_loop3A_1018 = arith.addi %parallel_loop3A_1017, %parallel_loop3A_918 : i32
        %parallel_loop3A_1019 = arith.constant 112 : i32
        %parallel_loop3A_1020 = arith.addi %mul3A_860, %parallel_loop3A_1019 : i32
        %parallel_loop3A_1021 = arith.index_cast %parallel_loop3A_1018 : i32 to index
        %parallel_loop3A_1022 = arith.index_cast %parallel_loop3A_1020 : i32 to index
        %parallel_loop3A_1023 = tpu.vector_load %arg8[%parallel_loop3A_1021, %parallel_loop3A_1022] {strides = array<i32>} : memref<96x1024xf32, #tpu.memory_space<vmem>>, vector<1x16xf32>,
        %parallel_loop3A_1024 = vector.shape_cast %parallel_loop3A_1023 : vector<1x16xf32> to vector<16xf32>
        %parallel_loop3A_1025 = arith.addf %parallel_loop3A_1024, %get3A_915 : vector<16xf32>
        %parallel_loop3A_1026 = arith.index_cast %parallel_loop3A_1018 : i32 to index
        %parallel_loop3A_1027 = arith.index_cast %parallel_loop3A_1020 : i32 to index
        %parallel_loop3A_1028 = tpu.vector_load %arg8[%parallel_loop3A_1026, %parallel_loop3A_1027] {strides = array<i32>} : memref<96x1024xf32, #tpu.memory_space<vmem>>, vector<1x16xf32>,
        %parallel_loop3A_1029 = vector.shape_cast %parallel_loop3A_1028 : vector<1x16xf32> to vector<16xf32>
        %parallel_loop3A_1030 = vector.shape_cast %parallel_loop3A_1025 : vector<16xf32> to vector<1x16xf32>
        tpu.vector_store %arg8[%parallel_loop3A_1026, %parallel_loop3A_1027], %parallel_loop3A_1030 {strides = array<i32>} : memref<96x1024xf32, #tpu.memory_space<vmem>>, vector<1x16xf32>,
      } {sc.loop_unroll_factor = 2 : i64, sc.parallel_access}
    }
    %scan3A_87 = arith.constant 8 : i32
    %add3A_88 = arith.constant 32 : i32
    %add3A_89 = arith.addi %mul3A_2, %add3A_88 : i32
    %dma_start3A_90 = arith.constant 32 : i32
    %dma_start3A_91 = arith.constant 0 : i32
    %dma_start3A_92 = tpu.memref_slice %arg8[%dma_start3A_90, %dma_start3A_91] : memref<96x1024xf32, #tpu.memory_space<vmem>> -> memref<32x1024xf32, #tpu.memory_space<vmem>>
    %dma_start3A_93 = arith.constant 0 : i32
    %dma_start3A_94 = tpu.memref_slice %arg5[%add3A_89, %dma_start3A_93] : memref<16384x1024xf32, #tpu.memory_space<hbm>> -> memref<32x1024xf32, #tpu.memory_space<hbm>>
    %dma_start3A_95 = arith.constant 0 : i32
    %dma_start3A_96 = tpu.memref_slice %arg5[%add3A_89, %dma_start3A_95] : memref<16384x1024xf32, #tpu.memory_space<hbm>> -> memref<32x1024xf32, #tpu.memory_space<hbm>>
    %dma_start3A_97 = arith.constant 32 : i32
    %dma_start3A_98 = arith.constant 0 : i32
    %dma_start3A_99 = tpu.memref_slice %arg8[%dma_start3A_97, %dma_start3A_98] : memref<96x1024xf32, #tpu.memory_space<vmem>> -> memref<32x1024xf32, #tpu.memory_space<vmem>>
    tpu.enqueue_dma source(%dma_start3A_99 : memref<32x1024xf32, #tpu.memory_space<vmem>>) target(%dma_start3A_96 : memref<32x1024xf32, #tpu.memory_space<hbm>>) target_semaphore(%arg10 : memref<!tpu.dma_semaphore, #tpu.memory_space<semaphore_mem>>)
    %add3A_100 = arith.constant 0 : i32
    %add3A_101 = arith.addi %mul3A_2, %add3A_100 : i32
    %dma_wait3A_102 = arith.constant 0 : i32
    %dma_wait3A_103 = arith.constant 0 : i32
    %dma_wait3A_104 = tpu.memref_slice %arg8[%dma_wait3A_102, %dma_wait3A_103] : memref<96x1024xf32, #tpu.memory_space<vmem>> -> memref<32x1024xf32, #tpu.memory_space<vmem>>
    %dma_wait3A_105 = arith.constant 0 : i32
    %dma_wait3A_106 = tpu.memref_slice %arg5[%add3A_101, %dma_wait3A_105] : memref<16384x1024xf32, #tpu.memory_space<hbm>> -> memref<32x1024xf32, #tpu.memory_space<hbm>>
    %dma_wait3A_107 = arith.constant 0 : i32
    %dma_wait3A_108 = tpu.memref_slice %arg5[%add3A_101, %dma_wait3A_107] : memref<16384x1024xf32, #tpu.memory_space<hbm>> -> memref<32x1024xf32, #tpu.memory_space<hbm>>
    %dma_wait3A_109 = arith.constant 0 : i32
    %dma_wait3A_110 = arith.constant 0 : i32
    %dma_wait3A_111 = tpu.memref_slice %arg8[%dma_wait3A_109, %dma_wait3A_110] : memref<96x1024xf32, #tpu.memory_space<vmem>> -> memref<32x1024xf32, #tpu.memory_space<vmem>>
    tpu.wait_dma2 semaphore(%arg9 : memref<!tpu.dma_semaphore, #tpu.memory_space<semaphore_mem>>) src(%dma_wait3A_111 : memref<32x1024xf32, #tpu.memory_space<vmem>>) dst(%dma_wait3A_108 : memref<32x1024xf32, #tpu.memory_space<hbm>>)
    %add3A_112 = arith.constant 96 : i32
    %add3A_113 = arith.addi %mul3A_2, %add3A_112 : i32
    %dma_start3A_114 = arith.constant 0 : i32
    %dma_start3A_115 = arith.constant 0 : i32
    %dma_start3A_116 = tpu.memref_slice %arg8[%dma_start3A_114, %dma_start3A_115] : memref<96x1024xf32, #tpu.memory_space<vmem>> -> memref<32x1024xf32, #tpu.memory_space<vmem>>
    %dma_start3A_117 = arith.constant 0 : i32
    %dma_start3A_118 = tpu.memref_slice %arg4[%add3A_113, %dma_start3A_117] : memref<16384x1024xf32, #tpu.memory_space<hbm>> -> memref<32x1024xf32, #tpu.memory_space<hbm>>
    %dma_start3A_119 = arith.constant 0 : i32
    %dma_start3A_120 = arith.constant 0 : i32
    %dma_start3A_121 = tpu.memref_slice %arg8[%dma_start3A_119, %dma_start3A_120] : memref<96x1024xf32, #tpu.memory_space<vmem>> -> memref<32x1024xf32, #tpu.memory_space<vmem>>
    %dma_start3A_122 = arith.constant 0 : i32
    %dma_start3A_123 = tpu.memref_slice %arg4[%add3A_113, %dma_start3A_122] : memref<16384x1024xf32, #tpu.memory_space<hbm>> -> memref<32x1024xf32, #tpu.memory_space<hbm>>
    tpu.enqueue_dma source(%dma_start3A_123 : memref<32x1024xf32, #tpu.memory_space<hbm>>) target(%dma_start3A_121 : memref<32x1024xf32, #tpu.memory_space<vmem>>) target_semaphore(%arg9 : memref<!tpu.dma_semaphore, #tpu.memory_space<semaphore_mem>>)
    %add3A_124 = arith.constant 64 : i32
    %add3A_125 = arith.addi %mul3A_2, %add3A_124 : i32
    %dma_wait3A_126 = arith.constant 64 : i32
    %dma_wait3A_127 = arith.constant 0 : i32
    %dma_wait3A_128 = tpu.memref_slice %arg8[%dma_wait3A_126, %dma_wait3A_127] : memref<96x1024xf32, #tpu.memory_space<vmem>> -> memref<32x1024xf32, #tpu.memory_space<vmem>>
    %dma_wait3A_129 = arith.constant 0 : i32
    %dma_wait3A_130 = tpu.memref_slice %arg4[%add3A_125, %dma_wait3A_129] : memref<16384x1024xf32, #tpu.memory_space<hbm>> -> memref<32x1024xf32, #tpu.memory_space<hbm>>
    %dma_wait3A_131 = arith.constant 64 : i32
    %dma_wait3A_132 = arith.constant 0 : i32
    %dma_wait3A_133 = tpu.memref_slice %arg8[%dma_wait3A_131, %dma_wait3A_132] : memref<96x1024xf32, #tpu.memory_space<vmem>> -> memref<32x1024xf32, #tpu.memory_space<vmem>>
    %dma_wait3A_134 = arith.constant 0 : i32
    %dma_wait3A_135 = tpu.memref_slice %arg4[%add3A_125, %dma_wait3A_134] : memref<16384x1024xf32, #tpu.memory_space<hbm>> -> memref<32x1024xf32, #tpu.memory_space<hbm>>
    tpu.wait_dma2 semaphore(%arg11 : memref<!tpu.dma_semaphore, #tpu.memory_space<semaphore_mem>>) src(%dma_wait3A_135 : memref<32x1024xf32, #tpu.memory_space<hbm>>) dst(%dma_wait3A_133 : memref<32x1024xf32, #tpu.memory_space<vmem>>)
    %scan3A_136 = arith.constant 0 : i32
    %scan3A_137 = arith.constant 8 : i32
    %scan3A_138 = arith.addi %scan3A_136, %scan3A_137 : i32
    %scan3A_139 = arith.constant 1 : i32
    scf.for %scan3A_854 = %scan3A_136 to %scan3A_138 step %scan3A_139  : i32 {
      %mul3A_855 = arith.constant 1 : i32
      %mul3A_856 = arith.muli %scan3A_854, %mul3A_855 : i32
      %add3A_857 = arith.constant 0 : i32
      %add3A_858 = arith.addi %add3A_857, %mul3A_856 : i32
      %mul3A_859 = arith.constant 128 : i32
      %mul3A_860 = arith.muli %add3A_858, %mul3A_859 : i32
      %add3A_861 = arith.constant 0 : i32
      %add3A_862 = arith.addi %mul3A_860, %add3A_861 : i32
      %get3A = arith.constant 0 : i32
      %get3A_863 = arith.index_cast %get3A : i32 to index
      %get3A_864 = arith.index_cast %add3A_862 : i32 to index
      %get3A_865 = tpu.vector_load %arg7[%get3A_863, %get3A_864] {strides = array<i32>} : memref<8x1024xf32, #tpu.memory_space<vmem>>, vector<1x16xf32>,
      %get3A_866 = vector.shape_cast %get3A_865 : vector<1x16xf32> to vector<16xf32>
      %add3A_867 = arith.constant 16 : i32
      %add3A_868 = arith.addi %mul3A_860, %add3A_867 : i32
      %get3A_869 = arith.constant 0 : i32
      %get3A_870 = arith.index_cast %get3A_869 : i32 to index
      %get3A_871 = arith.index_cast %add3A_868 : i32 to index
      %get3A_872 = tpu.vector_load %arg7[%get3A_870, %get3A_871] {strides = array<i32>} : memref<8x1024xf32, #tpu.memory_space<vmem>>, vector<1x16xf32>,
      %get3A_873 = vector.shape_cast %get3A_872 : vector<1x16xf32> to vector<16xf32>
      %add3A_874 = arith.constant 32 : i32
      %add3A_875 = arith.addi %mul3A_860, %add3A_874 : i32
      %get3A_876 = arith.constant 0 : i32
      %get3A_877 = arith.index_cast %get3A_876 : i32 to index
      %get3A_878 = arith.index_cast %add3A_875 : i32 to index
      %get3A_879 = tpu.vector_load %arg7[%get3A_877, %get3A_878] {strides = array<i32>} : memref<8x1024xf32, #tpu.memory_space<vmem>>, vector<1x16xf32>,
      %get3A_880 = vector.shape_cast %get3A_879 : vector<1x16xf32> to vector<16xf32>
      %add3A_881 = arith.constant 48 : i32
      %add3A_882 = arith.addi %mul3A_860, %add3A_881 : i32
      %get3A_883 = arith.constant 0 : i32
      %get3A_884 = arith.index_cast %get3A_883 : i32 to index
      %get3A_885 = arith.index_cast %add3A_882 : i32 to index
      %get3A_886 = tpu.vector_load %arg7[%get3A_884, %get3A_885] {strides = array<i32>} : memref<8x1024xf32, #tpu.memory_space<vmem>>, vector<1x16xf32>,
      %get3A_887 = vector.shape_cast %get3A_886 : vector<1x16xf32> to vector<16xf32>
      %add3A_888 = arith.constant 64 : i32
      %add3A_889 = arith.addi %mul3A_860, %add3A_888 : i32
      %get3A_890 = arith.constant 0 : i32
      %get3A_891 = arith.index_cast %get3A_890 : i32 to index
      %get3A_892 = arith.index_cast %add3A_889 : i32 to index
      %get3A_893 = tpu.vector_load %arg7[%get3A_891, %get3A_892] {strides = array<i32>} : memref<8x1024xf32, #tpu.memory_space<vmem>>, vector<1x16xf32>,
      %get3A_894 = vector.shape_cast %get3A_893 : vector<1x16xf32> to vector<16xf32>
      %add3A_895 = arith.constant 80 : i32
      %add3A_896 = arith.addi %mul3A_860, %add3A_895 : i32
      %get3A_897 = arith.constant 0 : i32
      %get3A_898 = arith.index_cast %get3A_897 : i32 to index
      %get3A_899 = arith.index_cast %add3A_896 : i32 to index
      %get3A_900 = tpu.vector_load %arg7[%get3A_898, %get3A_899] {strides = array<i32>} : memref<8x1024xf32, #tpu.memory_space<vmem>>, vector<1x16xf32>,
      %get3A_901 = vector.shape_cast %get3A_900 : vector<1x16xf32> to vector<16xf32>
      %add3A_902 = arith.constant 96 : i32
      %add3A_903 = arith.addi %mul3A_860, %add3A_902 : i32
      %get3A_904 = arith.constant 0 : i32
      %get3A_905 = arith.index_cast %get3A_904 : i32 to index
      %get3A_906 = arith.index_cast %add3A_903 : i32 to index
      %get3A_907 = tpu.vector_load %arg7[%get3A_905, %get3A_906] {strides = array<i32>} : memref<8x1024xf32, #tpu.memory_space<vmem>>, vector<1x16xf32>,
      %get3A_908 = vector.shape_cast %get3A_907 : vector<1x16xf32> to vector<16xf32>
      %add3A_909 = arith.constant 112 : i32
      %add3A_910 = arith.addi %mul3A_860, %add3A_909 : i32
      %get3A_911 = arith.constant 0 : i32
      %get3A_912 = arith.index_cast %get3A_911 : i32 to index
      %get3A_913 = arith.index_cast %add3A_910 : i32 to index
      %get3A_914 = tpu.vector_load %arg7[%get3A_912, %get3A_913] {strides = array<i32>} : memref<8x1024xf32, #tpu.memory_space<vmem>>, vector<1x16xf32>,
      %get3A_915 = vector.shape_cast %get3A_914 : vector<1x16xf32> to vector<16xf32>
      %parallel_loop3A = arith.constant 0 : i32
      %parallel_loop3A_916 = arith.constant 32 : i32
      %parallel_loop3A_917 = arith.constant 1 : i32
      scf.for %parallel_loop3A_918 = %parallel_loop3A to %parallel_loop3A_916 step %parallel_loop3A_917  : i32 {
        %parallel_loop3A_919 = arith.constant 64 : i32
        %parallel_loop3A_920 = arith.addi %parallel_loop3A_919, %parallel_loop3A_918 : i32
        %parallel_loop3A_921 = arith.constant 0 : i32
        %parallel_loop3A_922 = arith.addi %mul3A_860, %parallel_loop3A_921 : i32
        %parallel_loop3A_923 = arith.index_cast %parallel_loop3A_920 : i32 to index
        %parallel_loop3A_924 = arith.index_cast %parallel_loop3A_922 : i32 to index
        %parallel_loop3A_925 = tpu.vector_load %arg8[%parallel_loop3A_923, %parallel_loop3A_924] {strides = array<i32>} : memref<96x1024xf32, #tpu.memory_space<vmem>>, vector<1x16xf32>,
        %parallel_loop3A_926 = vector.shape_cast %parallel_loop3A_925 : vector<1x16xf32> to vector<16xf32>
        %parallel_loop3A_927 = arith.addf %parallel_loop3A_926, %get3A_866 : vector<16xf32>
        %parallel_loop3A_928 = arith.index_cast %parallel_loop3A_920 : i32 to index
        %parallel_loop3A_929 = arith.index_cast %parallel_loop3A_922 : i32 to index
        %parallel_loop3A_930 = tpu.vector_load %arg8[%parallel_loop3A_928, %parallel_loop3A_929] {strides = array<i32>} : memref<96x1024xf32, #tpu.memory_space<vmem>>, vector<1x16xf32>,
        %parallel_loop3A_931 = vector.shape_cast %parallel_loop3A_930 : vector<1x16xf32> to vector<16xf32>
        %parallel_loop3A_932 = vector.shape_cast %parallel_loop3A_927 : vector<16xf32> to vector<1x16xf32>
        tpu.vector_store %arg8[%parallel_loop3A_928, %parallel_loop3A_929], %parallel_loop3A_932 {strides = array<i32>} : memref<96x1024xf32, #tpu.memory_space<vmem>>, vector<1x16xf32>,
        %parallel_loop3A_933 = arith.constant 64 : i32
        %parallel_loop3A_934 = arith.addi %parallel_loop3A_933, %parallel_loop3A_918 : i32
        %parallel_loop3A_935 = arith.constant 16 : i32
        %parallel_loop3A_936 = arith.addi %mul3A_860, %parallel_loop3A_935 : i32
        %parallel_loop3A_937 = arith.index_cast %parallel_loop3A_934 : i32 to index
        %parallel_loop3A_938 = arith.index_cast %parallel_loop3A_936 : i32 to index
        %parallel_loop3A_939 = tpu.vector_load %arg8[%parallel_loop3A_937, %parallel_loop3A_938] {strides = array<i32>} : memref<96x1024xf32, #tpu.memory_space<vmem>>, vector<1x16xf32>,
        %parallel_loop3A_940 = vector.shape_cast %parallel_loop3A_939 : vector<1x16xf32> to vector<16xf32>
        %parallel_loop3A_941 = arith.addf %parallel_loop3A_940, %get3A_873 : vector<16xf32>
        %parallel_loop3A_942 = arith.index_cast %parallel_loop3A_934 : i32 to index
        %parallel_loop3A_943 = arith.index_cast %parallel_loop3A_936 : i32 to index
        %parallel_loop3A_944 = tpu.vector_load %arg8[%parallel_loop3A_942, %parallel_loop3A_943] {strides = array<i32>} : memref<96x1024xf32, #tpu.memory_space<vmem>>, vector<1x16xf32>,
        %parallel_loop3A_945 = vector.shape_cast %parallel_loop3A_944 : vector<1x16xf32> to vector<16xf32>
        %parallel_loop3A_946 = vector.shape_cast %parallel_loop3A_941 : vector<16xf32> to vector<1x16xf32>
        tpu.vector_store %arg8[%parallel_loop3A_942, %parallel_loop3A_943], %parallel_loop3A_946 {strides = array<i32>} : memref<96x1024xf32, #tpu.memory_space<vmem>>, vector<1x16xf32>,
        %parallel_loop3A_947 = arith.constant 64 : i32
        %parallel_loop3A_948 = arith.addi %parallel_loop3A_947, %parallel_loop3A_918 : i32
        %parallel_loop3A_949 = arith.constant 32 : i32
        %parallel_loop3A_950 = arith.addi %mul3A_860, %parallel_loop3A_949 : i32
        %parallel_loop3A_951 = arith.index_cast %parallel_loop3A_948 : i32 to index
        %parallel_loop3A_952 = arith.index_cast %parallel_loop3A_950 : i32 to index
        %parallel_loop3A_953 = tpu.vector_load %arg8[%parallel_loop3A_951, %parallel_loop3A_952] {strides = array<i32>} : memref<96x1024xf32, #tpu.memory_space<vmem>>, vector<1x16xf32>,
        %parallel_loop3A_954 = vector.shape_cast %parallel_loop3A_953 : vector<1x16xf32> to vector<16xf32>
        %parallel_loop3A_955 = arith.addf %parallel_loop3A_954, %get3A_880 : vector<16xf32>
        %parallel_loop3A_956 = arith.index_cast %parallel_loop3A_948 : i32 to index
        %parallel_loop3A_957 = arith.index_cast %parallel_loop3A_950 : i32 to index
        %parallel_loop3A_958 = tpu.vector_load %arg8[%parallel_loop3A_956, %parallel_loop3A_957] {strides = array<i32>} : memref<96x1024xf32, #tpu.memory_space<vmem>>, vector<1x16xf32>,
        %parallel_loop3A_959 = vector.shape_cast %parallel_loop3A_958 : vector<1x16xf32> to vector<16xf32>
        %parallel_loop3A_960 = vector.shape_cast %parallel_loop3A_955 : vector<16xf32> to vector<1x16xf32>
        tpu.vector_store %arg8[%parallel_loop3A_956, %parallel_loop3A_957], %parallel_loop3A_960 {strides = array<i32>} : memref<96x1024xf32, #tpu.memory_space<vmem>>, vector<1x16xf32>,
        %parallel_loop3A_961 = arith.constant 64 : i32
        %parallel_loop3A_962 = arith.addi %parallel_loop3A_961, %parallel_loop3A_918 : i32
        %parallel_loop3A_963 = arith.constant 48 : i32
        %parallel_loop3A_964 = arith.addi %mul3A_860, %parallel_loop3A_963 : i32
        %parallel_loop3A_965 = arith.index_cast %parallel_loop3A_962 : i32 to index
        %parallel_loop3A_966 = arith.index_cast %parallel_loop3A_964 : i32 to index
        %parallel_loop3A_967 = tpu.vector_load %arg8[%parallel_loop3A_965, %parallel_loop3A_966] {strides = array<i32>} : memref<96x1024xf32, #tpu.memory_space<vmem>>, vector<1x16xf32>,
        %parallel_loop3A_968 = vector.shape_cast %parallel_loop3A_967 : vector<1x16xf32> to vector<16xf32>
        %parallel_loop3A_969 = arith.addf %parallel_loop3A_968, %get3A_887 : vector<16xf32>
        %parallel_loop3A_970 = arith.index_cast %parallel_loop3A_962 : i32 to index
        %parallel_loop3A_971 = arith.index_cast %parallel_loop3A_964 : i32 to index
        %parallel_loop3A_972 = tpu.vector_load %arg8[%parallel_loop3A_970, %parallel_loop3A_971] {strides = array<i32>} : memref<96x1024xf32, #tpu.memory_space<vmem>>, vector<1x16xf32>,
        %parallel_loop3A_973 = vector.shape_cast %parallel_loop3A_972 : vector<1x16xf32> to vector<16xf32>
        %parallel_loop3A_974 = vector.shape_cast %parallel_loop3A_969 : vector<16xf32> to vector<1x16xf32>
        tpu.vector_store %arg8[%parallel_loop3A_970, %parallel_loop3A_971], %parallel_loop3A_974 {strides = array<i32>} : memref<96x1024xf32, #tpu.memory_space<vmem>>, vector<1x16xf32>,
        %parallel_loop3A_975 = arith.constant 64 : i32
        %parallel_loop3A_976 = arith.addi %parallel_loop3A_975, %parallel_loop3A_918 : i32
        %parallel_loop3A_977 = arith.constant 64 : i32
        %parallel_loop3A_978 = arith.addi %mul3A_860, %parallel_loop3A_977 : i32
        %parallel_loop3A_979 = arith.index_cast %parallel_loop3A_976 : i32 to index
        %parallel_loop3A_980 = arith.index_cast %parallel_loop3A_978 : i32 to index
        %parallel_loop3A_981 = tpu.vector_load %arg8[%parallel_loop3A_979, %parallel_loop3A_980] {strides = array<i32>} : memref<96x1024xf32, #tpu.memory_space<vmem>>, vector<1x16xf32>,
        %parallel_loop3A_982 = vector.shape_cast %parallel_loop3A_981 : vector<1x16xf32> to vector<16xf32>
        %parallel_loop3A_983 = arith.addf %parallel_loop3A_982, %get3A_894 : vector<16xf32>
        %parallel_loop3A_984 = arith.index_cast %parallel_loop3A_976 : i32 to index
        %parallel_loop3A_985 = arith.index_cast %parallel_loop3A_978 : i32 to index
        %parallel_loop3A_986 = tpu.vector_load %arg8[%parallel_loop3A_984, %parallel_loop3A_985] {strides = array<i32>} : memref<96x1024xf32, #tpu.memory_space<vmem>>, vector<1x16xf32>,
        %parallel_loop3A_987 = vector.shape_cast %parallel_loop3A_986 : vector<1x16xf32> to vector<16xf32>
        %parallel_loop3A_988 = vector.shape_cast %parallel_loop3A_983 : vector<16xf32> to vector<1x16xf32>
        tpu.vector_store %arg8[%parallel_loop3A_984, %parallel_loop3A_985], %parallel_loop3A_988 {strides = array<i32>} : memref<96x1024xf32, #tpu.memory_space<vmem>>, vector<1x16xf32>,
        %parallel_loop3A_989 = arith.constant 64 : i32
        %parallel_loop3A_990 = arith.addi %parallel_loop3A_989, %parallel_loop3A_918 : i32
        %parallel_loop3A_991 = arith.constant 80 : i32
        %parallel_loop3A_992 = arith.addi %mul3A_860, %parallel_loop3A_991 : i32
        %parallel_loop3A_993 = arith.index_cast %parallel_loop3A_990 : i32 to index
        %parallel_loop3A_994 = arith.index_cast %parallel_loop3A_992 : i32 to index
        %parallel_loop3A_995 = tpu.vector_load %arg8[%parallel_loop3A_993, %parallel_loop3A_994] {strides = array<i32>} : memref<96x1024xf32, #tpu.memory_space<vmem>>, vector<1x16xf32>,
        %parallel_loop3A_996 = vector.shape_cast %parallel_loop3A_995 : vector<1x16xf32> to vector<16xf32>
        %parallel_loop3A_997 = arith.addf %parallel_loop3A_996, %get3A_901 : vector<16xf32>
        %parallel_loop3A_998 = arith.index_cast %parallel_loop3A_990 : i32 to index
        %parallel_loop3A_999 = arith.index_cast %parallel_loop3A_992 : i32 to index
        %parallel_loop3A_1000 = tpu.vector_load %arg8[%parallel_loop3A_998, %parallel_loop3A_999] {strides = array<i32>} : memref<96x1024xf32, #tpu.memory_space<vmem>>, vector<1x16xf32>,
        %parallel_loop3A_1001 = vector.shape_cast %parallel_loop3A_1000 : vector<1x16xf32> to vector<16xf32>
        %parallel_loop3A_1002 = vector.shape_cast %parallel_loop3A_997 : vector<16xf32> to vector<1x16xf32>
        tpu.vector_store %arg8[%parallel_loop3A_998, %parallel_loop3A_999], %parallel_loop3A_1002 {strides = array<i32>} : memref<96x1024xf32, #tpu.memory_space<vmem>>, vector<1x16xf32>,
        %parallel_loop3A_1003 = arith.constant 64 : i32
        %parallel_loop3A_1004 = arith.addi %parallel_loop3A_1003, %parallel_loop3A_918 : i32
        %parallel_loop3A_1005 = arith.constant 96 : i32
        %parallel_loop3A_1006 = arith.addi %mul3A_860, %parallel_loop3A_1005 : i32
        %parallel_loop3A_1007 = arith.index_cast %parallel_loop3A_1004 : i32 to index
        %parallel_loop3A_1008 = arith.index_cast %parallel_loop3A_1006 : i32 to index
        %parallel_loop3A_1009 = tpu.vector_load %arg8[%parallel_loop3A_1007, %parallel_loop3A_1008] {strides = array<i32>} : memref<96x1024xf32, #tpu.memory_space<vmem>>, vector<1x16xf32>,
        %parallel_loop3A_1010 = vector.shape_cast %parallel_loop3A_1009 : vector<1x16xf32> to vector<16xf32>
        %parallel_loop3A_1011 = arith.addf %parallel_loop3A_1010, %get3A_908 : vector<16xf32>
        %parallel_loop3A_1012 = arith.index_cast %parallel_loop3A_1004 : i32 to index
        %parallel_loop3A_1013 = arith.index_cast %parallel_loop3A_1006 : i32 to index
        %parallel_loop3A_1014 = tpu.vector_load %arg8[%parallel_loop3A_1012, %parallel_loop3A_1013] {strides = array<i32>} : memref<96x1024xf32, #tpu.memory_space<vmem>>, vector<1x16xf32>,
        %parallel_loop3A_1015 = vector.shape_cast %parallel_loop3A_1014 : vector<1x16xf32> to vector<16xf32>
        %parallel_loop3A_1016 = vector.shape_cast %parallel_loop3A_1011 : vector<16xf32> to vector<1x16xf32>
        tpu.vector_store %arg8[%parallel_loop3A_1012, %parallel_loop3A_1013], %parallel_loop3A_1016 {strides = array<i32>} : memref<96x1024xf32, #tpu.memory_space<vmem>>, vector<1x16xf32>,
        %parallel_loop3A_1017 = arith.constant 64 : i32
        %parallel_loop3A_1018 = arith.addi %parallel_loop3A_1017, %parallel_loop3A_918 : i32
        %parallel_loop3A_1019 = arith.constant 112 : i32
        %parallel_loop3A_1020 = arith.addi %mul3A_860, %parallel_loop3A_1019 : i32
        %parallel_loop3A_1021 = arith.index_cast %parallel_loop3A_1018 : i32 to index
        %parallel_loop3A_1022 = arith.index_cast %parallel_loop3A_1020 : i32 to index
        %parallel_loop3A_1023 = tpu.vector_load %arg8[%parallel_loop3A_1021, %parallel_loop3A_1022] {strides = array<i32>} : memref<96x1024xf32, #tpu.memory_space<vmem>>, vector<1x16xf32>,
        %parallel_loop3A_1024 = vector.shape_cast %parallel_loop3A_1023 : vector<1x16xf32> to vector<16xf32>
        %parallel_loop3A_1025 = arith.addf %parallel_loop3A_1024, %get3A_915 : vector<16xf32>
        %parallel_loop3A_1026 = arith.index_cast %parallel_loop3A_1018 : i32 to index
        %parallel_loop3A_1027 = arith.index_cast %parallel_loop3A_1020 : i32 to index
        %parallel_loop3A_1028 = tpu.vector_load %arg8[%parallel_loop3A_1026, %parallel_loop3A_1027] {strides = array<i32>} : memref<96x1024xf32, #tpu.memory_space<vmem>>, vector<1x16xf32>,
        %parallel_loop3A_1029 = vector.shape_cast %parallel_loop3A_1028 : vector<1x16xf32> to vector<16xf32>
        %parallel_loop3A_1030 = vector.shape_cast %parallel_loop3A_1025 : vector<16xf32> to vector<1x16xf32>
        tpu.vector_store %arg8[%parallel_loop3A_1026, %parallel_loop3A_1027], %parallel_loop3A_1030 {strides = array<i32>} : memref<96x1024xf32, #tpu.memory_space<vmem>>, vector<1x16xf32>,
      } {sc.loop_unroll_factor = 2 : i64, sc.parallel_access}
    }
    %scan3A_140 = arith.constant 8 : i32
    %add3A_141 = arith.constant 64 : i32
    %add3A_142 = arith.addi %mul3A_2, %add3A_141 : i32
    %dma_start3A_143 = arith.constant 64 : i32
    %dma_start3A_144 = arith.constant 0 : i32
    %dma_start3A_145 = tpu.memref_slice %arg8[%dma_start3A_143, %dma_start3A_144] : memref<96x1024xf32, #tpu.memory_space<vmem>> -> memref<32x1024xf32, #tpu.memory_space<vmem>>
    %dma_start3A_146 = arith.constant 0 : i32
    %dma_start3A_147 = tpu.memref_slice %arg5[%add3A_142, %dma_start3A_146] : memref<16384x1024xf32, #tpu.memory_space<hbm>> -> memref<32x1024xf32, #tpu.memory_space<hbm>>
    %dma_start3A_148 = arith.constant 0 : i32
    %dma_start3A_149 = tpu.memref_slice %arg5[%add3A_142, %dma_start3A_148] : memref<16384x1024xf32, #tpu.memory_space<hbm>> -> memref<32x1024xf32, #tpu.memory_space<hbm>>
    %dma_start3A_150 = arith.constant 64 : i32
    %dma_start3A_151 = arith.constant 0 : i32
    %dma_start3A_152 = tpu.memref_slice %arg8[%dma_start3A_150, %dma_start3A_151] : memref<96x1024xf32, #tpu.memory_space<vmem>> -> memref<32x1024xf32, #tpu.memory_space<vmem>>
    tpu.enqueue_dma source(%dma_start3A_152 : memref<32x1024xf32, #tpu.memory_space<vmem>>) target(%dma_start3A_149 : memref<32x1024xf32, #tpu.memory_space<hbm>>) target_semaphore(%arg11 : memref<!tpu.dma_semaphore, #tpu.memory_space<semaphore_mem>>)
    %add3A_153 = arith.constant 32 : i32
    %add3A_154 = arith.addi %mul3A_2, %add3A_153 : i32
    %dma_wait3A_155 = arith.constant 32 : i32
    %dma_wait3A_156 = arith.constant 0 : i32
    %dma_wait3A_157 = tpu.memref_slice %arg8[%dma_wait3A_155, %dma_wait3A_156] : memref<96x1024xf32, #tpu.memory_space<vmem>> -> memref<32x1024xf32, #tpu.memory_space<vmem>>
    %dma_wait3A_158 = arith.constant 0 : i32
    %dma_wait3A_159 = tpu.memref_slice %arg5[%add3A_154, %dma_wait3A_158] : memref<16384x1024xf32, #tpu.memory_space<hbm>> -> memref<32x1024xf32, #tpu.memory_space<hbm>>
    %dma_wait3A_160 = arith.constant 0 : i32
    %dma_wait3A_161 = tpu.memref_slice %arg5[%add3A_154, %dma_wait3A_160] : memref<16384x1024xf32, #tpu.memory_space<hbm>> -> memref<32x1024xf32, #tpu.memory_space<hbm>>
    %dma_wait3A_162 = arith.constant 32 : i32
    %dma_wait3A_163 = arith.constant 0 : i32
    %dma_wait3A_164 = tpu.memref_slice %arg8[%dma_wait3A_162, %dma_wait3A_163] : memref<96x1024xf32, #tpu.memory_space<vmem>> -> memref<32x1024xf32, #tpu.memory_space<vmem>>
    tpu.wait_dma2 semaphore(%arg10 : memref<!tpu.dma_semaphore, #tpu.memory_space<semaphore_mem>>) src(%dma_wait3A_164 : memref<32x1024xf32, #tpu.memory_space<vmem>>) dst(%dma_wait3A_161 : memref<32x1024xf32, #tpu.memory_space<hbm>>)
    %add3A_165 = arith.constant 128 : i32
    %add3A_166 = arith.addi %mul3A_2, %add3A_165 : i32
    %dma_start3A_167 = arith.constant 32 : i32
    %dma_start3A_168 = arith.constant 0 : i32
    %dma_start3A_169 = tpu.memref_slice %arg8[%dma_start3A_167, %dma_start3A_168] : memref<96x1024xf32, #tpu.memory_space<vmem>> -> memref<32x1024xf32, #tpu.memory_space<vmem>>
    %dma_start3A_170 = arith.constant 0 : i32
    %dma_start3A_171 = tpu.memref_slice %arg4[%add3A_166, %dma_start3A_170] : memref<16384x1024xf32, #tpu.memory_space<hbm>> -> memref<32x1024xf32, #tpu.memory_space<hbm>>
    %dma_start3A_172 = arith.constant 32 : i32
    %dma_start3A_173 = arith.constant 0 : i32
    %dma_start3A_174 = tpu.memref_slice %arg8[%dma_start3A_172, %dma_start3A_173] : memref<96x1024xf32, #tpu.memory_space<vmem>> -> memref<32x1024xf32, #tpu.memory_space<vmem>>
    %dma_start3A_175 = arith.constant 0 : i32
    %dma_start3A_176 = tpu.memref_slice %arg4[%add3A_166, %dma_start3A_175] : memref<16384x1024xf32, #tpu.memory_space<hbm>> -> memref<32x1024xf32, #tpu.memory_space<hbm>>
    tpu.enqueue_dma source(%dma_start3A_176 : memref<32x1024xf32, #tpu.memory_space<hbm>>) target(%dma_start3A_174 : memref<32x1024xf32, #tpu.memory_space<vmem>>) target_semaphore(%arg10 : memref<!tpu.dma_semaphore, #tpu.memory_space<semaphore_mem>>)
    %add3A_177 = arith.constant 96 : i32
    %add3A_178 = arith.addi %mul3A_2, %add3A_177 : i32
    %dma_wait3A_179 = arith.constant 0 : i32
    %dma_wait3A_180 = arith.constant 0 : i32
    %dma_wait3A_181 = tpu.memref_slice %arg8[%dma_wait3A_179, %dma_wait3A_180] : memref<96x1024xf32, #tpu.memory_space<vmem>> -> memref<32x1024xf32, #tpu.memory_space<vmem>>
    %dma_wait3A_182 = arith.constant 0 : i32
    %dma_wait3A_183 = tpu.memref_slice %arg4[%add3A_178, %dma_wait3A_182] : memref<16384x1024xf32, #tpu.memory_space<hbm>> -> memref<32x1024xf32, #tpu.memory_space<hbm>>
    %dma_wait3A_184 = arith.constant 0 : i32
    %dma_wait3A_185 = arith.constant 0 : i32
    %dma_wait3A_186 = tpu.memref_slice %arg8[%dma_wait3A_184, %dma_wait3A_185] : memref<96x1024xf32, #tpu.memory_space<vmem>> -> memref<32x1024xf32, #tpu.memory_space<vmem>>
    %dma_wait3A_187 = arith.constant 0 : i32
    %dma_wait3A_188 = tpu.memref_slice %arg4[%add3A_178, %dma_wait3A_187] : memref<16384x1024xf32, #tpu.memory_space<hbm>> -> memref<32x1024xf32, #tpu.memory_space<hbm>>
    tpu.wait_dma2 semaphore(%arg9 : memref<!tpu.dma_semaphore, #tpu.memory_space<semaphore_mem>>) src(%dma_wait3A_188 : memref<32x1024xf32, #tpu.memory_space<hbm>>) dst(%dma_wait3A_186 : memref<32x1024xf32, #tpu.memory_space<vmem>>)
    %scan3A_189 = arith.constant 0 : i32
    %scan3A_190 = arith.constant 8 : i32
    %scan3A_191 = arith.addi %scan3A_189, %scan3A_190 : i32
    %scan3A_192 = arith.constant 1 : i32
    scf.for %scan3A_854 = %scan3A_189 to %scan3A_191 step %scan3A_192  : i32 {
      %mul3A_855 = arith.constant 1 : i32
      %mul3A_856 = arith.muli %scan3A_854, %mul3A_855 : i32
      %add3A_857 = arith.constant 0 : i32
      %add3A_858 = arith.addi %add3A_857, %mul3A_856 : i32
      %mul3A_859 = arith.constant 128 : i32
      %mul3A_860 = arith.muli %add3A_858, %mul3A_859 : i32
      %add3A_861 = arith.constant 0 : i32
      %add3A_862 = arith.addi %mul3A_860, %add3A_861 : i32
      %get3A = arith.constant 0 : i32
      %get3A_863 = arith.index_cast %get3A : i32 to index
      %get3A_864 = arith.index_cast %add3A_862 : i32 to index
      %get3A_865 = tpu.vector_load %arg7[%get3A_863, %get3A_864] {strides = array<i32>} : memref<8x1024xf32, #tpu.memory_space<vmem>>, vector<1x16xf32>,
      %get3A_866 = vector.shape_cast %get3A_865 : vector<1x16xf32> to vector<16xf32>
      %add3A_867 = arith.constant 16 : i32
      %add3A_868 = arith.addi %mul3A_860, %add3A_867 : i32
      %get3A_869 = arith.constant 0 : i32
      %get3A_870 = arith.index_cast %get3A_869 : i32 to index
      %get3A_871 = arith.index_cast %add3A_868 : i32 to index
      %get3A_872 = tpu.vector_load %arg7[%get3A_870, %get3A_871] {strides = array<i32>} : memref<8x1024xf32, #tpu.memory_space<vmem>>, vector<1x16xf32>,
      %get3A_873 = vector.shape_cast %get3A_872 : vector<1x16xf32> to vector<16xf32>
      %add3A_874 = arith.constant 32 : i32
      %add3A_875 = arith.addi %mul3A_860, %add3A_874 : i32
      %get3A_876 = arith.constant 0 : i32
      %get3A_877 = arith.index_cast %get3A_876 : i32 to index
      %get3A_878 = arith.index_cast %add3A_875 : i32 to index
      %get3A_879 = tpu.vector_load %arg7[%get3A_877, %get3A_878] {strides = array<i32>} : memref<8x1024xf32, #tpu.memory_space<vmem>>, vector<1x16xf32>,
      %get3A_880 = vector.shape_cast %get3A_879 : vector<1x16xf32> to vector<16xf32>
      %add3A_881 = arith.constant 48 : i32
      %add3A_882 = arith.addi %mul3A_860, %add3A_881 : i32
      %get3A_883 = arith.constant 0 : i32
      %get3A_884 = arith.index_cast %get3A_883 : i32 to index
      %get3A_885 = arith.index_cast %add3A_882 : i32 to index
      %get3A_886 = tpu.vector_load %arg7[%get3A_884, %get3A_885] {strides = array<i32>} : memref<8x1024xf32, #tpu.memory_space<vmem>>, vector<1x16xf32>,
      %get3A_887 = vector.shape_cast %get3A_886 : vector<1x16xf32> to vector<16xf32>
      %add3A_888 = arith.constant 64 : i32
      %add3A_889 = arith.addi %mul3A_860, %add3A_888 : i32
      %get3A_890 = arith.constant 0 : i32
      %get3A_891 = arith.index_cast %get3A_890 : i32 to index
      %get3A_892 = arith.index_cast %add3A_889 : i32 to index
      %get3A_893 = tpu.vector_load %arg7[%get3A_891, %get3A_892] {strides = array<i32>} : memref<8x1024xf32, #tpu.memory_space<vmem>>, vector<1x16xf32>,
      %get3A_894 = vector.shape_cast %get3A_893 : vector<1x16xf32> to vector<16xf32>
      %add3A_895 = arith.constant 80 : i32
      %add3A_896 = arith.addi %mul3A_860, %add3A_895 : i32
      %get3A_897 = arith.constant 0 : i32
      %get3A_898 = arith.index_cast %get3A_897 : i32 to index
      %get3A_899 = arith.index_cast %add3A_896 : i32 to index
      %get3A_900 = tpu.vector_load %arg7[%get3A_898, %get3A_899] {strides = array<i32>} : memref<8x1024xf32, #tpu.memory_space<vmem>>, vector<1x16xf32>,
      %get3A_901 = vector.shape_cast %get3A_900 : vector<1x16xf32> to vector<16xf32>
      %add3A_902 = arith.constant 96 : i32
      %add3A_903 = arith.addi %mul3A_860, %add3A_902 : i32
      %get3A_904 = arith.constant 0 : i32
      %get3A_905 = arith.index_cast %get3A_904 : i32 to index
      %get3A_906 = arith.index_cast %add3A_903 : i32 to index
      %get3A_907 = tpu.vector_load %arg7[%get3A_905, %get3A_906] {strides = array<i32>} : memref<8x1024xf32, #tpu.memory_space<vmem>>, vector<1x16xf32>,
      %get3A_908 = vector.shape_cast %get3A_907 : vector<1x16xf32> to vector<16xf32>
      %add3A_909 = arith.constant 112 : i32
      %add3A_910 = arith.addi %mul3A_860, %add3A_909 : i32
      %get3A_911 = arith.constant 0 : i32
      %get3A_912 = arith.index_cast %get3A_911 : i32 to index
      %get3A_913 = arith.index_cast %add3A_910 : i32 to index
      %get3A_914 = tpu.vector_load %arg7[%get3A_912, %get3A_913] {strides = array<i32>} : memref<8x1024xf32, #tpu.memory_space<vmem>>, vector<1x16xf32>,
      %get3A_915 = vector.shape_cast %get3A_914 : vector<1x16xf32> to vector<16xf32>
      %parallel_loop3A = arith.constant 0 : i32
      %parallel_loop3A_916 = arith.constant 32 : i32
      %parallel_loop3A_917 = arith.constant 1 : i32
      scf.for %parallel_loop3A_918 = %parallel_loop3A to %parallel_loop3A_916 step %parallel_loop3A_917  : i32 {
        %parallel_loop3A_919 = arith.constant 0 : i32
        %parallel_loop3A_920 = arith.addi %parallel_loop3A_919, %parallel_loop3A_918 : i32
        %parallel_loop3A_921 = arith.constant 0 : i32
        %parallel_loop3A_922 = arith.addi %mul3A_860, %parallel_loop3A_921 : i32
        %parallel_loop3A_923 = arith.index_cast %parallel_loop3A_920 : i32 to index
        %parallel_loop3A_924 = arith.index_cast %parallel_loop3A_922 : i32 to index
        %parallel_loop3A_925 = tpu.vector_load %arg8[%parallel_loop3A_923, %parallel_loop3A_924] {strides = array<i32>} : memref<96x1024xf32, #tpu.memory_space<vmem>>, vector<1x16xf32>,
        %parallel_loop3A_926 = vector.shape_cast %parallel_loop3A_925 : vector<1x16xf32> to vector<16xf32>
        %parallel_loop3A_927 = arith.addf %parallel_loop3A_926, %get3A_866 : vector<16xf32>
        %parallel_loop3A_928 = arith.index_cast %parallel_loop3A_920 : i32 to index
        %parallel_loop3A_929 = arith.index_cast %parallel_loop3A_922 : i32 to index
        %parallel_loop3A_930 = tpu.vector_load %arg8[%parallel_loop3A_928, %parallel_loop3A_929] {strides = array<i32>} : memref<96x1024xf32, #tpu.memory_space<vmem>>, vector<1x16xf32>,
        %parallel_loop3A_931 = vector.shape_cast %parallel_loop3A_930 : vector<1x16xf32> to vector<16xf32>
        %parallel_loop3A_932 = vector.shape_cast %parallel_loop3A_927 : vector<16xf32> to vector<1x16xf32>
        tpu.vector_store %arg8[%parallel_loop3A_928, %parallel_loop3A_929], %parallel_loop3A_932 {strides = array<i32>} : memref<96x1024xf32, #tpu.memory_space<vmem>>, vector<1x16xf32>,
        %parallel_loop3A_933 = arith.constant 0 : i32
        %parallel_loop3A_934 = arith.addi %parallel_loop3A_933, %parallel_loop3A_918 : i32
        %parallel_loop3A_935 = arith.constant 16 : i32
        %parallel_loop3A_936 = arith.addi %mul3A_860, %parallel_loop3A_935 : i32
        %parallel_loop3A_937 = arith.index_cast %parallel_loop3A_934 : i32 to index
        %parallel_loop3A_938 = arith.index_cast %parallel_loop3A_936 : i32 to index
        %parallel_loop3A_939 = tpu.vector_load %arg8[%parallel_loop3A_937, %parallel_loop3A_938] {strides = array<i32>} : memref<96x1024xf32, #tpu.memory_space<vmem>>, vector<1x16xf32>,
        %parallel_loop3A_940 = vector.shape_cast %parallel_loop3A_939 : vector<1x16xf32> to vector<16xf32>
        %parallel_loop3A_941 = arith.addf %parallel_loop3A_940, %get3A_873 : vector<16xf32>
        %parallel_loop3A_942 = arith.index_cast %parallel_loop3A_934 : i32 to index
        %parallel_loop3A_943 = arith.index_cast %parallel_loop3A_936 : i32 to index
        %parallel_loop3A_944 = tpu.vector_load %arg8[%parallel_loop3A_942, %parallel_loop3A_943] {strides = array<i32>} : memref<96x1024xf32, #tpu.memory_space<vmem>>, vector<1x16xf32>,
        %parallel_loop3A_945 = vector.shape_cast %parallel_loop3A_944 : vector<1x16xf32> to vector<16xf32>
        %parallel_loop3A_946 = vector.shape_cast %parallel_loop3A_941 : vector<16xf32> to vector<1x16xf32>
        tpu.vector_store %arg8[%parallel_loop3A_942, %parallel_loop3A_943], %parallel_loop3A_946 {strides = array<i32>} : memref<96x1024xf32, #tpu.memory_space<vmem>>, vector<1x16xf32>,
        %parallel_loop3A_947 = arith.constant 0 : i32
        %parallel_loop3A_948 = arith.addi %parallel_loop3A_947, %parallel_loop3A_918 : i32
        %parallel_loop3A_949 = arith.constant 32 : i32
        %parallel_loop3A_950 = arith.addi %mul3A_860, %parallel_loop3A_949 : i32
        %parallel_loop3A_951 = arith.index_cast %parallel_loop3A_948 : i32 to index
        %parallel_loop3A_952 = arith.index_cast %parallel_loop3A_950 : i32 to index
        %parallel_loop3A_953 = tpu.vector_load %arg8[%parallel_loop3A_951, %parallel_loop3A_952] {strides = array<i32>} : memref<96x1024xf32, #tpu.memory_space<vmem>>, vector<1x16xf32>,
        %parallel_loop3A_954 = vector.shape_cast %parallel_loop3A_953 : vector<1x16xf32> to vector<16xf32>
        %parallel_loop3A_955 = arith.addf %parallel_loop3A_954, %get3A_880 : vector<16xf32>
        %parallel_loop3A_956 = arith.index_cast %parallel_loop3A_948 : i32 to index
        %parallel_loop3A_957 = arith.index_cast %parallel_loop3A_950 : i32 to index
        %parallel_loop3A_958 = tpu.vector_load %arg8[%parallel_loop3A_956, %parallel_loop3A_957] {strides = array<i32>} : memref<96x1024xf32, #tpu.memory_space<vmem>>, vector<1x16xf32>,
        %parallel_loop3A_959 = vector.shape_cast %parallel_loop3A_958 : vector<1x16xf32> to vector<16xf32>
        %parallel_loop3A_960 = vector.shape_cast %parallel_loop3A_955 : vector<16xf32> to vector<1x16xf32>
        tpu.vector_store %arg8[%parallel_loop3A_956, %parallel_loop3A_957], %parallel_loop3A_960 {strides = array<i32>} : memref<96x1024xf32, #tpu.memory_space<vmem>>, vector<1x16xf32>,
        %parallel_loop3A_961 = arith.constant 0 : i32
        %parallel_loop3A_962 = arith.addi %parallel_loop3A_961, %parallel_loop3A_918 : i32
        %parallel_loop3A_963 = arith.constant 48 : i32
        %parallel_loop3A_964 = arith.addi %mul3A_860, %parallel_loop3A_963 : i32
        %parallel_loop3A_965 = arith.index_cast %parallel_loop3A_962 : i32 to index
        %parallel_loop3A_966 = arith.index_cast %parallel_loop3A_964 : i32 to index
        %parallel_loop3A_967 = tpu.vector_load %arg8[%parallel_loop3A_965, %parallel_loop3A_966] {strides = array<i32>} : memref<96x1024xf32, #tpu.memory_space<vmem>>, vector<1x16xf32>,
        %parallel_loop3A_968 = vector.shape_cast %parallel_loop3A_967 : vector<1x16xf32> to vector<16xf32>
        %parallel_loop3A_969 = arith.addf %parallel_loop3A_968, %get3A_887 : vector<16xf32>
        %parallel_loop3A_970 = arith.index_cast %parallel_loop3A_962 : i32 to index
        %parallel_loop3A_971 = arith.index_cast %parallel_loop3A_964 : i32 to index
        %parallel_loop3A_972 = tpu.vector_load %arg8[%parallel_loop3A_970, %parallel_loop3A_971] {strides = array<i32>} : memref<96x1024xf32, #tpu.memory_space<vmem>>, vector<1x16xf32>,
        %parallel_loop3A_973 = vector.shape_cast %parallel_loop3A_972 : vector<1x16xf32> to vector<16xf32>
        %parallel_loop3A_974 = vector.shape_cast %parallel_loop3A_969 : vector<16xf32> to vector<1x16xf32>
        tpu.vector_store %arg8[%parallel_loop3A_970, %parallel_loop3A_971], %parallel_loop3A_974 {strides = array<i32>} : memref<96x1024xf32, #tpu.memory_space<vmem>>, vector<1x16xf32>,
        %parallel_loop3A_975 = arith.constant 0 : i32
        %parallel_loop3A_976 = arith.addi %parallel_loop3A_975, %parallel_loop3A_918 : i32
        %parallel_loop3A_977 = arith.constant 64 : i32
        %parallel_loop3A_978 = arith.addi %mul3A_860, %parallel_loop3A_977 : i32
        %parallel_loop3A_979 = arith.index_cast %parallel_loop3A_976 : i32 to index
        %parallel_loop3A_980 = arith.index_cast %parallel_loop3A_978 : i32 to index
        %parallel_loop3A_981 = tpu.vector_load %arg8[%parallel_loop3A_979, %parallel_loop3A_980] {strides = array<i32>} : memref<96x1024xf32, #tpu.memory_space<vmem>>, vector<1x16xf32>,
        %parallel_loop3A_982 = vector.shape_cast %parallel_loop3A_981 : vector<1x16xf32> to vector<16xf32>
        %parallel_loop3A_983 = arith.addf %parallel_loop3A_982, %get3A_894 : vector<16xf32>
        %parallel_loop3A_984 = arith.index_cast %parallel_loop3A_976 : i32 to index
        %parallel_loop3A_985 = arith.index_cast %parallel_loop3A_978 : i32 to index
        %parallel_loop3A_986 = tpu.vector_load %arg8[%parallel_loop3A_984, %parallel_loop3A_985] {strides = array<i32>} : memref<96x1024xf32, #tpu.memory_space<vmem>>, vector<1x16xf32>,
        %parallel_loop3A_987 = vector.shape_cast %parallel_loop3A_986 : vector<1x16xf32> to vector<16xf32>
        %parallel_loop3A_988 = vector.shape_cast %parallel_loop3A_983 : vector<16xf32> to vector<1x16xf32>
        tpu.vector_store %arg8[%parallel_loop3A_984, %parallel_loop3A_985], %parallel_loop3A_988 {strides = array<i32>} : memref<96x1024xf32, #tpu.memory_space<vmem>>, vector<1x16xf32>,
        %parallel_loop3A_989 = arith.constant 0 : i32
        %parallel_loop3A_990 = arith.addi %parallel_loop3A_989, %parallel_loop3A_918 : i32
        %parallel_loop3A_991 = arith.constant 80 : i32
        %parallel_loop3A_992 = arith.addi %mul3A_860, %parallel_loop3A_991 : i32
        %parallel_loop3A_993 = arith.index_cast %parallel_loop3A_990 : i32 to index
        %parallel_loop3A_994 = arith.index_cast %parallel_loop3A_992 : i32 to index
        %parallel_loop3A_995 = tpu.vector_load %arg8[%parallel_loop3A_993, %parallel_loop3A_994] {strides = array<i32>} : memref<96x1024xf32, #tpu.memory_space<vmem>>, vector<1x16xf32>,
        %parallel_loop3A_996 = vector.shape_cast %parallel_loop3A_995 : vector<1x16xf32> to vector<16xf32>
        %parallel_loop3A_997 = arith.addf %parallel_loop3A_996, %get3A_901 : vector<16xf32>
        %parallel_loop3A_998 = arith.index_cast %parallel_loop3A_990 : i32 to index
        %parallel_loop3A_999 = arith.index_cast %parallel_loop3A_992 : i32 to index
        %parallel_loop3A_1000 = tpu.vector_load %arg8[%parallel_loop3A_998, %parallel_loop3A_999] {strides = array<i32>} : memref<96x1024xf32, #tpu.memory_space<vmem>>, vector<1x16xf32>,
        %parallel_loop3A_1001 = vector.shape_cast %parallel_loop3A_1000 : vector<1x16xf32> to vector<16xf32>
        %parallel_loop3A_1002 = vector.shape_cast %parallel_loop3A_997 : vector<16xf32> to vector<1x16xf32>
        tpu.vector_store %arg8[%parallel_loop3A_998, %parallel_loop3A_999], %parallel_loop3A_1002 {strides = array<i32>} : memref<96x1024xf32, #tpu.memory_space<vmem>>, vector<1x16xf32>,
        %parallel_loop3A_1003 = arith.constant 0 : i32
        %parallel_loop3A_1004 = arith.addi %parallel_loop3A_1003, %parallel_loop3A_918 : i32
        %parallel_loop3A_1005 = arith.constant 96 : i32
        %parallel_loop3A_1006 = arith.addi %mul3A_860, %parallel_loop3A_1005 : i32
        %parallel_loop3A_1007 = arith.index_cast %parallel_loop3A_1004 : i32 to index
        %parallel_loop3A_1008 = arith.index_cast %parallel_loop3A_1006 : i32 to index
        %parallel_loop3A_1009 = tpu.vector_load %arg8[%parallel_loop3A_1007, %parallel_loop3A_1008] {strides = array<i32>} : memref<96x1024xf32, #tpu.memory_space<vmem>>, vector<1x16xf32>,
        %parallel_loop3A_1010 = vector.shape_cast %parallel_loop3A_1009 : vector<1x16xf32> to vector<16xf32>
        %parallel_loop3A_1011 = arith.addf %parallel_loop3A_1010, %get3A_908 : vector<16xf32>
        %parallel_loop3A_1012 = arith.index_cast %parallel_loop3A_1004 : i32 to index
        %parallel_loop3A_1013 = arith.index_cast %parallel_loop3A_1006 : i32 to index
        %parallel_loop3A_1014 = tpu.vector_load %arg8[%parallel_loop3A_1012, %parallel_loop3A_1013] {strides = array<i32>} : memref<96x1024xf32, #tpu.memory_space<vmem>>, vector<1x16xf32>,
        %parallel_loop3A_1015 = vector.shape_cast %parallel_loop3A_1014 : vector<1x16xf32> to vector<16xf32>
        %parallel_loop3A_1016 = vector.shape_cast %parallel_loop3A_1011 : vector<16xf32> to vector<1x16xf32>
        tpu.vector_store %arg8[%parallel_loop3A_1012, %parallel_loop3A_1013], %parallel_loop3A_1016 {strides = array<i32>} : memref<96x1024xf32, #tpu.memory_space<vmem>>, vector<1x16xf32>,
        %parallel_loop3A_1017 = arith.constant 0 : i32
        %parallel_loop3A_1018 = arith.addi %parallel_loop3A_1017, %parallel_loop3A_918 : i32
        %parallel_loop3A_1019 = arith.constant 112 : i32
        %parallel_loop3A_1020 = arith.addi %mul3A_860, %parallel_loop3A_1019 : i32
        %parallel_loop3A_1021 = arith.index_cast %parallel_loop3A_1018 : i32 to index
        %parallel_loop3A_1022 = arith.index_cast %parallel_loop3A_1020 : i32 to index
        %parallel_loop3A_1023 = tpu.vector_load %arg8[%parallel_loop3A_1021, %parallel_loop3A_1022] {strides = array<i32>} : memref<96x1024xf32, #tpu.memory_space<vmem>>, vector<1x16xf32>,
        %parallel_loop3A_1024 = vector.shape_cast %parallel_loop3A_1023 : vector<1x16xf32> to vector<16xf32>
        %parallel_loop3A_1025 = arith.addf %parallel_loop3A_1024, %get3A_915 : vector<16xf32>
        %parallel_loop3A_1026 = arith.index_cast %parallel_loop3A_1018 : i32 to index
        %parallel_loop3A_1027 = arith.index_cast %parallel_loop3A_1020 : i32 to index
        %parallel_loop3A_1028 = tpu.vector_load %arg8[%parallel_loop3A_1026, %parallel_loop3A_1027] {strides = array<i32>} : memref<96x1024xf32, #tpu.memory_space<vmem>>, vector<1x16xf32>,
        %parallel_loop3A_1029 = vector.shape_cast %parallel_loop3A_1028 : vector<1x16xf32> to vector<16xf32>
        %parallel_loop3A_1030 = vector.shape_cast %parallel_loop3A_1025 : vector<16xf32> to vector<1x16xf32>
        tpu.vector_store %arg8[%parallel_loop3A_1026, %parallel_loop3A_1027], %parallel_loop3A_1030 {strides = array<i32>} : memref<96x1024xf32, #tpu.memory_space<vmem>>, vector<1x16xf32>,
      } {sc.loop_unroll_factor = 2 : i64, sc.parallel_access}
    }
    %scan3A_193 = arith.constant 8 : i32
    %add3A_194 = arith.constant 96 : i32
    %add3A_195 = arith.addi %mul3A_2, %add3A_194 : i32
    %dma_start3A_196 = arith.constant 0 : i32
    %dma_start3A_197 = arith.constant 0 : i32
    %dma_start3A_198 = tpu.memref_slice %arg8[%dma_start3A_196, %dma_start3A_197] : memref<96x1024xf32, #tpu.memory_space<vmem>> -> memref<32x1024xf32, #tpu.memory_space<vmem>>
    %dma_start3A_199 = arith.constant 0 : i32
    %dma_start3A_200 = tpu.memref_slice %arg5[%add3A_195, %dma_start3A_199] : memref<16384x1024xf32, #tpu.memory_space<hbm>> -> memref<32x1024xf32, #tpu.memory_space<hbm>>
    %dma_start3A_201 = arith.constant 0 : i32
    %dma_start3A_202 = tpu.memref_slice %arg5[%add3A_195, %dma_start3A_201] : memref<16384x1024xf32, #tpu.memory_space<hbm>> -> memref<32x1024xf32, #tpu.memory_space<hbm>>
    %dma_start3A_203 = arith.constant 0 : i32
    %dma_start3A_204 = arith.constant 0 : i32
    %dma_start3A_205 = tpu.memref_slice %arg8[%dma_start3A_203, %dma_start3A_204] : memref<96x1024xf32, #tpu.memory_space<vmem>> -> memref<32x1024xf32, #tpu.memory_space<vmem>>
    tpu.enqueue_dma source(%dma_start3A_205 : memref<32x1024xf32, #tpu.memory_space<vmem>>) target(%dma_start3A_202 : memref<32x1024xf32, #tpu.memory_space<hbm>>) target_semaphore(%arg9 : memref<!tpu.dma_semaphore, #tpu.memory_space<semaphore_mem>>)
    %add3A_206 = arith.constant 64 : i32
    %add3A_207 = arith.addi %mul3A_2, %add3A_206 : i32
    %dma_wait3A_208 = arith.constant 64 : i32
    %dma_wait3A_209 = arith.constant 0 : i32
    %dma_wait3A_210 = tpu.memref_slice %arg8[%dma_wait3A_208, %dma_wait3A_209] : memref<96x1024xf32, #tpu.memory_space<vmem>> -> memref<32x1024xf32, #tpu.memory_space<vmem>>
    %dma_wait3A_211 = arith.constant 0 : i32
    %dma_wait3A_212 = tpu.memref_slice %arg5[%add3A_207, %dma_wait3A_211] : memref<16384x1024xf32, #tpu.memory_space<hbm>> -> memref<32x1024xf32, #tpu.memory_space<hbm>>
    %dma_wait3A_213 = arith.constant 0 : i32
    %dma_wait3A_214 = tpu.memref_slice %arg5[%add3A_207, %dma_wait3A_213] : memref<16384x1024xf32, #tpu.memory_space<hbm>> -> memref<32x1024xf32, #tpu.memory_space<hbm>>
    %dma_wait3A_215 = arith.constant 64 : i32
    %dma_wait3A_216 = arith.constant 0 : i32
    %dma_wait3A_217 = tpu.memref_slice %arg8[%dma_wait3A_215, %dma_wait3A_216] : memref<96x1024xf32, #tpu.memory_space<vmem>> -> memref<32x1024xf32, #tpu.memory_space<vmem>>
    tpu.wait_dma2 semaphore(%arg11 : memref<!tpu.dma_semaphore, #tpu.memory_space<semaphore_mem>>) src(%dma_wait3A_217 : memref<32x1024xf32, #tpu.memory_space<vmem>>) dst(%dma_wait3A_214 : memref<32x1024xf32, #tpu.memory_space<hbm>>)
    %add3A_218 = arith.constant 160 : i32
    %add3A_219 = arith.addi %mul3A_2, %add3A_218 : i32
    %dma_start3A_220 = arith.constant 64 : i32
    %dma_start3A_221 = arith.constant 0 : i32
    %dma_start3A_222 = tpu.memref_slice %arg8[%dma_start3A_220, %dma_start3A_221] : memref<96x1024xf32, #tpu.memory_space<vmem>> -> memref<32x1024xf32, #tpu.memory_space<vmem>>
    %dma_start3A_223 = arith.constant 0 : i32
    %dma_start3A_224 = tpu.memref_slice %arg4[%add3A_219, %dma_start3A_223] : memref<16384x1024xf32, #tpu.memory_space<hbm>> -> memref<32x1024xf32, #tpu.memory_space<hbm>>
    %dma_start3A_225 = arith.constant 64 : i32
    %dma_start3A_226 = arith.constant 0 : i32
    %dma_start3A_227 = tpu.memref_slice %arg8[%dma_start3A_225, %dma_start3A_226] : memref<96x1024xf32, #tpu.memory_space<vmem>> -> memref<32x1024xf32, #tpu.memory_space<vmem>>
    %dma_start3A_228 = arith.constant 0 : i32
    %dma_start3A_229 = tpu.memref_slice %arg4[%add3A_219, %dma_start3A_228] : memref<16384x1024xf32, #tpu.memory_space<hbm>> -> memref<32x1024xf32, #tpu.memory_space<hbm>>
    tpu.enqueue_dma source(%dma_start3A_229 : memref<32x1024xf32, #tpu.memory_space<hbm>>) target(%dma_start3A_227 : memref<32x1024xf32, #tpu.memory_space<vmem>>) target_semaphore(%arg11 : memref<!tpu.dma_semaphore, #tpu.memory_space<semaphore_mem>>)
    %add3A_230 = arith.constant 128 : i32
    %add3A_231 = arith.addi %mul3A_2, %add3A_230 : i32
    %dma_wait3A_232 = arith.constant 32 : i32
    %dma_wait3A_233 = arith.constant 0 : i32
    %dma_wait3A_234 = tpu.memref_slice %arg8[%dma_wait3A_232, %dma_wait3A_233] : memref<96x1024xf32, #tpu.memory_space<vmem>> -> memref<32x1024xf32, #tpu.memory_space<vmem>>
    %dma_wait3A_235 = arith.constant 0 : i32
    %dma_wait3A_236 = tpu.memref_slice %arg4[%add3A_231, %dma_wait3A_235] : memref<16384x1024xf32, #tpu.memory_space<hbm>> -> memref<32x1024xf32, #tpu.memory_space<hbm>>
    %dma_wait3A_237 = arith.constant 32 : i32
    %dma_wait3A_238 = arith.constant 0 : i32
    %dma_wait3A_239 = tpu.memref_slice %arg8[%dma_wait3A_237, %dma_wait3A_238] : memref<96x1024xf32, #tpu.memory_space<vmem>> -> memref<32x1024xf32, #tpu.memory_space<vmem>>
    %dma_wait3A_240 = arith.constant 0 : i32
    %dma_wait3A_241 = tpu.memref_slice %arg4[%add3A_231, %dma_wait3A_240] : memref<16384x1024xf32, #tpu.memory_space<hbm>> -> memref<32x1024xf32, #tpu.memory_space<hbm>>
    tpu.wait_dma2 semaphore(%arg10 : memref<!tpu.dma_semaphore, #tpu.memory_space<semaphore_mem>>) src(%dma_wait3A_241 : memref<32x1024xf32, #tpu.memory_space<hbm>>) dst(%dma_wait3A_239 : memref<32x1024xf32, #tpu.memory_space<vmem>>)
    %scan3A_242 = arith.constant 0 : i32
    %scan3A_243 = arith.constant 8 : i32
    %scan3A_244 = arith.addi %scan3A_242, %scan3A_243 : i32
    %scan3A_245 = arith.constant 1 : i32
    scf.for %scan3A_854 = %scan3A_242 to %scan3A_244 step %scan3A_245  : i32 {
      %mul3A_855 = arith.constant 1 : i32
      %mul3A_856 = arith.muli %scan3A_854, %mul3A_855 : i32
      %add3A_857 = arith.constant 0 : i32
      %add3A_858 = arith.addi %add3A_857, %mul3A_856 : i32
      %mul3A_859 = arith.constant 128 : i32
      %mul3A_860 = arith.muli %add3A_858, %mul3A_859 : i32
      %add3A_861 = arith.constant 0 : i32
      %add3A_862 = arith.addi %mul3A_860, %add3A_861 : i32
      %get3A = arith.constant 0 : i32
      %get3A_863 = arith.index_cast %get3A : i32 to index
      %get3A_864 = arith.index_cast %add3A_862 : i32 to index
      %get3A_865 = tpu.vector_load %arg7[%get3A_863, %get3A_864] {strides = array<i32>} : memref<8x1024xf32, #tpu.memory_space<vmem>>, vector<1x16xf32>,
      %get3A_866 = vector.shape_cast %get3A_865 : vector<1x16xf32> to vector<16xf32>
      %add3A_867 = arith.constant 16 : i32
      %add3A_868 = arith.addi %mul3A_860, %add3A_867 : i32
      %get3A_869 = arith.constant 0 : i32
      %get3A_870 = arith.index_cast %get3A_869 : i32 to index
      %get3A_871 = arith.index_cast %add3A_868 : i32 to index
      %get3A_872 = tpu.vector_load %arg7[%get3A_870, %get3A_871] {strides = array<i32>} : memref<8x1024xf32, #tpu.memory_space<vmem>>, vector<1x16xf32>,
      %get3A_873 = vector.shape_cast %get3A_872 : vector<1x16xf32> to vector<16xf32>
      %add3A_874 = arith.constant 32 : i32
      %add3A_875 = arith.addi %mul3A_860, %add3A_874 : i32
      %get3A_876 = arith.constant 0 : i32
      %get3A_877 = arith.index_cast %get3A_876 : i32 to index
      %get3A_878 = arith.index_cast %add3A_875 : i32 to index
      %get3A_879 = tpu.vector_load %arg7[%get3A_877, %get3A_878] {strides = array<i32>} : memref<8x1024xf32, #tpu.memory_space<vmem>>, vector<1x16xf32>,
      %get3A_880 = vector.shape_cast %get3A_879 : vector<1x16xf32> to vector<16xf32>
      %add3A_881 = arith.constant 48 : i32
      %add3A_882 = arith.addi %mul3A_860, %add3A_881 : i32
      %get3A_883 = arith.constant 0 : i32
      %get3A_884 = arith.index_cast %get3A_883 : i32 to index
      %get3A_885 = arith.index_cast %add3A_882 : i32 to index
      %get3A_886 = tpu.vector_load %arg7[%get3A_884, %get3A_885] {strides = array<i32>} : memref<8x1024xf32, #tpu.memory_space<vmem>>, vector<1x16xf32>,
      %get3A_887 = vector.shape_cast %get3A_886 : vector<1x16xf32> to vector<16xf32>
      %add3A_888 = arith.constant 64 : i32
      %add3A_889 = arith.addi %mul3A_860, %add3A_888 : i32
      %get3A_890 = arith.constant 0 : i32
      %get3A_891 = arith.index_cast %get3A_890 : i32 to index
      %get3A_892 = arith.index_cast %add3A_889 : i32 to index
      %get3A_893 = tpu.vector_load %arg7[%get3A_891, %get3A_892] {strides = array<i32>} : memref<8x1024xf32, #tpu.memory_space<vmem>>, vector<1x16xf32>,
      %get3A_894 = vector.shape_cast %get3A_893 : vector<1x16xf32> to vector<16xf32>
      %add3A_895 = arith.constant 80 : i32
      %add3A_896 = arith.addi %mul3A_860, %add3A_895 : i32
      %get3A_897 = arith.constant 0 : i32
      %get3A_898 = arith.index_cast %get3A_897 : i32 to index
      %get3A_899 = arith.index_cast %add3A_896 : i32 to index
      %get3A_900 = tpu.vector_load %arg7[%get3A_898, %get3A_899] {strides = array<i32>} : memref<8x1024xf32, #tpu.memory_space<vmem>>, vector<1x16xf32>,
      %get3A_901 = vector.shape_cast %get3A_900 : vector<1x16xf32> to vector<16xf32>
      %add3A_902 = arith.constant 96 : i32
      %add3A_903 = arith.addi %mul3A_860, %add3A_902 : i32
      %get3A_904 = arith.constant 0 : i32
      %get3A_905 = arith.index_cast %get3A_904 : i32 to index
      %get3A_906 = arith.index_cast %add3A_903 : i32 to index
      %get3A_907 = tpu.vector_load %arg7[%get3A_905, %get3A_906] {strides = array<i32>} : memref<8x1024xf32, #tpu.memory_space<vmem>>, vector<1x16xf32>,
      %get3A_908 = vector.shape_cast %get3A_907 : vector<1x16xf32> to vector<16xf32>
      %add3A_909 = arith.constant 112 : i32
      %add3A_910 = arith.addi %mul3A_860, %add3A_909 : i32
      %get3A_911 = arith.constant 0 : i32
      %get3A_912 = arith.index_cast %get3A_911 : i32 to index
      %get3A_913 = arith.index_cast %add3A_910 : i32 to index
      %get3A_914 = tpu.vector_load %arg7[%get3A_912, %get3A_913] {strides = array<i32>} : memref<8x1024xf32, #tpu.memory_space<vmem>>, vector<1x16xf32>,
      %get3A_915 = vector.shape_cast %get3A_914 : vector<1x16xf32> to vector<16xf32>
      %parallel_loop3A = arith.constant 0 : i32
      %parallel_loop3A_916 = arith.constant 32 : i32
      %parallel_loop3A_917 = arith.constant 1 : i32
      scf.for %parallel_loop3A_918 = %parallel_loop3A to %parallel_loop3A_916 step %parallel_loop3A_917  : i32 {
        %parallel_loop3A_919 = arith.constant 32 : i32
        %parallel_loop3A_920 = arith.addi %parallel_loop3A_919, %parallel_loop3A_918 : i32
        %parallel_loop3A_921 = arith.constant 0 : i32
        %parallel_loop3A_922 = arith.addi %mul3A_860, %parallel_loop3A_921 : i32
        %parallel_loop3A_923 = arith.index_cast %parallel_loop3A_920 : i32 to index
        %parallel_loop3A_924 = arith.index_cast %parallel_loop3A_922 : i32 to index
        %parallel_loop3A_925 = tpu.vector_load %arg8[%parallel_loop3A_923, %parallel_loop3A_924] {strides = array<i32>} : memref<96x1024xf32, #tpu.memory_space<vmem>>, vector<1x16xf32>,
        %parallel_loop3A_926 = vector.shape_cast %parallel_loop3A_925 : vector<1x16xf32> to vector<16xf32>
        %parallel_loop3A_927 = arith.addf %parallel_loop3A_926, %get3A_866 : vector<16xf32>
        %parallel_loop3A_928 = arith.index_cast %parallel_loop3A_920 : i32 to index
        %parallel_loop3A_929 = arith.index_cast %parallel_loop3A_922 : i32 to index
        %parallel_loop3A_930 = tpu.vector_load %arg8[%parallel_loop3A_928, %parallel_loop3A_929] {strides = array<i32>} : memref<96x1024xf32, #tpu.memory_space<vmem>>, vector<1x16xf32>,
        %parallel_loop3A_931 = vector.shape_cast %parallel_loop3A_930 : vector<1x16xf32> to vector<16xf32>
        %parallel_loop3A_932 = vector.shape_cast %parallel_loop3A_927 : vector<16xf32> to vector<1x16xf32>
        tpu.vector_store %arg8[%parallel_loop3A_928, %parallel_loop3A_929], %parallel_loop3A_932 {strides = array<i32>} : memref<96x1024xf32, #tpu.memory_space<vmem>>, vector<1x16xf32>,
        %parallel_loop3A_933 = arith.constant 32 : i32
        %parallel_loop3A_934 = arith.addi %parallel_loop3A_933, %parallel_loop3A_918 : i32
        %parallel_loop3A_935 = arith.constant 16 : i32
        %parallel_loop3A_936 = arith.addi %mul3A_860, %parallel_loop3A_935 : i32
        %parallel_loop3A_937 = arith.index_cast %parallel_loop3A_934 : i32 to index
        %parallel_loop3A_938 = arith.index_cast %parallel_loop3A_936 : i32 to index
        %parallel_loop3A_939 = tpu.vector_load %arg8[%parallel_loop3A_937, %parallel_loop3A_938] {strides = array<i32>} : memref<96x1024xf32, #tpu.memory_space<vmem>>, vector<1x16xf32>,
        %parallel_loop3A_940 = vector.shape_cast %parallel_loop3A_939 : vector<1x16xf32> to vector<16xf32>
        %parallel_loop3A_941 = arith.addf %parallel_loop3A_940, %get3A_873 : vector<16xf32>
        %parallel_loop3A_942 = arith.index_cast %parallel_loop3A_934 : i32 to index
        %parallel_loop3A_943 = arith.index_cast %parallel_loop3A_936 : i32 to index
        %parallel_loop3A_944 = tpu.vector_load %arg8[%parallel_loop3A_942, %parallel_loop3A_943] {strides = array<i32>} : memref<96x1024xf32, #tpu.memory_space<vmem>>, vector<1x16xf32>,
        %parallel_loop3A_945 = vector.shape_cast %parallel_loop3A_944 : vector<1x16xf32> to vector<16xf32>
        %parallel_loop3A_946 = vector.shape_cast %parallel_loop3A_941 : vector<16xf32> to vector<1x16xf32>
        tpu.vector_store %arg8[%parallel_loop3A_942, %parallel_loop3A_943], %parallel_loop3A_946 {strides = array<i32>} : memref<96x1024xf32, #tpu.memory_space<vmem>>, vector<1x16xf32>,
        %parallel_loop3A_947 = arith.constant 32 : i32
        %parallel_loop3A_948 = arith.addi %parallel_loop3A_947, %parallel_loop3A_918 : i32
        %parallel_loop3A_949 = arith.constant 32 : i32
        %parallel_loop3A_950 = arith.addi %mul3A_860, %parallel_loop3A_949 : i32
        %parallel_loop3A_951 = arith.index_cast %parallel_loop3A_948 : i32 to index
        %parallel_loop3A_952 = arith.index_cast %parallel_loop3A_950 : i32 to index
        %parallel_loop3A_953 = tpu.vector_load %arg8[%parallel_loop3A_951, %parallel_loop3A_952] {strides = array<i32>} : memref<96x1024xf32, #tpu.memory_space<vmem>>, vector<1x16xf32>,
        %parallel_loop3A_954 = vector.shape_cast %parallel_loop3A_953 : vector<1x16xf32> to vector<16xf32>
        %parallel_loop3A_955 = arith.addf %parallel_loop3A_954, %get3A_880 : vector<16xf32>
        %parallel_loop3A_956 = arith.index_cast %parallel_loop3A_948 : i32 to index
        %parallel_loop3A_957 = arith.index_cast %parallel_loop3A_950 : i32 to index
        %parallel_loop3A_958 = tpu.vector_load %arg8[%parallel_loop3A_956, %parallel_loop3A_957] {strides = array<i32>} : memref<96x1024xf32, #tpu.memory_space<vmem>>, vector<1x16xf32>,
        %parallel_loop3A_959 = vector.shape_cast %parallel_loop3A_958 : vector<1x16xf32> to vector<16xf32>
        %parallel_loop3A_960 = vector.shape_cast %parallel_loop3A_955 : vector<16xf32> to vector<1x16xf32>
        tpu.vector_store %arg8[%parallel_loop3A_956, %parallel_loop3A_957], %parallel_loop3A_960 {strides = array<i32>} : memref<96x1024xf32, #tpu.memory_space<vmem>>, vector<1x16xf32>,
        %parallel_loop3A_961 = arith.constant 32 : i32
        %parallel_loop3A_962 = arith.addi %parallel_loop3A_961, %parallel_loop3A_918 : i32
        %parallel_loop3A_963 = arith.constant 48 : i32
        %parallel_loop3A_964 = arith.addi %mul3A_860, %parallel_loop3A_963 : i32
        %parallel_loop3A_965 = arith.index_cast %parallel_loop3A_962 : i32 to index
        %parallel_loop3A_966 = arith.index_cast %parallel_loop3A_964 : i32 to index
        %parallel_loop3A_967 = tpu.vector_load %arg8[%parallel_loop3A_965, %parallel_loop3A_966] {strides = array<i32>} : memref<96x1024xf32, #tpu.memory_space<vmem>>, vector<1x16xf32>,
        %parallel_loop3A_968 = vector.shape_cast %parallel_loop3A_967 : vector<1x16xf32> to vector<16xf32>
        %parallel_loop3A_969 = arith.addf %parallel_loop3A_968, %get3A_887 : vector<16xf32>
        %parallel_loop3A_970 = arith.index_cast %parallel_loop3A_962 : i32 to index
        %parallel_loop3A_971 = arith.index_cast %parallel_loop3A_964 : i32 to index
        %parallel_loop3A_972 = tpu.vector_load %arg8[%parallel_loop3A_970, %parallel_loop3A_971] {strides = array<i32>} : memref<96x1024xf32, #tpu.memory_space<vmem>>, vector<1x16xf32>,
        %parallel_loop3A_973 = vector.shape_cast %parallel_loop3A_972 : vector<1x16xf32> to vector<16xf32>
        %parallel_loop3A_974 = vector.shape_cast %parallel_loop3A_969 : vector<16xf32> to vector<1x16xf32>
        tpu.vector_store %arg8[%parallel_loop3A_970, %parallel_loop3A_971], %parallel_loop3A_974 {strides = array<i32>} : memref<96x1024xf32, #tpu.memory_space<vmem>>, vector<1x16xf32>,
        %parallel_loop3A_975 = arith.constant 32 : i32
        %parallel_loop3A_976 = arith.addi %parallel_loop3A_975, %parallel_loop3A_918 : i32
        %parallel_loop3A_977 = arith.constant 64 : i32
        %parallel_loop3A_978 = arith.addi %mul3A_860, %parallel_loop3A_977 : i32
        %parallel_loop3A_979 = arith.index_cast %parallel_loop3A_976 : i32 to index
        %parallel_loop3A_980 = arith.index_cast %parallel_loop3A_978 : i32 to index
        %parallel_loop3A_981 = tpu.vector_load %arg8[%parallel_loop3A_979, %parallel_loop3A_980] {strides = array<i32>} : memref<96x1024xf32, #tpu.memory_space<vmem>>, vector<1x16xf32>,
        %parallel_loop3A_982 = vector.shape_cast %parallel_loop3A_981 : vector<1x16xf32> to vector<16xf32>
        %parallel_loop3A_983 = arith.addf %parallel_loop3A_982, %get3A_894 : vector<16xf32>
        %parallel_loop3A_984 = arith.index_cast %parallel_loop3A_976 : i32 to index
        %parallel_loop3A_985 = arith.index_cast %parallel_loop3A_978 : i32 to index
        %parallel_loop3A_986 = tpu.vector_load %arg8[%parallel_loop3A_984, %parallel_loop3A_985] {strides = array<i32>} : memref<96x1024xf32, #tpu.memory_space<vmem>>, vector<1x16xf32>,
        %parallel_loop3A_987 = vector.shape_cast %parallel_loop3A_986 : vector<1x16xf32> to vector<16xf32>
        %parallel_loop3A_988 = vector.shape_cast %parallel_loop3A_983 : vector<16xf32> to vector<1x16xf32>
        tpu.vector_store %arg8[%parallel_loop3A_984, %parallel_loop3A_985], %parallel_loop3A_988 {strides = array<i32>} : memref<96x1024xf32, #tpu.memory_space<vmem>>, vector<1x16xf32>,
        %parallel_loop3A_989 = arith.constant 32 : i32
        %parallel_loop3A_990 = arith.addi %parallel_loop3A_989, %parallel_loop3A_918 : i32
        %parallel_loop3A_991 = arith.constant 80 : i32
        %parallel_loop3A_992 = arith.addi %mul3A_860, %parallel_loop3A_991 : i32
        %parallel_loop3A_993 = arith.index_cast %parallel_loop3A_990 : i32 to index
        %parallel_loop3A_994 = arith.index_cast %parallel_loop3A_992 : i32 to index
        %parallel_loop3A_995 = tpu.vector_load %arg8[%parallel_loop3A_993, %parallel_loop3A_994] {strides = array<i32>} : memref<96x1024xf32, #tpu.memory_space<vmem>>, vector<1x16xf32>,
        %parallel_loop3A_996 = vector.shape_cast %parallel_loop3A_995 : vector<1x16xf32> to vector<16xf32>
        %parallel_loop3A_997 = arith.addf %parallel_loop3A_996, %get3A_901 : vector<16xf32>
        %parallel_loop3A_998 = arith.index_cast %parallel_loop3A_990 : i32 to index
        %parallel_loop3A_999 = arith.index_cast %parallel_loop3A_992 : i32 to index
        %parallel_loop3A_1000 = tpu.vector_load %arg8[%parallel_loop3A_998, %parallel_loop3A_999] {strides = array<i32>} : memref<96x1024xf32, #tpu.memory_space<vmem>>, vector<1x16xf32>,
        %parallel_loop3A_1001 = vector.shape_cast %parallel_loop3A_1000 : vector<1x16xf32> to vector<16xf32>
        %parallel_loop3A_1002 = vector.shape_cast %parallel_loop3A_997 : vector<16xf32> to vector<1x16xf32>
        tpu.vector_store %arg8[%parallel_loop3A_998, %parallel_loop3A_999], %parallel_loop3A_1002 {strides = array<i32>} : memref<96x1024xf32, #tpu.memory_space<vmem>>, vector<1x16xf32>,
        %parallel_loop3A_1003 = arith.constant 32 : i32
        %parallel_loop3A_1004 = arith.addi %parallel_loop3A_1003, %parallel_loop3A_918 : i32
        %parallel_loop3A_1005 = arith.constant 96 : i32
        %parallel_loop3A_1006 = arith.addi %mul3A_860, %parallel_loop3A_1005 : i32
        %parallel_loop3A_1007 = arith.index_cast %parallel_loop3A_1004 : i32 to index
        %parallel_loop3A_1008 = arith.index_cast %parallel_loop3A_1006 : i32 to index
        %parallel_loop3A_1009 = tpu.vector_load %arg8[%parallel_loop3A_1007, %parallel_loop3A_1008] {strides = array<i32>} : memref<96x1024xf32, #tpu.memory_space<vmem>>, vector<1x16xf32>,
        %parallel_loop3A_1010 = vector.shape_cast %parallel_loop3A_1009 : vector<1x16xf32> to vector<16xf32>
        %parallel_loop3A_1011 = arith.addf %parallel_loop3A_1010, %get3A_908 : vector<16xf32>
        %parallel_loop3A_1012 = arith.index_cast %parallel_loop3A_1004 : i32 to index
        %parallel_loop3A_1013 = arith.index_cast %parallel_loop3A_1006 : i32 to index
        %parallel_loop3A_1014 = tpu.vector_load %arg8[%parallel_loop3A_1012, %parallel_loop3A_1013] {strides = array<i32>} : memref<96x1024xf32, #tpu.memory_space<vmem>>, vector<1x16xf32>,
        %parallel_loop3A_1015 = vector.shape_cast %parallel_loop3A_1014 : vector<1x16xf32> to vector<16xf32>
        %parallel_loop3A_1016 = vector.shape_cast %parallel_loop3A_1011 : vector<16xf32> to vector<1x16xf32>
        tpu.vector_store %arg8[%parallel_loop3A_1012, %parallel_loop3A_1013], %parallel_loop3A_1016 {strides = array<i32>} : memref<96x1024xf32, #tpu.memory_space<vmem>>, vector<1x16xf32>,
        %parallel_loop3A_1017 = arith.constant 32 : i32
        %parallel_loop3A_1018 = arith.addi %parallel_loop3A_1017, %parallel_loop3A_918 : i32
        %parallel_loop3A_1019 = arith.constant 112 : i32
        %parallel_loop3A_1020 = arith.addi %mul3A_860, %parallel_loop3A_1019 : i32
        %parallel_loop3A_1021 = arith.index_cast %parallel_loop3A_1018 : i32 to index
        %parallel_loop3A_1022 = arith.index_cast %parallel_loop3A_1020 : i32 to index
        %parallel_loop3A_1023 = tpu.vector_load %arg8[%parallel_loop3A_1021, %parallel_loop3A_1022] {strides = array<i32>} : memref<96x1024xf32, #tpu.memory_space<vmem>>, vector<1x16xf32>,
        %parallel_loop3A_1024 = vector.shape_cast %parallel_loop3A_1023 : vector<1x16xf32> to vector<16xf32>
        %parallel_loop3A_1025 = arith.addf %parallel_loop3A_1024, %get3A_915 : vector<16xf32>
        %parallel_loop3A_1026 = arith.index_cast %parallel_loop3A_1018 : i32 to index
        %parallel_loop3A_1027 = arith.index_cast %parallel_loop3A_1020 : i32 to index
        %parallel_loop3A_1028 = tpu.vector_load %arg8[%parallel_loop3A_1026, %parallel_loop3A_1027] {strides = array<i32>} : memref<96x1024xf32, #tpu.memory_space<vmem>>, vector<1x16xf32>,
        %parallel_loop3A_1029 = vector.shape_cast %parallel_loop3A_1028 : vector<1x16xf32> to vector<16xf32>
        %parallel_loop3A_1030 = vector.shape_cast %parallel_loop3A_1025 : vector<16xf32> to vector<1x16xf32>
        tpu.vector_store %arg8[%parallel_loop3A_1026, %parallel_loop3A_1027], %parallel_loop3A_1030 {strides = array<i32>} : memref<96x1024xf32, #tpu.memory_space<vmem>>, vector<1x16xf32>,
      } {sc.loop_unroll_factor = 2 : i64, sc.parallel_access}
    }
    %scan3A_246 = arith.constant 8 : i32
    %add3A_247 = arith.constant 128 : i32
    %add3A_248 = arith.addi %mul3A_2, %add3A_247 : i32
    %dma_start3A_249 = arith.constant 32 : i32
    %dma_start3A_250 = arith.constant 0 : i32
    %dma_start3A_251 = tpu.memref_slice %arg8[%dma_start3A_249, %dma_start3A_250] : memref<96x1024xf32, #tpu.memory_space<vmem>> -> memref<32x1024xf32, #tpu.memory_space<vmem>>
    %dma_start3A_252 = arith.constant 0 : i32
    %dma_start3A_253 = tpu.memref_slice %arg5[%add3A_248, %dma_start3A_252] : memref<16384x1024xf32, #tpu.memory_space<hbm>> -> memref<32x1024xf32, #tpu.memory_space<hbm>>
    %dma_start3A_254 = arith.constant 0 : i32
    %dma_start3A_255 = tpu.memref_slice %arg5[%add3A_248, %dma_start3A_254] : memref<16384x1024xf32, #tpu.memory_space<hbm>> -> memref<32x1024xf32, #tpu.memory_space<hbm>>
    %dma_start3A_256 = arith.constant 32 : i32
    %dma_start3A_257 = arith.constant 0 : i32
    %dma_start3A_258 = tpu.memref_slice %arg8[%dma_start3A_256, %dma_start3A_257] : memref<96x1024xf32, #tpu.memory_space<vmem>> -> memref<32x1024xf32, #tpu.memory_space<vmem>>
    tpu.enqueue_dma source(%dma_start3A_258 : memref<32x1024xf32, #tpu.memory_space<vmem>>) target(%dma_start3A_255 : memref<32x1024xf32, #tpu.memory_space<hbm>>) target_semaphore(%arg10 : memref<!tpu.dma_semaphore, #tpu.memory_space<semaphore_mem>>)
    %add3A_259 = arith.constant 96 : i32
    %add3A_260 = arith.addi %mul3A_2, %add3A_259 : i32
    %dma_wait3A_261 = arith.constant 0 : i32
    %dma_wait3A_262 = arith.constant 0 : i32
    %dma_wait3A_263 = tpu.memref_slice %arg8[%dma_wait3A_261, %dma_wait3A_262] : memref<96x1024xf32, #tpu.memory_space<vmem>> -> memref<32x1024xf32, #tpu.memory_space<vmem>>
    %dma_wait3A_264 = arith.constant 0 : i32
    %dma_wait3A_265 = tpu.memref_slice %arg5[%add3A_260, %dma_wait3A_264] : memref<16384x1024xf32, #tpu.memory_space<hbm>> -> memref<32x1024xf32, #tpu.memory_space<hbm>>
    %dma_wait3A_266 = arith.constant 0 : i32
    %dma_wait3A_267 = tpu.memref_slice %arg5[%add3A_260, %dma_wait3A_266] : memref<16384x1024xf32, #tpu.memory_space<hbm>> -> memref<32x1024xf32, #tpu.memory_space<hbm>>
    %dma_wait3A_268 = arith.constant 0 : i32
    %dma_wait3A_269 = arith.constant 0 : i32
    %dma_wait3A_270 = tpu.memref_slice %arg8[%dma_wait3A_268, %dma_wait3A_269] : memref<96x1024xf32, #tpu.memory_space<vmem>> -> memref<32x1024xf32, #tpu.memory_space<vmem>>
    tpu.wait_dma2 semaphore(%arg9 : memref<!tpu.dma_semaphore, #tpu.memory_space<semaphore_mem>>) src(%dma_wait3A_270 : memref<32x1024xf32, #tpu.memory_space<vmem>>) dst(%dma_wait3A_267 : memref<32x1024xf32, #tpu.memory_space<hbm>>)
    %add3A_271 = arith.constant 192 : i32
    %add3A_272 = arith.addi %mul3A_2, %add3A_271 : i32
    %dma_start3A_273 = arith.constant 0 : i32
    %dma_start3A_274 = arith.constant 0 : i32
    %dma_start3A_275 = tpu.memref_slice %arg8[%dma_start3A_273, %dma_start3A_274] : memref<96x1024xf32, #tpu.memory_space<vmem>> -> memref<32x1024xf32, #tpu.memory_space<vmem>>
    %dma_start3A_276 = arith.constant 0 : i32
    %dma_start3A_277 = tpu.memref_slice %arg4[%add3A_272, %dma_start3A_276] : memref<16384x1024xf32, #tpu.memory_space<hbm>> -> memref<32x1024xf32, #tpu.memory_space<hbm>>
    %dma_start3A_278 = arith.constant 0 : i32
    %dma_start3A_279 = arith.constant 0 : i32
    %dma_start3A_280 = tpu.memref_slice %arg8[%dma_start3A_278, %dma_start3A_279] : memref<96x1024xf32, #tpu.memory_space<vmem>> -> memref<32x1024xf32, #tpu.memory_space<vmem>>
    %dma_start3A_281 = arith.constant 0 : i32
    %dma_start3A_282 = tpu.memref_slice %arg4[%add3A_272, %dma_start3A_281] : memref<16384x1024xf32, #tpu.memory_space<hbm>> -> memref<32x1024xf32, #tpu.memory_space<hbm>>
    tpu.enqueue_dma source(%dma_start3A_282 : memref<32x1024xf32, #tpu.memory_space<hbm>>) target(%dma_start3A_280 : memref<32x1024xf32, #tpu.memory_space<vmem>>) target_semaphore(%arg9 : memref<!tpu.dma_semaphore, #tpu.memory_space<semaphore_mem>>)
    %add3A_283 = arith.constant 160 : i32
    %add3A_284 = arith.addi %mul3A_2, %add3A_283 : i32
    %dma_wait3A_285 = arith.constant 64 : i32
    %dma_wait3A_286 = arith.constant 0 : i32
    %dma_wait3A_287 = tpu.memref_slice %arg8[%dma_wait3A_285, %dma_wait3A_286] : memref<96x1024xf32, #tpu.memory_space<vmem>> -> memref<32x1024xf32, #tpu.memory_space<vmem>>
    %dma_wait3A_288 = arith.constant 0 : i32
    %dma_wait3A_289 = tpu.memref_slice %arg4[%add3A_284, %dma_wait3A_288] : memref<16384x1024xf32, #tpu.memory_space<hbm>> -> memref<32x1024xf32, #tpu.memory_space<hbm>>
    %dma_wait3A_290 = arith.constant 64 : i32
    %dma_wait3A_291 = arith.constant 0 : i32
    %dma_wait3A_292 = tpu.memref_slice %arg8[%dma_wait3A_290, %dma_wait3A_291] : memref<96x1024xf32, #tpu.memory_space<vmem>> -> memref<32x1024xf32, #tpu.memory_space<vmem>>
    %dma_wait3A_293 = arith.constant 0 : i32
    %dma_wait3A_294 = tpu.memref_slice %arg4[%add3A_284, %dma_wait3A_293] : memref<16384x1024xf32, #tpu.memory_space<hbm>> -> memref<32x1024xf32, #tpu.memory_space<hbm>>
    tpu.wait_dma2 semaphore(%arg11 : memref<!tpu.dma_semaphore, #tpu.memory_space<semaphore_mem>>) src(%dma_wait3A_294 : memref<32x1024xf32, #tpu.memory_space<hbm>>) dst(%dma_wait3A_292 : memref<32x1024xf32, #tpu.memory_space<vmem>>)
    %scan3A_295 = arith.constant 0 : i32
    %scan3A_296 = arith.constant 8 : i32
    %scan3A_297 = arith.addi %scan3A_295, %scan3A_296 : i32
    %scan3A_298 = arith.constant 1 : i32
    scf.for %scan3A_854 = %scan3A_295 to %scan3A_297 step %scan3A_298  : i32 {
      %mul3A_855 = arith.constant 1 : i32
      %mul3A_856 = arith.muli %scan3A_854, %mul3A_855 : i32
      %add3A_857 = arith.constant 0 : i32
      %add3A_858 = arith.addi %add3A_857, %mul3A_856 : i32
      %mul3A_859 = arith.constant 128 : i32
      %mul3A_860 = arith.muli %add3A_858, %mul3A_859 : i32
      %add3A_861 = arith.constant 0 : i32
      %add3A_862 = arith.addi %mul3A_860, %add3A_861 : i32
      %get3A = arith.constant 0 : i32
      %get3A_863 = arith.index_cast %get3A : i32 to index
      %get3A_864 = arith.index_cast %add3A_862 : i32 to index
      %get3A_865 = tpu.vector_load %arg7[%get3A_863, %get3A_864] {strides = array<i32>} : memref<8x1024xf32, #tpu.memory_space<vmem>>, vector<1x16xf32>,
      %get3A_866 = vector.shape_cast %get3A_865 : vector<1x16xf32> to vector<16xf32>
      %add3A_867 = arith.constant 16 : i32
      %add3A_868 = arith.addi %mul3A_860, %add3A_867 : i32
      %get3A_869 = arith.constant 0 : i32
      %get3A_870 = arith.index_cast %get3A_869 : i32 to index
      %get3A_871 = arith.index_cast %add3A_868 : i32 to index
      %get3A_872 = tpu.vector_load %arg7[%get3A_870, %get3A_871] {strides = array<i32>} : memref<8x1024xf32, #tpu.memory_space<vmem>>, vector<1x16xf32>,
      %get3A_873 = vector.shape_cast %get3A_872 : vector<1x16xf32> to vector<16xf32>
      %add3A_874 = arith.constant 32 : i32
      %add3A_875 = arith.addi %mul3A_860, %add3A_874 : i32
      %get3A_876 = arith.constant 0 : i32
      %get3A_877 = arith.index_cast %get3A_876 : i32 to index
      %get3A_878 = arith.index_cast %add3A_875 : i32 to index
      %get3A_879 = tpu.vector_load %arg7[%get3A_877, %get3A_878] {strides = array<i32>} : memref<8x1024xf32, #tpu.memory_space<vmem>>, vector<1x16xf32>,
      %get3A_880 = vector.shape_cast %get3A_879 : vector<1x16xf32> to vector<16xf32>
      %add3A_881 = arith.constant 48 : i32
      %add3A_882 = arith.addi %mul3A_860, %add3A_881 : i32
      %get3A_883 = arith.constant 0 : i32
      %get3A_884 = arith.index_cast %get3A_883 : i32 to index
      %get3A_885 = arith.index_cast %add3A_882 : i32 to index
      %get3A_886 = tpu.vector_load %arg7[%get3A_884, %get3A_885] {strides = array<i32>} : memref<8x1024xf32, #tpu.memory_space<vmem>>, vector<1x16xf32>,
      %get3A_887 = vector.shape_cast %get3A_886 : vector<1x16xf32> to vector<16xf32>
      %add3A_888 = arith.constant 64 : i32
      %add3A_889 = arith.addi %mul3A_860, %add3A_888 : i32
      %get3A_890 = arith.constant 0 : i32
      %get3A_891 = arith.index_cast %get3A_890 : i32 to index
      %get3A_892 = arith.index_cast %add3A_889 : i32 to index
      %get3A_893 = tpu.vector_load %arg7[%get3A_891, %get3A_892] {strides = array<i32>} : memref<8x1024xf32, #tpu.memory_space<vmem>>, vector<1x16xf32>,
      %get3A_894 = vector.shape_cast %get3A_893 : vector<1x16xf32> to vector<16xf32>
      %add3A_895 = arith.constant 80 : i32
      %add3A_896 = arith.addi %mul3A_860, %add3A_895 : i32
      %get3A_897 = arith.constant 0 : i32
      %get3A_898 = arith.index_cast %get3A_897 : i32 to index
      %get3A_899 = arith.index_cast %add3A_896 : i32 to index
      %get3A_900 = tpu.vector_load %arg7[%get3A_898, %get3A_899] {strides = array<i32>} : memref<8x1024xf32, #tpu.memory_space<vmem>>, vector<1x16xf32>,
      %get3A_901 = vector.shape_cast %get3A_900 : vector<1x16xf32> to vector<16xf32>
      %add3A_902 = arith.constant 96 : i32
      %add3A_903 = arith.addi %mul3A_860, %add3A_902 : i32
      %get3A_904 = arith.constant 0 : i32
      %get3A_905 = arith.index_cast %get3A_904 : i32 to index
      %get3A_906 = arith.index_cast %add3A_903 : i32 to index
      %get3A_907 = tpu.vector_load %arg7[%get3A_905, %get3A_906] {strides = array<i32>} : memref<8x1024xf32, #tpu.memory_space<vmem>>, vector<1x16xf32>,
      %get3A_908 = vector.shape_cast %get3A_907 : vector<1x16xf32> to vector<16xf32>
      %add3A_909 = arith.constant 112 : i32
      %add3A_910 = arith.addi %mul3A_860, %add3A_909 : i32
      %get3A_911 = arith.constant 0 : i32
      %get3A_912 = arith.index_cast %get3A_911 : i32 to index
      %get3A_913 = arith.index_cast %add3A_910 : i32 to index
      %get3A_914 = tpu.vector_load %arg7[%get3A_912, %get3A_913] {strides = array<i32>} : memref<8x1024xf32, #tpu.memory_space<vmem>>, vector<1x16xf32>,
      %get3A_915 = vector.shape_cast %get3A_914 : vector<1x16xf32> to vector<16xf32>
      %parallel_loop3A = arith.constant 0 : i32
      %parallel_loop3A_916 = arith.constant 32 : i32
      %parallel_loop3A_917 = arith.constant 1 : i32
      scf.for %parallel_loop3A_918 = %parallel_loop3A to %parallel_loop3A_916 step %parallel_loop3A_917  : i32 {
        %parallel_loop3A_919 = arith.constant 64 : i32
        %parallel_loop3A_920 = arith.addi %parallel_loop3A_919, %parallel_loop3A_918 : i32
        %parallel_loop3A_921 = arith.constant 0 : i32
        %parallel_loop3A_922 = arith.addi %mul3A_860, %parallel_loop3A_921 : i32
        %parallel_loop3A_923 = arith.index_cast %parallel_loop3A_920 : i32 to index
        %parallel_loop3A_924 = arith.index_cast %parallel_loop3A_922 : i32 to index
        %parallel_loop3A_925 = tpu.vector_load %arg8[%parallel_loop3A_923, %parallel_loop3A_924] {strides = array<i32>} : memref<96x1024xf32, #tpu.memory_space<vmem>>, vector<1x16xf32>,
        %parallel_loop3A_926 = vector.shape_cast %parallel_loop3A_925 : vector<1x16xf32> to vector<16xf32>
        %parallel_loop3A_927 = arith.addf %parallel_loop3A_926, %get3A_866 : vector<16xf32>
        %parallel_loop3A_928 = arith.index_cast %parallel_loop3A_920 : i32 to index
        %parallel_loop3A_929 = arith.index_cast %parallel_loop3A_922 : i32 to index
        %parallel_loop3A_930 = tpu.vector_load %arg8[%parallel_loop3A_928, %parallel_loop3A_929] {strides = array<i32>} : memref<96x1024xf32, #tpu.memory_space<vmem>>, vector<1x16xf32>,
        %parallel_loop3A_931 = vector.shape_cast %parallel_loop3A_930 : vector<1x16xf32> to vector<16xf32>
        %parallel_loop3A_932 = vector.shape_cast %parallel_loop3A_927 : vector<16xf32> to vector<1x16xf32>
        tpu.vector_store %arg8[%parallel_loop3A_928, %parallel_loop3A_929], %parallel_loop3A_932 {strides = array<i32>} : memref<96x1024xf32, #tpu.memory_space<vmem>>, vector<1x16xf32>,
        %parallel_loop3A_933 = arith.constant 64 : i32
        %parallel_loop3A_934 = arith.addi %parallel_loop3A_933, %parallel_loop3A_918 : i32
        %parallel_loop3A_935 = arith.constant 16 : i32
        %parallel_loop3A_936 = arith.addi %mul3A_860, %parallel_loop3A_935 : i32
        %parallel_loop3A_937 = arith.index_cast %parallel_loop3A_934 : i32 to index
        %parallel_loop3A_938 = arith.index_cast %parallel_loop3A_936 : i32 to index
        %parallel_loop3A_939 = tpu.vector_load %arg8[%parallel_loop3A_937, %parallel_loop3A_938] {strides = array<i32>} : memref<96x1024xf32, #tpu.memory_space<vmem>>, vector<1x16xf32>,
        %parallel_loop3A_940 = vector.shape_cast %parallel_loop3A_939 : vector<1x16xf32> to vector<16xf32>
        %parallel_loop3A_941 = arith.addf %parallel_loop3A_940, %get3A_873 : vector<16xf32>
        %parallel_loop3A_942 = arith.index_cast %parallel_loop3A_934 : i32 to index
        %parallel_loop3A_943 = arith.index_cast %parallel_loop3A_936 : i32 to index
        %parallel_loop3A_944 = tpu.vector_load %arg8[%parallel_loop3A_942, %parallel_loop3A_943] {strides = array<i32>} : memref<96x1024xf32, #tpu.memory_space<vmem>>, vector<1x16xf32>,
        %parallel_loop3A_945 = vector.shape_cast %parallel_loop3A_944 : vector<1x16xf32> to vector<16xf32>
        %parallel_loop3A_946 = vector.shape_cast %parallel_loop3A_941 : vector<16xf32> to vector<1x16xf32>
        tpu.vector_store %arg8[%parallel_loop3A_942, %parallel_loop3A_943], %parallel_loop3A_946 {strides = array<i32>} : memref<96x1024xf32, #tpu.memory_space<vmem>>, vector<1x16xf32>,
        %parallel_loop3A_947 = arith.constant 64 : i32
        %parallel_loop3A_948 = arith.addi %parallel_loop3A_947, %parallel_loop3A_918 : i32
        %parallel_loop3A_949 = arith.constant 32 : i32
        %parallel_loop3A_950 = arith.addi %mul3A_860, %parallel_loop3A_949 : i32
        %parallel_loop3A_951 = arith.index_cast %parallel_loop3A_948 : i32 to index
        %parallel_loop3A_952 = arith.index_cast %parallel_loop3A_950 : i32 to index
        %parallel_loop3A_953 = tpu.vector_load %arg8[%parallel_loop3A_951, %parallel_loop3A_952] {strides = array<i32>} : memref<96x1024xf32, #tpu.memory_space<vmem>>, vector<1x16xf32>,
        %parallel_loop3A_954 = vector.shape_cast %parallel_loop3A_953 : vector<1x16xf32> to vector<16xf32>
        %parallel_loop3A_955 = arith.addf %parallel_loop3A_954, %get3A_880 : vector<16xf32>
        %parallel_loop3A_956 = arith.index_cast %parallel_loop3A_948 : i32 to index
        %parallel_loop3A_957 = arith.index_cast %parallel_loop3A_950 : i32 to index
        %parallel_loop3A_958 = tpu.vector_load %arg8[%parallel_loop3A_956, %parallel_loop3A_957] {strides = array<i32>} : memref<96x1024xf32, #tpu.memory_space<vmem>>, vector<1x16xf32>,
        %parallel_loop3A_959 = vector.shape_cast %parallel_loop3A_958 : vector<1x16xf32> to vector<16xf32>
        %parallel_loop3A_960 = vector.shape_cast %parallel_loop3A_955 : vector<16xf32> to vector<1x16xf32>
        tpu.vector_store %arg8[%parallel_loop3A_956, %parallel_loop3A_957], %parallel_loop3A_960 {strides = array<i32>} : memref<96x1024xf32, #tpu.memory_space<vmem>>, vector<1x16xf32>,
        %parallel_loop3A_961 = arith.constant 64 : i32
        %parallel_loop3A_962 = arith.addi %parallel_loop3A_961, %parallel_loop3A_918 : i32
        %parallel_loop3A_963 = arith.constant 48 : i32
        %parallel_loop3A_964 = arith.addi %mul3A_860, %parallel_loop3A_963 : i32
        %parallel_loop3A_965 = arith.index_cast %parallel_loop3A_962 : i32 to index
        %parallel_loop3A_966 = arith.index_cast %parallel_loop3A_964 : i32 to index
        %parallel_loop3A_967 = tpu.vector_load %arg8[%parallel_loop3A_965, %parallel_loop3A_966] {strides = array<i32>} : memref<96x1024xf32, #tpu.memory_space<vmem>>, vector<1x16xf32>,
        %parallel_loop3A_968 = vector.shape_cast %parallel_loop3A_967 : vector<1x16xf32> to vector<16xf32>
        %parallel_loop3A_969 = arith.addf %parallel_loop3A_968, %get3A_887 : vector<16xf32>
        %parallel_loop3A_970 = arith.index_cast %parallel_loop3A_962 : i32 to index
        %parallel_loop3A_971 = arith.index_cast %parallel_loop3A_964 : i32 to index
        %parallel_loop3A_972 = tpu.vector_load %arg8[%parallel_loop3A_970, %parallel_loop3A_971] {strides = array<i32>} : memref<96x1024xf32, #tpu.memory_space<vmem>>, vector<1x16xf32>,
        %parallel_loop3A_973 = vector.shape_cast %parallel_loop3A_972 : vector<1x16xf32> to vector<16xf32>
        %parallel_loop3A_974 = vector.shape_cast %parallel_loop3A_969 : vector<16xf32> to vector<1x16xf32>
        tpu.vector_store %arg8[%parallel_loop3A_970, %parallel_loop3A_971], %parallel_loop3A_974 {strides = array<i32>} : memref<96x1024xf32, #tpu.memory_space<vmem>>, vector<1x16xf32>,
        %parallel_loop3A_975 = arith.constant 64 : i32
        %parallel_loop3A_976 = arith.addi %parallel_loop3A_975, %parallel_loop3A_918 : i32
        %parallel_loop3A_977 = arith.constant 64 : i32
        %parallel_loop3A_978 = arith.addi %mul3A_860, %parallel_loop3A_977 : i32
        %parallel_loop3A_979 = arith.index_cast %parallel_loop3A_976 : i32 to index
        %parallel_loop3A_980 = arith.index_cast %parallel_loop3A_978 : i32 to index
        %parallel_loop3A_981 = tpu.vector_load %arg8[%parallel_loop3A_979, %parallel_loop3A_980] {strides = array<i32>} : memref<96x1024xf32, #tpu.memory_space<vmem>>, vector<1x16xf32>,
        %parallel_loop3A_982 = vector.shape_cast %parallel_loop3A_981 : vector<1x16xf32> to vector<16xf32>
        %parallel_loop3A_983 = arith.addf %parallel_loop3A_982, %get3A_894 : vector<16xf32>
        %parallel_loop3A_984 = arith.index_cast %parallel_loop3A_976 : i32 to index
        %parallel_loop3A_985 = arith.index_cast %parallel_loop3A_978 : i32 to index
        %parallel_loop3A_986 = tpu.vector_load %arg8[%parallel_loop3A_984, %parallel_loop3A_985] {strides = array<i32>} : memref<96x1024xf32, #tpu.memory_space<vmem>>, vector<1x16xf32>,
        %parallel_loop3A_987 = vector.shape_cast %parallel_loop3A_986 : vector<1x16xf32> to vector<16xf32>
        %parallel_loop3A_988 = vector.shape_cast %parallel_loop3A_983 : vector<16xf32> to vector<1x16xf32>
        tpu.vector_store %arg8[%parallel_loop3A_984, %parallel_loop3A_985], %parallel_loop3A_988 {strides = array<i32>} : memref<96x1024xf32, #tpu.memory_space<vmem>>, vector<1x16xf32>,
        %parallel_loop3A_989 = arith.constant 64 : i32
        %parallel_loop3A_990 = arith.addi %parallel_loop3A_989, %parallel_loop3A_918 : i32
        %parallel_loop3A_991 = arith.constant 80 : i32
        %parallel_loop3A_992 = arith.addi %mul3A_860, %parallel_loop3A_991 : i32
        %parallel_loop3A_993 = arith.index_cast %parallel_loop3A_990 : i32 to index
        %parallel_loop3A_994 = arith.index_cast %parallel_loop3A_992 : i32 to index
        %parallel_loop3A_995 = tpu.vector_load %arg8[%parallel_loop3A_993, %parallel_loop3A_994] {strides = array<i32>} : memref<96x1024xf32, #tpu.memory_space<vmem>>, vector<1x16xf32>,
        %parallel_loop3A_996 = vector.shape_cast %parallel_loop3A_995 : vector<1x16xf32> to vector<16xf32>
        %parallel_loop3A_997 = arith.addf %parallel_loop3A_996, %get3A_901 : vector<16xf32>
        %parallel_loop3A_998 = arith.index_cast %parallel_loop3A_990 : i32 to index
        %parallel_loop3A_999 = arith.index_cast %parallel_loop3A_992 : i32 to index
        %parallel_loop3A_1000 = tpu.vector_load %arg8[%parallel_loop3A_998, %parallel_loop3A_999] {strides = array<i32>} : memref<96x1024xf32, #tpu.memory_space<vmem>>, vector<1x16xf32>,
        %parallel_loop3A_1001 = vector.shape_cast %parallel_loop3A_1000 : vector<1x16xf32> to vector<16xf32>
        %parallel_loop3A_1002 = vector.shape_cast %parallel_loop3A_997 : vector<16xf32> to vector<1x16xf32>
        tpu.vector_store %arg8[%parallel_loop3A_998, %parallel_loop3A_999], %parallel_loop3A_1002 {strides = array<i32>} : memref<96x1024xf32, #tpu.memory_space<vmem>>, vector<1x16xf32>,
        %parallel_loop3A_1003 = arith.constant 64 : i32
        %parallel_loop3A_1004 = arith.addi %parallel_loop3A_1003, %parallel_loop3A_918 : i32
        %parallel_loop3A_1005 = arith.constant 96 : i32
        %parallel_loop3A_1006 = arith.addi %mul3A_860, %parallel_loop3A_1005 : i32
        %parallel_loop3A_1007 = arith.index_cast %parallel_loop3A_1004 : i32 to index
        %parallel_loop3A_1008 = arith.index_cast %parallel_loop3A_1006 : i32 to index
        %parallel_loop3A_1009 = tpu.vector_load %arg8[%parallel_loop3A_1007, %parallel_loop3A_1008] {strides = array<i32>} : memref<96x1024xf32, #tpu.memory_space<vmem>>, vector<1x16xf32>,
        %parallel_loop3A_1010 = vector.shape_cast %parallel_loop3A_1009 : vector<1x16xf32> to vector<16xf32>
        %parallel_loop3A_1011 = arith.addf %parallel_loop3A_1010, %get3A_908 : vector<16xf32>
        %parallel_loop3A_1012 = arith.index_cast %parallel_loop3A_1004 : i32 to index
        %parallel_loop3A_1013 = arith.index_cast %parallel_loop3A_1006 : i32 to index
        %parallel_loop3A_1014 = tpu.vector_load %arg8[%parallel_loop3A_1012, %parallel_loop3A_1013] {strides = array<i32>} : memref<96x1024xf32, #tpu.memory_space<vmem>>, vector<1x16xf32>,
        %parallel_loop3A_1015 = vector.shape_cast %parallel_loop3A_1014 : vector<1x16xf32> to vector<16xf32>
        %parallel_loop3A_1016 = vector.shape_cast %parallel_loop3A_1011 : vector<16xf32> to vector<1x16xf32>
        tpu.vector_store %arg8[%parallel_loop3A_1012, %parallel_loop3A_1013], %parallel_loop3A_1016 {strides = array<i32>} : memref<96x1024xf32, #tpu.memory_space<vmem>>, vector<1x16xf32>,
        %parallel_loop3A_1017 = arith.constant 64 : i32
        %parallel_loop3A_1018 = arith.addi %parallel_loop3A_1017, %parallel_loop3A_918 : i32
        %parallel_loop3A_1019 = arith.constant 112 : i32
        %parallel_loop3A_1020 = arith.addi %mul3A_860, %parallel_loop3A_1019 : i32
        %parallel_loop3A_1021 = arith.index_cast %parallel_loop3A_1018 : i32 to index
        %parallel_loop3A_1022 = arith.index_cast %parallel_loop3A_1020 : i32 to index
        %parallel_loop3A_1023 = tpu.vector_load %arg8[%parallel_loop3A_1021, %parallel_loop3A_1022] {strides = array<i32>} : memref<96x1024xf32, #tpu.memory_space<vmem>>, vector<1x16xf32>,
        %parallel_loop3A_1024 = vector.shape_cast %parallel_loop3A_1023 : vector<1x16xf32> to vector<16xf32>
        %parallel_loop3A_1025 = arith.addf %parallel_loop3A_1024, %get3A_915 : vector<16xf32>
        %parallel_loop3A_1026 = arith.index_cast %parallel_loop3A_1018 : i32 to index
        %parallel_loop3A_1027 = arith.index_cast %parallel_loop3A_1020 : i32 to index
        %parallel_loop3A_1028 = tpu.vector_load %arg8[%parallel_loop3A_1026, %parallel_loop3A_1027] {strides = array<i32>} : memref<96x1024xf32, #tpu.memory_space<vmem>>, vector<1x16xf32>,
        %parallel_loop3A_1029 = vector.shape_cast %parallel_loop3A_1028 : vector<1x16xf32> to vector<16xf32>
        %parallel_loop3A_1030 = vector.shape_cast %parallel_loop3A_1025 : vector<16xf32> to vector<1x16xf32>
        tpu.vector_store %arg8[%parallel_loop3A_1026, %parallel_loop3A_1027], %parallel_loop3A_1030 {strides = array<i32>} : memref<96x1024xf32, #tpu.memory_space<vmem>>, vector<1x16xf32>,
      } {sc.loop_unroll_factor = 2 : i64, sc.parallel_access}
    }
    %scan3A_299 = arith.constant 8 : i32
    %add3A_300 = arith.constant 160 : i32
    %add3A_301 = arith.addi %mul3A_2, %add3A_300 : i32
    %dma_start3A_302 = arith.constant 64 : i32
    %dma_start3A_303 = arith.constant 0 : i32
    %dma_start3A_304 = tpu.memref_slice %arg8[%dma_start3A_302, %dma_start3A_303] : memref<96x1024xf32, #tpu.memory_space<vmem>> -> memref<32x1024xf32, #tpu.memory_space<vmem>>
    %dma_start3A_305 = arith.constant 0 : i32
    %dma_start3A_306 = tpu.memref_slice %arg5[%add3A_301, %dma_start3A_305] : memref<16384x1024xf32, #tpu.memory_space<hbm>> -> memref<32x1024xf32, #tpu.memory_space<hbm>>
    %dma_start3A_307 = arith.constant 0 : i32
    %dma_start3A_308 = tpu.memref_slice %arg5[%add3A_301, %dma_start3A_307] : memref<16384x1024xf32, #tpu.memory_space<hbm>> -> memref<32x1024xf32, #tpu.memory_space<hbm>>
    %dma_start3A_309 = arith.constant 64 : i32
    %dma_start3A_310 = arith.constant 0 : i32
    %dma_start3A_311 = tpu.memref_slice %arg8[%dma_start3A_309, %dma_start3A_310] : memref<96x1024xf32, #tpu.memory_space<vmem>> -> memref<32x1024xf32, #tpu.memory_space<vmem>>
    tpu.enqueue_dma source(%dma_start3A_311 : memref<32x1024xf32, #tpu.memory_space<vmem>>) target(%dma_start3A_308 : memref<32x1024xf32, #tpu.memory_space<hbm>>) target_semaphore(%arg11 : memref<!tpu.dma_semaphore, #tpu.memory_space<semaphore_mem>>)
    %add3A_312 = arith.constant 128 : i32
    %add3A_313 = arith.addi %mul3A_2, %add3A_312 : i32
    %dma_wait3A_314 = arith.constant 32 : i32
    %dma_wait3A_315 = arith.constant 0 : i32
    %dma_wait3A_316 = tpu.memref_slice %arg8[%dma_wait3A_314, %dma_wait3A_315] : memref<96x1024xf32, #tpu.memory_space<vmem>> -> memref<32x1024xf32, #tpu.memory_space<vmem>>
    %dma_wait3A_317 = arith.constant 0 : i32
    %dma_wait3A_318 = tpu.memref_slice %arg5[%add3A_313, %dma_wait3A_317] : memref<16384x1024xf32, #tpu.memory_space<hbm>> -> memref<32x1024xf32, #tpu.memory_space<hbm>>
    %dma_wait3A_319 = arith.constant 0 : i32
    %dma_wait3A_320 = tpu.memref_slice %arg5[%add3A_313, %dma_wait3A_319] : memref<16384x1024xf32, #tpu.memory_space<hbm>> -> memref<32x1024xf32, #tpu.memory_space<hbm>>
    %dma_wait3A_321 = arith.constant 32 : i32
    %dma_wait3A_322 = arith.constant 0 : i32
    %dma_wait3A_323 = tpu.memref_slice %arg8[%dma_wait3A_321, %dma_wait3A_322] : memref<96x1024xf32, #tpu.memory_space<vmem>> -> memref<32x1024xf32, #tpu.memory_space<vmem>>
    tpu.wait_dma2 semaphore(%arg10 : memref<!tpu.dma_semaphore, #tpu.memory_space<semaphore_mem>>) src(%dma_wait3A_323 : memref<32x1024xf32, #tpu.memory_space<vmem>>) dst(%dma_wait3A_320 : memref<32x1024xf32, #tpu.memory_space<hbm>>)
    %add3A_324 = arith.constant 224 : i32
    %add3A_325 = arith.addi %mul3A_2, %add3A_324 : i32
    %dma_start3A_326 = arith.constant 32 : i32
    %dma_start3A_327 = arith.constant 0 : i32
    %dma_start3A_328 = tpu.memref_slice %arg8[%dma_start3A_326, %dma_start3A_327] : memref<96x1024xf32, #tpu.memory_space<vmem>> -> memref<32x1024xf32, #tpu.memory_space<vmem>>
    %dma_start3A_329 = arith.constant 0 : i32
    %dma_start3A_330 = tpu.memref_slice %arg4[%add3A_325, %dma_start3A_329] : memref<16384x1024xf32, #tpu.memory_space<hbm>> -> memref<32x1024xf32, #tpu.memory_space<hbm>>
    %dma_start3A_331 = arith.constant 32 : i32
    %dma_start3A_332 = arith.constant 0 : i32
    %dma_start3A_333 = tpu.memref_slice %arg8[%dma_start3A_331, %dma_start3A_332] : memref<96x1024xf32, #tpu.memory_space<vmem>> -> memref<32x1024xf32, #tpu.memory_space<vmem>>
    %dma_start3A_334 = arith.constant 0 : i32
    %dma_start3A_335 = tpu.memref_slice %arg4[%add3A_325, %dma_start3A_334] : memref<16384x1024xf32, #tpu.memory_space<hbm>> -> memref<32x1024xf32, #tpu.memory_space<hbm>>
    tpu.enqueue_dma source(%dma_start3A_335 : memref<32x1024xf32, #tpu.memory_space<hbm>>) target(%dma_start3A_333 : memref<32x1024xf32, #tpu.memory_space<vmem>>) target_semaphore(%arg10 : memref<!tpu.dma_semaphore, #tpu.memory_space<semaphore_mem>>)
    %add3A_336 = arith.constant 192 : i32
    %add3A_337 = arith.addi %mul3A_2, %add3A_336 : i32
    %dma_wait3A_338 = arith.constant 0 : i32
    %dma_wait3A_339 = arith.constant 0 : i32
    %dma_wait3A_340 = tpu.memref_slice %arg8[%dma_wait3A_338, %dma_wait3A_339] : memref<96x1024xf32, #tpu.memory_space<vmem>> -> memref<32x1024xf32, #tpu.memory_space<vmem>>
    %dma_wait3A_341 = arith.constant 0 : i32
    %dma_wait3A_342 = tpu.memref_slice %arg4[%add3A_337, %dma_wait3A_341] : memref<16384x1024xf32, #tpu.memory_space<hbm>> -> memref<32x1024xf32, #tpu.memory_space<hbm>>
    %dma_wait3A_343 = arith.constant 0 : i32
    %dma_wait3A_344 = arith.constant 0 : i32
    %dma_wait3A_345 = tpu.memref_slice %arg8[%dma_wait3A_343, %dma_wait3A_344] : memref<96x1024xf32, #tpu.memory_space<vmem>> -> memref<32x1024xf32, #tpu.memory_space<vmem>>
    %dma_wait3A_346 = arith.constant 0 : i32
    %dma_wait3A_347 = tpu.memref_slice %arg4[%add3A_337, %dma_wait3A_346] : memref<16384x1024xf32, #tpu.memory_space<hbm>> -> memref<32x1024xf32, #tpu.memory_space<hbm>>
    tpu.wait_dma2 semaphore(%arg9 : memref<!tpu.dma_semaphore, #tpu.memory_space<semaphore_mem>>) src(%dma_wait3A_347 : memref<32x1024xf32, #tpu.memory_space<hbm>>) dst(%dma_wait3A_345 : memref<32x1024xf32, #tpu.memory_space<vmem>>)
    %scan3A_348 = arith.constant 0 : i32
    %scan3A_349 = arith.constant 8 : i32
    %scan3A_350 = arith.addi %scan3A_348, %scan3A_349 : i32
    %scan3A_351 = arith.constant 1 : i32
    scf.for %scan3A_854 = %scan3A_348 to %scan3A_350 step %scan3A_351  : i32 {
      %mul3A_855 = arith.constant 1 : i32
      %mul3A_856 = arith.muli %scan3A_854, %mul3A_855 : i32
      %add3A_857 = arith.constant 0 : i32
      %add3A_858 = arith.addi %add3A_857, %mul3A_856 : i32
      %mul3A_859 = arith.constant 128 : i32
      %mul3A_860 = arith.muli %add3A_858, %mul3A_859 : i32
      %add3A_861 = arith.constant 0 : i32
      %add3A_862 = arith.addi %mul3A_860, %add3A_861 : i32
      %get3A = arith.constant 0 : i32
      %get3A_863 = arith.index_cast %get3A : i32 to index
      %get3A_864 = arith.index_cast %add3A_862 : i32 to index
      %get3A_865 = tpu.vector_load %arg7[%get3A_863, %get3A_864] {strides = array<i32>} : memref<8x1024xf32, #tpu.memory_space<vmem>>, vector<1x16xf32>,
      %get3A_866 = vector.shape_cast %get3A_865 : vector<1x16xf32> to vector<16xf32>
      %add3A_867 = arith.constant 16 : i32
      %add3A_868 = arith.addi %mul3A_860, %add3A_867 : i32
      %get3A_869 = arith.constant 0 : i32
      %get3A_870 = arith.index_cast %get3A_869 : i32 to index
      %get3A_871 = arith.index_cast %add3A_868 : i32 to index
      %get3A_872 = tpu.vector_load %arg7[%get3A_870, %get3A_871] {strides = array<i32>} : memref<8x1024xf32, #tpu.memory_space<vmem>>, vector<1x16xf32>,
      %get3A_873 = vector.shape_cast %get3A_872 : vector<1x16xf32> to vector<16xf32>
      %add3A_874 = arith.constant 32 : i32
      %add3A_875 = arith.addi %mul3A_860, %add3A_874 : i32
      %get3A_876 = arith.constant 0 : i32
      %get3A_877 = arith.index_cast %get3A_876 : i32 to index
      %get3A_878 = arith.index_cast %add3A_875 : i32 to index
      %get3A_879 = tpu.vector_load %arg7[%get3A_877, %get3A_878] {strides = array<i32>} : memref<8x1024xf32, #tpu.memory_space<vmem>>, vector<1x16xf32>,
      %get3A_880 = vector.shape_cast %get3A_879 : vector<1x16xf32> to vector<16xf32>
      %add3A_881 = arith.constant 48 : i32
      %add3A_882 = arith.addi %mul3A_860, %add3A_881 : i32
      %get3A_883 = arith.constant 0 : i32
      %get3A_884 = arith.index_cast %get3A_883 : i32 to index
      %get3A_885 = arith.index_cast %add3A_882 : i32 to index
      %get3A_886 = tpu.vector_load %arg7[%get3A_884, %get3A_885] {strides = array<i32>} : memref<8x1024xf32, #tpu.memory_space<vmem>>, vector<1x16xf32>,
      %get3A_887 = vector.shape_cast %get3A_886 : vector<1x16xf32> to vector<16xf32>
      %add3A_888 = arith.constant 64 : i32
      %add3A_889 = arith.addi %mul3A_860, %add3A_888 : i32
      %get3A_890 = arith.constant 0 : i32
      %get3A_891 = arith.index_cast %get3A_890 : i32 to index
      %get3A_892 = arith.index_cast %add3A_889 : i32 to index
      %get3A_893 = tpu.vector_load %arg7[%get3A_891, %get3A_892] {strides = array<i32>} : memref<8x1024xf32, #tpu.memory_space<vmem>>, vector<1x16xf32>,
      %get3A_894 = vector.shape_cast %get3A_893 : vector<1x16xf32> to vector<16xf32>
      %add3A_895 = arith.constant 80 : i32
      %add3A_896 = arith.addi %mul3A_860, %add3A_895 : i32
      %get3A_897 = arith.constant 0 : i32
      %get3A_898 = arith.index_cast %get3A_897 : i32 to index
      %get3A_899 = arith.index_cast %add3A_896 : i32 to index
      %get3A_900 = tpu.vector_load %arg7[%get3A_898, %get3A_899] {strides = array<i32>} : memref<8x1024xf32, #tpu.memory_space<vmem>>, vector<1x16xf32>,
      %get3A_901 = vector.shape_cast %get3A_900 : vector<1x16xf32> to vector<16xf32>
      %add3A_902 = arith.constant 96 : i32
      %add3A_903 = arith.addi %mul3A_860, %add3A_902 : i32
      %get3A_904 = arith.constant 0 : i32
      %get3A_905 = arith.index_cast %get3A_904 : i32 to index
      %get3A_906 = arith.index_cast %add3A_903 : i32 to index
      %get3A_907 = tpu.vector_load %arg7[%get3A_905, %get3A_906] {strides = array<i32>} : memref<8x1024xf32, #tpu.memory_space<vmem>>, vector<1x16xf32>,
      %get3A_908 = vector.shape_cast %get3A_907 : vector<1x16xf32> to vector<16xf32>
      %add3A_909 = arith.constant 112 : i32
      %add3A_910 = arith.addi %mul3A_860, %add3A_909 : i32
      %get3A_911 = arith.constant 0 : i32
      %get3A_912 = arith.index_cast %get3A_911 : i32 to index
      %get3A_913 = arith.index_cast %add3A_910 : i32 to index
      %get3A_914 = tpu.vector_load %arg7[%get3A_912, %get3A_913] {strides = array<i32>} : memref<8x1024xf32, #tpu.memory_space<vmem>>, vector<1x16xf32>,
      %get3A_915 = vector.shape_cast %get3A_914 : vector<1x16xf32> to vector<16xf32>
      %parallel_loop3A = arith.constant 0 : i32
      %parallel_loop3A_916 = arith.constant 32 : i32
      %parallel_loop3A_917 = arith.constant 1 : i32
      scf.for %parallel_loop3A_918 = %parallel_loop3A to %parallel_loop3A_916 step %parallel_loop3A_917  : i32 {
        %parallel_loop3A_919 = arith.constant 0 : i32
        %parallel_loop3A_920 = arith.addi %parallel_loop3A_919, %parallel_loop3A_918 : i32
        %parallel_loop3A_921 = arith.constant 0 : i32
        %parallel_loop3A_922 = arith.addi %mul3A_860, %parallel_loop3A_921 : i32
        %parallel_loop3A_923 = arith.index_cast %parallel_loop3A_920 : i32 to index
        %parallel_loop3A_924 = arith.index_cast %parallel_loop3A_922 : i32 to index
        %parallel_loop3A_925 = tpu.vector_load %arg8[%parallel_loop3A_923, %parallel_loop3A_924] {strides = array<i32>} : memref<96x1024xf32, #tpu.memory_space<vmem>>, vector<1x16xf32>,
        %parallel_loop3A_926 = vector.shape_cast %parallel_loop3A_925 : vector<1x16xf32> to vector<16xf32>
        %parallel_loop3A_927 = arith.addf %parallel_loop3A_926, %get3A_866 : vector<16xf32>
        %parallel_loop3A_928 = arith.index_cast %parallel_loop3A_920 : i32 to index
        %parallel_loop3A_929 = arith.index_cast %parallel_loop3A_922 : i32 to index
        %parallel_loop3A_930 = tpu.vector_load %arg8[%parallel_loop3A_928, %parallel_loop3A_929] {strides = array<i32>} : memref<96x1024xf32, #tpu.memory_space<vmem>>, vector<1x16xf32>,
        %parallel_loop3A_931 = vector.shape_cast %parallel_loop3A_930 : vector<1x16xf32> to vector<16xf32>
        %parallel_loop3A_932 = vector.shape_cast %parallel_loop3A_927 : vector<16xf32> to vector<1x16xf32>
        tpu.vector_store %arg8[%parallel_loop3A_928, %parallel_loop3A_929], %parallel_loop3A_932 {strides = array<i32>} : memref<96x1024xf32, #tpu.memory_space<vmem>>, vector<1x16xf32>,
        %parallel_loop3A_933 = arith.constant 0 : i32
        %parallel_loop3A_934 = arith.addi %parallel_loop3A_933, %parallel_loop3A_918 : i32
        %parallel_loop3A_935 = arith.constant 16 : i32
        %parallel_loop3A_936 = arith.addi %mul3A_860, %parallel_loop3A_935 : i32
        %parallel_loop3A_937 = arith.index_cast %parallel_loop3A_934 : i32 to index
        %parallel_loop3A_938 = arith.index_cast %parallel_loop3A_936 : i32 to index
        %parallel_loop3A_939 = tpu.vector_load %arg8[%parallel_loop3A_937, %parallel_loop3A_938] {strides = array<i32>} : memref<96x1024xf32, #tpu.memory_space<vmem>>, vector<1x16xf32>,
        %parallel_loop3A_940 = vector.shape_cast %parallel_loop3A_939 : vector<1x16xf32> to vector<16xf32>
        %parallel_loop3A_941 = arith.addf %parallel_loop3A_940, %get3A_873 : vector<16xf32>
        %parallel_loop3A_942 = arith.index_cast %parallel_loop3A_934 : i32 to index
        %parallel_loop3A_943 = arith.index_cast %parallel_loop3A_936 : i32 to index
        %parallel_loop3A_944 = tpu.vector_load %arg8[%parallel_loop3A_942, %parallel_loop3A_943] {strides = array<i32>} : memref<96x1024xf32, #tpu.memory_space<vmem>>, vector<1x16xf32>,
        %parallel_loop3A_945 = vector.shape_cast %parallel_loop3A_944 : vector<1x16xf32> to vector<16xf32>
        %parallel_loop3A_946 = vector.shape_cast %parallel_loop3A_941 : vector<16xf32> to vector<1x16xf32>
        tpu.vector_store %arg8[%parallel_loop3A_942, %parallel_loop3A_943], %parallel_loop3A_946 {strides = array<i32>} : memref<96x1024xf32, #tpu.memory_space<vmem>>, vector<1x16xf32>,
        %parallel_loop3A_947 = arith.constant 0 : i32
        %parallel_loop3A_948 = arith.addi %parallel_loop3A_947, %parallel_loop3A_918 : i32
        %parallel_loop3A_949 = arith.constant 32 : i32
        %parallel_loop3A_950 = arith.addi %mul3A_860, %parallel_loop3A_949 : i32
        %parallel_loop3A_951 = arith.index_cast %parallel_loop3A_948 : i32 to index
        %parallel_loop3A_952 = arith.index_cast %parallel_loop3A_950 : i32 to index
        %parallel_loop3A_953 = tpu.vector_load %arg8[%parallel_loop3A_951, %parallel_loop3A_952] {strides = array<i32>} : memref<96x1024xf32, #tpu.memory_space<vmem>>, vector<1x16xf32>,
        %parallel_loop3A_954 = vector.shape_cast %parallel_loop3A_953 : vector<1x16xf32> to vector<16xf32>
        %parallel_loop3A_955 = arith.addf %parallel_loop3A_954, %get3A_880 : vector<16xf32>
        %parallel_loop3A_956 = arith.index_cast %parallel_loop3A_948 : i32 to index
        %parallel_loop3A_957 = arith.index_cast %parallel_loop3A_950 : i32 to index
        %parallel_loop3A_958 = tpu.vector_load %arg8[%parallel_loop3A_956, %parallel_loop3A_957] {strides = array<i32>} : memref<96x1024xf32, #tpu.memory_space<vmem>>, vector<1x16xf32>,
        %parallel_loop3A_959 = vector.shape_cast %parallel_loop3A_958 : vector<1x16xf32> to vector<16xf32>
        %parallel_loop3A_960 = vector.shape_cast %parallel_loop3A_955 : vector<16xf32> to vector<1x16xf32>
        tpu.vector_store %arg8[%parallel_loop3A_956, %parallel_loop3A_957], %parallel_loop3A_960 {strides = array<i32>} : memref<96x1024xf32, #tpu.memory_space<vmem>>, vector<1x16xf32>,
        %parallel_loop3A_961 = arith.constant 0 : i32
        %parallel_loop3A_962 = arith.addi %parallel_loop3A_961, %parallel_loop3A_918 : i32
        %parallel_loop3A_963 = arith.constant 48 : i32
        %parallel_loop3A_964 = arith.addi %mul3A_860, %parallel_loop3A_963 : i32
        %parallel_loop3A_965 = arith.index_cast %parallel_loop3A_962 : i32 to index
        %parallel_loop3A_966 = arith.index_cast %parallel_loop3A_964 : i32 to index
        %parallel_loop3A_967 = tpu.vector_load %arg8[%parallel_loop3A_965, %parallel_loop3A_966] {strides = array<i32>} : memref<96x1024xf32, #tpu.memory_space<vmem>>, vector<1x16xf32>,
        %parallel_loop3A_968 = vector.shape_cast %parallel_loop3A_967 : vector<1x16xf32> to vector<16xf32>
        %parallel_loop3A_969 = arith.addf %parallel_loop3A_968, %get3A_887 : vector<16xf32>
        %parallel_loop3A_970 = arith.index_cast %parallel_loop3A_962 : i32 to index
        %parallel_loop3A_971 = arith.index_cast %parallel_loop3A_964 : i32 to index
        %parallel_loop3A_972 = tpu.vector_load %arg8[%parallel_loop3A_970, %parallel_loop3A_971] {strides = array<i32>} : memref<96x1024xf32, #tpu.memory_space<vmem>>, vector<1x16xf32>,
        %parallel_loop3A_973 = vector.shape_cast %parallel_loop3A_972 : vector<1x16xf32> to vector<16xf32>
        %parallel_loop3A_974 = vector.shape_cast %parallel_loop3A_969 : vector<16xf32> to vector<1x16xf32>
        tpu.vector_store %arg8[%parallel_loop3A_970, %parallel_loop3A_971], %parallel_loop3A_974 {strides = array<i32>} : memref<96x1024xf32, #tpu.memory_space<vmem>>, vector<1x16xf32>,
        %parallel_loop3A_975 = arith.constant 0 : i32
        %parallel_loop3A_976 = arith.addi %parallel_loop3A_975, %parallel_loop3A_918 : i32
        %parallel_loop3A_977 = arith.constant 64 : i32
        %parallel_loop3A_978 = arith.addi %mul3A_860, %parallel_loop3A_977 : i32
        %parallel_loop3A_979 = arith.index_cast %parallel_loop3A_976 : i32 to index
        %parallel_loop3A_980 = arith.index_cast %parallel_loop3A_978 : i32 to index
        %parallel_loop3A_981 = tpu.vector_load %arg8[%parallel_loop3A_979, %parallel_loop3A_980] {strides = array<i32>} : memref<96x1024xf32, #tpu.memory_space<vmem>>, vector<1x16xf32>,
        %parallel_loop3A_982 = vector.shape_cast %parallel_loop3A_981 : vector<1x16xf32> to vector<16xf32>
        %parallel_loop3A_983 = arith.addf %parallel_loop3A_982, %get3A_894 : vector<16xf32>
        %parallel_loop3A_984 = arith.index_cast %parallel_loop3A_976 : i32 to index
        %parallel_loop3A_985 = arith.index_cast %parallel_loop3A_978 : i32 to index
        %parallel_loop3A_986 = tpu.vector_load %arg8[%parallel_loop3A_984, %parallel_loop3A_985] {strides = array<i32>} : memref<96x1024xf32, #tpu.memory_space<vmem>>, vector<1x16xf32>,
        %parallel_loop3A_987 = vector.shape_cast %parallel_loop3A_986 : vector<1x16xf32> to vector<16xf32>
        %parallel_loop3A_988 = vector.shape_cast %parallel_loop3A_983 : vector<16xf32> to vector<1x16xf32>
        tpu.vector_store %arg8[%parallel_loop3A_984, %parallel_loop3A_985], %parallel_loop3A_988 {strides = array<i32>} : memref<96x1024xf32, #tpu.memory_space<vmem>>, vector<1x16xf32>,
        %parallel_loop3A_989 = arith.constant 0 : i32
        %parallel_loop3A_990 = arith.addi %parallel_loop3A_989, %parallel_loop3A_918 : i32
        %parallel_loop3A_991 = arith.constant 80 : i32
        %parallel_loop3A_992 = arith.addi %mul3A_860, %parallel_loop3A_991 : i32
        %parallel_loop3A_993 = arith.index_cast %parallel_loop3A_990 : i32 to index
        %parallel_loop3A_994 = arith.index_cast %parallel_loop3A_992 : i32 to index
        %parallel_loop3A_995 = tpu.vector_load %arg8[%parallel_loop3A_993, %parallel_loop3A_994] {strides = array<i32>} : memref<96x1024xf32, #tpu.memory_space<vmem>>, vector<1x16xf32>,
        %parallel_loop3A_996 = vector.shape_cast %parallel_loop3A_995 : vector<1x16xf32> to vector<16xf32>
        %parallel_loop3A_997 = arith.addf %parallel_loop3A_996, %get3A_901 : vector<16xf32>
        %parallel_loop3A_998 = arith.index_cast %parallel_loop3A_990 : i32 to index
        %parallel_loop3A_999 = arith.index_cast %parallel_loop3A_992 : i32 to index
        %parallel_loop3A_1000 = tpu.vector_load %arg8[%parallel_loop3A_998, %parallel_loop3A_999] {strides = array<i32>} : memref<96x1024xf32, #tpu.memory_space<vmem>>, vector<1x16xf32>,
        %parallel_loop3A_1001 = vector.shape_cast %parallel_loop3A_1000 : vector<1x16xf32> to vector<16xf32>
        %parallel_loop3A_1002 = vector.shape_cast %parallel_loop3A_997 : vector<16xf32> to vector<1x16xf32>
        tpu.vector_store %arg8[%parallel_loop3A_998, %parallel_loop3A_999], %parallel_loop3A_1002 {strides = array<i32>} : memref<96x1024xf32, #tpu.memory_space<vmem>>, vector<1x16xf32>,
        %parallel_loop3A_1003 = arith.constant 0 : i32
        %parallel_loop3A_1004 = arith.addi %parallel_loop3A_1003, %parallel_loop3A_918 : i32
        %parallel_loop3A_1005 = arith.constant 96 : i32
        %parallel_loop3A_1006 = arith.addi %mul3A_860, %parallel_loop3A_1005 : i32
        %parallel_loop3A_1007 = arith.index_cast %parallel_loop3A_1004 : i32 to index
        %parallel_loop3A_1008 = arith.index_cast %parallel_loop3A_1006 : i32 to index
        %parallel_loop3A_1009 = tpu.vector_load %arg8[%parallel_loop3A_1007, %parallel_loop3A_1008] {strides = array<i32>} : memref<96x1024xf32, #tpu.memory_space<vmem>>, vector<1x16xf32>,
        %parallel_loop3A_1010 = vector.shape_cast %parallel_loop3A_1009 : vector<1x16xf32> to vector<16xf32>
        %parallel_loop3A_1011 = arith.addf %parallel_loop3A_1010, %get3A_908 : vector<16xf32>
        %parallel_loop3A_1012 = arith.index_cast %parallel_loop3A_1004 : i32 to index
        %parallel_loop3A_1013 = arith.index_cast %parallel_loop3A_1006 : i32 to index
        %parallel_loop3A_1014 = tpu.vector_load %arg8[%parallel_loop3A_1012, %parallel_loop3A_1013] {strides = array<i32>} : memref<96x1024xf32, #tpu.memory_space<vmem>>, vector<1x16xf32>,
        %parallel_loop3A_1015 = vector.shape_cast %parallel_loop3A_1014 : vector<1x16xf32> to vector<16xf32>
        %parallel_loop3A_1016 = vector.shape_cast %parallel_loop3A_1011 : vector<16xf32> to vector<1x16xf32>
        tpu.vector_store %arg8[%parallel_loop3A_1012, %parallel_loop3A_1013], %parallel_loop3A_1016 {strides = array<i32>} : memref<96x1024xf32, #tpu.memory_space<vmem>>, vector<1x16xf32>,
        %parallel_loop3A_1017 = arith.constant 0 : i32
        %parallel_loop3A_1018 = arith.addi %parallel_loop3A_1017, %parallel_loop3A_918 : i32
        %parallel_loop3A_1019 = arith.constant 112 : i32
        %parallel_loop3A_1020 = arith.addi %mul3A_860, %parallel_loop3A_1019 : i32
        %parallel_loop3A_1021 = arith.index_cast %parallel_loop3A_1018 : i32 to index
        %parallel_loop3A_1022 = arith.index_cast %parallel_loop3A_1020 : i32 to index
        %parallel_loop3A_1023 = tpu.vector_load %arg8[%parallel_loop3A_1021, %parallel_loop3A_1022] {strides = array<i32>} : memref<96x1024xf32, #tpu.memory_space<vmem>>, vector<1x16xf32>,
        %parallel_loop3A_1024 = vector.shape_cast %parallel_loop3A_1023 : vector<1x16xf32> to vector<16xf32>
        %parallel_loop3A_1025 = arith.addf %parallel_loop3A_1024, %get3A_915 : vector<16xf32>
        %parallel_loop3A_1026 = arith.index_cast %parallel_loop3A_1018 : i32 to index
        %parallel_loop3A_1027 = arith.index_cast %parallel_loop3A_1020 : i32 to index
        %parallel_loop3A_1028 = tpu.vector_load %arg8[%parallel_loop3A_1026, %parallel_loop3A_1027] {strides = array<i32>} : memref<96x1024xf32, #tpu.memory_space<vmem>>, vector<1x16xf32>,
        %parallel_loop3A_1029 = vector.shape_cast %parallel_loop3A_1028 : vector<1x16xf32> to vector<16xf32>
        %parallel_loop3A_1030 = vector.shape_cast %parallel_loop3A_1025 : vector<16xf32> to vector<1x16xf32>
        tpu.vector_store %arg8[%parallel_loop3A_1026, %parallel_loop3A_1027], %parallel_loop3A_1030 {strides = array<i32>} : memref<96x1024xf32, #tpu.memory_space<vmem>>, vector<1x16xf32>,
      } {sc.loop_unroll_factor = 2 : i64, sc.parallel_access}
    }
    %scan3A_352 = arith.constant 8 : i32
    %add3A_353 = arith.constant 192 : i32
    %add3A_354 = arith.addi %mul3A_2, %add3A_353 : i32
    %dma_start3A_355 = arith.constant 0 : i32
    %dma_start3A_356 = arith.constant 0 : i32
    %dma_start3A_357 = tpu.memref_slice %arg8[%dma_start3A_355, %dma_start3A_356] : memref<96x1024xf32, #tpu.memory_space<vmem>> -> memref<32x1024xf32, #tpu.memory_space<vmem>>
    %dma_start3A_358 = arith.constant 0 : i32
    %dma_start3A_359 = tpu.memref_slice %arg5[%add3A_354, %dma_start3A_358] : memref<16384x1024xf32, #tpu.memory_space<hbm>> -> memref<32x1024xf32, #tpu.memory_space<hbm>>
    %dma_start3A_360 = arith.constant 0 : i32
    %dma_start3A_361 = tpu.memref_slice %arg5[%add3A_354, %dma_start3A_360] : memref<16384x1024xf32, #tpu.memory_space<hbm>> -> memref<32x1024xf32, #tpu.memory_space<hbm>>
    %dma_start3A_362 = arith.constant 0 : i32
    %dma_start3A_363 = arith.constant 0 : i32
    %dma_start3A_364 = tpu.memref_slice %arg8[%dma_start3A_362, %dma_start3A_363] : memref<96x1024xf32, #tpu.memory_space<vmem>> -> memref<32x1024xf32, #tpu.memory_space<vmem>>
    tpu.enqueue_dma source(%dma_start3A_364 : memref<32x1024xf32, #tpu.memory_space<vmem>>) target(%dma_start3A_361 : memref<32x1024xf32, #tpu.memory_space<hbm>>) target_semaphore(%arg9 : memref<!tpu.dma_semaphore, #tpu.memory_space<semaphore_mem>>)
    %add3A_365 = arith.constant 160 : i32
    %add3A_366 = arith.addi %mul3A_2, %add3A_365 : i32
    %dma_wait3A_367 = arith.constant 64 : i32
    %dma_wait3A_368 = arith.constant 0 : i32
    %dma_wait3A_369 = tpu.memref_slice %arg8[%dma_wait3A_367, %dma_wait3A_368] : memref<96x1024xf32, #tpu.memory_space<vmem>> -> memref<32x1024xf32, #tpu.memory_space<vmem>>
    %dma_wait3A_370 = arith.constant 0 : i32
    %dma_wait3A_371 = tpu.memref_slice %arg5[%add3A_366, %dma_wait3A_370] : memref<16384x1024xf32, #tpu.memory_space<hbm>> -> memref<32x1024xf32, #tpu.memory_space<hbm>>
    %dma_wait3A_372 = arith.constant 0 : i32
    %dma_wait3A_373 = tpu.memref_slice %arg5[%add3A_366, %dma_wait3A_372] : memref<16384x1024xf32, #tpu.memory_space<hbm>> -> memref<32x1024xf32, #tpu.memory_space<hbm>>
    %dma_wait3A_374 = arith.constant 64 : i32
    %dma_wait3A_375 = arith.constant 0 : i32
    %dma_wait3A_376 = tpu.memref_slice %arg8[%dma_wait3A_374, %dma_wait3A_375] : memref<96x1024xf32, #tpu.memory_space<vmem>> -> memref<32x1024xf32, #tpu.memory_space<vmem>>
    tpu.wait_dma2 semaphore(%arg11 : memref<!tpu.dma_semaphore, #tpu.memory_space<semaphore_mem>>) src(%dma_wait3A_376 : memref<32x1024xf32, #tpu.memory_space<vmem>>) dst(%dma_wait3A_373 : memref<32x1024xf32, #tpu.memory_space<hbm>>)
    %add3A_377 = arith.constant 256 : i32
    %add3A_378 = arith.addi %mul3A_2, %add3A_377 : i32
    %dma_start3A_379 = arith.constant 64 : i32
    %dma_start3A_380 = arith.constant 0 : i32
    %dma_start3A_381 = tpu.memref_slice %arg8[%dma_start3A_379, %dma_start3A_380] : memref<96x1024xf32, #tpu.memory_space<vmem>> -> memref<32x1024xf32, #tpu.memory_space<vmem>>
    %dma_start3A_382 = arith.constant 0 : i32
    %dma_start3A_383 = tpu.memref_slice %arg4[%add3A_378, %dma_start3A_382] : memref<16384x1024xf32, #tpu.memory_space<hbm>> -> memref<32x1024xf32, #tpu.memory_space<hbm>>
    %dma_start3A_384 = arith.constant 64 : i32
    %dma_start3A_385 = arith.constant 0 : i32
    %dma_start3A_386 = tpu.memref_slice %arg8[%dma_start3A_384, %dma_start3A_385] : memref<96x1024xf32, #tpu.memory_space<vmem>> -> memref<32x1024xf32, #tpu.memory_space<vmem>>
    %dma_start3A_387 = arith.constant 0 : i32
    %dma_start3A_388 = tpu.memref_slice %arg4[%add3A_378, %dma_start3A_387] : memref<16384x1024xf32, #tpu.memory_space<hbm>> -> memref<32x1024xf32, #tpu.memory_space<hbm>>
    tpu.enqueue_dma source(%dma_start3A_388 : memref<32x1024xf32, #tpu.memory_space<hbm>>) target(%dma_start3A_386 : memref<32x1024xf32, #tpu.memory_space<vmem>>) target_semaphore(%arg11 : memref<!tpu.dma_semaphore, #tpu.memory_space<semaphore_mem>>)
    %add3A_389 = arith.constant 224 : i32
    %add3A_390 = arith.addi %mul3A_2, %add3A_389 : i32
    %dma_wait3A_391 = arith.constant 32 : i32
    %dma_wait3A_392 = arith.constant 0 : i32
    %dma_wait3A_393 = tpu.memref_slice %arg8[%dma_wait3A_391, %dma_wait3A_392] : memref<96x1024xf32, #tpu.memory_space<vmem>> -> memref<32x1024xf32, #tpu.memory_space<vmem>>
    %dma_wait3A_394 = arith.constant 0 : i32
    %dma_wait3A_395 = tpu.memref_slice %arg4[%add3A_390, %dma_wait3A_394] : memref<16384x1024xf32, #tpu.memory_space<hbm>> -> memref<32x1024xf32, #tpu.memory_space<hbm>>
    %dma_wait3A_396 = arith.constant 32 : i32
    %dma_wait3A_397 = arith.constant 0 : i32
    %dma_wait3A_398 = tpu.memref_slice %arg8[%dma_wait3A_396, %dma_wait3A_397] : memref<96x1024xf32, #tpu.memory_space<vmem>> -> memref<32x1024xf32, #tpu.memory_space<vmem>>
    %dma_wait3A_399 = arith.constant 0 : i32
    %dma_wait3A_400 = tpu.memref_slice %arg4[%add3A_390, %dma_wait3A_399] : memref<16384x1024xf32, #tpu.memory_space<hbm>> -> memref<32x1024xf32, #tpu.memory_space<hbm>>
    tpu.wait_dma2 semaphore(%arg10 : memref<!tpu.dma_semaphore, #tpu.memory_space<semaphore_mem>>) src(%dma_wait3A_400 : memref<32x1024xf32, #tpu.memory_space<hbm>>) dst(%dma_wait3A_398 : memref<32x1024xf32, #tpu.memory_space<vmem>>)
    %scan3A_401 = arith.constant 0 : i32
    %scan3A_402 = arith.constant 8 : i32
    %scan3A_403 = arith.addi %scan3A_401, %scan3A_402 : i32
    %scan3A_404 = arith.constant 1 : i32
    scf.for %scan3A_854 = %scan3A_401 to %scan3A_403 step %scan3A_404  : i32 {
      %mul3A_855 = arith.constant 1 : i32
      %mul3A_856 = arith.muli %scan3A_854, %mul3A_855 : i32
      %add3A_857 = arith.constant 0 : i32
      %add3A_858 = arith.addi %add3A_857, %mul3A_856 : i32
      %mul3A_859 = arith.constant 128 : i32
      %mul3A_860 = arith.muli %add3A_858, %mul3A_859 : i32
      %add3A_861 = arith.constant 0 : i32
      %add3A_862 = arith.addi %mul3A_860, %add3A_861 : i32
      %get3A = arith.constant 0 : i32
      %get3A_863 = arith.index_cast %get3A : i32 to index
      %get3A_864 = arith.index_cast %add3A_862 : i32 to index
      %get3A_865 = tpu.vector_load %arg7[%get3A_863, %get3A_864] {strides = array<i32>} : memref<8x1024xf32, #tpu.memory_space<vmem>>, vector<1x16xf32>,
      %get3A_866 = vector.shape_cast %get3A_865 : vector<1x16xf32> to vector<16xf32>
      %add3A_867 = arith.constant 16 : i32
      %add3A_868 = arith.addi %mul3A_860, %add3A_867 : i32
      %get3A_869 = arith.constant 0 : i32
      %get3A_870 = arith.index_cast %get3A_869 : i32 to index
      %get3A_871 = arith.index_cast %add3A_868 : i32 to index
      %get3A_872 = tpu.vector_load %arg7[%get3A_870, %get3A_871] {strides = array<i32>} : memref<8x1024xf32, #tpu.memory_space<vmem>>, vector<1x16xf32>,
      %get3A_873 = vector.shape_cast %get3A_872 : vector<1x16xf32> to vector<16xf32>
      %add3A_874 = arith.constant 32 : i32
      %add3A_875 = arith.addi %mul3A_860, %add3A_874 : i32
      %get3A_876 = arith.constant 0 : i32
      %get3A_877 = arith.index_cast %get3A_876 : i32 to index
      %get3A_878 = arith.index_cast %add3A_875 : i32 to index
      %get3A_879 = tpu.vector_load %arg7[%get3A_877, %get3A_878] {strides = array<i32>} : memref<8x1024xf32, #tpu.memory_space<vmem>>, vector<1x16xf32>,
      %get3A_880 = vector.shape_cast %get3A_879 : vector<1x16xf32> to vector<16xf32>
      %add3A_881 = arith.constant 48 : i32
      %add3A_882 = arith.addi %mul3A_860, %add3A_881 : i32
      %get3A_883 = arith.constant 0 : i32
      %get3A_884 = arith.index_cast %get3A_883 : i32 to index
      %get3A_885 = arith.index_cast %add3A_882 : i32 to index
      %get3A_886 = tpu.vector_load %arg7[%get3A_884, %get3A_885] {strides = array<i32>} : memref<8x1024xf32, #tpu.memory_space<vmem>>, vector<1x16xf32>,
      %get3A_887 = vector.shape_cast %get3A_886 : vector<1x16xf32> to vector<16xf32>
      %add3A_888 = arith.constant 64 : i32
      %add3A_889 = arith.addi %mul3A_860, %add3A_888 : i32
      %get3A_890 = arith.constant 0 : i32
      %get3A_891 = arith.index_cast %get3A_890 : i32 to index
      %get3A_892 = arith.index_cast %add3A_889 : i32 to index
      %get3A_893 = tpu.vector_load %arg7[%get3A_891, %get3A_892] {strides = array<i32>} : memref<8x1024xf32, #tpu.memory_space<vmem>>, vector<1x16xf32>,
      %get3A_894 = vector.shape_cast %get3A_893 : vector<1x16xf32> to vector<16xf32>
      %add3A_895 = arith.constant 80 : i32
      %add3A_896 = arith.addi %mul3A_860, %add3A_895 : i32
      %get3A_897 = arith.constant 0 : i32
      %get3A_898 = arith.index_cast %get3A_897 : i32 to index
      %get3A_899 = arith.index_cast %add3A_896 : i32 to index
      %get3A_900 = tpu.vector_load %arg7[%get3A_898, %get3A_899] {strides = array<i32>} : memref<8x1024xf32, #tpu.memory_space<vmem>>, vector<1x16xf32>,
      %get3A_901 = vector.shape_cast %get3A_900 : vector<1x16xf32> to vector<16xf32>
      %add3A_902 = arith.constant 96 : i32
      %add3A_903 = arith.addi %mul3A_860, %add3A_902 : i32
      %get3A_904 = arith.constant 0 : i32
      %get3A_905 = arith.index_cast %get3A_904 : i32 to index
      %get3A_906 = arith.index_cast %add3A_903 : i32 to index
      %get3A_907 = tpu.vector_load %arg7[%get3A_905, %get3A_906] {strides = array<i32>} : memref<8x1024xf32, #tpu.memory_space<vmem>>, vector<1x16xf32>,
      %get3A_908 = vector.shape_cast %get3A_907 : vector<1x16xf32> to vector<16xf32>
      %add3A_909 = arith.constant 112 : i32
      %add3A_910 = arith.addi %mul3A_860, %add3A_909 : i32
      %get3A_911 = arith.constant 0 : i32
      %get3A_912 = arith.index_cast %get3A_911 : i32 to index
      %get3A_913 = arith.index_cast %add3A_910 : i32 to index
      %get3A_914 = tpu.vector_load %arg7[%get3A_912, %get3A_913] {strides = array<i32>} : memref<8x1024xf32, #tpu.memory_space<vmem>>, vector<1x16xf32>,
      %get3A_915 = vector.shape_cast %get3A_914 : vector<1x16xf32> to vector<16xf32>
      %parallel_loop3A = arith.constant 0 : i32
      %parallel_loop3A_916 = arith.constant 32 : i32
      %parallel_loop3A_917 = arith.constant 1 : i32
      scf.for %parallel_loop3A_918 = %parallel_loop3A to %parallel_loop3A_916 step %parallel_loop3A_917  : i32 {
        %parallel_loop3A_919 = arith.constant 32 : i32
        %parallel_loop3A_920 = arith.addi %parallel_loop3A_919, %parallel_loop3A_918 : i32
        %parallel_loop3A_921 = arith.constant 0 : i32
        %parallel_loop3A_922 = arith.addi %mul3A_860, %parallel_loop3A_921 : i32
        %parallel_loop3A_923 = arith.index_cast %parallel_loop3A_920 : i32 to index
        %parallel_loop3A_924 = arith.index_cast %parallel_loop3A_922 : i32 to index
        %parallel_loop3A_925 = tpu.vector_load %arg8[%parallel_loop3A_923, %parallel_loop3A_924] {strides = array<i32>} : memref<96x1024xf32, #tpu.memory_space<vmem>>, vector<1x16xf32>,
        %parallel_loop3A_926 = vector.shape_cast %parallel_loop3A_925 : vector<1x16xf32> to vector<16xf32>
        %parallel_loop3A_927 = arith.addf %parallel_loop3A_926, %get3A_866 : vector<16xf32>
        %parallel_loop3A_928 = arith.index_cast %parallel_loop3A_920 : i32 to index
        %parallel_loop3A_929 = arith.index_cast %parallel_loop3A_922 : i32 to index
        %parallel_loop3A_930 = tpu.vector_load %arg8[%parallel_loop3A_928, %parallel_loop3A_929] {strides = array<i32>} : memref<96x1024xf32, #tpu.memory_space<vmem>>, vector<1x16xf32>,
        %parallel_loop3A_931 = vector.shape_cast %parallel_loop3A_930 : vector<1x16xf32> to vector<16xf32>
        %parallel_loop3A_932 = vector.shape_cast %parallel_loop3A_927 : vector<16xf32> to vector<1x16xf32>
        tpu.vector_store %arg8[%parallel_loop3A_928, %parallel_loop3A_929], %parallel_loop3A_932 {strides = array<i32>} : memref<96x1024xf32, #tpu.memory_space<vmem>>, vector<1x16xf32>,
        %parallel_loop3A_933 = arith.constant 32 : i32
        %parallel_loop3A_934 = arith.addi %parallel_loop3A_933, %parallel_loop3A_918 : i32
        %parallel_loop3A_935 = arith.constant 16 : i32
        %parallel_loop3A_936 = arith.addi %mul3A_860, %parallel_loop3A_935 : i32
        %parallel_loop3A_937 = arith.index_cast %parallel_loop3A_934 : i32 to index
        %parallel_loop3A_938 = arith.index_cast %parallel_loop3A_936 : i32 to index
        %parallel_loop3A_939 = tpu.vector_load %arg8[%parallel_loop3A_937, %parallel_loop3A_938] {strides = array<i32>} : memref<96x1024xf32, #tpu.memory_space<vmem>>, vector<1x16xf32>,
        %parallel_loop3A_940 = vector.shape_cast %parallel_loop3A_939 : vector<1x16xf32> to vector<16xf32>
        %parallel_loop3A_941 = arith.addf %parallel_loop3A_940, %get3A_873 : vector<16xf32>
        %parallel_loop3A_942 = arith.index_cast %parallel_loop3A_934 : i32 to index
        %parallel_loop3A_943 = arith.index_cast %parallel_loop3A_936 : i32 to index
        %parallel_loop3A_944 = tpu.vector_load %arg8[%parallel_loop3A_942, %parallel_loop3A_943] {strides = array<i32>} : memref<96x1024xf32, #tpu.memory_space<vmem>>, vector<1x16xf32>,
        %parallel_loop3A_945 = vector.shape_cast %parallel_loop3A_944 : vector<1x16xf32> to vector<16xf32>
        %parallel_loop3A_946 = vector.shape_cast %parallel_loop3A_941 : vector<16xf32> to vector<1x16xf32>
        tpu.vector_store %arg8[%parallel_loop3A_942, %parallel_loop3A_943], %parallel_loop3A_946 {strides = array<i32>} : memref<96x1024xf32, #tpu.memory_space<vmem>>, vector<1x16xf32>,
        %parallel_loop3A_947 = arith.constant 32 : i32
        %parallel_loop3A_948 = arith.addi %parallel_loop3A_947, %parallel_loop3A_918 : i32
        %parallel_loop3A_949 = arith.constant 32 : i32
        %parallel_loop3A_950 = arith.addi %mul3A_860, %parallel_loop3A_949 : i32
        %parallel_loop3A_951 = arith.index_cast %parallel_loop3A_948 : i32 to index
        %parallel_loop3A_952 = arith.index_cast %parallel_loop3A_950 : i32 to index
        %parallel_loop3A_953 = tpu.vector_load %arg8[%parallel_loop3A_951, %parallel_loop3A_952] {strides = array<i32>} : memref<96x1024xf32, #tpu.memory_space<vmem>>, vector<1x16xf32>,
        %parallel_loop3A_954 = vector.shape_cast %parallel_loop3A_953 : vector<1x16xf32> to vector<16xf32>
        %parallel_loop3A_955 = arith.addf %parallel_loop3A_954, %get3A_880 : vector<16xf32>
        %parallel_loop3A_956 = arith.index_cast %parallel_loop3A_948 : i32 to index
        %parallel_loop3A_957 = arith.index_cast %parallel_loop3A_950 : i32 to index
        %parallel_loop3A_958 = tpu.vector_load %arg8[%parallel_loop3A_956, %parallel_loop3A_957] {strides = array<i32>} : memref<96x1024xf32, #tpu.memory_space<vmem>>, vector<1x16xf32>,
        %parallel_loop3A_959 = vector.shape_cast %parallel_loop3A_958 : vector<1x16xf32> to vector<16xf32>
        %parallel_loop3A_960 = vector.shape_cast %parallel_loop3A_955 : vector<16xf32> to vector<1x16xf32>
        tpu.vector_store %arg8[%parallel_loop3A_956, %parallel_loop3A_957], %parallel_loop3A_960 {strides = array<i32>} : memref<96x1024xf32, #tpu.memory_space<vmem>>, vector<1x16xf32>,
        %parallel_loop3A_961 = arith.constant 32 : i32
        %parallel_loop3A_962 = arith.addi %parallel_loop3A_961, %parallel_loop3A_918 : i32
        %parallel_loop3A_963 = arith.constant 48 : i32
        %parallel_loop3A_964 = arith.addi %mul3A_860, %parallel_loop3A_963 : i32
        %parallel_loop3A_965 = arith.index_cast %parallel_loop3A_962 : i32 to index
        %parallel_loop3A_966 = arith.index_cast %parallel_loop3A_964 : i32 to index
        %parallel_loop3A_967 = tpu.vector_load %arg8[%parallel_loop3A_965, %parallel_loop3A_966] {strides = array<i32>} : memref<96x1024xf32, #tpu.memory_space<vmem>>, vector<1x16xf32>,
        %parallel_loop3A_968 = vector.shape_cast %parallel_loop3A_967 : vector<1x16xf32> to vector<16xf32>
        %parallel_loop3A_969 = arith.addf %parallel_loop3A_968, %get3A_887 : vector<16xf32>
        %parallel_loop3A_970 = arith.index_cast %parallel_loop3A_962 : i32 to index
        %parallel_loop3A_971 = arith.index_cast %parallel_loop3A_964 : i32 to index
        %parallel_loop3A_972 = tpu.vector_load %arg8[%parallel_loop3A_970, %parallel_loop3A_971] {strides = array<i32>} : memref<96x1024xf32, #tpu.memory_space<vmem>>, vector<1x16xf32>,
        %parallel_loop3A_973 = vector.shape_cast %parallel_loop3A_972 : vector<1x16xf32> to vector<16xf32>
        %parallel_loop3A_974 = vector.shape_cast %parallel_loop3A_969 : vector<16xf32> to vector<1x16xf32>
        tpu.vector_store %arg8[%parallel_loop3A_970, %parallel_loop3A_971], %parallel_loop3A_974 {strides = array<i32>} : memref<96x1024xf32, #tpu.memory_space<vmem>>, vector<1x16xf32>,
        %parallel_loop3A_975 = arith.constant 32 : i32
        %parallel_loop3A_976 = arith.addi %parallel_loop3A_975, %parallel_loop3A_918 : i32
        %parallel_loop3A_977 = arith.constant 64 : i32
        %parallel_loop3A_978 = arith.addi %mul3A_860, %parallel_loop3A_977 : i32
        %parallel_loop3A_979 = arith.index_cast %parallel_loop3A_976 : i32 to index
        %parallel_loop3A_980 = arith.index_cast %parallel_loop3A_978 : i32 to index
        %parallel_loop3A_981 = tpu.vector_load %arg8[%parallel_loop3A_979, %parallel_loop3A_980] {strides = array<i32>} : memref<96x1024xf32, #tpu.memory_space<vmem>>, vector<1x16xf32>,
        %parallel_loop3A_982 = vector.shape_cast %parallel_loop3A_981 : vector<1x16xf32> to vector<16xf32>
        %parallel_loop3A_983 = arith.addf %parallel_loop3A_982, %get3A_894 : vector<16xf32>
        %parallel_loop3A_984 = arith.index_cast %parallel_loop3A_976 : i32 to index
        %parallel_loop3A_985 = arith.index_cast %parallel_loop3A_978 : i32 to index
        %parallel_loop3A_986 = tpu.vector_load %arg8[%parallel_loop3A_984, %parallel_loop3A_985] {strides = array<i32>} : memref<96x1024xf32, #tpu.memory_space<vmem>>, vector<1x16xf32>,
        %parallel_loop3A_987 = vector.shape_cast %parallel_loop3A_986 : vector<1x16xf32> to vector<16xf32>
        %parallel_loop3A_988 = vector.shape_cast %parallel_loop3A_983 : vector<16xf32> to vector<1x16xf32>
        tpu.vector_store %arg8[%parallel_loop3A_984, %parallel_loop3A_985], %parallel_loop3A_988 {strides = array<i32>} : memref<96x1024xf32, #tpu.memory_space<vmem>>, vector<1x16xf32>,
        %parallel_loop3A_989 = arith.constant 32 : i32
        %parallel_loop3A_990 = arith.addi %parallel_loop3A_989, %parallel_loop3A_918 : i32
        %parallel_loop3A_991 = arith.constant 80 : i32
        %parallel_loop3A_992 = arith.addi %mul3A_860, %parallel_loop3A_991 : i32
        %parallel_loop3A_993 = arith.index_cast %parallel_loop3A_990 : i32 to index
        %parallel_loop3A_994 = arith.index_cast %parallel_loop3A_992 : i32 to index
        %parallel_loop3A_995 = tpu.vector_load %arg8[%parallel_loop3A_993, %parallel_loop3A_994] {strides = array<i32>} : memref<96x1024xf32, #tpu.memory_space<vmem>>, vector<1x16xf32>,
        %parallel_loop3A_996 = vector.shape_cast %parallel_loop3A_995 : vector<1x16xf32> to vector<16xf32>
        %parallel_loop3A_997 = arith.addf %parallel_loop3A_996, %get3A_901 : vector<16xf32>
        %parallel_loop3A_998 = arith.index_cast %parallel_loop3A_990 : i32 to index
        %parallel_loop3A_999 = arith.index_cast %parallel_loop3A_992 : i32 to index
        %parallel_loop3A_1000 = tpu.vector_load %arg8[%parallel_loop3A_998, %parallel_loop3A_999] {strides = array<i32>} : memref<96x1024xf32, #tpu.memory_space<vmem>>, vector<1x16xf32>,
        %parallel_loop3A_1001 = vector.shape_cast %parallel_loop3A_1000 : vector<1x16xf32> to vector<16xf32>
        %parallel_loop3A_1002 = vector.shape_cast %parallel_loop3A_997 : vector<16xf32> to vector<1x16xf32>
        tpu.vector_store %arg8[%parallel_loop3A_998, %parallel_loop3A_999], %parallel_loop3A_1002 {strides = array<i32>} : memref<96x1024xf32, #tpu.memory_space<vmem>>, vector<1x16xf32>,
        %parallel_loop3A_1003 = arith.constant 32 : i32
        %parallel_loop3A_1004 = arith.addi %parallel_loop3A_1003, %parallel_loop3A_918 : i32
        %parallel_loop3A_1005 = arith.constant 96 : i32
        %parallel_loop3A_1006 = arith.addi %mul3A_860, %parallel_loop3A_1005 : i32
        %parallel_loop3A_1007 = arith.index_cast %parallel_loop3A_1004 : i32 to index
        %parallel_loop3A_1008 = arith.index_cast %parallel_loop3A_1006 : i32 to index
        %parallel_loop3A_1009 = tpu.vector_load %arg8[%parallel_loop3A_1007, %parallel_loop3A_1008] {strides = array<i32>} : memref<96x1024xf32, #tpu.memory_space<vmem>>, vector<1x16xf32>,
        %parallel_loop3A_1010 = vector.shape_cast %parallel_loop3A_1009 : vector<1x16xf32> to vector<16xf32>
        %parallel_loop3A_1011 = arith.addf %parallel_loop3A_1010, %get3A_908 : vector<16xf32>
        %parallel_loop3A_1012 = arith.index_cast %parallel_loop3A_1004 : i32 to index
        %parallel_loop3A_1013 = arith.index_cast %parallel_loop3A_1006 : i32 to index
        %parallel_loop3A_1014 = tpu.vector_load %arg8[%parallel_loop3A_1012, %parallel_loop3A_1013] {strides = array<i32>} : memref<96x1024xf32, #tpu.memory_space<vmem>>, vector<1x16xf32>,
        %parallel_loop3A_1015 = vector.shape_cast %parallel_loop3A_1014 : vector<1x16xf32> to vector<16xf32>
        %parallel_loop3A_1016 = vector.shape_cast %parallel_loop3A_1011 : vector<16xf32> to vector<1x16xf32>
        tpu.vector_store %arg8[%parallel_loop3A_1012, %parallel_loop3A_1013], %parallel_loop3A_1016 {strides = array<i32>} : memref<96x1024xf32, #tpu.memory_space<vmem>>, vector<1x16xf32>,
        %parallel_loop3A_1017 = arith.constant 32 : i32
        %parallel_loop3A_1018 = arith.addi %parallel_loop3A_1017, %parallel_loop3A_918 : i32
        %parallel_loop3A_1019 = arith.constant 112 : i32
        %parallel_loop3A_1020 = arith.addi %mul3A_860, %parallel_loop3A_1019 : i32
        %parallel_loop3A_1021 = arith.index_cast %parallel_loop3A_1018 : i32 to index
        %parallel_loop3A_1022 = arith.index_cast %parallel_loop3A_1020 : i32 to index
        %parallel_loop3A_1023 = tpu.vector_load %arg8[%parallel_loop3A_1021, %parallel_loop3A_1022] {strides = array<i32>} : memref<96x1024xf32, #tpu.memory_space<vmem>>, vector<1x16xf32>,
        %parallel_loop3A_1024 = vector.shape_cast %parallel_loop3A_1023 : vector<1x16xf32> to vector<16xf32>
        %parallel_loop3A_1025 = arith.addf %parallel_loop3A_1024, %get3A_915 : vector<16xf32>
        %parallel_loop3A_1026 = arith.index_cast %parallel_loop3A_1018 : i32 to index
        %parallel_loop3A_1027 = arith.index_cast %parallel_loop3A_1020 : i32 to index
        %parallel_loop3A_1028 = tpu.vector_load %arg8[%parallel_loop3A_1026, %parallel_loop3A_1027] {strides = array<i32>} : memref<96x1024xf32, #tpu.memory_space<vmem>>, vector<1x16xf32>,
        %parallel_loop3A_1029 = vector.shape_cast %parallel_loop3A_1028 : vector<1x16xf32> to vector<16xf32>
        %parallel_loop3A_1030 = vector.shape_cast %parallel_loop3A_1025 : vector<16xf32> to vector<1x16xf32>
        tpu.vector_store %arg8[%parallel_loop3A_1026, %parallel_loop3A_1027], %parallel_loop3A_1030 {strides = array<i32>} : memref<96x1024xf32, #tpu.memory_space<vmem>>, vector<1x16xf32>,
      } {sc.loop_unroll_factor = 2 : i64, sc.parallel_access}
    }
    %scan3A_405 = arith.constant 8 : i32
    %add3A_406 = arith.constant 224 : i32
    %add3A_407 = arith.addi %mul3A_2, %add3A_406 : i32
    %dma_start3A_408 = arith.constant 32 : i32
    %dma_start3A_409 = arith.constant 0 : i32
    %dma_start3A_410 = tpu.memref_slice %arg8[%dma_start3A_408, %dma_start3A_409] : memref<96x1024xf32, #tpu.memory_space<vmem>> -> memref<32x1024xf32, #tpu.memory_space<vmem>>
    %dma_start3A_411 = arith.constant 0 : i32
    %dma_start3A_412 = tpu.memref_slice %arg5[%add3A_407, %dma_start3A_411] : memref<16384x1024xf32, #tpu.memory_space<hbm>> -> memref<32x1024xf32, #tpu.memory_space<hbm>>
    %dma_start3A_413 = arith.constant 0 : i32
    %dma_start3A_414 = tpu.memref_slice %arg5[%add3A_407, %dma_start3A_413] : memref<16384x1024xf32, #tpu.memory_space<hbm>> -> memref<32x1024xf32, #tpu.memory_space<hbm>>
    %dma_start3A_415 = arith.constant 32 : i32
    %dma_start3A_416 = arith.constant 0 : i32
    %dma_start3A_417 = tpu.memref_slice %arg8[%dma_start3A_415, %dma_start3A_416] : memref<96x1024xf32, #tpu.memory_space<vmem>> -> memref<32x1024xf32, #tpu.memory_space<vmem>>
    tpu.enqueue_dma source(%dma_start3A_417 : memref<32x1024xf32, #tpu.memory_space<vmem>>) target(%dma_start3A_414 : memref<32x1024xf32, #tpu.memory_space<hbm>>) target_semaphore(%arg10 : memref<!tpu.dma_semaphore, #tpu.memory_space<semaphore_mem>>)
    %add3A_418 = arith.constant 192 : i32
    %add3A_419 = arith.addi %mul3A_2, %add3A_418 : i32
    %dma_wait3A_420 = arith.constant 0 : i32
    %dma_wait3A_421 = arith.constant 0 : i32
    %dma_wait3A_422 = tpu.memref_slice %arg8[%dma_wait3A_420, %dma_wait3A_421] : memref<96x1024xf32, #tpu.memory_space<vmem>> -> memref<32x1024xf32, #tpu.memory_space<vmem>>
    %dma_wait3A_423 = arith.constant 0 : i32
    %dma_wait3A_424 = tpu.memref_slice %arg5[%add3A_419, %dma_wait3A_423] : memref<16384x1024xf32, #tpu.memory_space<hbm>> -> memref<32x1024xf32, #tpu.memory_space<hbm>>
    %dma_wait3A_425 = arith.constant 0 : i32
    %dma_wait3A_426 = tpu.memref_slice %arg5[%add3A_419, %dma_wait3A_425] : memref<16384x1024xf32, #tpu.memory_space<hbm>> -> memref<32x1024xf32, #tpu.memory_space<hbm>>
    %dma_wait3A_427 = arith.constant 0 : i32
    %dma_wait3A_428 = arith.constant 0 : i32
    %dma_wait3A_429 = tpu.memref_slice %arg8[%dma_wait3A_427, %dma_wait3A_428] : memref<96x1024xf32, #tpu.memory_space<vmem>> -> memref<32x1024xf32, #tpu.memory_space<vmem>>
    tpu.wait_dma2 semaphore(%arg9 : memref<!tpu.dma_semaphore, #tpu.memory_space<semaphore_mem>>) src(%dma_wait3A_429 : memref<32x1024xf32, #tpu.memory_space<vmem>>) dst(%dma_wait3A_426 : memref<32x1024xf32, #tpu.memory_space<hbm>>)
    %add3A_430 = arith.constant 288 : i32
    %add3A_431 = arith.addi %mul3A_2, %add3A_430 : i32
    %dma_start3A_432 = arith.constant 0 : i32
    %dma_start3A_433 = arith.constant 0 : i32
    %dma_start3A_434 = tpu.memref_slice %arg8[%dma_start3A_432, %dma_start3A_433] : memref<96x1024xf32, #tpu.memory_space<vmem>> -> memref<32x1024xf32, #tpu.memory_space<vmem>>
    %dma_start3A_435 = arith.constant 0 : i32
    %dma_start3A_436 = tpu.memref_slice %arg4[%add3A_431, %dma_start3A_435] : memref<16384x1024xf32, #tpu.memory_space<hbm>> -> memref<32x1024xf32, #tpu.memory_space<hbm>>
    %dma_start3A_437 = arith.constant 0 : i32
    %dma_start3A_438 = arith.constant 0 : i32
    %dma_start3A_439 = tpu.memref_slice %arg8[%dma_start3A_437, %dma_start3A_438] : memref<96x1024xf32, #tpu.memory_space<vmem>> -> memref<32x1024xf32, #tpu.memory_space<vmem>>
    %dma_start3A_440 = arith.constant 0 : i32
    %dma_start3A_441 = tpu.memref_slice %arg4[%add3A_431, %dma_start3A_440] : memref<16384x1024xf32, #tpu.memory_space<hbm>> -> memref<32x1024xf32, #tpu.memory_space<hbm>>
    tpu.enqueue_dma source(%dma_start3A_441 : memref<32x1024xf32, #tpu.memory_space<hbm>>) target(%dma_start3A_439 : memref<32x1024xf32, #tpu.memory_space<vmem>>) target_semaphore(%arg9 : memref<!tpu.dma_semaphore, #tpu.memory_space<semaphore_mem>>)
    %add3A_442 = arith.constant 256 : i32
    %add3A_443 = arith.addi %mul3A_2, %add3A_442 : i32
    %dma_wait3A_444 = arith.constant 64 : i32
    %dma_wait3A_445 = arith.constant 0 : i32
    %dma_wait3A_446 = tpu.memref_slice %arg8[%dma_wait3A_444, %dma_wait3A_445] : memref<96x1024xf32, #tpu.memory_space<vmem>> -> memref<32x1024xf32, #tpu.memory_space<vmem>>
    %dma_wait3A_447 = arith.constant 0 : i32
    %dma_wait3A_448 = tpu.memref_slice %arg4[%add3A_443, %dma_wait3A_447] : memref<16384x1024xf32, #tpu.memory_space<hbm>> -> memref<32x1024xf32, #tpu.memory_space<hbm>>
    %dma_wait3A_449 = arith.constant 64 : i32
    %dma_wait3A_450 = arith.constant 0 : i32
    %dma_wait3A_451 = tpu.memref_slice %arg8[%dma_wait3A_449, %dma_wait3A_450] : memref<96x1024xf32, #tpu.memory_space<vmem>> -> memref<32x1024xf32, #tpu.memory_space<vmem>>
    %dma_wait3A_452 = arith.constant 0 : i32
    %dma_wait3A_453 = tpu.memref_slice %arg4[%add3A_443, %dma_wait3A_452] : memref<16384x1024xf32, #tpu.memory_space<hbm>> -> memref<32x1024xf32, #tpu.memory_space<hbm>>
    tpu.wait_dma2 semaphore(%arg11 : memref<!tpu.dma_semaphore, #tpu.memory_space<semaphore_mem>>) src(%dma_wait3A_453 : memref<32x1024xf32, #tpu.memory_space<hbm>>) dst(%dma_wait3A_451 : memref<32x1024xf32, #tpu.memory_space<vmem>>)
    %scan3A_454 = arith.constant 0 : i32
    %scan3A_455 = arith.constant 8 : i32
    %scan3A_456 = arith.addi %scan3A_454, %scan3A_455 : i32
    %scan3A_457 = arith.constant 1 : i32
    scf.for %scan3A_854 = %scan3A_454 to %scan3A_456 step %scan3A_457  : i32 {
      %mul3A_855 = arith.constant 1 : i32
      %mul3A_856 = arith.muli %scan3A_854, %mul3A_855 : i32
      %add3A_857 = arith.constant 0 : i32
      %add3A_858 = arith.addi %add3A_857, %mul3A_856 : i32
      %mul3A_859 = arith.constant 128 : i32
      %mul3A_860 = arith.muli %add3A_858, %mul3A_859 : i32
      %add3A_861 = arith.constant 0 : i32
      %add3A_862 = arith.addi %mul3A_860, %add3A_861 : i32
      %get3A = arith.constant 0 : i32
      %get3A_863 = arith.index_cast %get3A : i32 to index
      %get3A_864 = arith.index_cast %add3A_862 : i32 to index
      %get3A_865 = tpu.vector_load %arg7[%get3A_863, %get3A_864] {strides = array<i32>} : memref<8x1024xf32, #tpu.memory_space<vmem>>, vector<1x16xf32>,
      %get3A_866 = vector.shape_cast %get3A_865 : vector<1x16xf32> to vector<16xf32>
      %add3A_867 = arith.constant 16 : i32
      %add3A_868 = arith.addi %mul3A_860, %add3A_867 : i32
      %get3A_869 = arith.constant 0 : i32
      %get3A_870 = arith.index_cast %get3A_869 : i32 to index
      %get3A_871 = arith.index_cast %add3A_868 : i32 to index
      %get3A_872 = tpu.vector_load %arg7[%get3A_870, %get3A_871] {strides = array<i32>} : memref<8x1024xf32, #tpu.memory_space<vmem>>, vector<1x16xf32>,
      %get3A_873 = vector.shape_cast %get3A_872 : vector<1x16xf32> to vector<16xf32>
      %add3A_874 = arith.constant 32 : i32
      %add3A_875 = arith.addi %mul3A_860, %add3A_874 : i32
      %get3A_876 = arith.constant 0 : i32
      %get3A_877 = arith.index_cast %get3A_876 : i32 to index
      %get3A_878 = arith.index_cast %add3A_875 : i32 to index
      %get3A_879 = tpu.vector_load %arg7[%get3A_877, %get3A_878] {strides = array<i32>} : memref<8x1024xf32, #tpu.memory_space<vmem>>, vector<1x16xf32>,
      %get3A_880 = vector.shape_cast %get3A_879 : vector<1x16xf32> to vector<16xf32>
      %add3A_881 = arith.constant 48 : i32
      %add3A_882 = arith.addi %mul3A_860, %add3A_881 : i32
      %get3A_883 = arith.constant 0 : i32
      %get3A_884 = arith.index_cast %get3A_883 : i32 to index
      %get3A_885 = arith.index_cast %add3A_882 : i32 to index
      %get3A_886 = tpu.vector_load %arg7[%get3A_884, %get3A_885] {strides = array<i32>} : memref<8x1024xf32, #tpu.memory_space<vmem>>, vector<1x16xf32>,
      %get3A_887 = vector.shape_cast %get3A_886 : vector<1x16xf32> to vector<16xf32>
      %add3A_888 = arith.constant 64 : i32
      %add3A_889 = arith.addi %mul3A_860, %add3A_888 : i32
      %get3A_890 = arith.constant 0 : i32
      %get3A_891 = arith.index_cast %get3A_890 : i32 to index
      %get3A_892 = arith.index_cast %add3A_889 : i32 to index
      %get3A_893 = tpu.vector_load %arg7[%get3A_891, %get3A_892] {strides = array<i32>} : memref<8x1024xf32, #tpu.memory_space<vmem>>, vector<1x16xf32>,
      %get3A_894 = vector.shape_cast %get3A_893 : vector<1x16xf32> to vector<16xf32>
      %add3A_895 = arith.constant 80 : i32
      %add3A_896 = arith.addi %mul3A_860, %add3A_895 : i32
      %get3A_897 = arith.constant 0 : i32
      %get3A_898 = arith.index_cast %get3A_897 : i32 to index
      %get3A_899 = arith.index_cast %add3A_896 : i32 to index
      %get3A_900 = tpu.vector_load %arg7[%get3A_898, %get3A_899] {strides = array<i32>} : memref<8x1024xf32, #tpu.memory_space<vmem>>, vector<1x16xf32>,
      %get3A_901 = vector.shape_cast %get3A_900 : vector<1x16xf32> to vector<16xf32>
      %add3A_902 = arith.constant 96 : i32
      %add3A_903 = arith.addi %mul3A_860, %add3A_902 : i32
      %get3A_904 = arith.constant 0 : i32
      %get3A_905 = arith.index_cast %get3A_904 : i32 to index
      %get3A_906 = arith.index_cast %add3A_903 : i32 to index
      %get3A_907 = tpu.vector_load %arg7[%get3A_905, %get3A_906] {strides = array<i32>} : memref<8x1024xf32, #tpu.memory_space<vmem>>, vector<1x16xf32>,
      %get3A_908 = vector.shape_cast %get3A_907 : vector<1x16xf32> to vector<16xf32>
      %add3A_909 = arith.constant 112 : i32
      %add3A_910 = arith.addi %mul3A_860, %add3A_909 : i32
      %get3A_911 = arith.constant 0 : i32
      %get3A_912 = arith.index_cast %get3A_911 : i32 to index
      %get3A_913 = arith.index_cast %add3A_910 : i32 to index
      %get3A_914 = tpu.vector_load %arg7[%get3A_912, %get3A_913] {strides = array<i32>} : memref<8x1024xf32, #tpu.memory_space<vmem>>, vector<1x16xf32>,
      %get3A_915 = vector.shape_cast %get3A_914 : vector<1x16xf32> to vector<16xf32>
      %parallel_loop3A = arith.constant 0 : i32
      %parallel_loop3A_916 = arith.constant 32 : i32
      %parallel_loop3A_917 = arith.constant 1 : i32
      scf.for %parallel_loop3A_918 = %parallel_loop3A to %parallel_loop3A_916 step %parallel_loop3A_917  : i32 {
        %parallel_loop3A_919 = arith.constant 64 : i32
        %parallel_loop3A_920 = arith.addi %parallel_loop3A_919, %parallel_loop3A_918 : i32
        %parallel_loop3A_921 = arith.constant 0 : i32
        %parallel_loop3A_922 = arith.addi %mul3A_860, %parallel_loop3A_921 : i32
        %parallel_loop3A_923 = arith.index_cast %parallel_loop3A_920 : i32 to index
        %parallel_loop3A_924 = arith.index_cast %parallel_loop3A_922 : i32 to index
        %parallel_loop3A_925 = tpu.vector_load %arg8[%parallel_loop3A_923, %parallel_loop3A_924] {strides = array<i32>} : memref<96x1024xf32, #tpu.memory_space<vmem>>, vector<1x16xf32>,
        %parallel_loop3A_926 = vector.shape_cast %parallel_loop3A_925 : vector<1x16xf32> to vector<16xf32>
        %parallel_loop3A_927 = arith.addf %parallel_loop3A_926, %get3A_866 : vector<16xf32>
        %parallel_loop3A_928 = arith.index_cast %parallel_loop3A_920 : i32 to index
        %parallel_loop3A_929 = arith.index_cast %parallel_loop3A_922 : i32 to index
        %parallel_loop3A_930 = tpu.vector_load %arg8[%parallel_loop3A_928, %parallel_loop3A_929] {strides = array<i32>} : memref<96x1024xf32, #tpu.memory_space<vmem>>, vector<1x16xf32>,
        %parallel_loop3A_931 = vector.shape_cast %parallel_loop3A_930 : vector<1x16xf32> to vector<16xf32>
        %parallel_loop3A_932 = vector.shape_cast %parallel_loop3A_927 : vector<16xf32> to vector<1x16xf32>
        tpu.vector_store %arg8[%parallel_loop3A_928, %parallel_loop3A_929], %parallel_loop3A_932 {strides = array<i32>} : memref<96x1024xf32, #tpu.memory_space<vmem>>, vector<1x16xf32>,
        %parallel_loop3A_933 = arith.constant 64 : i32
        %parallel_loop3A_934 = arith.addi %parallel_loop3A_933, %parallel_loop3A_918 : i32
        %parallel_loop3A_935 = arith.constant 16 : i32
        %parallel_loop3A_936 = arith.addi %mul3A_860, %parallel_loop3A_935 : i32
        %parallel_loop3A_937 = arith.index_cast %parallel_loop3A_934 : i32 to index
        %parallel_loop3A_938 = arith.index_cast %parallel_loop3A_936 : i32 to index
        %parallel_loop3A_939 = tpu.vector_load %arg8[%parallel_loop3A_937, %parallel_loop3A_938] {strides = array<i32>} : memref<96x1024xf32, #tpu.memory_space<vmem>>, vector<1x16xf32>,
        %parallel_loop3A_940 = vector.shape_cast %parallel_loop3A_939 : vector<1x16xf32> to vector<16xf32>
        %parallel_loop3A_941 = arith.addf %parallel_loop3A_940, %get3A_873 : vector<16xf32>
        %parallel_loop3A_942 = arith.index_cast %parallel_loop3A_934 : i32 to index
        %parallel_loop3A_943 = arith.index_cast %parallel_loop3A_936 : i32 to index
        %parallel_loop3A_944 = tpu.vector_load %arg8[%parallel_loop3A_942, %parallel_loop3A_943] {strides = array<i32>} : memref<96x1024xf32, #tpu.memory_space<vmem>>, vector<1x16xf32>,
        %parallel_loop3A_945 = vector.shape_cast %parallel_loop3A_944 : vector<1x16xf32> to vector<16xf32>
        %parallel_loop3A_946 = vector.shape_cast %parallel_loop3A_941 : vector<16xf32> to vector<1x16xf32>
        tpu.vector_store %arg8[%parallel_loop3A_942, %parallel_loop3A_943], %parallel_loop3A_946 {strides = array<i32>} : memref<96x1024xf32, #tpu.memory_space<vmem>>, vector<1x16xf32>,
        %parallel_loop3A_947 = arith.constant 64 : i32
        %parallel_loop3A_948 = arith.addi %parallel_loop3A_947, %parallel_loop3A_918 : i32
        %parallel_loop3A_949 = arith.constant 32 : i32
        %parallel_loop3A_950 = arith.addi %mul3A_860, %parallel_loop3A_949 : i32
        %parallel_loop3A_951 = arith.index_cast %parallel_loop3A_948 : i32 to index
        %parallel_loop3A_952 = arith.index_cast %parallel_loop3A_950 : i32 to index
        %parallel_loop3A_953 = tpu.vector_load %arg8[%parallel_loop3A_951, %parallel_loop3A_952] {strides = array<i32>} : memref<96x1024xf32, #tpu.memory_space<vmem>>, vector<1x16xf32>,
        %parallel_loop3A_954 = vector.shape_cast %parallel_loop3A_953 : vector<1x16xf32> to vector<16xf32>
        %parallel_loop3A_955 = arith.addf %parallel_loop3A_954, %get3A_880 : vector<16xf32>
        %parallel_loop3A_956 = arith.index_cast %parallel_loop3A_948 : i32 to index
        %parallel_loop3A_957 = arith.index_cast %parallel_loop3A_950 : i32 to index
        %parallel_loop3A_958 = tpu.vector_load %arg8[%parallel_loop3A_956, %parallel_loop3A_957] {strides = array<i32>} : memref<96x1024xf32, #tpu.memory_space<vmem>>, vector<1x16xf32>,
        %parallel_loop3A_959 = vector.shape_cast %parallel_loop3A_958 : vector<1x16xf32> to vector<16xf32>
        %parallel_loop3A_960 = vector.shape_cast %parallel_loop3A_955 : vector<16xf32> to vector<1x16xf32>
        tpu.vector_store %arg8[%parallel_loop3A_956, %parallel_loop3A_957], %parallel_loop3A_960 {strides = array<i32>} : memref<96x1024xf32, #tpu.memory_space<vmem>>, vector<1x16xf32>,
        %parallel_loop3A_961 = arith.constant 64 : i32
        %parallel_loop3A_962 = arith.addi %parallel_loop3A_961, %parallel_loop3A_918 : i32
        %parallel_loop3A_963 = arith.constant 48 : i32
        %parallel_loop3A_964 = arith.addi %mul3A_860, %parallel_loop3A_963 : i32
        %parallel_loop3A_965 = arith.index_cast %parallel_loop3A_962 : i32 to index
        %parallel_loop3A_966 = arith.index_cast %parallel_loop3A_964 : i32 to index
        %parallel_loop3A_967 = tpu.vector_load %arg8[%parallel_loop3A_965, %parallel_loop3A_966] {strides = array<i32>} : memref<96x1024xf32, #tpu.memory_space<vmem>>, vector<1x16xf32>,
        %parallel_loop3A_968 = vector.shape_cast %parallel_loop3A_967 : vector<1x16xf32> to vector<16xf32>
        %parallel_loop3A_969 = arith.addf %parallel_loop3A_968, %get3A_887 : vector<16xf32>
        %parallel_loop3A_970 = arith.index_cast %parallel_loop3A_962 : i32 to index
        %parallel_loop3A_971 = arith.index_cast %parallel_loop3A_964 : i32 to index
        %parallel_loop3A_972 = tpu.vector_load %arg8[%parallel_loop3A_970, %parallel_loop3A_971] {strides = array<i32>} : memref<96x1024xf32, #tpu.memory_space<vmem>>, vector<1x16xf32>,
        %parallel_loop3A_973 = vector.shape_cast %parallel_loop3A_972 : vector<1x16xf32> to vector<16xf32>
        %parallel_loop3A_974 = vector.shape_cast %parallel_loop3A_969 : vector<16xf32> to vector<1x16xf32>
        tpu.vector_store %arg8[%parallel_loop3A_970, %parallel_loop3A_971], %parallel_loop3A_974 {strides = array<i32>} : memref<96x1024xf32, #tpu.memory_space<vmem>>, vector<1x16xf32>,
        %parallel_loop3A_975 = arith.constant 64 : i32
        %parallel_loop3A_976 = arith.addi %parallel_loop3A_975, %parallel_loop3A_918 : i32
        %parallel_loop3A_977 = arith.constant 64 : i32
        %parallel_loop3A_978 = arith.addi %mul3A_860, %parallel_loop3A_977 : i32
        %parallel_loop3A_979 = arith.index_cast %parallel_loop3A_976 : i32 to index
        %parallel_loop3A_980 = arith.index_cast %parallel_loop3A_978 : i32 to index
        %parallel_loop3A_981 = tpu.vector_load %arg8[%parallel_loop3A_979, %parallel_loop3A_980] {strides = array<i32>} : memref<96x1024xf32, #tpu.memory_space<vmem>>, vector<1x16xf32>,
        %parallel_loop3A_982 = vector.shape_cast %parallel_loop3A_981 : vector<1x16xf32> to vector<16xf32>
        %parallel_loop3A_983 = arith.addf %parallel_loop3A_982, %get3A_894 : vector<16xf32>
        %parallel_loop3A_984 = arith.index_cast %parallel_loop3A_976 : i32 to index
        %parallel_loop3A_985 = arith.index_cast %parallel_loop3A_978 : i32 to index
        %parallel_loop3A_986 = tpu.vector_load %arg8[%parallel_loop3A_984, %parallel_loop3A_985] {strides = array<i32>} : memref<96x1024xf32, #tpu.memory_space<vmem>>, vector<1x16xf32>,
        %parallel_loop3A_987 = vector.shape_cast %parallel_loop3A_986 : vector<1x16xf32> to vector<16xf32>
        %parallel_loop3A_988 = vector.shape_cast %parallel_loop3A_983 : vector<16xf32> to vector<1x16xf32>
        tpu.vector_store %arg8[%parallel_loop3A_984, %parallel_loop3A_985], %parallel_loop3A_988 {strides = array<i32>} : memref<96x1024xf32, #tpu.memory_space<vmem>>, vector<1x16xf32>,
        %parallel_loop3A_989 = arith.constant 64 : i32
        %parallel_loop3A_990 = arith.addi %parallel_loop3A_989, %parallel_loop3A_918 : i32
        %parallel_loop3A_991 = arith.constant 80 : i32
        %parallel_loop3A_992 = arith.addi %mul3A_860, %parallel_loop3A_991 : i32
        %parallel_loop3A_993 = arith.index_cast %parallel_loop3A_990 : i32 to index
        %parallel_loop3A_994 = arith.index_cast %parallel_loop3A_992 : i32 to index
        %parallel_loop3A_995 = tpu.vector_load %arg8[%parallel_loop3A_993, %parallel_loop3A_994] {strides = array<i32>} : memref<96x1024xf32, #tpu.memory_space<vmem>>, vector<1x16xf32>,
        %parallel_loop3A_996 = vector.shape_cast %parallel_loop3A_995 : vector<1x16xf32> to vector<16xf32>
        %parallel_loop3A_997 = arith.addf %parallel_loop3A_996, %get3A_901 : vector<16xf32>
        %parallel_loop3A_998 = arith.index_cast %parallel_loop3A_990 : i32 to index
        %parallel_loop3A_999 = arith.index_cast %parallel_loop3A_992 : i32 to index
        %parallel_loop3A_1000 = tpu.vector_load %arg8[%parallel_loop3A_998, %parallel_loop3A_999] {strides = array<i32>} : memref<96x1024xf32, #tpu.memory_space<vmem>>, vector<1x16xf32>,
        %parallel_loop3A_1001 = vector.shape_cast %parallel_loop3A_1000 : vector<1x16xf32> to vector<16xf32>
        %parallel_loop3A_1002 = vector.shape_cast %parallel_loop3A_997 : vector<16xf32> to vector<1x16xf32>
        tpu.vector_store %arg8[%parallel_loop3A_998, %parallel_loop3A_999], %parallel_loop3A_1002 {strides = array<i32>} : memref<96x1024xf32, #tpu.memory_space<vmem>>, vector<1x16xf32>,
        %parallel_loop3A_1003 = arith.constant 64 : i32
        %parallel_loop3A_1004 = arith.addi %parallel_loop3A_1003, %parallel_loop3A_918 : i32
        %parallel_loop3A_1005 = arith.constant 96 : i32
        %parallel_loop3A_1006 = arith.addi %mul3A_860, %parallel_loop3A_1005 : i32
        %parallel_loop3A_1007 = arith.index_cast %parallel_loop3A_1004 : i32 to index
        %parallel_loop3A_1008 = arith.index_cast %parallel_loop3A_1006 : i32 to index
        %parallel_loop3A_1009 = tpu.vector_load %arg8[%parallel_loop3A_1007, %parallel_loop3A_1008] {strides = array<i32>} : memref<96x1024xf32, #tpu.memory_space<vmem>>, vector<1x16xf32>,
        %parallel_loop3A_1010 = vector.shape_cast %parallel_loop3A_1009 : vector<1x16xf32> to vector<16xf32>
        %parallel_loop3A_1011 = arith.addf %parallel_loop3A_1010, %get3A_908 : vector<16xf32>
        %parallel_loop3A_1012 = arith.index_cast %parallel_loop3A_1004 : i32 to index
        %parallel_loop3A_1013 = arith.index_cast %parallel_loop3A_1006 : i32 to index
        %parallel_loop3A_1014 = tpu.vector_load %arg8[%parallel_loop3A_1012, %parallel_loop3A_1013] {strides = array<i32>} : memref<96x1024xf32, #tpu.memory_space<vmem>>, vector<1x16xf32>,
        %parallel_loop3A_1015 = vector.shape_cast %parallel_loop3A_1014 : vector<1x16xf32> to vector<16xf32>
        %parallel_loop3A_1016 = vector.shape_cast %parallel_loop3A_1011 : vector<16xf32> to vector<1x16xf32>
        tpu.vector_store %arg8[%parallel_loop3A_1012, %parallel_loop3A_1013], %parallel_loop3A_1016 {strides = array<i32>} : memref<96x1024xf32, #tpu.memory_space<vmem>>, vector<1x16xf32>,
        %parallel_loop3A_1017 = arith.constant 64 : i32
        %parallel_loop3A_1018 = arith.addi %parallel_loop3A_1017, %parallel_loop3A_918 : i32
        %parallel_loop3A_1019 = arith.constant 112 : i32
        %parallel_loop3A_1020 = arith.addi %mul3A_860, %parallel_loop3A_1019 : i32
        %parallel_loop3A_1021 = arith.index_cast %parallel_loop3A_1018 : i32 to index
        %parallel_loop3A_1022 = arith.index_cast %parallel_loop3A_1020 : i32 to index
        %parallel_loop3A_1023 = tpu.vector_load %arg8[%parallel_loop3A_1021, %parallel_loop3A_1022] {strides = array<i32>} : memref<96x1024xf32, #tpu.memory_space<vmem>>, vector<1x16xf32>,
        %parallel_loop3A_1024 = vector.shape_cast %parallel_loop3A_1023 : vector<1x16xf32> to vector<16xf32>
        %parallel_loop3A_1025 = arith.addf %parallel_loop3A_1024, %get3A_915 : vector<16xf32>
        %parallel_loop3A_1026 = arith.index_cast %parallel_loop3A_1018 : i32 to index
        %parallel_loop3A_1027 = arith.index_cast %parallel_loop3A_1020 : i32 to index
        %parallel_loop3A_1028 = tpu.vector_load %arg8[%parallel_loop3A_1026, %parallel_loop3A_1027] {strides = array<i32>} : memref<96x1024xf32, #tpu.memory_space<vmem>>, vector<1x16xf32>,
        %parallel_loop3A_1029 = vector.shape_cast %parallel_loop3A_1028 : vector<1x16xf32> to vector<16xf32>
        %parallel_loop3A_1030 = vector.shape_cast %parallel_loop3A_1025 : vector<16xf32> to vector<1x16xf32>
        tpu.vector_store %arg8[%parallel_loop3A_1026, %parallel_loop3A_1027], %parallel_loop3A_1030 {strides = array<i32>} : memref<96x1024xf32, #tpu.memory_space<vmem>>, vector<1x16xf32>,
      } {sc.loop_unroll_factor = 2 : i64, sc.parallel_access}
    }
    %scan3A_458 = arith.constant 8 : i32
    %add3A_459 = arith.constant 256 : i32
    %add3A_460 = arith.addi %mul3A_2, %add3A_459 : i32
    %dma_start3A_461 = arith.constant 64 : i32
    %dma_start3A_462 = arith.constant 0 : i32
    %dma_start3A_463 = tpu.memref_slice %arg8[%dma_start3A_461, %dma_start3A_462] : memref<96x1024xf32, #tpu.memory_space<vmem>> -> memref<32x1024xf32, #tpu.memory_space<vmem>>
    %dma_start3A_464 = arith.constant 0 : i32
    %dma_start3A_465 = tpu.memref_slice %arg5[%add3A_460, %dma_start3A_464] : memref<16384x1024xf32, #tpu.memory_space<hbm>> -> memref<32x1024xf32, #tpu.memory_space<hbm>>
    %dma_start3A_466 = arith.constant 0 : i32
    %dma_start3A_467 = tpu.memref_slice %arg5[%add3A_460, %dma_start3A_466] : memref<16384x1024xf32, #tpu.memory_space<hbm>> -> memref<32x1024xf32, #tpu.memory_space<hbm>>
    %dma_start3A_468 = arith.constant 64 : i32
    %dma_start3A_469 = arith.constant 0 : i32
    %dma_start3A_470 = tpu.memref_slice %arg8[%dma_start3A_468, %dma_start3A_469] : memref<96x1024xf32, #tpu.memory_space<vmem>> -> memref<32x1024xf32, #tpu.memory_space<vmem>>
    tpu.enqueue_dma source(%dma_start3A_470 : memref<32x1024xf32, #tpu.memory_space<vmem>>) target(%dma_start3A_467 : memref<32x1024xf32, #tpu.memory_space<hbm>>) target_semaphore(%arg11 : memref<!tpu.dma_semaphore, #tpu.memory_space<semaphore_mem>>)
    %add3A_471 = arith.constant 224 : i32
    %add3A_472 = arith.addi %mul3A_2, %add3A_471 : i32
    %dma_wait3A_473 = arith.constant 32 : i32
    %dma_wait3A_474 = arith.constant 0 : i32
    %dma_wait3A_475 = tpu.memref_slice %arg8[%dma_wait3A_473, %dma_wait3A_474] : memref<96x1024xf32, #tpu.memory_space<vmem>> -> memref<32x1024xf32, #tpu.memory_space<vmem>>
    %dma_wait3A_476 = arith.constant 0 : i32
    %dma_wait3A_477 = tpu.memref_slice %arg5[%add3A_472, %dma_wait3A_476] : memref<16384x1024xf32, #tpu.memory_space<hbm>> -> memref<32x1024xf32, #tpu.memory_space<hbm>>
    %dma_wait3A_478 = arith.constant 0 : i32
    %dma_wait3A_479 = tpu.memref_slice %arg5[%add3A_472, %dma_wait3A_478] : memref<16384x1024xf32, #tpu.memory_space<hbm>> -> memref<32x1024xf32, #tpu.memory_space<hbm>>
    %dma_wait3A_480 = arith.constant 32 : i32
    %dma_wait3A_481 = arith.constant 0 : i32
    %dma_wait3A_482 = tpu.memref_slice %arg8[%dma_wait3A_480, %dma_wait3A_481] : memref<96x1024xf32, #tpu.memory_space<vmem>> -> memref<32x1024xf32, #tpu.memory_space<vmem>>
    tpu.wait_dma2 semaphore(%arg10 : memref<!tpu.dma_semaphore, #tpu.memory_space<semaphore_mem>>) src(%dma_wait3A_482 : memref<32x1024xf32, #tpu.memory_space<vmem>>) dst(%dma_wait3A_479 : memref<32x1024xf32, #tpu.memory_space<hbm>>)
    %add3A_483 = arith.constant 320 : i32
    %add3A_484 = arith.addi %mul3A_2, %add3A_483 : i32
    %dma_start3A_485 = arith.constant 32 : i32
    %dma_start3A_486 = arith.constant 0 : i32
    %dma_start3A_487 = tpu.memref_slice %arg8[%dma_start3A_485, %dma_start3A_486] : memref<96x1024xf32, #tpu.memory_space<vmem>> -> memref<32x1024xf32, #tpu.memory_space<vmem>>
    %dma_start3A_488 = arith.constant 0 : i32
    %dma_start3A_489 = tpu.memref_slice %arg4[%add3A_484, %dma_start3A_488] : memref<16384x1024xf32, #tpu.memory_space<hbm>> -> memref<32x1024xf32, #tpu.memory_space<hbm>>
    %dma_start3A_490 = arith.constant 32 : i32
    %dma_start3A_491 = arith.constant 0 : i32
    %dma_start3A_492 = tpu.memref_slice %arg8[%dma_start3A_490, %dma_start3A_491] : memref<96x1024xf32, #tpu.memory_space<vmem>> -> memref<32x1024xf32, #tpu.memory_space<vmem>>
    %dma_start3A_493 = arith.constant 0 : i32
    %dma_start3A_494 = tpu.memref_slice %arg4[%add3A_484, %dma_start3A_493] : memref<16384x1024xf32, #tpu.memory_space<hbm>> -> memref<32x1024xf32, #tpu.memory_space<hbm>>
    tpu.enqueue_dma source(%dma_start3A_494 : memref<32x1024xf32, #tpu.memory_space<hbm>>) target(%dma_start3A_492 : memref<32x1024xf32, #tpu.memory_space<vmem>>) target_semaphore(%arg10 : memref<!tpu.dma_semaphore, #tpu.memory_space<semaphore_mem>>)
    %add3A_495 = arith.constant 288 : i32
    %add3A_496 = arith.addi %mul3A_2, %add3A_495 : i32
    %dma_wait3A_497 = arith.constant 0 : i32
    %dma_wait3A_498 = arith.constant 0 : i32
    %dma_wait3A_499 = tpu.memref_slice %arg8[%dma_wait3A_497, %dma_wait3A_498] : memref<96x1024xf32, #tpu.memory_space<vmem>> -> memref<32x1024xf32, #tpu.memory_space<vmem>>
    %dma_wait3A_500 = arith.constant 0 : i32
    %dma_wait3A_501 = tpu.memref_slice %arg4[%add3A_496, %dma_wait3A_500] : memref<16384x1024xf32, #tpu.memory_space<hbm>> -> memref<32x1024xf32, #tpu.memory_space<hbm>>
    %dma_wait3A_502 = arith.constant 0 : i32
    %dma_wait3A_503 = arith.constant 0 : i32
    %dma_wait3A_504 = tpu.memref_slice %arg8[%dma_wait3A_502, %dma_wait3A_503] : memref<96x1024xf32, #tpu.memory_space<vmem>> -> memref<32x1024xf32, #tpu.memory_space<vmem>>
    %dma_wait3A_505 = arith.constant 0 : i32
    %dma_wait3A_506 = tpu.memref_slice %arg4[%add3A_496, %dma_wait3A_505] : memref<16384x1024xf32, #tpu.memory_space<hbm>> -> memref<32x1024xf32, #tpu.memory_space<hbm>>
    tpu.wait_dma2 semaphore(%arg9 : memref<!tpu.dma_semaphore, #tpu.memory_space<semaphore_mem>>) src(%dma_wait3A_506 : memref<32x1024xf32, #tpu.memory_space<hbm>>) dst(%dma_wait3A_504 : memref<32x1024xf32, #tpu.memory_space<vmem>>)
    %scan3A_507 = arith.constant 0 : i32
    %scan3A_508 = arith.constant 8 : i32
    %scan3A_509 = arith.addi %scan3A_507, %scan3A_508 : i32
    %scan3A_510 = arith.constant 1 : i32
    scf.for %scan3A_854 = %scan3A_507 to %scan3A_509 step %scan3A_510  : i32 {
      %mul3A_855 = arith.constant 1 : i32
      %mul3A_856 = arith.muli %scan3A_854, %mul3A_855 : i32
      %add3A_857 = arith.constant 0 : i32
      %add3A_858 = arith.addi %add3A_857, %mul3A_856 : i32
      %mul3A_859 = arith.constant 128 : i32
      %mul3A_860 = arith.muli %add3A_858, %mul3A_859 : i32
      %add3A_861 = arith.constant 0 : i32
      %add3A_862 = arith.addi %mul3A_860, %add3A_861 : i32
      %get3A = arith.constant 0 : i32
      %get3A_863 = arith.index_cast %get3A : i32 to index
      %get3A_864 = arith.index_cast %add3A_862 : i32 to index
      %get3A_865 = tpu.vector_load %arg7[%get3A_863, %get3A_864] {strides = array<i32>} : memref<8x1024xf32, #tpu.memory_space<vmem>>, vector<1x16xf32>,
      %get3A_866 = vector.shape_cast %get3A_865 : vector<1x16xf32> to vector<16xf32>
      %add3A_867 = arith.constant 16 : i32
      %add3A_868 = arith.addi %mul3A_860, %add3A_867 : i32
      %get3A_869 = arith.constant 0 : i32
      %get3A_870 = arith.index_cast %get3A_869 : i32 to index
      %get3A_871 = arith.index_cast %add3A_868 : i32 to index
      %get3A_872 = tpu.vector_load %arg7[%get3A_870, %get3A_871] {strides = array<i32>} : memref<8x1024xf32, #tpu.memory_space<vmem>>, vector<1x16xf32>,
      %get3A_873 = vector.shape_cast %get3A_872 : vector<1x16xf32> to vector<16xf32>
      %add3A_874 = arith.constant 32 : i32
      %add3A_875 = arith.addi %mul3A_860, %add3A_874 : i32
      %get3A_876 = arith.constant 0 : i32
      %get3A_877 = arith.index_cast %get3A_876 : i32 to index
      %get3A_878 = arith.index_cast %add3A_875 : i32 to index
      %get3A_879 = tpu.vector_load %arg7[%get3A_877, %get3A_878] {strides = array<i32>} : memref<8x1024xf32, #tpu.memory_space<vmem>>, vector<1x16xf32>,
      %get3A_880 = vector.shape_cast %get3A_879 : vector<1x16xf32> to vector<16xf32>
      %add3A_881 = arith.constant 48 : i32
      %add3A_882 = arith.addi %mul3A_860, %add3A_881 : i32
      %get3A_883 = arith.constant 0 : i32
      %get3A_884 = arith.index_cast %get3A_883 : i32 to index
      %get3A_885 = arith.index_cast %add3A_882 : i32 to index
      %get3A_886 = tpu.vector_load %arg7[%get3A_884, %get3A_885] {strides = array<i32>} : memref<8x1024xf32, #tpu.memory_space<vmem>>, vector<1x16xf32>,
      %get3A_887 = vector.shape_cast %get3A_886 : vector<1x16xf32> to vector<16xf32>
      %add3A_888 = arith.constant 64 : i32
      %add3A_889 = arith.addi %mul3A_860, %add3A_888 : i32
      %get3A_890 = arith.constant 0 : i32
      %get3A_891 = arith.index_cast %get3A_890 : i32 to index
      %get3A_892 = arith.index_cast %add3A_889 : i32 to index
      %get3A_893 = tpu.vector_load %arg7[%get3A_891, %get3A_892] {strides = array<i32>} : memref<8x1024xf32, #tpu.memory_space<vmem>>, vector<1x16xf32>,
      %get3A_894 = vector.shape_cast %get3A_893 : vector<1x16xf32> to vector<16xf32>
      %add3A_895 = arith.constant 80 : i32
      %add3A_896 = arith.addi %mul3A_860, %add3A_895 : i32
      %get3A_897 = arith.constant 0 : i32
      %get3A_898 = arith.index_cast %get3A_897 : i32 to index
      %get3A_899 = arith.index_cast %add3A_896 : i32 to index
      %get3A_900 = tpu.vector_load %arg7[%get3A_898, %get3A_899] {strides = array<i32>} : memref<8x1024xf32, #tpu.memory_space<vmem>>, vector<1x16xf32>,
      %get3A_901 = vector.shape_cast %get3A_900 : vector<1x16xf32> to vector<16xf32>
      %add3A_902 = arith.constant 96 : i32
      %add3A_903 = arith.addi %mul3A_860, %add3A_902 : i32
      %get3A_904 = arith.constant 0 : i32
      %get3A_905 = arith.index_cast %get3A_904 : i32 to index
      %get3A_906 = arith.index_cast %add3A_903 : i32 to index
      %get3A_907 = tpu.vector_load %arg7[%get3A_905, %get3A_906] {strides = array<i32>} : memref<8x1024xf32, #tpu.memory_space<vmem>>, vector<1x16xf32>,
      %get3A_908 = vector.shape_cast %get3A_907 : vector<1x16xf32> to vector<16xf32>
      %add3A_909 = arith.constant 112 : i32
      %add3A_910 = arith.addi %mul3A_860, %add3A_909 : i32
      %get3A_911 = arith.constant 0 : i32
      %get3A_912 = arith.index_cast %get3A_911 : i32 to index
      %get3A_913 = arith.index_cast %add3A_910 : i32 to index
      %get3A_914 = tpu.vector_load %arg7[%get3A_912, %get3A_913] {strides = array<i32>} : memref<8x1024xf32, #tpu.memory_space<vmem>>, vector<1x16xf32>,
      %get3A_915 = vector.shape_cast %get3A_914 : vector<1x16xf32> to vector<16xf32>
      %parallel_loop3A = arith.constant 0 : i32
      %parallel_loop3A_916 = arith.constant 32 : i32
      %parallel_loop3A_917 = arith.constant 1 : i32
      scf.for %parallel_loop3A_918 = %parallel_loop3A to %parallel_loop3A_916 step %parallel_loop3A_917  : i32 {
        %parallel_loop3A_919 = arith.constant 0 : i32
        %parallel_loop3A_920 = arith.addi %parallel_loop3A_919, %parallel_loop3A_918 : i32
        %parallel_loop3A_921 = arith.constant 0 : i32
        %parallel_loop3A_922 = arith.addi %mul3A_860, %parallel_loop3A_921 : i32
        %parallel_loop3A_923 = arith.index_cast %parallel_loop3A_920 : i32 to index
        %parallel_loop3A_924 = arith.index_cast %parallel_loop3A_922 : i32 to index
        %parallel_loop3A_925 = tpu.vector_load %arg8[%parallel_loop3A_923, %parallel_loop3A_924] {strides = array<i32>} : memref<96x1024xf32, #tpu.memory_space<vmem>>, vector<1x16xf32>,
        %parallel_loop3A_926 = vector.shape_cast %parallel_loop3A_925 : vector<1x16xf32> to vector<16xf32>
        %parallel_loop3A_927 = arith.addf %parallel_loop3A_926, %get3A_866 : vector<16xf32>
        %parallel_loop3A_928 = arith.index_cast %parallel_loop3A_920 : i32 to index
        %parallel_loop3A_929 = arith.index_cast %parallel_loop3A_922 : i32 to index
        %parallel_loop3A_930 = tpu.vector_load %arg8[%parallel_loop3A_928, %parallel_loop3A_929] {strides = array<i32>} : memref<96x1024xf32, #tpu.memory_space<vmem>>, vector<1x16xf32>,
        %parallel_loop3A_931 = vector.shape_cast %parallel_loop3A_930 : vector<1x16xf32> to vector<16xf32>
        %parallel_loop3A_932 = vector.shape_cast %parallel_loop3A_927 : vector<16xf32> to vector<1x16xf32>
        tpu.vector_store %arg8[%parallel_loop3A_928, %parallel_loop3A_929], %parallel_loop3A_932 {strides = array<i32>} : memref<96x1024xf32, #tpu.memory_space<vmem>>, vector<1x16xf32>,
        %parallel_loop3A_933 = arith.constant 0 : i32
        %parallel_loop3A_934 = arith.addi %parallel_loop3A_933, %parallel_loop3A_918 : i32
        %parallel_loop3A_935 = arith.constant 16 : i32
        %parallel_loop3A_936 = arith.addi %mul3A_860, %parallel_loop3A_935 : i32
        %parallel_loop3A_937 = arith.index_cast %parallel_loop3A_934 : i32 to index
        %parallel_loop3A_938 = arith.index_cast %parallel_loop3A_936 : i32 to index
        %parallel_loop3A_939 = tpu.vector_load %arg8[%parallel_loop3A_937, %parallel_loop3A_938] {strides = array<i32>} : memref<96x1024xf32, #tpu.memory_space<vmem>>, vector<1x16xf32>,
        %parallel_loop3A_940 = vector.shape_cast %parallel_loop3A_939 : vector<1x16xf32> to vector<16xf32>
        %parallel_loop3A_941 = arith.addf %parallel_loop3A_940, %get3A_873 : vector<16xf32>
        %parallel_loop3A_942 = arith.index_cast %parallel_loop3A_934 : i32 to index
        %parallel_loop3A_943 = arith.index_cast %parallel_loop3A_936 : i32 to index
        %parallel_loop3A_944 = tpu.vector_load %arg8[%parallel_loop3A_942, %parallel_loop3A_943] {strides = array<i32>} : memref<96x1024xf32, #tpu.memory_space<vmem>>, vector<1x16xf32>,
        %parallel_loop3A_945 = vector.shape_cast %parallel_loop3A_944 : vector<1x16xf32> to vector<16xf32>
        %parallel_loop3A_946 = vector.shape_cast %parallel_loop3A_941 : vector<16xf32> to vector<1x16xf32>
        tpu.vector_store %arg8[%parallel_loop3A_942, %parallel_loop3A_943], %parallel_loop3A_946 {strides = array<i32>} : memref<96x1024xf32, #tpu.memory_space<vmem>>, vector<1x16xf32>,
        %parallel_loop3A_947 = arith.constant 0 : i32
        %parallel_loop3A_948 = arith.addi %parallel_loop3A_947, %parallel_loop3A_918 : i32
        %parallel_loop3A_949 = arith.constant 32 : i32
        %parallel_loop3A_950 = arith.addi %mul3A_860, %parallel_loop3A_949 : i32
        %parallel_loop3A_951 = arith.index_cast %parallel_loop3A_948 : i32 to index
        %parallel_loop3A_952 = arith.index_cast %parallel_loop3A_950 : i32 to index
        %parallel_loop3A_953 = tpu.vector_load %arg8[%parallel_loop3A_951, %parallel_loop3A_952] {strides = array<i32>} : memref<96x1024xf32, #tpu.memory_space<vmem>>, vector<1x16xf32>,
        %parallel_loop3A_954 = vector.shape_cast %parallel_loop3A_953 : vector<1x16xf32> to vector<16xf32>
        %parallel_loop3A_955 = arith.addf %parallel_loop3A_954, %get3A_880 : vector<16xf32>
        %parallel_loop3A_956 = arith.index_cast %parallel_loop3A_948 : i32 to index
        %parallel_loop3A_957 = arith.index_cast %parallel_loop3A_950 : i32 to index
        %parallel_loop3A_958 = tpu.vector_load %arg8[%parallel_loop3A_956, %parallel_loop3A_957] {strides = array<i32>} : memref<96x1024xf32, #tpu.memory_space<vmem>>, vector<1x16xf32>,
        %parallel_loop3A_959 = vector.shape_cast %parallel_loop3A_958 : vector<1x16xf32> to vector<16xf32>
        %parallel_loop3A_960 = vector.shape_cast %parallel_loop3A_955 : vector<16xf32> to vector<1x16xf32>
        tpu.vector_store %arg8[%parallel_loop3A_956, %parallel_loop3A_957], %parallel_loop3A_960 {strides = array<i32>} : memref<96x1024xf32, #tpu.memory_space<vmem>>, vector<1x16xf32>,
        %parallel_loop3A_961 = arith.constant 0 : i32
        %parallel_loop3A_962 = arith.addi %parallel_loop3A_961, %parallel_loop3A_918 : i32
        %parallel_loop3A_963 = arith.constant 48 : i32
        %parallel_loop3A_964 = arith.addi %mul3A_860, %parallel_loop3A_963 : i32
        %parallel_loop3A_965 = arith.index_cast %parallel_loop3A_962 : i32 to index
        %parallel_loop3A_966 = arith.index_cast %parallel_loop3A_964 : i32 to index
        %parallel_loop3A_967 = tpu.vector_load %arg8[%parallel_loop3A_965, %parallel_loop3A_966] {strides = array<i32>} : memref<96x1024xf32, #tpu.memory_space<vmem>>, vector<1x16xf32>,
        %parallel_loop3A_968 = vector.shape_cast %parallel_loop3A_967 : vector<1x16xf32> to vector<16xf32>
        %parallel_loop3A_969 = arith.addf %parallel_loop3A_968, %get3A_887 : vector<16xf32>
        %parallel_loop3A_970 = arith.index_cast %parallel_loop3A_962 : i32 to index
        %parallel_loop3A_971 = arith.index_cast %parallel_loop3A_964 : i32 to index
        %parallel_loop3A_972 = tpu.vector_load %arg8[%parallel_loop3A_970, %parallel_loop3A_971] {strides = array<i32>} : memref<96x1024xf32, #tpu.memory_space<vmem>>, vector<1x16xf32>,
        %parallel_loop3A_973 = vector.shape_cast %parallel_loop3A_972 : vector<1x16xf32> to vector<16xf32>
        %parallel_loop3A_974 = vector.shape_cast %parallel_loop3A_969 : vector<16xf32> to vector<1x16xf32>
        tpu.vector_store %arg8[%parallel_loop3A_970, %parallel_loop3A_971], %parallel_loop3A_974 {strides = array<i32>} : memref<96x1024xf32, #tpu.memory_space<vmem>>, vector<1x16xf32>,
        %parallel_loop3A_975 = arith.constant 0 : i32
        %parallel_loop3A_976 = arith.addi %parallel_loop3A_975, %parallel_loop3A_918 : i32
        %parallel_loop3A_977 = arith.constant 64 : i32
        %parallel_loop3A_978 = arith.addi %mul3A_860, %parallel_loop3A_977 : i32
        %parallel_loop3A_979 = arith.index_cast %parallel_loop3A_976 : i32 to index
        %parallel_loop3A_980 = arith.index_cast %parallel_loop3A_978 : i32 to index
        %parallel_loop3A_981 = tpu.vector_load %arg8[%parallel_loop3A_979, %parallel_loop3A_980] {strides = array<i32>} : memref<96x1024xf32, #tpu.memory_space<vmem>>, vector<1x16xf32>,
        %parallel_loop3A_982 = vector.shape_cast %parallel_loop3A_981 : vector<1x16xf32> to vector<16xf32>
        %parallel_loop3A_983 = arith.addf %parallel_loop3A_982, %get3A_894 : vector<16xf32>
        %parallel_loop3A_984 = arith.index_cast %parallel_loop3A_976 : i32 to index
        %parallel_loop3A_985 = arith.index_cast %parallel_loop3A_978 : i32 to index
        %parallel_loop3A_986 = tpu.vector_load %arg8[%parallel_loop3A_984, %parallel_loop3A_985] {strides = array<i32>} : memref<96x1024xf32, #tpu.memory_space<vmem>>, vector<1x16xf32>,
        %parallel_loop3A_987 = vector.shape_cast %parallel_loop3A_986 : vector<1x16xf32> to vector<16xf32>
        %parallel_loop3A_988 = vector.shape_cast %parallel_loop3A_983 : vector<16xf32> to vector<1x16xf32>
        tpu.vector_store %arg8[%parallel_loop3A_984, %parallel_loop3A_985], %parallel_loop3A_988 {strides = array<i32>} : memref<96x1024xf32, #tpu.memory_space<vmem>>, vector<1x16xf32>,
        %parallel_loop3A_989 = arith.constant 0 : i32
        %parallel_loop3A_990 = arith.addi %parallel_loop3A_989, %parallel_loop3A_918 : i32
        %parallel_loop3A_991 = arith.constant 80 : i32
        %parallel_loop3A_992 = arith.addi %mul3A_860, %parallel_loop3A_991 : i32
        %parallel_loop3A_993 = arith.index_cast %parallel_loop3A_990 : i32 to index
        %parallel_loop3A_994 = arith.index_cast %parallel_loop3A_992 : i32 to index
        %parallel_loop3A_995 = tpu.vector_load %arg8[%parallel_loop3A_993, %parallel_loop3A_994] {strides = array<i32>} : memref<96x1024xf32, #tpu.memory_space<vmem>>, vector<1x16xf32>,
        %parallel_loop3A_996 = vector.shape_cast %parallel_loop3A_995 : vector<1x16xf32> to vector<16xf32>
        %parallel_loop3A_997 = arith.addf %parallel_loop3A_996, %get3A_901 : vector<16xf32>
        %parallel_loop3A_998 = arith.index_cast %parallel_loop3A_990 : i32 to index
        %parallel_loop3A_999 = arith.index_cast %parallel_loop3A_992 : i32 to index
        %parallel_loop3A_1000 = tpu.vector_load %arg8[%parallel_loop3A_998, %parallel_loop3A_999] {strides = array<i32>} : memref<96x1024xf32, #tpu.memory_space<vmem>>, vector<1x16xf32>,
        %parallel_loop3A_1001 = vector.shape_cast %parallel_loop3A_1000 : vector<1x16xf32> to vector<16xf32>
        %parallel_loop3A_1002 = vector.shape_cast %parallel_loop3A_997 : vector<16xf32> to vector<1x16xf32>
        tpu.vector_store %arg8[%parallel_loop3A_998, %parallel_loop3A_999], %parallel_loop3A_1002 {strides = array<i32>} : memref<96x1024xf32, #tpu.memory_space<vmem>>, vector<1x16xf32>,
        %parallel_loop3A_1003 = arith.constant 0 : i32
        %parallel_loop3A_1004 = arith.addi %parallel_loop3A_1003, %parallel_loop3A_918 : i32
        %parallel_loop3A_1005 = arith.constant 96 : i32
        %parallel_loop3A_1006 = arith.addi %mul3A_860, %parallel_loop3A_1005 : i32
        %parallel_loop3A_1007 = arith.index_cast %parallel_loop3A_1004 : i32 to index
        %parallel_loop3A_1008 = arith.index_cast %parallel_loop3A_1006 : i32 to index
        %parallel_loop3A_1009 = tpu.vector_load %arg8[%parallel_loop3A_1007, %parallel_loop3A_1008] {strides = array<i32>} : memref<96x1024xf32, #tpu.memory_space<vmem>>, vector<1x16xf32>,
        %parallel_loop3A_1010 = vector.shape_cast %parallel_loop3A_1009 : vector<1x16xf32> to vector<16xf32>
        %parallel_loop3A_1011 = arith.addf %parallel_loop3A_1010, %get3A_908 : vector<16xf32>
        %parallel_loop3A_1012 = arith.index_cast %parallel_loop3A_1004 : i32 to index
        %parallel_loop3A_1013 = arith.index_cast %parallel_loop3A_1006 : i32 to index
        %parallel_loop3A_1014 = tpu.vector_load %arg8[%parallel_loop3A_1012, %parallel_loop3A_1013] {strides = array<i32>} : memref<96x1024xf32, #tpu.memory_space<vmem>>, vector<1x16xf32>,
        %parallel_loop3A_1015 = vector.shape_cast %parallel_loop3A_1014 : vector<1x16xf32> to vector<16xf32>
        %parallel_loop3A_1016 = vector.shape_cast %parallel_loop3A_1011 : vector<16xf32> to vector<1x16xf32>
        tpu.vector_store %arg8[%parallel_loop3A_1012, %parallel_loop3A_1013], %parallel_loop3A_1016 {strides = array<i32>} : memref<96x1024xf32, #tpu.memory_space<vmem>>, vector<1x16xf32>,
        %parallel_loop3A_1017 = arith.constant 0 : i32
        %parallel_loop3A_1018 = arith.addi %parallel_loop3A_1017, %parallel_loop3A_918 : i32
        %parallel_loop3A_1019 = arith.constant 112 : i32
        %parallel_loop3A_1020 = arith.addi %mul3A_860, %parallel_loop3A_1019 : i32
        %parallel_loop3A_1021 = arith.index_cast %parallel_loop3A_1018 : i32 to index
        %parallel_loop3A_1022 = arith.index_cast %parallel_loop3A_1020 : i32 to index
        %parallel_loop3A_1023 = tpu.vector_load %arg8[%parallel_loop3A_1021, %parallel_loop3A_1022] {strides = array<i32>} : memref<96x1024xf32, #tpu.memory_space<vmem>>, vector<1x16xf32>,
        %parallel_loop3A_1024 = vector.shape_cast %parallel_loop3A_1023 : vector<1x16xf32> to vector<16xf32>
        %parallel_loop3A_1025 = arith.addf %parallel_loop3A_1024, %get3A_915 : vector<16xf32>
        %parallel_loop3A_1026 = arith.index_cast %parallel_loop3A_1018 : i32 to index
        %parallel_loop3A_1027 = arith.index_cast %parallel_loop3A_1020 : i32 to index
        %parallel_loop3A_1028 = tpu.vector_load %arg8[%parallel_loop3A_1026, %parallel_loop3A_1027] {strides = array<i32>} : memref<96x1024xf32, #tpu.memory_space<vmem>>, vector<1x16xf32>,
        %parallel_loop3A_1029 = vector.shape_cast %parallel_loop3A_1028 : vector<1x16xf32> to vector<16xf32>
        %parallel_loop3A_1030 = vector.shape_cast %parallel_loop3A_1025 : vector<16xf32> to vector<1x16xf32>
        tpu.vector_store %arg8[%parallel_loop3A_1026, %parallel_loop3A_1027], %parallel_loop3A_1030 {strides = array<i32>} : memref<96x1024xf32, #tpu.memory_space<vmem>>, vector<1x16xf32>,
      } {sc.loop_unroll_factor = 2 : i64, sc.parallel_access}
    }
    %scan3A_511 = arith.constant 8 : i32
    %add3A_512 = arith.constant 288 : i32
    %add3A_513 = arith.addi %mul3A_2, %add3A_512 : i32
    %dma_start3A_514 = arith.constant 0 : i32
    %dma_start3A_515 = arith.constant 0 : i32
    %dma_start3A_516 = tpu.memref_slice %arg8[%dma_start3A_514, %dma_start3A_515] : memref<96x1024xf32, #tpu.memory_space<vmem>> -> memref<32x1024xf32, #tpu.memory_space<vmem>>
    %dma_start3A_517 = arith.constant 0 : i32
    %dma_start3A_518 = tpu.memref_slice %arg5[%add3A_513, %dma_start3A_517] : memref<16384x1024xf32, #tpu.memory_space<hbm>> -> memref<32x1024xf32, #tpu.memory_space<hbm>>
    %dma_start3A_519 = arith.constant 0 : i32
    %dma_start3A_520 = tpu.memref_slice %arg5[%add3A_513, %dma_start3A_519] : memref<16384x1024xf32, #tpu.memory_space<hbm>> -> memref<32x1024xf32, #tpu.memory_space<hbm>>
    %dma_start3A_521 = arith.constant 0 : i32
    %dma_start3A_522 = arith.constant 0 : i32
    %dma_start3A_523 = tpu.memref_slice %arg8[%dma_start3A_521, %dma_start3A_522] : memref<96x1024xf32, #tpu.memory_space<vmem>> -> memref<32x1024xf32, #tpu.memory_space<vmem>>
    tpu.enqueue_dma source(%dma_start3A_523 : memref<32x1024xf32, #tpu.memory_space<vmem>>) target(%dma_start3A_520 : memref<32x1024xf32, #tpu.memory_space<hbm>>) target_semaphore(%arg9 : memref<!tpu.dma_semaphore, #tpu.memory_space<semaphore_mem>>)
    %add3A_524 = arith.constant 256 : i32
    %add3A_525 = arith.addi %mul3A_2, %add3A_524 : i32
    %dma_wait3A_526 = arith.constant 64 : i32
    %dma_wait3A_527 = arith.constant 0 : i32
    %dma_wait3A_528 = tpu.memref_slice %arg8[%dma_wait3A_526, %dma_wait3A_527] : memref<96x1024xf32, #tpu.memory_space<vmem>> -> memref<32x1024xf32, #tpu.memory_space<vmem>>
    %dma_wait3A_529 = arith.constant 0 : i32
    %dma_wait3A_530 = tpu.memref_slice %arg5[%add3A_525, %dma_wait3A_529] : memref<16384x1024xf32, #tpu.memory_space<hbm>> -> memref<32x1024xf32, #tpu.memory_space<hbm>>
    %dma_wait3A_531 = arith.constant 0 : i32
    %dma_wait3A_532 = tpu.memref_slice %arg5[%add3A_525, %dma_wait3A_531] : memref<16384x1024xf32, #tpu.memory_space<hbm>> -> memref<32x1024xf32, #tpu.memory_space<hbm>>
    %dma_wait3A_533 = arith.constant 64 : i32
    %dma_wait3A_534 = arith.constant 0 : i32
    %dma_wait3A_535 = tpu.memref_slice %arg8[%dma_wait3A_533, %dma_wait3A_534] : memref<96x1024xf32, #tpu.memory_space<vmem>> -> memref<32x1024xf32, #tpu.memory_space<vmem>>
    tpu.wait_dma2 semaphore(%arg11 : memref<!tpu.dma_semaphore, #tpu.memory_space<semaphore_mem>>) src(%dma_wait3A_535 : memref<32x1024xf32, #tpu.memory_space<vmem>>) dst(%dma_wait3A_532 : memref<32x1024xf32, #tpu.memory_space<hbm>>)
    %add3A_536 = arith.constant 352 : i32
    %add3A_537 = arith.addi %mul3A_2, %add3A_536 : i32
    %dma_start3A_538 = arith.constant 64 : i32
    %dma_start3A_539 = arith.constant 0 : i32
    %dma_start3A_540 = tpu.memref_slice %arg8[%dma_start3A_538, %dma_start3A_539] : memref<96x1024xf32, #tpu.memory_space<vmem>> -> memref<32x1024xf32, #tpu.memory_space<vmem>>
    %dma_start3A_541 = arith.constant 0 : i32
    %dma_start3A_542 = tpu.memref_slice %arg4[%add3A_537, %dma_start3A_541] : memref<16384x1024xf32, #tpu.memory_space<hbm>> -> memref<32x1024xf32, #tpu.memory_space<hbm>>
    %dma_start3A_543 = arith.constant 64 : i32
    %dma_start3A_544 = arith.constant 0 : i32
    %dma_start3A_545 = tpu.memref_slice %arg8[%dma_start3A_543, %dma_start3A_544] : memref<96x1024xf32, #tpu.memory_space<vmem>> -> memref<32x1024xf32, #tpu.memory_space<vmem>>
    %dma_start3A_546 = arith.constant 0 : i32
    %dma_start3A_547 = tpu.memref_slice %arg4[%add3A_537, %dma_start3A_546] : memref<16384x1024xf32, #tpu.memory_space<hbm>> -> memref<32x1024xf32, #tpu.memory_space<hbm>>
    tpu.enqueue_dma source(%dma_start3A_547 : memref<32x1024xf32, #tpu.memory_space<hbm>>) target(%dma_start3A_545 : memref<32x1024xf32, #tpu.memory_space<vmem>>) target_semaphore(%arg11 : memref<!tpu.dma_semaphore, #tpu.memory_space<semaphore_mem>>)
    %add3A_548 = arith.constant 320 : i32
    %add3A_549 = arith.addi %mul3A_2, %add3A_548 : i32
    %dma_wait3A_550 = arith.constant 32 : i32
    %dma_wait3A_551 = arith.constant 0 : i32
    %dma_wait3A_552 = tpu.memref_slice %arg8[%dma_wait3A_550, %dma_wait3A_551] : memref<96x1024xf32, #tpu.memory_space<vmem>> -> memref<32x1024xf32, #tpu.memory_space<vmem>>
    %dma_wait3A_553 = arith.constant 0 : i32
    %dma_wait3A_554 = tpu.memref_slice %arg4[%add3A_549, %dma_wait3A_553] : memref<16384x1024xf32, #tpu.memory_space<hbm>> -> memref<32x1024xf32, #tpu.memory_space<hbm>>
    %dma_wait3A_555 = arith.constant 32 : i32
    %dma_wait3A_556 = arith.constant 0 : i32
    %dma_wait3A_557 = tpu.memref_slice %arg8[%dma_wait3A_555, %dma_wait3A_556] : memref<96x1024xf32, #tpu.memory_space<vmem>> -> memref<32x1024xf32, #tpu.memory_space<vmem>>
    %dma_wait3A_558 = arith.constant 0 : i32
    %dma_wait3A_559 = tpu.memref_slice %arg4[%add3A_549, %dma_wait3A_558] : memref<16384x1024xf32, #tpu.memory_space<hbm>> -> memref<32x1024xf32, #tpu.memory_space<hbm>>
    tpu.wait_dma2 semaphore(%arg10 : memref<!tpu.dma_semaphore, #tpu.memory_space<semaphore_mem>>) src(%dma_wait3A_559 : memref<32x1024xf32, #tpu.memory_space<hbm>>) dst(%dma_wait3A_557 : memref<32x1024xf32, #tpu.memory_space<vmem>>)
    %scan3A_560 = arith.constant 0 : i32
    %scan3A_561 = arith.constant 8 : i32
    %scan3A_562 = arith.addi %scan3A_560, %scan3A_561 : i32
    %scan3A_563 = arith.constant 1 : i32
    scf.for %scan3A_854 = %scan3A_560 to %scan3A_562 step %scan3A_563  : i32 {
      %mul3A_855 = arith.constant 1 : i32
      %mul3A_856 = arith.muli %scan3A_854, %mul3A_855 : i32
      %add3A_857 = arith.constant 0 : i32
      %add3A_858 = arith.addi %add3A_857, %mul3A_856 : i32
      %mul3A_859 = arith.constant 128 : i32
      %mul3A_860 = arith.muli %add3A_858, %mul3A_859 : i32
      %add3A_861 = arith.constant 0 : i32
      %add3A_862 = arith.addi %mul3A_860, %add3A_861 : i32
      %get3A = arith.constant 0 : i32
      %get3A_863 = arith.index_cast %get3A : i32 to index
      %get3A_864 = arith.index_cast %add3A_862 : i32 to index
      %get3A_865 = tpu.vector_load %arg7[%get3A_863, %get3A_864] {strides = array<i32>} : memref<8x1024xf32, #tpu.memory_space<vmem>>, vector<1x16xf32>,
      %get3A_866 = vector.shape_cast %get3A_865 : vector<1x16xf32> to vector<16xf32>
      %add3A_867 = arith.constant 16 : i32
      %add3A_868 = arith.addi %mul3A_860, %add3A_867 : i32
      %get3A_869 = arith.constant 0 : i32
      %get3A_870 = arith.index_cast %get3A_869 : i32 to index
      %get3A_871 = arith.index_cast %add3A_868 : i32 to index
      %get3A_872 = tpu.vector_load %arg7[%get3A_870, %get3A_871] {strides = array<i32>} : memref<8x1024xf32, #tpu.memory_space<vmem>>, vector<1x16xf32>,
      %get3A_873 = vector.shape_cast %get3A_872 : vector<1x16xf32> to vector<16xf32>
      %add3A_874 = arith.constant 32 : i32
      %add3A_875 = arith.addi %mul3A_860, %add3A_874 : i32
      %get3A_876 = arith.constant 0 : i32
      %get3A_877 = arith.index_cast %get3A_876 : i32 to index
      %get3A_878 = arith.index_cast %add3A_875 : i32 to index
      %get3A_879 = tpu.vector_load %arg7[%get3A_877, %get3A_878] {strides = array<i32>} : memref<8x1024xf32, #tpu.memory_space<vmem>>, vector<1x16xf32>,
      %get3A_880 = vector.shape_cast %get3A_879 : vector<1x16xf32> to vector<16xf32>
      %add3A_881 = arith.constant 48 : i32
      %add3A_882 = arith.addi %mul3A_860, %add3A_881 : i32
      %get3A_883 = arith.constant 0 : i32
      %get3A_884 = arith.index_cast %get3A_883 : i32 to index
      %get3A_885 = arith.index_cast %add3A_882 : i32 to index
      %get3A_886 = tpu.vector_load %arg7[%get3A_884, %get3A_885] {strides = array<i32>} : memref<8x1024xf32, #tpu.memory_space<vmem>>, vector<1x16xf32>,
      %get3A_887 = vector.shape_cast %get3A_886 : vector<1x16xf32> to vector<16xf32>
      %add3A_888 = arith.constant 64 : i32
      %add3A_889 = arith.addi %mul3A_860, %add3A_888 : i32
      %get3A_890 = arith.constant 0 : i32
      %get3A_891 = arith.index_cast %get3A_890 : i32 to index
      %get3A_892 = arith.index_cast %add3A_889 : i32 to index
      %get3A_893 = tpu.vector_load %arg7[%get3A_891, %get3A_892] {strides = array<i32>} : memref<8x1024xf32, #tpu.memory_space<vmem>>, vector<1x16xf32>,
      %get3A_894 = vector.shape_cast %get3A_893 : vector<1x16xf32> to vector<16xf32>
      %add3A_895 = arith.constant 80 : i32
      %add3A_896 = arith.addi %mul3A_860, %add3A_895 : i32
      %get3A_897 = arith.constant 0 : i32
      %get3A_898 = arith.index_cast %get3A_897 : i32 to index
      %get3A_899 = arith.index_cast %add3A_896 : i32 to index
      %get3A_900 = tpu.vector_load %arg7[%get3A_898, %get3A_899] {strides = array<i32>} : memref<8x1024xf32, #tpu.memory_space<vmem>>, vector<1x16xf32>,
      %get3A_901 = vector.shape_cast %get3A_900 : vector<1x16xf32> to vector<16xf32>
      %add3A_902 = arith.constant 96 : i32
      %add3A_903 = arith.addi %mul3A_860, %add3A_902 : i32
      %get3A_904 = arith.constant 0 : i32
      %get3A_905 = arith.index_cast %get3A_904 : i32 to index
      %get3A_906 = arith.index_cast %add3A_903 : i32 to index
      %get3A_907 = tpu.vector_load %arg7[%get3A_905, %get3A_906] {strides = array<i32>} : memref<8x1024xf32, #tpu.memory_space<vmem>>, vector<1x16xf32>,
      %get3A_908 = vector.shape_cast %get3A_907 : vector<1x16xf32> to vector<16xf32>
      %add3A_909 = arith.constant 112 : i32
      %add3A_910 = arith.addi %mul3A_860, %add3A_909 : i32
      %get3A_911 = arith.constant 0 : i32
      %get3A_912 = arith.index_cast %get3A_911 : i32 to index
      %get3A_913 = arith.index_cast %add3A_910 : i32 to index
      %get3A_914 = tpu.vector_load %arg7[%get3A_912, %get3A_913] {strides = array<i32>} : memref<8x1024xf32, #tpu.memory_space<vmem>>, vector<1x16xf32>,
      %get3A_915 = vector.shape_cast %get3A_914 : vector<1x16xf32> to vector<16xf32>
      %parallel_loop3A = arith.constant 0 : i32
      %parallel_loop3A_916 = arith.constant 32 : i32
      %parallel_loop3A_917 = arith.constant 1 : i32
      scf.for %parallel_loop3A_918 = %parallel_loop3A to %parallel_loop3A_916 step %parallel_loop3A_917  : i32 {
        %parallel_loop3A_919 = arith.constant 32 : i32
        %parallel_loop3A_920 = arith.addi %parallel_loop3A_919, %parallel_loop3A_918 : i32
        %parallel_loop3A_921 = arith.constant 0 : i32
        %parallel_loop3A_922 = arith.addi %mul3A_860, %parallel_loop3A_921 : i32
        %parallel_loop3A_923 = arith.index_cast %parallel_loop3A_920 : i32 to index
        %parallel_loop3A_924 = arith.index_cast %parallel_loop3A_922 : i32 to index
        %parallel_loop3A_925 = tpu.vector_load %arg8[%parallel_loop3A_923, %parallel_loop3A_924] {strides = array<i32>} : memref<96x1024xf32, #tpu.memory_space<vmem>>, vector<1x16xf32>,
        %parallel_loop3A_926 = vector.shape_cast %parallel_loop3A_925 : vector<1x16xf32> to vector<16xf32>
        %parallel_loop3A_927 = arith.addf %parallel_loop3A_926, %get3A_866 : vector<16xf32>
        %parallel_loop3A_928 = arith.index_cast %parallel_loop3A_920 : i32 to index
        %parallel_loop3A_929 = arith.index_cast %parallel_loop3A_922 : i32 to index
        %parallel_loop3A_930 = tpu.vector_load %arg8[%parallel_loop3A_928, %parallel_loop3A_929] {strides = array<i32>} : memref<96x1024xf32, #tpu.memory_space<vmem>>, vector<1x16xf32>,
        %parallel_loop3A_931 = vector.shape_cast %parallel_loop3A_930 : vector<1x16xf32> to vector<16xf32>
        %parallel_loop3A_932 = vector.shape_cast %parallel_loop3A_927 : vector<16xf32> to vector<1x16xf32>
        tpu.vector_store %arg8[%parallel_loop3A_928, %parallel_loop3A_929], %parallel_loop3A_932 {strides = array<i32>} : memref<96x1024xf32, #tpu.memory_space<vmem>>, vector<1x16xf32>,
        %parallel_loop3A_933 = arith.constant 32 : i32
        %parallel_loop3A_934 = arith.addi %parallel_loop3A_933, %parallel_loop3A_918 : i32
        %parallel_loop3A_935 = arith.constant 16 : i32
        %parallel_loop3A_936 = arith.addi %mul3A_860, %parallel_loop3A_935 : i32
        %parallel_loop3A_937 = arith.index_cast %parallel_loop3A_934 : i32 to index
        %parallel_loop3A_938 = arith.index_cast %parallel_loop3A_936 : i32 to index
        %parallel_loop3A_939 = tpu.vector_load %arg8[%parallel_loop3A_937, %parallel_loop3A_938] {strides = array<i32>} : memref<96x1024xf32, #tpu.memory_space<vmem>>, vector<1x16xf32>,
        %parallel_loop3A_940 = vector.shape_cast %parallel_loop3A_939 : vector<1x16xf32> to vector<16xf32>
        %parallel_loop3A_941 = arith.addf %parallel_loop3A_940, %get3A_873 : vector<16xf32>
        %parallel_loop3A_942 = arith.index_cast %parallel_loop3A_934 : i32 to index
        %parallel_loop3A_943 = arith.index_cast %parallel_loop3A_936 : i32 to index
        %parallel_loop3A_944 = tpu.vector_load %arg8[%parallel_loop3A_942, %parallel_loop3A_943] {strides = array<i32>} : memref<96x1024xf32, #tpu.memory_space<vmem>>, vector<1x16xf32>,
        %parallel_loop3A_945 = vector.shape_cast %parallel_loop3A_944 : vector<1x16xf32> to vector<16xf32>
        %parallel_loop3A_946 = vector.shape_cast %parallel_loop3A_941 : vector<16xf32> to vector<1x16xf32>
        tpu.vector_store %arg8[%parallel_loop3A_942, %parallel_loop3A_943], %parallel_loop3A_946 {strides = array<i32>} : memref<96x1024xf32, #tpu.memory_space<vmem>>, vector<1x16xf32>,
        %parallel_loop3A_947 = arith.constant 32 : i32
        %parallel_loop3A_948 = arith.addi %parallel_loop3A_947, %parallel_loop3A_918 : i32
        %parallel_loop3A_949 = arith.constant 32 : i32
        %parallel_loop3A_950 = arith.addi %mul3A_860, %parallel_loop3A_949 : i32
        %parallel_loop3A_951 = arith.index_cast %parallel_loop3A_948 : i32 to index
        %parallel_loop3A_952 = arith.index_cast %parallel_loop3A_950 : i32 to index
        %parallel_loop3A_953 = tpu.vector_load %arg8[%parallel_loop3A_951, %parallel_loop3A_952] {strides = array<i32>} : memref<96x1024xf32, #tpu.memory_space<vmem>>, vector<1x16xf32>,
        %parallel_loop3A_954 = vector.shape_cast %parallel_loop3A_953 : vector<1x16xf32> to vector<16xf32>
        %parallel_loop3A_955 = arith.addf %parallel_loop3A_954, %get3A_880 : vector<16xf32>
        %parallel_loop3A_956 = arith.index_cast %parallel_loop3A_948 : i32 to index
        %parallel_loop3A_957 = arith.index_cast %parallel_loop3A_950 : i32 to index
        %parallel_loop3A_958 = tpu.vector_load %arg8[%parallel_loop3A_956, %parallel_loop3A_957] {strides = array<i32>} : memref<96x1024xf32, #tpu.memory_space<vmem>>, vector<1x16xf32>,
        %parallel_loop3A_959 = vector.shape_cast %parallel_loop3A_958 : vector<1x16xf32> to vector<16xf32>
        %parallel_loop3A_960 = vector.shape_cast %parallel_loop3A_955 : vector<16xf32> to vector<1x16xf32>
        tpu.vector_store %arg8[%parallel_loop3A_956, %parallel_loop3A_957], %parallel_loop3A_960 {strides = array<i32>} : memref<96x1024xf32, #tpu.memory_space<vmem>>, vector<1x16xf32>,
        %parallel_loop3A_961 = arith.constant 32 : i32
        %parallel_loop3A_962 = arith.addi %parallel_loop3A_961, %parallel_loop3A_918 : i32
        %parallel_loop3A_963 = arith.constant 48 : i32
        %parallel_loop3A_964 = arith.addi %mul3A_860, %parallel_loop3A_963 : i32
        %parallel_loop3A_965 = arith.index_cast %parallel_loop3A_962 : i32 to index
        %parallel_loop3A_966 = arith.index_cast %parallel_loop3A_964 : i32 to index
        %parallel_loop3A_967 = tpu.vector_load %arg8[%parallel_loop3A_965, %parallel_loop3A_966] {strides = array<i32>} : memref<96x1024xf32, #tpu.memory_space<vmem>>, vector<1x16xf32>,
        %parallel_loop3A_968 = vector.shape_cast %parallel_loop3A_967 : vector<1x16xf32> to vector<16xf32>
        %parallel_loop3A_969 = arith.addf %parallel_loop3A_968, %get3A_887 : vector<16xf32>
        %parallel_loop3A_970 = arith.index_cast %parallel_loop3A_962 : i32 to index
        %parallel_loop3A_971 = arith.index_cast %parallel_loop3A_964 : i32 to index
        %parallel_loop3A_972 = tpu.vector_load %arg8[%parallel_loop3A_970, %parallel_loop3A_971] {strides = array<i32>} : memref<96x1024xf32, #tpu.memory_space<vmem>>, vector<1x16xf32>,
        %parallel_loop3A_973 = vector.shape_cast %parallel_loop3A_972 : vector<1x16xf32> to vector<16xf32>
        %parallel_loop3A_974 = vector.shape_cast %parallel_loop3A_969 : vector<16xf32> to vector<1x16xf32>
        tpu.vector_store %arg8[%parallel_loop3A_970, %parallel_loop3A_971], %parallel_loop3A_974 {strides = array<i32>} : memref<96x1024xf32, #tpu.memory_space<vmem>>, vector<1x16xf32>,
        %parallel_loop3A_975 = arith.constant 32 : i32
        %parallel_loop3A_976 = arith.addi %parallel_loop3A_975, %parallel_loop3A_918 : i32
        %parallel_loop3A_977 = arith.constant 64 : i32
        %parallel_loop3A_978 = arith.addi %mul3A_860, %parallel_loop3A_977 : i32
        %parallel_loop3A_979 = arith.index_cast %parallel_loop3A_976 : i32 to index
        %parallel_loop3A_980 = arith.index_cast %parallel_loop3A_978 : i32 to index
        %parallel_loop3A_981 = tpu.vector_load %arg8[%parallel_loop3A_979, %parallel_loop3A_980] {strides = array<i32>} : memref<96x1024xf32, #tpu.memory_space<vmem>>, vector<1x16xf32>,
        %parallel_loop3A_982 = vector.shape_cast %parallel_loop3A_981 : vector<1x16xf32> to vector<16xf32>
        %parallel_loop3A_983 = arith.addf %parallel_loop3A_982, %get3A_894 : vector<16xf32>
        %parallel_loop3A_984 = arith.index_cast %parallel_loop3A_976 : i32 to index
        %parallel_loop3A_985 = arith.index_cast %parallel_loop3A_978 : i32 to index
        %parallel_loop3A_986 = tpu.vector_load %arg8[%parallel_loop3A_984, %parallel_loop3A_985] {strides = array<i32>} : memref<96x1024xf32, #tpu.memory_space<vmem>>, vector<1x16xf32>,
        %parallel_loop3A_987 = vector.shape_cast %parallel_loop3A_986 : vector<1x16xf32> to vector<16xf32>
        %parallel_loop3A_988 = vector.shape_cast %parallel_loop3A_983 : vector<16xf32> to vector<1x16xf32>
        tpu.vector_store %arg8[%parallel_loop3A_984, %parallel_loop3A_985], %parallel_loop3A_988 {strides = array<i32>} : memref<96x1024xf32, #tpu.memory_space<vmem>>, vector<1x16xf32>,
        %parallel_loop3A_989 = arith.constant 32 : i32
        %parallel_loop3A_990 = arith.addi %parallel_loop3A_989, %parallel_loop3A_918 : i32
        %parallel_loop3A_991 = arith.constant 80 : i32
        %parallel_loop3A_992 = arith.addi %mul3A_860, %parallel_loop3A_991 : i32
        %parallel_loop3A_993 = arith.index_cast %parallel_loop3A_990 : i32 to index
        %parallel_loop3A_994 = arith.index_cast %parallel_loop3A_992 : i32 to index
        %parallel_loop3A_995 = tpu.vector_load %arg8[%parallel_loop3A_993, %parallel_loop3A_994] {strides = array<i32>} : memref<96x1024xf32, #tpu.memory_space<vmem>>, vector<1x16xf32>,
        %parallel_loop3A_996 = vector.shape_cast %parallel_loop3A_995 : vector<1x16xf32> to vector<16xf32>
        %parallel_loop3A_997 = arith.addf %parallel_loop3A_996, %get3A_901 : vector<16xf32>
        %parallel_loop3A_998 = arith.index_cast %parallel_loop3A_990 : i32 to index
        %parallel_loop3A_999 = arith.index_cast %parallel_loop3A_992 : i32 to index
        %parallel_loop3A_1000 = tpu.vector_load %arg8[%parallel_loop3A_998, %parallel_loop3A_999] {strides = array<i32>} : memref<96x1024xf32, #tpu.memory_space<vmem>>, vector<1x16xf32>,
        %parallel_loop3A_1001 = vector.shape_cast %parallel_loop3A_1000 : vector<1x16xf32> to vector<16xf32>
        %parallel_loop3A_1002 = vector.shape_cast %parallel_loop3A_997 : vector<16xf32> to vector<1x16xf32>
        tpu.vector_store %arg8[%parallel_loop3A_998, %parallel_loop3A_999], %parallel_loop3A_1002 {strides = array<i32>} : memref<96x1024xf32, #tpu.memory_space<vmem>>, vector<1x16xf32>,
        %parallel_loop3A_1003 = arith.constant 32 : i32
        %parallel_loop3A_1004 = arith.addi %parallel_loop3A_1003, %parallel_loop3A_918 : i32
        %parallel_loop3A_1005 = arith.constant 96 : i32
        %parallel_loop3A_1006 = arith.addi %mul3A_860, %parallel_loop3A_1005 : i32
        %parallel_loop3A_1007 = arith.index_cast %parallel_loop3A_1004 : i32 to index
        %parallel_loop3A_1008 = arith.index_cast %parallel_loop3A_1006 : i32 to index
        %parallel_loop3A_1009 = tpu.vector_load %arg8[%parallel_loop3A_1007, %parallel_loop3A_1008] {strides = array<i32>} : memref<96x1024xf32, #tpu.memory_space<vmem>>, vector<1x16xf32>,
        %parallel_loop3A_1010 = vector.shape_cast %parallel_loop3A_1009 : vector<1x16xf32> to vector<16xf32>
        %parallel_loop3A_1011 = arith.addf %parallel_loop3A_1010, %get3A_908 : vector<16xf32>
        %parallel_loop3A_1012 = arith.index_cast %parallel_loop3A_1004 : i32 to index
        %parallel_loop3A_1013 = arith.index_cast %parallel_loop3A_1006 : i32 to index
        %parallel_loop3A_1014 = tpu.vector_load %arg8[%parallel_loop3A_1012, %parallel_loop3A_1013] {strides = array<i32>} : memref<96x1024xf32, #tpu.memory_space<vmem>>, vector<1x16xf32>,
        %parallel_loop3A_1015 = vector.shape_cast %parallel_loop3A_1014 : vector<1x16xf32> to vector<16xf32>
        %parallel_loop3A_1016 = vector.shape_cast %parallel_loop3A_1011 : vector<16xf32> to vector<1x16xf32>
        tpu.vector_store %arg8[%parallel_loop3A_1012, %parallel_loop3A_1013], %parallel_loop3A_1016 {strides = array<i32>} : memref<96x1024xf32, #tpu.memory_space<vmem>>, vector<1x16xf32>,
        %parallel_loop3A_1017 = arith.constant 32 : i32
        %parallel_loop3A_1018 = arith.addi %parallel_loop3A_1017, %parallel_loop3A_918 : i32
        %parallel_loop3A_1019 = arith.constant 112 : i32
        %parallel_loop3A_1020 = arith.addi %mul3A_860, %parallel_loop3A_1019 : i32
        %parallel_loop3A_1021 = arith.index_cast %parallel_loop3A_1018 : i32 to index
        %parallel_loop3A_1022 = arith.index_cast %parallel_loop3A_1020 : i32 to index
        %parallel_loop3A_1023 = tpu.vector_load %arg8[%parallel_loop3A_1021, %parallel_loop3A_1022] {strides = array<i32>} : memref<96x1024xf32, #tpu.memory_space<vmem>>, vector<1x16xf32>,
        %parallel_loop3A_1024 = vector.shape_cast %parallel_loop3A_1023 : vector<1x16xf32> to vector<16xf32>
        %parallel_loop3A_1025 = arith.addf %parallel_loop3A_1024, %get3A_915 : vector<16xf32>
        %parallel_loop3A_1026 = arith.index_cast %parallel_loop3A_1018 : i32 to index
        %parallel_loop3A_1027 = arith.index_cast %parallel_loop3A_1020 : i32 to index
        %parallel_loop3A_1028 = tpu.vector_load %arg8[%parallel_loop3A_1026, %parallel_loop3A_1027] {strides = array<i32>} : memref<96x1024xf32, #tpu.memory_space<vmem>>, vector<1x16xf32>,
        %parallel_loop3A_1029 = vector.shape_cast %parallel_loop3A_1028 : vector<1x16xf32> to vector<16xf32>
        %parallel_loop3A_1030 = vector.shape_cast %parallel_loop3A_1025 : vector<16xf32> to vector<1x16xf32>
        tpu.vector_store %arg8[%parallel_loop3A_1026, %parallel_loop3A_1027], %parallel_loop3A_1030 {strides = array<i32>} : memref<96x1024xf32, #tpu.memory_space<vmem>>, vector<1x16xf32>,
      } {sc.loop_unroll_factor = 2 : i64, sc.parallel_access}
    }
    %scan3A_564 = arith.constant 8 : i32
    %add3A_565 = arith.constant 320 : i32
    %add3A_566 = arith.addi %mul3A_2, %add3A_565 : i32
    %dma_start3A_567 = arith.constant 32 : i32
    %dma_start3A_568 = arith.constant 0 : i32
    %dma_start3A_569 = tpu.memref_slice %arg8[%dma_start3A_567, %dma_start3A_568] : memref<96x1024xf32, #tpu.memory_space<vmem>> -> memref<32x1024xf32, #tpu.memory_space<vmem>>
    %dma_start3A_570 = arith.constant 0 : i32
    %dma_start3A_571 = tpu.memref_slice %arg5[%add3A_566, %dma_start3A_570] : memref<16384x1024xf32, #tpu.memory_space<hbm>> -> memref<32x1024xf32, #tpu.memory_space<hbm>>
    %dma_start3A_572 = arith.constant 0 : i32
    %dma_start3A_573 = tpu.memref_slice %arg5[%add3A_566, %dma_start3A_572] : memref<16384x1024xf32, #tpu.memory_space<hbm>> -> memref<32x1024xf32, #tpu.memory_space<hbm>>
    %dma_start3A_574 = arith.constant 32 : i32
    %dma_start3A_575 = arith.constant 0 : i32
    %dma_start3A_576 = tpu.memref_slice %arg8[%dma_start3A_574, %dma_start3A_575] : memref<96x1024xf32, #tpu.memory_space<vmem>> -> memref<32x1024xf32, #tpu.memory_space<vmem>>
    tpu.enqueue_dma source(%dma_start3A_576 : memref<32x1024xf32, #tpu.memory_space<vmem>>) target(%dma_start3A_573 : memref<32x1024xf32, #tpu.memory_space<hbm>>) target_semaphore(%arg10 : memref<!tpu.dma_semaphore, #tpu.memory_space<semaphore_mem>>)
    %add3A_577 = arith.constant 288 : i32
    %add3A_578 = arith.addi %mul3A_2, %add3A_577 : i32
    %dma_wait3A_579 = arith.constant 0 : i32
    %dma_wait3A_580 = arith.constant 0 : i32
    %dma_wait3A_581 = tpu.memref_slice %arg8[%dma_wait3A_579, %dma_wait3A_580] : memref<96x1024xf32, #tpu.memory_space<vmem>> -> memref<32x1024xf32, #tpu.memory_space<vmem>>
    %dma_wait3A_582 = arith.constant 0 : i32
    %dma_wait3A_583 = tpu.memref_slice %arg5[%add3A_578, %dma_wait3A_582] : memref<16384x1024xf32, #tpu.memory_space<hbm>> -> memref<32x1024xf32, #tpu.memory_space<hbm>>
    %dma_wait3A_584 = arith.constant 0 : i32
    %dma_wait3A_585 = tpu.memref_slice %arg5[%add3A_578, %dma_wait3A_584] : memref<16384x1024xf32, #tpu.memory_space<hbm>> -> memref<32x1024xf32, #tpu.memory_space<hbm>>
    %dma_wait3A_586 = arith.constant 0 : i32
    %dma_wait3A_587 = arith.constant 0 : i32
    %dma_wait3A_588 = tpu.memref_slice %arg8[%dma_wait3A_586, %dma_wait3A_587] : memref<96x1024xf32, #tpu.memory_space<vmem>> -> memref<32x1024xf32, #tpu.memory_space<vmem>>
    tpu.wait_dma2 semaphore(%arg9 : memref<!tpu.dma_semaphore, #tpu.memory_space<semaphore_mem>>) src(%dma_wait3A_588 : memref<32x1024xf32, #tpu.memory_space<vmem>>) dst(%dma_wait3A_585 : memref<32x1024xf32, #tpu.memory_space<hbm>>)
    %add3A_589 = arith.constant 384 : i32
    %add3A_590 = arith.addi %mul3A_2, %add3A_589 : i32
    %dma_start3A_591 = arith.constant 0 : i32
    %dma_start3A_592 = arith.constant 0 : i32
    %dma_start3A_593 = tpu.memref_slice %arg8[%dma_start3A_591, %dma_start3A_592] : memref<96x1024xf32, #tpu.memory_space<vmem>> -> memref<32x1024xf32, #tpu.memory_space<vmem>>
    %dma_start3A_594 = arith.constant 0 : i32
    %dma_start3A_595 = tpu.memref_slice %arg4[%add3A_590, %dma_start3A_594] : memref<16384x1024xf32, #tpu.memory_space<hbm>> -> memref<32x1024xf32, #tpu.memory_space<hbm>>
    %dma_start3A_596 = arith.constant 0 : i32
    %dma_start3A_597 = arith.constant 0 : i32
    %dma_start3A_598 = tpu.memref_slice %arg8[%dma_start3A_596, %dma_start3A_597] : memref<96x1024xf32, #tpu.memory_space<vmem>> -> memref<32x1024xf32, #tpu.memory_space<vmem>>
    %dma_start3A_599 = arith.constant 0 : i32
    %dma_start3A_600 = tpu.memref_slice %arg4[%add3A_590, %dma_start3A_599] : memref<16384x1024xf32, #tpu.memory_space<hbm>> -> memref<32x1024xf32, #tpu.memory_space<hbm>>
    tpu.enqueue_dma source(%dma_start3A_600 : memref<32x1024xf32, #tpu.memory_space<hbm>>) target(%dma_start3A_598 : memref<32x1024xf32, #tpu.memory_space<vmem>>) target_semaphore(%arg9 : memref<!tpu.dma_semaphore, #tpu.memory_space<semaphore_mem>>)
    %add3A_601 = arith.constant 352 : i32
    %add3A_602 = arith.addi %mul3A_2, %add3A_601 : i32
    %dma_wait3A_603 = arith.constant 64 : i32
    %dma_wait3A_604 = arith.constant 0 : i32
    %dma_wait3A_605 = tpu.memref_slice %arg8[%dma_wait3A_603, %dma_wait3A_604] : memref<96x1024xf32, #tpu.memory_space<vmem>> -> memref<32x1024xf32, #tpu.memory_space<vmem>>
    %dma_wait3A_606 = arith.constant 0 : i32
    %dma_wait3A_607 = tpu.memref_slice %arg4[%add3A_602, %dma_wait3A_606] : memref<16384x1024xf32, #tpu.memory_space<hbm>> -> memref<32x1024xf32, #tpu.memory_space<hbm>>
    %dma_wait3A_608 = arith.constant 64 : i32
    %dma_wait3A_609 = arith.constant 0 : i32
    %dma_wait3A_610 = tpu.memref_slice %arg8[%dma_wait3A_608, %dma_wait3A_609] : memref<96x1024xf32, #tpu.memory_space<vmem>> -> memref<32x1024xf32, #tpu.memory_space<vmem>>
    %dma_wait3A_611 = arith.constant 0 : i32
    %dma_wait3A_612 = tpu.memref_slice %arg4[%add3A_602, %dma_wait3A_611] : memref<16384x1024xf32, #tpu.memory_space<hbm>> -> memref<32x1024xf32, #tpu.memory_space<hbm>>
    tpu.wait_dma2 semaphore(%arg11 : memref<!tpu.dma_semaphore, #tpu.memory_space<semaphore_mem>>) src(%dma_wait3A_612 : memref<32x1024xf32, #tpu.memory_space<hbm>>) dst(%dma_wait3A_610 : memref<32x1024xf32, #tpu.memory_space<vmem>>)
    %scan3A_613 = arith.constant 0 : i32
    %scan3A_614 = arith.constant 8 : i32
    %scan3A_615 = arith.addi %scan3A_613, %scan3A_614 : i32
    %scan3A_616 = arith.constant 1 : i32
    scf.for %scan3A_854 = %scan3A_613 to %scan3A_615 step %scan3A_616  : i32 {
      %mul3A_855 = arith.constant 1 : i32
      %mul3A_856 = arith.muli %scan3A_854, %mul3A_855 : i32
      %add3A_857 = arith.constant 0 : i32
      %add3A_858 = arith.addi %add3A_857, %mul3A_856 : i32
      %mul3A_859 = arith.constant 128 : i32
      %mul3A_860 = arith.muli %add3A_858, %mul3A_859 : i32
      %add3A_861 = arith.constant 0 : i32
      %add3A_862 = arith.addi %mul3A_860, %add3A_861 : i32
      %get3A = arith.constant 0 : i32
      %get3A_863 = arith.index_cast %get3A : i32 to index
      %get3A_864 = arith.index_cast %add3A_862 : i32 to index
      %get3A_865 = tpu.vector_load %arg7[%get3A_863, %get3A_864] {strides = array<i32>} : memref<8x1024xf32, #tpu.memory_space<vmem>>, vector<1x16xf32>,
      %get3A_866 = vector.shape_cast %get3A_865 : vector<1x16xf32> to vector<16xf32>
      %add3A_867 = arith.constant 16 : i32
      %add3A_868 = arith.addi %mul3A_860, %add3A_867 : i32
      %get3A_869 = arith.constant 0 : i32
      %get3A_870 = arith.index_cast %get3A_869 : i32 to index
      %get3A_871 = arith.index_cast %add3A_868 : i32 to index
      %get3A_872 = tpu.vector_load %arg7[%get3A_870, %get3A_871] {strides = array<i32>} : memref<8x1024xf32, #tpu.memory_space<vmem>>, vector<1x16xf32>,
      %get3A_873 = vector.shape_cast %get3A_872 : vector<1x16xf32> to vector<16xf32>
      %add3A_874 = arith.constant 32 : i32
      %add3A_875 = arith.addi %mul3A_860, %add3A_874 : i32
      %get3A_876 = arith.constant 0 : i32
      %get3A_877 = arith.index_cast %get3A_876 : i32 to index
      %get3A_878 = arith.index_cast %add3A_875 : i32 to index
      %get3A_879 = tpu.vector_load %arg7[%get3A_877, %get3A_878] {strides = array<i32>} : memref<8x1024xf32, #tpu.memory_space<vmem>>, vector<1x16xf32>,
      %get3A_880 = vector.shape_cast %get3A_879 : vector<1x16xf32> to vector<16xf32>
      %add3A_881 = arith.constant 48 : i32
      %add3A_882 = arith.addi %mul3A_860, %add3A_881 : i32
      %get3A_883 = arith.constant 0 : i32
      %get3A_884 = arith.index_cast %get3A_883 : i32 to index
      %get3A_885 = arith.index_cast %add3A_882 : i32 to index
      %get3A_886 = tpu.vector_load %arg7[%get3A_884, %get3A_885] {strides = array<i32>} : memref<8x1024xf32, #tpu.memory_space<vmem>>, vector<1x16xf32>,
      %get3A_887 = vector.shape_cast %get3A_886 : vector<1x16xf32> to vector<16xf32>
      %add3A_888 = arith.constant 64 : i32
      %add3A_889 = arith.addi %mul3A_860, %add3A_888 : i32
      %get3A_890 = arith.constant 0 : i32
      %get3A_891 = arith.index_cast %get3A_890 : i32 to index
      %get3A_892 = arith.index_cast %add3A_889 : i32 to index
      %get3A_893 = tpu.vector_load %arg7[%get3A_891, %get3A_892] {strides = array<i32>} : memref<8x1024xf32, #tpu.memory_space<vmem>>, vector<1x16xf32>,
      %get3A_894 = vector.shape_cast %get3A_893 : vector<1x16xf32> to vector<16xf32>
      %add3A_895 = arith.constant 80 : i32
      %add3A_896 = arith.addi %mul3A_860, %add3A_895 : i32
      %get3A_897 = arith.constant 0 : i32
      %get3A_898 = arith.index_cast %get3A_897 : i32 to index
      %get3A_899 = arith.index_cast %add3A_896 : i32 to index
      %get3A_900 = tpu.vector_load %arg7[%get3A_898, %get3A_899] {strides = array<i32>} : memref<8x1024xf32, #tpu.memory_space<vmem>>, vector<1x16xf32>,
      %get3A_901 = vector.shape_cast %get3A_900 : vector<1x16xf32> to vector<16xf32>
      %add3A_902 = arith.constant 96 : i32
      %add3A_903 = arith.addi %mul3A_860, %add3A_902 : i32
      %get3A_904 = arith.constant 0 : i32
      %get3A_905 = arith.index_cast %get3A_904 : i32 to index
      %get3A_906 = arith.index_cast %add3A_903 : i32 to index
      %get3A_907 = tpu.vector_load %arg7[%get3A_905, %get3A_906] {strides = array<i32>} : memref<8x1024xf32, #tpu.memory_space<vmem>>, vector<1x16xf32>,
      %get3A_908 = vector.shape_cast %get3A_907 : vector<1x16xf32> to vector<16xf32>
      %add3A_909 = arith.constant 112 : i32
      %add3A_910 = arith.addi %mul3A_860, %add3A_909 : i32
      %get3A_911 = arith.constant 0 : i32
      %get3A_912 = arith.index_cast %get3A_911 : i32 to index
      %get3A_913 = arith.index_cast %add3A_910 : i32 to index
      %get3A_914 = tpu.vector_load %arg7[%get3A_912, %get3A_913] {strides = array<i32>} : memref<8x1024xf32, #tpu.memory_space<vmem>>, vector<1x16xf32>,
      %get3A_915 = vector.shape_cast %get3A_914 : vector<1x16xf32> to vector<16xf32>
      %parallel_loop3A = arith.constant 0 : i32
      %parallel_loop3A_916 = arith.constant 32 : i32
      %parallel_loop3A_917 = arith.constant 1 : i32
      scf.for %parallel_loop3A_918 = %parallel_loop3A to %parallel_loop3A_916 step %parallel_loop3A_917  : i32 {
        %parallel_loop3A_919 = arith.constant 64 : i32
        %parallel_loop3A_920 = arith.addi %parallel_loop3A_919, %parallel_loop3A_918 : i32
        %parallel_loop3A_921 = arith.constant 0 : i32
        %parallel_loop3A_922 = arith.addi %mul3A_860, %parallel_loop3A_921 : i32
        %parallel_loop3A_923 = arith.index_cast %parallel_loop3A_920 : i32 to index
        %parallel_loop3A_924 = arith.index_cast %parallel_loop3A_922 : i32 to index
        %parallel_loop3A_925 = tpu.vector_load %arg8[%parallel_loop3A_923, %parallel_loop3A_924] {strides = array<i32>} : memref<96x1024xf32, #tpu.memory_space<vmem>>, vector<1x16xf32>,
        %parallel_loop3A_926 = vector.shape_cast %parallel_loop3A_925 : vector<1x16xf32> to vector<16xf32>
        %parallel_loop3A_927 = arith.addf %parallel_loop3A_926, %get3A_866 : vector<16xf32>
        %parallel_loop3A_928 = arith.index_cast %parallel_loop3A_920 : i32 to index
        %parallel_loop3A_929 = arith.index_cast %parallel_loop3A_922 : i32 to index
        %parallel_loop3A_930 = tpu.vector_load %arg8[%parallel_loop3A_928, %parallel_loop3A_929] {strides = array<i32>} : memref<96x1024xf32, #tpu.memory_space<vmem>>, vector<1x16xf32>,
        %parallel_loop3A_931 = vector.shape_cast %parallel_loop3A_930 : vector<1x16xf32> to vector<16xf32>
        %parallel_loop3A_932 = vector.shape_cast %parallel_loop3A_927 : vector<16xf32> to vector<1x16xf32>
        tpu.vector_store %arg8[%parallel_loop3A_928, %parallel_loop3A_929], %parallel_loop3A_932 {strides = array<i32>} : memref<96x1024xf32, #tpu.memory_space<vmem>>, vector<1x16xf32>,
        %parallel_loop3A_933 = arith.constant 64 : i32
        %parallel_loop3A_934 = arith.addi %parallel_loop3A_933, %parallel_loop3A_918 : i32
        %parallel_loop3A_935 = arith.constant 16 : i32
        %parallel_loop3A_936 = arith.addi %mul3A_860, %parallel_loop3A_935 : i32
        %parallel_loop3A_937 = arith.index_cast %parallel_loop3A_934 : i32 to index
        %parallel_loop3A_938 = arith.index_cast %parallel_loop3A_936 : i32 to index
        %parallel_loop3A_939 = tpu.vector_load %arg8[%parallel_loop3A_937, %parallel_loop3A_938] {strides = array<i32>} : memref<96x1024xf32, #tpu.memory_space<vmem>>, vector<1x16xf32>,
        %parallel_loop3A_940 = vector.shape_cast %parallel_loop3A_939 : vector<1x16xf32> to vector<16xf32>
        %parallel_loop3A_941 = arith.addf %parallel_loop3A_940, %get3A_873 : vector<16xf32>
        %parallel_loop3A_942 = arith.index_cast %parallel_loop3A_934 : i32 to index
        %parallel_loop3A_943 = arith.index_cast %parallel_loop3A_936 : i32 to index
        %parallel_loop3A_944 = tpu.vector_load %arg8[%parallel_loop3A_942, %parallel_loop3A_943] {strides = array<i32>} : memref<96x1024xf32, #tpu.memory_space<vmem>>, vector<1x16xf32>,
        %parallel_loop3A_945 = vector.shape_cast %parallel_loop3A_944 : vector<1x16xf32> to vector<16xf32>
        %parallel_loop3A_946 = vector.shape_cast %parallel_loop3A_941 : vector<16xf32> to vector<1x16xf32>
        tpu.vector_store %arg8[%parallel_loop3A_942, %parallel_loop3A_943], %parallel_loop3A_946 {strides = array<i32>} : memref<96x1024xf32, #tpu.memory_space<vmem>>, vector<1x16xf32>,
        %parallel_loop3A_947 = arith.constant 64 : i32
        %parallel_loop3A_948 = arith.addi %parallel_loop3A_947, %parallel_loop3A_918 : i32
        %parallel_loop3A_949 = arith.constant 32 : i32
        %parallel_loop3A_950 = arith.addi %mul3A_860, %parallel_loop3A_949 : i32
        %parallel_loop3A_951 = arith.index_cast %parallel_loop3A_948 : i32 to index
        %parallel_loop3A_952 = arith.index_cast %parallel_loop3A_950 : i32 to index
        %parallel_loop3A_953 = tpu.vector_load %arg8[%parallel_loop3A_951, %parallel_loop3A_952] {strides = array<i32>} : memref<96x1024xf32, #tpu.memory_space<vmem>>, vector<1x16xf32>,
        %parallel_loop3A_954 = vector.shape_cast %parallel_loop3A_953 : vector<1x16xf32> to vector<16xf32>
        %parallel_loop3A_955 = arith.addf %parallel_loop3A_954, %get3A_880 : vector<16xf32>
        %parallel_loop3A_956 = arith.index_cast %parallel_loop3A_948 : i32 to index
        %parallel_loop3A_957 = arith.index_cast %parallel_loop3A_950 : i32 to index
        %parallel_loop3A_958 = tpu.vector_load %arg8[%parallel_loop3A_956, %parallel_loop3A_957] {strides = array<i32>} : memref<96x1024xf32, #tpu.memory_space<vmem>>, vector<1x16xf32>,
        %parallel_loop3A_959 = vector.shape_cast %parallel_loop3A_958 : vector<1x16xf32> to vector<16xf32>
        %parallel_loop3A_960 = vector.shape_cast %parallel_loop3A_955 : vector<16xf32> to vector<1x16xf32>
        tpu.vector_store %arg8[%parallel_loop3A_956, %parallel_loop3A_957], %parallel_loop3A_960 {strides = array<i32>} : memref<96x1024xf32, #tpu.memory_space<vmem>>, vector<1x16xf32>,
        %parallel_loop3A_961 = arith.constant 64 : i32
        %parallel_loop3A_962 = arith.addi %parallel_loop3A_961, %parallel_loop3A_918 : i32
        %parallel_loop3A_963 = arith.constant 48 : i32
        %parallel_loop3A_964 = arith.addi %mul3A_860, %parallel_loop3A_963 : i32
        %parallel_loop3A_965 = arith.index_cast %parallel_loop3A_962 : i32 to index
        %parallel_loop3A_966 = arith.index_cast %parallel_loop3A_964 : i32 to index
        %parallel_loop3A_967 = tpu.vector_load %arg8[%parallel_loop3A_965, %parallel_loop3A_966] {strides = array<i32>} : memref<96x1024xf32, #tpu.memory_space<vmem>>, vector<1x16xf32>,
        %parallel_loop3A_968 = vector.shape_cast %parallel_loop3A_967 : vector<1x16xf32> to vector<16xf32>
        %parallel_loop3A_969 = arith.addf %parallel_loop3A_968, %get3A_887 : vector<16xf32>
        %parallel_loop3A_970 = arith.index_cast %parallel_loop3A_962 : i32 to index
        %parallel_loop3A_971 = arith.index_cast %parallel_loop3A_964 : i32 to index
        %parallel_loop3A_972 = tpu.vector_load %arg8[%parallel_loop3A_970, %parallel_loop3A_971] {strides = array<i32>} : memref<96x1024xf32, #tpu.memory_space<vmem>>, vector<1x16xf32>,
        %parallel_loop3A_973 = vector.shape_cast %parallel_loop3A_972 : vector<1x16xf32> to vector<16xf32>
        %parallel_loop3A_974 = vector.shape_cast %parallel_loop3A_969 : vector<16xf32> to vector<1x16xf32>
        tpu.vector_store %arg8[%parallel_loop3A_970, %parallel_loop3A_971], %parallel_loop3A_974 {strides = array<i32>} : memref<96x1024xf32, #tpu.memory_space<vmem>>, vector<1x16xf32>,
        %parallel_loop3A_975 = arith.constant 64 : i32
        %parallel_loop3A_976 = arith.addi %parallel_loop3A_975, %parallel_loop3A_918 : i32
        %parallel_loop3A_977 = arith.constant 64 : i32
        %parallel_loop3A_978 = arith.addi %mul3A_860, %parallel_loop3A_977 : i32
        %parallel_loop3A_979 = arith.index_cast %parallel_loop3A_976 : i32 to index
        %parallel_loop3A_980 = arith.index_cast %parallel_loop3A_978 : i32 to index
        %parallel_loop3A_981 = tpu.vector_load %arg8[%parallel_loop3A_979, %parallel_loop3A_980] {strides = array<i32>} : memref<96x1024xf32, #tpu.memory_space<vmem>>, vector<1x16xf32>,
        %parallel_loop3A_982 = vector.shape_cast %parallel_loop3A_981 : vector<1x16xf32> to vector<16xf32>
        %parallel_loop3A_983 = arith.addf %parallel_loop3A_982, %get3A_894 : vector<16xf32>
        %parallel_loop3A_984 = arith.index_cast %parallel_loop3A_976 : i32 to index
        %parallel_loop3A_985 = arith.index_cast %parallel_loop3A_978 : i32 to index
        %parallel_loop3A_986 = tpu.vector_load %arg8[%parallel_loop3A_984, %parallel_loop3A_985] {strides = array<i32>} : memref<96x1024xf32, #tpu.memory_space<vmem>>, vector<1x16xf32>,
        %parallel_loop3A_987 = vector.shape_cast %parallel_loop3A_986 : vector<1x16xf32> to vector<16xf32>
        %parallel_loop3A_988 = vector.shape_cast %parallel_loop3A_983 : vector<16xf32> to vector<1x16xf32>
        tpu.vector_store %arg8[%parallel_loop3A_984, %parallel_loop3A_985], %parallel_loop3A_988 {strides = array<i32>} : memref<96x1024xf32, #tpu.memory_space<vmem>>, vector<1x16xf32>,
        %parallel_loop3A_989 = arith.constant 64 : i32
        %parallel_loop3A_990 = arith.addi %parallel_loop3A_989, %parallel_loop3A_918 : i32
        %parallel_loop3A_991 = arith.constant 80 : i32
        %parallel_loop3A_992 = arith.addi %mul3A_860, %parallel_loop3A_991 : i32
        %parallel_loop3A_993 = arith.index_cast %parallel_loop3A_990 : i32 to index
        %parallel_loop3A_994 = arith.index_cast %parallel_loop3A_992 : i32 to index
        %parallel_loop3A_995 = tpu.vector_load %arg8[%parallel_loop3A_993, %parallel_loop3A_994] {strides = array<i32>} : memref<96x1024xf32, #tpu.memory_space<vmem>>, vector<1x16xf32>,
        %parallel_loop3A_996 = vector.shape_cast %parallel_loop3A_995 : vector<1x16xf32> to vector<16xf32>
        %parallel_loop3A_997 = arith.addf %parallel_loop3A_996, %get3A_901 : vector<16xf32>
        %parallel_loop3A_998 = arith.index_cast %parallel_loop3A_990 : i32 to index
        %parallel_loop3A_999 = arith.index_cast %parallel_loop3A_992 : i32 to index
        %parallel_loop3A_1000 = tpu.vector_load %arg8[%parallel_loop3A_998, %parallel_loop3A_999] {strides = array<i32>} : memref<96x1024xf32, #tpu.memory_space<vmem>>, vector<1x16xf32>,
        %parallel_loop3A_1001 = vector.shape_cast %parallel_loop3A_1000 : vector<1x16xf32> to vector<16xf32>
        %parallel_loop3A_1002 = vector.shape_cast %parallel_loop3A_997 : vector<16xf32> to vector<1x16xf32>
        tpu.vector_store %arg8[%parallel_loop3A_998, %parallel_loop3A_999], %parallel_loop3A_1002 {strides = array<i32>} : memref<96x1024xf32, #tpu.memory_space<vmem>>, vector<1x16xf32>,
        %parallel_loop3A_1003 = arith.constant 64 : i32
        %parallel_loop3A_1004 = arith.addi %parallel_loop3A_1003, %parallel_loop3A_918 : i32
        %parallel_loop3A_1005 = arith.constant 96 : i32
        %parallel_loop3A_1006 = arith.addi %mul3A_860, %parallel_loop3A_1005 : i32
        %parallel_loop3A_1007 = arith.index_cast %parallel_loop3A_1004 : i32 to index
        %parallel_loop3A_1008 = arith.index_cast %parallel_loop3A_1006 : i32 to index
        %parallel_loop3A_1009 = tpu.vector_load %arg8[%parallel_loop3A_1007, %parallel_loop3A_1008] {strides = array<i32>} : memref<96x1024xf32, #tpu.memory_space<vmem>>, vector<1x16xf32>,
        %parallel_loop3A_1010 = vector.shape_cast %parallel_loop3A_1009 : vector<1x16xf32> to vector<16xf32>
        %parallel_loop3A_1011 = arith.addf %parallel_loop3A_1010, %get3A_908 : vector<16xf32>
        %parallel_loop3A_1012 = arith.index_cast %parallel_loop3A_1004 : i32 to index
        %parallel_loop3A_1013 = arith.index_cast %parallel_loop3A_1006 : i32 to index
        %parallel_loop3A_1014 = tpu.vector_load %arg8[%parallel_loop3A_1012, %parallel_loop3A_1013] {strides = array<i32>} : memref<96x1024xf32, #tpu.memory_space<vmem>>, vector<1x16xf32>,
        %parallel_loop3A_1015 = vector.shape_cast %parallel_loop3A_1014 : vector<1x16xf32> to vector<16xf32>
        %parallel_loop3A_1016 = vector.shape_cast %parallel_loop3A_1011 : vector<16xf32> to vector<1x16xf32>
        tpu.vector_store %arg8[%parallel_loop3A_1012, %parallel_loop3A_1013], %parallel_loop3A_1016 {strides = array<i32>} : memref<96x1024xf32, #tpu.memory_space<vmem>>, vector<1x16xf32>,
        %parallel_loop3A_1017 = arith.constant 64 : i32
        %parallel_loop3A_1018 = arith.addi %parallel_loop3A_1017, %parallel_loop3A_918 : i32
        %parallel_loop3A_1019 = arith.constant 112 : i32
        %parallel_loop3A_1020 = arith.addi %mul3A_860, %parallel_loop3A_1019 : i32
        %parallel_loop3A_1021 = arith.index_cast %parallel_loop3A_1018 : i32 to index
        %parallel_loop3A_1022 = arith.index_cast %parallel_loop3A_1020 : i32 to index
        %parallel_loop3A_1023 = tpu.vector_load %arg8[%parallel_loop3A_1021, %parallel_loop3A_1022] {strides = array<i32>} : memref<96x1024xf32, #tpu.memory_space<vmem>>, vector<1x16xf32>,
        %parallel_loop3A_1024 = vector.shape_cast %parallel_loop3A_1023 : vector<1x16xf32> to vector<16xf32>
        %parallel_loop3A_1025 = arith.addf %parallel_loop3A_1024, %get3A_915 : vector<16xf32>
        %parallel_loop3A_1026 = arith.index_cast %parallel_loop3A_1018 : i32 to index
        %parallel_loop3A_1027 = arith.index_cast %parallel_loop3A_1020 : i32 to index
        %parallel_loop3A_1028 = tpu.vector_load %arg8[%parallel_loop3A_1026, %parallel_loop3A_1027] {strides = array<i32>} : memref<96x1024xf32, #tpu.memory_space<vmem>>, vector<1x16xf32>,
        %parallel_loop3A_1029 = vector.shape_cast %parallel_loop3A_1028 : vector<1x16xf32> to vector<16xf32>
        %parallel_loop3A_1030 = vector.shape_cast %parallel_loop3A_1025 : vector<16xf32> to vector<1x16xf32>
        tpu.vector_store %arg8[%parallel_loop3A_1026, %parallel_loop3A_1027], %parallel_loop3A_1030 {strides = array<i32>} : memref<96x1024xf32, #tpu.memory_space<vmem>>, vector<1x16xf32>,
      } {sc.loop_unroll_factor = 2 : i64, sc.parallel_access}
    }
    %scan3A_617 = arith.constant 8 : i32
    %add3A_618 = arith.constant 352 : i32
    %add3A_619 = arith.addi %mul3A_2, %add3A_618 : i32
    %dma_start3A_620 = arith.constant 64 : i32
    %dma_start3A_621 = arith.constant 0 : i32
    %dma_start3A_622 = tpu.memref_slice %arg8[%dma_start3A_620, %dma_start3A_621] : memref<96x1024xf32, #tpu.memory_space<vmem>> -> memref<32x1024xf32, #tpu.memory_space<vmem>>
    %dma_start3A_623 = arith.constant 0 : i32
    %dma_start3A_624 = tpu.memref_slice %arg5[%add3A_619, %dma_start3A_623] : memref<16384x1024xf32, #tpu.memory_space<hbm>> -> memref<32x1024xf32, #tpu.memory_space<hbm>>
    %dma_start3A_625 = arith.constant 0 : i32
    %dma_start3A_626 = tpu.memref_slice %arg5[%add3A_619, %dma_start3A_625] : memref<16384x1024xf32, #tpu.memory_space<hbm>> -> memref<32x1024xf32, #tpu.memory_space<hbm>>
    %dma_start3A_627 = arith.constant 64 : i32
    %dma_start3A_628 = arith.constant 0 : i32
    %dma_start3A_629 = tpu.memref_slice %arg8[%dma_start3A_627, %dma_start3A_628] : memref<96x1024xf32, #tpu.memory_space<vmem>> -> memref<32x1024xf32, #tpu.memory_space<vmem>>
    tpu.enqueue_dma source(%dma_start3A_629 : memref<32x1024xf32, #tpu.memory_space<vmem>>) target(%dma_start3A_626 : memref<32x1024xf32, #tpu.memory_space<hbm>>) target_semaphore(%arg11 : memref<!tpu.dma_semaphore, #tpu.memory_space<semaphore_mem>>)
    %add3A_630 = arith.constant 320 : i32
    %add3A_631 = arith.addi %mul3A_2, %add3A_630 : i32
    %dma_wait3A_632 = arith.constant 32 : i32
    %dma_wait3A_633 = arith.constant 0 : i32
    %dma_wait3A_634 = tpu.memref_slice %arg8[%dma_wait3A_632, %dma_wait3A_633] : memref<96x1024xf32, #tpu.memory_space<vmem>> -> memref<32x1024xf32, #tpu.memory_space<vmem>>
    %dma_wait3A_635 = arith.constant 0 : i32
    %dma_wait3A_636 = tpu.memref_slice %arg5[%add3A_631, %dma_wait3A_635] : memref<16384x1024xf32, #tpu.memory_space<hbm>> -> memref<32x1024xf32, #tpu.memory_space<hbm>>
    %dma_wait3A_637 = arith.constant 0 : i32
    %dma_wait3A_638 = tpu.memref_slice %arg5[%add3A_631, %dma_wait3A_637] : memref<16384x1024xf32, #tpu.memory_space<hbm>> -> memref<32x1024xf32, #tpu.memory_space<hbm>>
    %dma_wait3A_639 = arith.constant 32 : i32
    %dma_wait3A_640 = arith.constant 0 : i32
    %dma_wait3A_641 = tpu.memref_slice %arg8[%dma_wait3A_639, %dma_wait3A_640] : memref<96x1024xf32, #tpu.memory_space<vmem>> -> memref<32x1024xf32, #tpu.memory_space<vmem>>
    tpu.wait_dma2 semaphore(%arg10 : memref<!tpu.dma_semaphore, #tpu.memory_space<semaphore_mem>>) src(%dma_wait3A_641 : memref<32x1024xf32, #tpu.memory_space<vmem>>) dst(%dma_wait3A_638 : memref<32x1024xf32, #tpu.memory_space<hbm>>)
    %add3A_642 = arith.constant 416 : i32
    %add3A_643 = arith.addi %mul3A_2, %add3A_642 : i32
    %dma_start3A_644 = arith.constant 32 : i32
    %dma_start3A_645 = arith.constant 0 : i32
    %dma_start3A_646 = tpu.memref_slice %arg8[%dma_start3A_644, %dma_start3A_645] : memref<96x1024xf32, #tpu.memory_space<vmem>> -> memref<32x1024xf32, #tpu.memory_space<vmem>>
    %dma_start3A_647 = arith.constant 0 : i32
    %dma_start3A_648 = tpu.memref_slice %arg4[%add3A_643, %dma_start3A_647] : memref<16384x1024xf32, #tpu.memory_space<hbm>> -> memref<32x1024xf32, #tpu.memory_space<hbm>>
    %dma_start3A_649 = arith.constant 32 : i32
    %dma_start3A_650 = arith.constant 0 : i32
    %dma_start3A_651 = tpu.memref_slice %arg8[%dma_start3A_649, %dma_start3A_650] : memref<96x1024xf32, #tpu.memory_space<vmem>> -> memref<32x1024xf32, #tpu.memory_space<vmem>>
    %dma_start3A_652 = arith.constant 0 : i32
    %dma_start3A_653 = tpu.memref_slice %arg4[%add3A_643, %dma_start3A_652] : memref<16384x1024xf32, #tpu.memory_space<hbm>> -> memref<32x1024xf32, #tpu.memory_space<hbm>>
    tpu.enqueue_dma source(%dma_start3A_653 : memref<32x1024xf32, #tpu.memory_space<hbm>>) target(%dma_start3A_651 : memref<32x1024xf32, #tpu.memory_space<vmem>>) target_semaphore(%arg10 : memref<!tpu.dma_semaphore, #tpu.memory_space<semaphore_mem>>)
    %add3A_654 = arith.constant 384 : i32
    %add3A_655 = arith.addi %mul3A_2, %add3A_654 : i32
    %dma_wait3A_656 = arith.constant 0 : i32
    %dma_wait3A_657 = arith.constant 0 : i32
    %dma_wait3A_658 = tpu.memref_slice %arg8[%dma_wait3A_656, %dma_wait3A_657] : memref<96x1024xf32, #tpu.memory_space<vmem>> -> memref<32x1024xf32, #tpu.memory_space<vmem>>
    %dma_wait3A_659 = arith.constant 0 : i32
    %dma_wait3A_660 = tpu.memref_slice %arg4[%add3A_655, %dma_wait3A_659] : memref<16384x1024xf32, #tpu.memory_space<hbm>> -> memref<32x1024xf32, #tpu.memory_space<hbm>>
    %dma_wait3A_661 = arith.constant 0 : i32
    %dma_wait3A_662 = arith.constant 0 : i32
    %dma_wait3A_663 = tpu.memref_slice %arg8[%dma_wait3A_661, %dma_wait3A_662] : memref<96x1024xf32, #tpu.memory_space<vmem>> -> memref<32x1024xf32, #tpu.memory_space<vmem>>
    %dma_wait3A_664 = arith.constant 0 : i32
    %dma_wait3A_665 = tpu.memref_slice %arg4[%add3A_655, %dma_wait3A_664] : memref<16384x1024xf32, #tpu.memory_space<hbm>> -> memref<32x1024xf32, #tpu.memory_space<hbm>>
    tpu.wait_dma2 semaphore(%arg9 : memref<!tpu.dma_semaphore, #tpu.memory_space<semaphore_mem>>) src(%dma_wait3A_665 : memref<32x1024xf32, #tpu.memory_space<hbm>>) dst(%dma_wait3A_663 : memref<32x1024xf32, #tpu.memory_space<vmem>>)
    %scan3A_666 = arith.constant 0 : i32
    %scan3A_667 = arith.constant 8 : i32
    %scan3A_668 = arith.addi %scan3A_666, %scan3A_667 : i32
    %scan3A_669 = arith.constant 1 : i32
    scf.for %scan3A_854 = %scan3A_666 to %scan3A_668 step %scan3A_669  : i32 {
      %mul3A_855 = arith.constant 1 : i32
      %mul3A_856 = arith.muli %scan3A_854, %mul3A_855 : i32
      %add3A_857 = arith.constant 0 : i32
      %add3A_858 = arith.addi %add3A_857, %mul3A_856 : i32
      %mul3A_859 = arith.constant 128 : i32
      %mul3A_860 = arith.muli %add3A_858, %mul3A_859 : i32
      %add3A_861 = arith.constant 0 : i32
      %add3A_862 = arith.addi %mul3A_860, %add3A_861 : i32
      %get3A = arith.constant 0 : i32
      %get3A_863 = arith.index_cast %get3A : i32 to index
      %get3A_864 = arith.index_cast %add3A_862 : i32 to index
      %get3A_865 = tpu.vector_load %arg7[%get3A_863, %get3A_864] {strides = array<i32>} : memref<8x1024xf32, #tpu.memory_space<vmem>>, vector<1x16xf32>,
      %get3A_866 = vector.shape_cast %get3A_865 : vector<1x16xf32> to vector<16xf32>
      %add3A_867 = arith.constant 16 : i32
      %add3A_868 = arith.addi %mul3A_860, %add3A_867 : i32
      %get3A_869 = arith.constant 0 : i32
      %get3A_870 = arith.index_cast %get3A_869 : i32 to index
      %get3A_871 = arith.index_cast %add3A_868 : i32 to index
      %get3A_872 = tpu.vector_load %arg7[%get3A_870, %get3A_871] {strides = array<i32>} : memref<8x1024xf32, #tpu.memory_space<vmem>>, vector<1x16xf32>,
      %get3A_873 = vector.shape_cast %get3A_872 : vector<1x16xf32> to vector<16xf32>
      %add3A_874 = arith.constant 32 : i32
      %add3A_875 = arith.addi %mul3A_860, %add3A_874 : i32
      %get3A_876 = arith.constant 0 : i32
      %get3A_877 = arith.index_cast %get3A_876 : i32 to index
      %get3A_878 = arith.index_cast %add3A_875 : i32 to index
      %get3A_879 = tpu.vector_load %arg7[%get3A_877, %get3A_878] {strides = array<i32>} : memref<8x1024xf32, #tpu.memory_space<vmem>>, vector<1x16xf32>,
      %get3A_880 = vector.shape_cast %get3A_879 : vector<1x16xf32> to vector<16xf32>
      %add3A_881 = arith.constant 48 : i32
      %add3A_882 = arith.addi %mul3A_860, %add3A_881 : i32
      %get3A_883 = arith.constant 0 : i32
      %get3A_884 = arith.index_cast %get3A_883 : i32 to index
      %get3A_885 = arith.index_cast %add3A_882 : i32 to index
      %get3A_886 = tpu.vector_load %arg7[%get3A_884, %get3A_885] {strides = array<i32>} : memref<8x1024xf32, #tpu.memory_space<vmem>>, vector<1x16xf32>,
      %get3A_887 = vector.shape_cast %get3A_886 : vector<1x16xf32> to vector<16xf32>
      %add3A_888 = arith.constant 64 : i32
      %add3A_889 = arith.addi %mul3A_860, %add3A_888 : i32
      %get3A_890 = arith.constant 0 : i32
      %get3A_891 = arith.index_cast %get3A_890 : i32 to index
      %get3A_892 = arith.index_cast %add3A_889 : i32 to index
      %get3A_893 = tpu.vector_load %arg7[%get3A_891, %get3A_892] {strides = array<i32>} : memref<8x1024xf32, #tpu.memory_space<vmem>>, vector<1x16xf32>,
      %get3A_894 = vector.shape_cast %get3A_893 : vector<1x16xf32> to vector<16xf32>
      %add3A_895 = arith.constant 80 : i32
      %add3A_896 = arith.addi %mul3A_860, %add3A_895 : i32
      %get3A_897 = arith.constant 0 : i32
      %get3A_898 = arith.index_cast %get3A_897 : i32 to index
      %get3A_899 = arith.index_cast %add3A_896 : i32 to index
      %get3A_900 = tpu.vector_load %arg7[%get3A_898, %get3A_899] {strides = array<i32>} : memref<8x1024xf32, #tpu.memory_space<vmem>>, vector<1x16xf32>,
      %get3A_901 = vector.shape_cast %get3A_900 : vector<1x16xf32> to vector<16xf32>
      %add3A_902 = arith.constant 96 : i32
      %add3A_903 = arith.addi %mul3A_860, %add3A_902 : i32
      %get3A_904 = arith.constant 0 : i32
      %get3A_905 = arith.index_cast %get3A_904 : i32 to index
      %get3A_906 = arith.index_cast %add3A_903 : i32 to index
      %get3A_907 = tpu.vector_load %arg7[%get3A_905, %get3A_906] {strides = array<i32>} : memref<8x1024xf32, #tpu.memory_space<vmem>>, vector<1x16xf32>,
      %get3A_908 = vector.shape_cast %get3A_907 : vector<1x16xf32> to vector<16xf32>
      %add3A_909 = arith.constant 112 : i32
      %add3A_910 = arith.addi %mul3A_860, %add3A_909 : i32
      %get3A_911 = arith.constant 0 : i32
      %get3A_912 = arith.index_cast %get3A_911 : i32 to index
      %get3A_913 = arith.index_cast %add3A_910 : i32 to index
      %get3A_914 = tpu.vector_load %arg7[%get3A_912, %get3A_913] {strides = array<i32>} : memref<8x1024xf32, #tpu.memory_space<vmem>>, vector<1x16xf32>,
      %get3A_915 = vector.shape_cast %get3A_914 : vector<1x16xf32> to vector<16xf32>
      %parallel_loop3A = arith.constant 0 : i32
      %parallel_loop3A_916 = arith.constant 32 : i32
      %parallel_loop3A_917 = arith.constant 1 : i32
      scf.for %parallel_loop3A_918 = %parallel_loop3A to %parallel_loop3A_916 step %parallel_loop3A_917  : i32 {
        %parallel_loop3A_919 = arith.constant 0 : i32
        %parallel_loop3A_920 = arith.addi %parallel_loop3A_919, %parallel_loop3A_918 : i32
        %parallel_loop3A_921 = arith.constant 0 : i32
        %parallel_loop3A_922 = arith.addi %mul3A_860, %parallel_loop3A_921 : i32
        %parallel_loop3A_923 = arith.index_cast %parallel_loop3A_920 : i32 to index
        %parallel_loop3A_924 = arith.index_cast %parallel_loop3A_922 : i32 to index
        %parallel_loop3A_925 = tpu.vector_load %arg8[%parallel_loop3A_923, %parallel_loop3A_924] {strides = array<i32>} : memref<96x1024xf32, #tpu.memory_space<vmem>>, vector<1x16xf32>,
        %parallel_loop3A_926 = vector.shape_cast %parallel_loop3A_925 : vector<1x16xf32> to vector<16xf32>
        %parallel_loop3A_927 = arith.addf %parallel_loop3A_926, %get3A_866 : vector<16xf32>
        %parallel_loop3A_928 = arith.index_cast %parallel_loop3A_920 : i32 to index
        %parallel_loop3A_929 = arith.index_cast %parallel_loop3A_922 : i32 to index
        %parallel_loop3A_930 = tpu.vector_load %arg8[%parallel_loop3A_928, %parallel_loop3A_929] {strides = array<i32>} : memref<96x1024xf32, #tpu.memory_space<vmem>>, vector<1x16xf32>,
        %parallel_loop3A_931 = vector.shape_cast %parallel_loop3A_930 : vector<1x16xf32> to vector<16xf32>
        %parallel_loop3A_932 = vector.shape_cast %parallel_loop3A_927 : vector<16xf32> to vector<1x16xf32>
        tpu.vector_store %arg8[%parallel_loop3A_928, %parallel_loop3A_929], %parallel_loop3A_932 {strides = array<i32>} : memref<96x1024xf32, #tpu.memory_space<vmem>>, vector<1x16xf32>,
        %parallel_loop3A_933 = arith.constant 0 : i32
        %parallel_loop3A_934 = arith.addi %parallel_loop3A_933, %parallel_loop3A_918 : i32
        %parallel_loop3A_935 = arith.constant 16 : i32
        %parallel_loop3A_936 = arith.addi %mul3A_860, %parallel_loop3A_935 : i32
        %parallel_loop3A_937 = arith.index_cast %parallel_loop3A_934 : i32 to index
        %parallel_loop3A_938 = arith.index_cast %parallel_loop3A_936 : i32 to index
        %parallel_loop3A_939 = tpu.vector_load %arg8[%parallel_loop3A_937, %parallel_loop3A_938] {strides = array<i32>} : memref<96x1024xf32, #tpu.memory_space<vmem>>, vector<1x16xf32>,
        %parallel_loop3A_940 = vector.shape_cast %parallel_loop3A_939 : vector<1x16xf32> to vector<16xf32>
        %parallel_loop3A_941 = arith.addf %parallel_loop3A_940, %get3A_873 : vector<16xf32>
        %parallel_loop3A_942 = arith.index_cast %parallel_loop3A_934 : i32 to index
        %parallel_loop3A_943 = arith.index_cast %parallel_loop3A_936 : i32 to index
        %parallel_loop3A_944 = tpu.vector_load %arg8[%parallel_loop3A_942, %parallel_loop3A_943] {strides = array<i32>} : memref<96x1024xf32, #tpu.memory_space<vmem>>, vector<1x16xf32>,
        %parallel_loop3A_945 = vector.shape_cast %parallel_loop3A_944 : vector<1x16xf32> to vector<16xf32>
        %parallel_loop3A_946 = vector.shape_cast %parallel_loop3A_941 : vector<16xf32> to vector<1x16xf32>
        tpu.vector_store %arg8[%parallel_loop3A_942, %parallel_loop3A_943], %parallel_loop3A_946 {strides = array<i32>} : memref<96x1024xf32, #tpu.memory_space<vmem>>, vector<1x16xf32>,
        %parallel_loop3A_947 = arith.constant 0 : i32
        %parallel_loop3A_948 = arith.addi %parallel_loop3A_947, %parallel_loop3A_918 : i32
        %parallel_loop3A_949 = arith.constant 32 : i32
        %parallel_loop3A_950 = arith.addi %mul3A_860, %parallel_loop3A_949 : i32
        %parallel_loop3A_951 = arith.index_cast %parallel_loop3A_948 : i32 to index
        %parallel_loop3A_952 = arith.index_cast %parallel_loop3A_950 : i32 to index
        %parallel_loop3A_953 = tpu.vector_load %arg8[%parallel_loop3A_951, %parallel_loop3A_952] {strides = array<i32>} : memref<96x1024xf32, #tpu.memory_space<vmem>>, vector<1x16xf32>,
        %parallel_loop3A_954 = vector.shape_cast %parallel_loop3A_953 : vector<1x16xf32> to vector<16xf32>
        %parallel_loop3A_955 = arith.addf %parallel_loop3A_954, %get3A_880 : vector<16xf32>
        %parallel_loop3A_956 = arith.index_cast %parallel_loop3A_948 : i32 to index
        %parallel_loop3A_957 = arith.index_cast %parallel_loop3A_950 : i32 to index
        %parallel_loop3A_958 = tpu.vector_load %arg8[%parallel_loop3A_956, %parallel_loop3A_957] {strides = array<i32>} : memref<96x1024xf32, #tpu.memory_space<vmem>>, vector<1x16xf32>,
        %parallel_loop3A_959 = vector.shape_cast %parallel_loop3A_958 : vector<1x16xf32> to vector<16xf32>
        %parallel_loop3A_960 = vector.shape_cast %parallel_loop3A_955 : vector<16xf32> to vector<1x16xf32>
        tpu.vector_store %arg8[%parallel_loop3A_956, %parallel_loop3A_957], %parallel_loop3A_960 {strides = array<i32>} : memref<96x1024xf32, #tpu.memory_space<vmem>>, vector<1x16xf32>,
        %parallel_loop3A_961 = arith.constant 0 : i32
        %parallel_loop3A_962 = arith.addi %parallel_loop3A_961, %parallel_loop3A_918 : i32
        %parallel_loop3A_963 = arith.constant 48 : i32
        %parallel_loop3A_964 = arith.addi %mul3A_860, %parallel_loop3A_963 : i32
        %parallel_loop3A_965 = arith.index_cast %parallel_loop3A_962 : i32 to index
        %parallel_loop3A_966 = arith.index_cast %parallel_loop3A_964 : i32 to index
        %parallel_loop3A_967 = tpu.vector_load %arg8[%parallel_loop3A_965, %parallel_loop3A_966] {strides = array<i32>} : memref<96x1024xf32, #tpu.memory_space<vmem>>, vector<1x16xf32>,
        %parallel_loop3A_968 = vector.shape_cast %parallel_loop3A_967 : vector<1x16xf32> to vector<16xf32>
        %parallel_loop3A_969 = arith.addf %parallel_loop3A_968, %get3A_887 : vector<16xf32>
        %parallel_loop3A_970 = arith.index_cast %parallel_loop3A_962 : i32 to index
        %parallel_loop3A_971 = arith.index_cast %parallel_loop3A_964 : i32 to index
        %parallel_loop3A_972 = tpu.vector_load %arg8[%parallel_loop3A_970, %parallel_loop3A_971] {strides = array<i32>} : memref<96x1024xf32, #tpu.memory_space<vmem>>, vector<1x16xf32>,
        %parallel_loop3A_973 = vector.shape_cast %parallel_loop3A_972 : vector<1x16xf32> to vector<16xf32>
        %parallel_loop3A_974 = vector.shape_cast %parallel_loop3A_969 : vector<16xf32> to vector<1x16xf32>
        tpu.vector_store %arg8[%parallel_loop3A_970, %parallel_loop3A_971], %parallel_loop3A_974 {strides = array<i32>} : memref<96x1024xf32, #tpu.memory_space<vmem>>, vector<1x16xf32>,
        %parallel_loop3A_975 = arith.constant 0 : i32
        %parallel_loop3A_976 = arith.addi %parallel_loop3A_975, %parallel_loop3A_918 : i32
        %parallel_loop3A_977 = arith.constant 64 : i32
        %parallel_loop3A_978 = arith.addi %mul3A_860, %parallel_loop3A_977 : i32
        %parallel_loop3A_979 = arith.index_cast %parallel_loop3A_976 : i32 to index
        %parallel_loop3A_980 = arith.index_cast %parallel_loop3A_978 : i32 to index
        %parallel_loop3A_981 = tpu.vector_load %arg8[%parallel_loop3A_979, %parallel_loop3A_980] {strides = array<i32>} : memref<96x1024xf32, #tpu.memory_space<vmem>>, vector<1x16xf32>,
        %parallel_loop3A_982 = vector.shape_cast %parallel_loop3A_981 : vector<1x16xf32> to vector<16xf32>
        %parallel_loop3A_983 = arith.addf %parallel_loop3A_982, %get3A_894 : vector<16xf32>
        %parallel_loop3A_984 = arith.index_cast %parallel_loop3A_976 : i32 to index
        %parallel_loop3A_985 = arith.index_cast %parallel_loop3A_978 : i32 to index
        %parallel_loop3A_986 = tpu.vector_load %arg8[%parallel_loop3A_984, %parallel_loop3A_985] {strides = array<i32>} : memref<96x1024xf32, #tpu.memory_space<vmem>>, vector<1x16xf32>,
        %parallel_loop3A_987 = vector.shape_cast %parallel_loop3A_986 : vector<1x16xf32> to vector<16xf32>
        %parallel_loop3A_988 = vector.shape_cast %parallel_loop3A_983 : vector<16xf32> to vector<1x16xf32>
        tpu.vector_store %arg8[%parallel_loop3A_984, %parallel_loop3A_985], %parallel_loop3A_988 {strides = array<i32>} : memref<96x1024xf32, #tpu.memory_space<vmem>>, vector<1x16xf32>,
        %parallel_loop3A_989 = arith.constant 0 : i32
        %parallel_loop3A_990 = arith.addi %parallel_loop3A_989, %parallel_loop3A_918 : i32
        %parallel_loop3A_991 = arith.constant 80 : i32
        %parallel_loop3A_992 = arith.addi %mul3A_860, %parallel_loop3A_991 : i32
        %parallel_loop3A_993 = arith.index_cast %parallel_loop3A_990 : i32 to index
        %parallel_loop3A_994 = arith.index_cast %parallel_loop3A_992 : i32 to index
        %parallel_loop3A_995 = tpu.vector_load %arg8[%parallel_loop3A_993, %parallel_loop3A_994] {strides = array<i32>} : memref<96x1024xf32, #tpu.memory_space<vmem>>, vector<1x16xf32>,
        %parallel_loop3A_996 = vector.shape_cast %parallel_loop3A_995 : vector<1x16xf32> to vector<16xf32>
        %parallel_loop3A_997 = arith.addf %parallel_loop3A_996, %get3A_901 : vector<16xf32>
        %parallel_loop3A_998 = arith.index_cast %parallel_loop3A_990 : i32 to index
        %parallel_loop3A_999 = arith.index_cast %parallel_loop3A_992 : i32 to index
        %parallel_loop3A_1000 = tpu.vector_load %arg8[%parallel_loop3A_998, %parallel_loop3A_999] {strides = array<i32>} : memref<96x1024xf32, #tpu.memory_space<vmem>>, vector<1x16xf32>,
        %parallel_loop3A_1001 = vector.shape_cast %parallel_loop3A_1000 : vector<1x16xf32> to vector<16xf32>
        %parallel_loop3A_1002 = vector.shape_cast %parallel_loop3A_997 : vector<16xf32> to vector<1x16xf32>
        tpu.vector_store %arg8[%parallel_loop3A_998, %parallel_loop3A_999], %parallel_loop3A_1002 {strides = array<i32>} : memref<96x1024xf32, #tpu.memory_space<vmem>>, vector<1x16xf32>,
        %parallel_loop3A_1003 = arith.constant 0 : i32
        %parallel_loop3A_1004 = arith.addi %parallel_loop3A_1003, %parallel_loop3A_918 : i32
        %parallel_loop3A_1005 = arith.constant 96 : i32
        %parallel_loop3A_1006 = arith.addi %mul3A_860, %parallel_loop3A_1005 : i32
        %parallel_loop3A_1007 = arith.index_cast %parallel_loop3A_1004 : i32 to index
        %parallel_loop3A_1008 = arith.index_cast %parallel_loop3A_1006 : i32 to index
        %parallel_loop3A_1009 = tpu.vector_load %arg8[%parallel_loop3A_1007, %parallel_loop3A_1008] {strides = array<i32>} : memref<96x1024xf32, #tpu.memory_space<vmem>>, vector<1x16xf32>,
        %parallel_loop3A_1010 = vector.shape_cast %parallel_loop3A_1009 : vector<1x16xf32> to vector<16xf32>
        %parallel_loop3A_1011 = arith.addf %parallel_loop3A_1010, %get3A_908 : vector<16xf32>
        %parallel_loop3A_1012 = arith.index_cast %parallel_loop3A_1004 : i32 to index
        %parallel_loop3A_1013 = arith.index_cast %parallel_loop3A_1006 : i32 to index
        %parallel_loop3A_1014 = tpu.vector_load %arg8[%parallel_loop3A_1012, %parallel_loop3A_1013] {strides = array<i32>} : memref<96x1024xf32, #tpu.memory_space<vmem>>, vector<1x16xf32>,
        %parallel_loop3A_1015 = vector.shape_cast %parallel_loop3A_1014 : vector<1x16xf32> to vector<16xf32>
        %parallel_loop3A_1016 = vector.shape_cast %parallel_loop3A_1011 : vector<16xf32> to vector<1x16xf32>
        tpu.vector_store %arg8[%parallel_loop3A_1012, %parallel_loop3A_1013], %parallel_loop3A_1016 {strides = array<i32>} : memref<96x1024xf32, #tpu.memory_space<vmem>>, vector<1x16xf32>,
        %parallel_loop3A_1017 = arith.constant 0 : i32
        %parallel_loop3A_1018 = arith.addi %parallel_loop3A_1017, %parallel_loop3A_918 : i32
        %parallel_loop3A_1019 = arith.constant 112 : i32
        %parallel_loop3A_1020 = arith.addi %mul3A_860, %parallel_loop3A_1019 : i32
        %parallel_loop3A_1021 = arith.index_cast %parallel_loop3A_1018 : i32 to index
        %parallel_loop3A_1022 = arith.index_cast %parallel_loop3A_1020 : i32 to index
        %parallel_loop3A_1023 = tpu.vector_load %arg8[%parallel_loop3A_1021, %parallel_loop3A_1022] {strides = array<i32>} : memref<96x1024xf32, #tpu.memory_space<vmem>>, vector<1x16xf32>,
        %parallel_loop3A_1024 = vector.shape_cast %parallel_loop3A_1023 : vector<1x16xf32> to vector<16xf32>
        %parallel_loop3A_1025 = arith.addf %parallel_loop3A_1024, %get3A_915 : vector<16xf32>
        %parallel_loop3A_1026 = arith.index_cast %parallel_loop3A_1018 : i32 to index
        %parallel_loop3A_1027 = arith.index_cast %parallel_loop3A_1020 : i32 to index
        %parallel_loop3A_1028 = tpu.vector_load %arg8[%parallel_loop3A_1026, %parallel_loop3A_1027] {strides = array<i32>} : memref<96x1024xf32, #tpu.memory_space<vmem>>, vector<1x16xf32>,
        %parallel_loop3A_1029 = vector.shape_cast %parallel_loop3A_1028 : vector<1x16xf32> to vector<16xf32>
        %parallel_loop3A_1030 = vector.shape_cast %parallel_loop3A_1025 : vector<16xf32> to vector<1x16xf32>
        tpu.vector_store %arg8[%parallel_loop3A_1026, %parallel_loop3A_1027], %parallel_loop3A_1030 {strides = array<i32>} : memref<96x1024xf32, #tpu.memory_space<vmem>>, vector<1x16xf32>,
      } {sc.loop_unroll_factor = 2 : i64, sc.parallel_access}
    }
    %scan3A_670 = arith.constant 8 : i32
    %add3A_671 = arith.constant 384 : i32
    %add3A_672 = arith.addi %mul3A_2, %add3A_671 : i32
    %dma_start3A_673 = arith.constant 0 : i32
    %dma_start3A_674 = arith.constant 0 : i32
    %dma_start3A_675 = tpu.memref_slice %arg8[%dma_start3A_673, %dma_start3A_674] : memref<96x1024xf32, #tpu.memory_space<vmem>> -> memref<32x1024xf32, #tpu.memory_space<vmem>>
    %dma_start3A_676 = arith.constant 0 : i32
    %dma_start3A_677 = tpu.memref_slice %arg5[%add3A_672, %dma_start3A_676] : memref<16384x1024xf32, #tpu.memory_space<hbm>> -> memref<32x1024xf32, #tpu.memory_space<hbm>>
    %dma_start3A_678 = arith.constant 0 : i32
    %dma_start3A_679 = tpu.memref_slice %arg5[%add3A_672, %dma_start3A_678] : memref<16384x1024xf32, #tpu.memory_space<hbm>> -> memref<32x1024xf32, #tpu.memory_space<hbm>>
    %dma_start3A_680 = arith.constant 0 : i32
    %dma_start3A_681 = arith.constant 0 : i32
    %dma_start3A_682 = tpu.memref_slice %arg8[%dma_start3A_680, %dma_start3A_681] : memref<96x1024xf32, #tpu.memory_space<vmem>> -> memref<32x1024xf32, #tpu.memory_space<vmem>>
    tpu.enqueue_dma source(%dma_start3A_682 : memref<32x1024xf32, #tpu.memory_space<vmem>>) target(%dma_start3A_679 : memref<32x1024xf32, #tpu.memory_space<hbm>>) target_semaphore(%arg9 : memref<!tpu.dma_semaphore, #tpu.memory_space<semaphore_mem>>)
    %add3A_683 = arith.constant 352 : i32
    %add3A_684 = arith.addi %mul3A_2, %add3A_683 : i32
    %dma_wait3A_685 = arith.constant 64 : i32
    %dma_wait3A_686 = arith.constant 0 : i32
    %dma_wait3A_687 = tpu.memref_slice %arg8[%dma_wait3A_685, %dma_wait3A_686] : memref<96x1024xf32, #tpu.memory_space<vmem>> -> memref<32x1024xf32, #tpu.memory_space<vmem>>
    %dma_wait3A_688 = arith.constant 0 : i32
    %dma_wait3A_689 = tpu.memref_slice %arg5[%add3A_684, %dma_wait3A_688] : memref<16384x1024xf32, #tpu.memory_space<hbm>> -> memref<32x1024xf32, #tpu.memory_space<hbm>>
    %dma_wait3A_690 = arith.constant 0 : i32
    %dma_wait3A_691 = tpu.memref_slice %arg5[%add3A_684, %dma_wait3A_690] : memref<16384x1024xf32, #tpu.memory_space<hbm>> -> memref<32x1024xf32, #tpu.memory_space<hbm>>
    %dma_wait3A_692 = arith.constant 64 : i32
    %dma_wait3A_693 = arith.constant 0 : i32
    %dma_wait3A_694 = tpu.memref_slice %arg8[%dma_wait3A_692, %dma_wait3A_693] : memref<96x1024xf32, #tpu.memory_space<vmem>> -> memref<32x1024xf32, #tpu.memory_space<vmem>>
    tpu.wait_dma2 semaphore(%arg11 : memref<!tpu.dma_semaphore, #tpu.memory_space<semaphore_mem>>) src(%dma_wait3A_694 : memref<32x1024xf32, #tpu.memory_space<vmem>>) dst(%dma_wait3A_691 : memref<32x1024xf32, #tpu.memory_space<hbm>>)
    %add3A_695 = arith.constant 448 : i32
    %add3A_696 = arith.addi %mul3A_2, %add3A_695 : i32
    %dma_start3A_697 = arith.constant 64 : i32
    %dma_start3A_698 = arith.constant 0 : i32
    %dma_start3A_699 = tpu.memref_slice %arg8[%dma_start3A_697, %dma_start3A_698] : memref<96x1024xf32, #tpu.memory_space<vmem>> -> memref<32x1024xf32, #tpu.memory_space<vmem>>
    %dma_start3A_700 = arith.constant 0 : i32
    %dma_start3A_701 = tpu.memref_slice %arg4[%add3A_696, %dma_start3A_700] : memref<16384x1024xf32, #tpu.memory_space<hbm>> -> memref<32x1024xf32, #tpu.memory_space<hbm>>
    %dma_start3A_702 = arith.constant 64 : i32
    %dma_start3A_703 = arith.constant 0 : i32
    %dma_start3A_704 = tpu.memref_slice %arg8[%dma_start3A_702, %dma_start3A_703] : memref<96x1024xf32, #tpu.memory_space<vmem>> -> memref<32x1024xf32, #tpu.memory_space<vmem>>
    %dma_start3A_705 = arith.constant 0 : i32
    %dma_start3A_706 = tpu.memref_slice %arg4[%add3A_696, %dma_start3A_705] : memref<16384x1024xf32, #tpu.memory_space<hbm>> -> memref<32x1024xf32, #tpu.memory_space<hbm>>
    tpu.enqueue_dma source(%dma_start3A_706 : memref<32x1024xf32, #tpu.memory_space<hbm>>) target(%dma_start3A_704 : memref<32x1024xf32, #tpu.memory_space<vmem>>) target_semaphore(%arg11 : memref<!tpu.dma_semaphore, #tpu.memory_space<semaphore_mem>>)
    %add3A_707 = arith.constant 416 : i32
    %add3A_708 = arith.addi %mul3A_2, %add3A_707 : i32
    %dma_wait3A_709 = arith.constant 32 : i32
    %dma_wait3A_710 = arith.constant 0 : i32
    %dma_wait3A_711 = tpu.memref_slice %arg8[%dma_wait3A_709, %dma_wait3A_710] : memref<96x1024xf32, #tpu.memory_space<vmem>> -> memref<32x1024xf32, #tpu.memory_space<vmem>>
    %dma_wait3A_712 = arith.constant 0 : i32
    %dma_wait3A_713 = tpu.memref_slice %arg4[%add3A_708, %dma_wait3A_712] : memref<16384x1024xf32, #tpu.memory_space<hbm>> -> memref<32x1024xf32, #tpu.memory_space<hbm>>
    %dma_wait3A_714 = arith.constant 32 : i32
    %dma_wait3A_715 = arith.constant 0 : i32
    %dma_wait3A_716 = tpu.memref_slice %arg8[%dma_wait3A_714, %dma_wait3A_715] : memref<96x1024xf32, #tpu.memory_space<vmem>> -> memref<32x1024xf32, #tpu.memory_space<vmem>>
    %dma_wait3A_717 = arith.constant 0 : i32
    %dma_wait3A_718 = tpu.memref_slice %arg4[%add3A_708, %dma_wait3A_717] : memref<16384x1024xf32, #tpu.memory_space<hbm>> -> memref<32x1024xf32, #tpu.memory_space<hbm>>
    tpu.wait_dma2 semaphore(%arg10 : memref<!tpu.dma_semaphore, #tpu.memory_space<semaphore_mem>>) src(%dma_wait3A_718 : memref<32x1024xf32, #tpu.memory_space<hbm>>) dst(%dma_wait3A_716 : memref<32x1024xf32, #tpu.memory_space<vmem>>)
    %scan3A_719 = arith.constant 0 : i32
    %scan3A_720 = arith.constant 8 : i32
    %scan3A_721 = arith.addi %scan3A_719, %scan3A_720 : i32
    %scan3A_722 = arith.constant 1 : i32
    scf.for %scan3A_854 = %scan3A_719 to %scan3A_721 step %scan3A_722  : i32 {
      %mul3A_855 = arith.constant 1 : i32
      %mul3A_856 = arith.muli %scan3A_854, %mul3A_855 : i32
      %add3A_857 = arith.constant 0 : i32
      %add3A_858 = arith.addi %add3A_857, %mul3A_856 : i32
      %mul3A_859 = arith.constant 128 : i32
      %mul3A_860 = arith.muli %add3A_858, %mul3A_859 : i32
      %add3A_861 = arith.constant 0 : i32
      %add3A_862 = arith.addi %mul3A_860, %add3A_861 : i32
      %get3A = arith.constant 0 : i32
      %get3A_863 = arith.index_cast %get3A : i32 to index
      %get3A_864 = arith.index_cast %add3A_862 : i32 to index
      %get3A_865 = tpu.vector_load %arg7[%get3A_863, %get3A_864] {strides = array<i32>} : memref<8x1024xf32, #tpu.memory_space<vmem>>, vector<1x16xf32>,
      %get3A_866 = vector.shape_cast %get3A_865 : vector<1x16xf32> to vector<16xf32>
      %add3A_867 = arith.constant 16 : i32
      %add3A_868 = arith.addi %mul3A_860, %add3A_867 : i32
      %get3A_869 = arith.constant 0 : i32
      %get3A_870 = arith.index_cast %get3A_869 : i32 to index
      %get3A_871 = arith.index_cast %add3A_868 : i32 to index
      %get3A_872 = tpu.vector_load %arg7[%get3A_870, %get3A_871] {strides = array<i32>} : memref<8x1024xf32, #tpu.memory_space<vmem>>, vector<1x16xf32>,
      %get3A_873 = vector.shape_cast %get3A_872 : vector<1x16xf32> to vector<16xf32>
      %add3A_874 = arith.constant 32 : i32
      %add3A_875 = arith.addi %mul3A_860, %add3A_874 : i32
      %get3A_876 = arith.constant 0 : i32
      %get3A_877 = arith.index_cast %get3A_876 : i32 to index
      %get3A_878 = arith.index_cast %add3A_875 : i32 to index
      %get3A_879 = tpu.vector_load %arg7[%get3A_877, %get3A_878] {strides = array<i32>} : memref<8x1024xf32, #tpu.memory_space<vmem>>, vector<1x16xf32>,
      %get3A_880 = vector.shape_cast %get3A_879 : vector<1x16xf32> to vector<16xf32>
      %add3A_881 = arith.constant 48 : i32
      %add3A_882 = arith.addi %mul3A_860, %add3A_881 : i32
      %get3A_883 = arith.constant 0 : i32
      %get3A_884 = arith.index_cast %get3A_883 : i32 to index
      %get3A_885 = arith.index_cast %add3A_882 : i32 to index
      %get3A_886 = tpu.vector_load %arg7[%get3A_884, %get3A_885] {strides = array<i32>} : memref<8x1024xf32, #tpu.memory_space<vmem>>, vector<1x16xf32>,
      %get3A_887 = vector.shape_cast %get3A_886 : vector<1x16xf32> to vector<16xf32>
      %add3A_888 = arith.constant 64 : i32
      %add3A_889 = arith.addi %mul3A_860, %add3A_888 : i32
      %get3A_890 = arith.constant 0 : i32
      %get3A_891 = arith.index_cast %get3A_890 : i32 to index
      %get3A_892 = arith.index_cast %add3A_889 : i32 to index
      %get3A_893 = tpu.vector_load %arg7[%get3A_891, %get3A_892] {strides = array<i32>} : memref<8x1024xf32, #tpu.memory_space<vmem>>, vector<1x16xf32>,
      %get3A_894 = vector.shape_cast %get3A_893 : vector<1x16xf32> to vector<16xf32>
      %add3A_895 = arith.constant 80 : i32
      %add3A_896 = arith.addi %mul3A_860, %add3A_895 : i32
      %get3A_897 = arith.constant 0 : i32
      %get3A_898 = arith.index_cast %get3A_897 : i32 to index
      %get3A_899 = arith.index_cast %add3A_896 : i32 to index
      %get3A_900 = tpu.vector_load %arg7[%get3A_898, %get3A_899] {strides = array<i32>} : memref<8x1024xf32, #tpu.memory_space<vmem>>, vector<1x16xf32>,
      %get3A_901 = vector.shape_cast %get3A_900 : vector<1x16xf32> to vector<16xf32>
      %add3A_902 = arith.constant 96 : i32
      %add3A_903 = arith.addi %mul3A_860, %add3A_902 : i32
      %get3A_904 = arith.constant 0 : i32
      %get3A_905 = arith.index_cast %get3A_904 : i32 to index
      %get3A_906 = arith.index_cast %add3A_903 : i32 to index
      %get3A_907 = tpu.vector_load %arg7[%get3A_905, %get3A_906] {strides = array<i32>} : memref<8x1024xf32, #tpu.memory_space<vmem>>, vector<1x16xf32>,
      %get3A_908 = vector.shape_cast %get3A_907 : vector<1x16xf32> to vector<16xf32>
      %add3A_909 = arith.constant 112 : i32
      %add3A_910 = arith.addi %mul3A_860, %add3A_909 : i32
      %get3A_911 = arith.constant 0 : i32
      %get3A_912 = arith.index_cast %get3A_911 : i32 to index
      %get3A_913 = arith.index_cast %add3A_910 : i32 to index
      %get3A_914 = tpu.vector_load %arg7[%get3A_912, %get3A_913] {strides = array<i32>} : memref<8x1024xf32, #tpu.memory_space<vmem>>, vector<1x16xf32>,
      %get3A_915 = vector.shape_cast %get3A_914 : vector<1x16xf32> to vector<16xf32>
      %parallel_loop3A = arith.constant 0 : i32
      %parallel_loop3A_916 = arith.constant 32 : i32
      %parallel_loop3A_917 = arith.constant 1 : i32
      scf.for %parallel_loop3A_918 = %parallel_loop3A to %parallel_loop3A_916 step %parallel_loop3A_917  : i32 {
        %parallel_loop3A_919 = arith.constant 32 : i32
        %parallel_loop3A_920 = arith.addi %parallel_loop3A_919, %parallel_loop3A_918 : i32
        %parallel_loop3A_921 = arith.constant 0 : i32
        %parallel_loop3A_922 = arith.addi %mul3A_860, %parallel_loop3A_921 : i32
        %parallel_loop3A_923 = arith.index_cast %parallel_loop3A_920 : i32 to index
        %parallel_loop3A_924 = arith.index_cast %parallel_loop3A_922 : i32 to index
        %parallel_loop3A_925 = tpu.vector_load %arg8[%parallel_loop3A_923, %parallel_loop3A_924] {strides = array<i32>} : memref<96x1024xf32, #tpu.memory_space<vmem>>, vector<1x16xf32>,
        %parallel_loop3A_926 = vector.shape_cast %parallel_loop3A_925 : vector<1x16xf32> to vector<16xf32>
        %parallel_loop3A_927 = arith.addf %parallel_loop3A_926, %get3A_866 : vector<16xf32>
        %parallel_loop3A_928 = arith.index_cast %parallel_loop3A_920 : i32 to index
        %parallel_loop3A_929 = arith.index_cast %parallel_loop3A_922 : i32 to index
        %parallel_loop3A_930 = tpu.vector_load %arg8[%parallel_loop3A_928, %parallel_loop3A_929] {strides = array<i32>} : memref<96x1024xf32, #tpu.memory_space<vmem>>, vector<1x16xf32>,
        %parallel_loop3A_931 = vector.shape_cast %parallel_loop3A_930 : vector<1x16xf32> to vector<16xf32>
        %parallel_loop3A_932 = vector.shape_cast %parallel_loop3A_927 : vector<16xf32> to vector<1x16xf32>
        tpu.vector_store %arg8[%parallel_loop3A_928, %parallel_loop3A_929], %parallel_loop3A_932 {strides = array<i32>} : memref<96x1024xf32, #tpu.memory_space<vmem>>, vector<1x16xf32>,
        %parallel_loop3A_933 = arith.constant 32 : i32
        %parallel_loop3A_934 = arith.addi %parallel_loop3A_933, %parallel_loop3A_918 : i32
        %parallel_loop3A_935 = arith.constant 16 : i32
        %parallel_loop3A_936 = arith.addi %mul3A_860, %parallel_loop3A_935 : i32
        %parallel_loop3A_937 = arith.index_cast %parallel_loop3A_934 : i32 to index
        %parallel_loop3A_938 = arith.index_cast %parallel_loop3A_936 : i32 to index
        %parallel_loop3A_939 = tpu.vector_load %arg8[%parallel_loop3A_937, %parallel_loop3A_938] {strides = array<i32>} : memref<96x1024xf32, #tpu.memory_space<vmem>>, vector<1x16xf32>,
        %parallel_loop3A_940 = vector.shape_cast %parallel_loop3A_939 : vector<1x16xf32> to vector<16xf32>
        %parallel_loop3A_941 = arith.addf %parallel_loop3A_940, %get3A_873 : vector<16xf32>
        %parallel_loop3A_942 = arith.index_cast %parallel_loop3A_934 : i32 to index
        %parallel_loop3A_943 = arith.index_cast %parallel_loop3A_936 : i32 to index
        %parallel_loop3A_944 = tpu.vector_load %arg8[%parallel_loop3A_942, %parallel_loop3A_943] {strides = array<i32>} : memref<96x1024xf32, #tpu.memory_space<vmem>>, vector<1x16xf32>,
        %parallel_loop3A_945 = vector.shape_cast %parallel_loop3A_944 : vector<1x16xf32> to vector<16xf32>
        %parallel_loop3A_946 = vector.shape_cast %parallel_loop3A_941 : vector<16xf32> to vector<1x16xf32>
        tpu.vector_store %arg8[%parallel_loop3A_942, %parallel_loop3A_943], %parallel_loop3A_946 {strides = array<i32>} : memref<96x1024xf32, #tpu.memory_space<vmem>>, vector<1x16xf32>,
        %parallel_loop3A_947 = arith.constant 32 : i32
        %parallel_loop3A_948 = arith.addi %parallel_loop3A_947, %parallel_loop3A_918 : i32
        %parallel_loop3A_949 = arith.constant 32 : i32
        %parallel_loop3A_950 = arith.addi %mul3A_860, %parallel_loop3A_949 : i32
        %parallel_loop3A_951 = arith.index_cast %parallel_loop3A_948 : i32 to index
        %parallel_loop3A_952 = arith.index_cast %parallel_loop3A_950 : i32 to index
        %parallel_loop3A_953 = tpu.vector_load %arg8[%parallel_loop3A_951, %parallel_loop3A_952] {strides = array<i32>} : memref<96x1024xf32, #tpu.memory_space<vmem>>, vector<1x16xf32>,
        %parallel_loop3A_954 = vector.shape_cast %parallel_loop3A_953 : vector<1x16xf32> to vector<16xf32>
        %parallel_loop3A_955 = arith.addf %parallel_loop3A_954, %get3A_880 : vector<16xf32>
        %parallel_loop3A_956 = arith.index_cast %parallel_loop3A_948 : i32 to index
        %parallel_loop3A_957 = arith.index_cast %parallel_loop3A_950 : i32 to index
        %parallel_loop3A_958 = tpu.vector_load %arg8[%parallel_loop3A_956, %parallel_loop3A_957] {strides = array<i32>} : memref<96x1024xf32, #tpu.memory_space<vmem>>, vector<1x16xf32>,
        %parallel_loop3A_959 = vector.shape_cast %parallel_loop3A_958 : vector<1x16xf32> to vector<16xf32>
        %parallel_loop3A_960 = vector.shape_cast %parallel_loop3A_955 : vector<16xf32> to vector<1x16xf32>
        tpu.vector_store %arg8[%parallel_loop3A_956, %parallel_loop3A_957], %parallel_loop3A_960 {strides = array<i32>} : memref<96x1024xf32, #tpu.memory_space<vmem>>, vector<1x16xf32>,
        %parallel_loop3A_961 = arith.constant 32 : i32
        %parallel_loop3A_962 = arith.addi %parallel_loop3A_961, %parallel_loop3A_918 : i32
        %parallel_loop3A_963 = arith.constant 48 : i32
        %parallel_loop3A_964 = arith.addi %mul3A_860, %parallel_loop3A_963 : i32
        %parallel_loop3A_965 = arith.index_cast %parallel_loop3A_962 : i32 to index
        %parallel_loop3A_966 = arith.index_cast %parallel_loop3A_964 : i32 to index
        %parallel_loop3A_967 = tpu.vector_load %arg8[%parallel_loop3A_965, %parallel_loop3A_966] {strides = array<i32>} : memref<96x1024xf32, #tpu.memory_space<vmem>>, vector<1x16xf32>,
        %parallel_loop3A_968 = vector.shape_cast %parallel_loop3A_967 : vector<1x16xf32> to vector<16xf32>
        %parallel_loop3A_969 = arith.addf %parallel_loop3A_968, %get3A_887 : vector<16xf32>
        %parallel_loop3A_970 = arith.index_cast %parallel_loop3A_962 : i32 to index
        %parallel_loop3A_971 = arith.index_cast %parallel_loop3A_964 : i32 to index
        %parallel_loop3A_972 = tpu.vector_load %arg8[%parallel_loop3A_970, %parallel_loop3A_971] {strides = array<i32>} : memref<96x1024xf32, #tpu.memory_space<vmem>>, vector<1x16xf32>,
        %parallel_loop3A_973 = vector.shape_cast %parallel_loop3A_972 : vector<1x16xf32> to vector<16xf32>
        %parallel_loop3A_974 = vector.shape_cast %parallel_loop3A_969 : vector<16xf32> to vector<1x16xf32>
        tpu.vector_store %arg8[%parallel_loop3A_970, %parallel_loop3A_971], %parallel_loop3A_974 {strides = array<i32>} : memref<96x1024xf32, #tpu.memory_space<vmem>>, vector<1x16xf32>,
        %parallel_loop3A_975 = arith.constant 32 : i32
        %parallel_loop3A_976 = arith.addi %parallel_loop3A_975, %parallel_loop3A_918 : i32
        %parallel_loop3A_977 = arith.constant 64 : i32
        %parallel_loop3A_978 = arith.addi %mul3A_860, %parallel_loop3A_977 : i32
        %parallel_loop3A_979 = arith.index_cast %parallel_loop3A_976 : i32 to index
        %parallel_loop3A_980 = arith.index_cast %parallel_loop3A_978 : i32 to index
        %parallel_loop3A_981 = tpu.vector_load %arg8[%parallel_loop3A_979, %parallel_loop3A_980] {strides = array<i32>} : memref<96x1024xf32, #tpu.memory_space<vmem>>, vector<1x16xf32>,
        %parallel_loop3A_982 = vector.shape_cast %parallel_loop3A_981 : vector<1x16xf32> to vector<16xf32>
        %parallel_loop3A_983 = arith.addf %parallel_loop3A_982, %get3A_894 : vector<16xf32>
        %parallel_loop3A_984 = arith.index_cast %parallel_loop3A_976 : i32 to index
        %parallel_loop3A_985 = arith.index_cast %parallel_loop3A_978 : i32 to index
        %parallel_loop3A_986 = tpu.vector_load %arg8[%parallel_loop3A_984, %parallel_loop3A_985] {strides = array<i32>} : memref<96x1024xf32, #tpu.memory_space<vmem>>, vector<1x16xf32>,
        %parallel_loop3A_987 = vector.shape_cast %parallel_loop3A_986 : vector<1x16xf32> to vector<16xf32>
        %parallel_loop3A_988 = vector.shape_cast %parallel_loop3A_983 : vector<16xf32> to vector<1x16xf32>
        tpu.vector_store %arg8[%parallel_loop3A_984, %parallel_loop3A_985], %parallel_loop3A_988 {strides = array<i32>} : memref<96x1024xf32, #tpu.memory_space<vmem>>, vector<1x16xf32>,
        %parallel_loop3A_989 = arith.constant 32 : i32
        %parallel_loop3A_990 = arith.addi %parallel_loop3A_989, %parallel_loop3A_918 : i32
        %parallel_loop3A_991 = arith.constant 80 : i32
        %parallel_loop3A_992 = arith.addi %mul3A_860, %parallel_loop3A_991 : i32
        %parallel_loop3A_993 = arith.index_cast %parallel_loop3A_990 : i32 to index
        %parallel_loop3A_994 = arith.index_cast %parallel_loop3A_992 : i32 to index
        %parallel_loop3A_995 = tpu.vector_load %arg8[%parallel_loop3A_993, %parallel_loop3A_994] {strides = array<i32>} : memref<96x1024xf32, #tpu.memory_space<vmem>>, vector<1x16xf32>,
        %parallel_loop3A_996 = vector.shape_cast %parallel_loop3A_995 : vector<1x16xf32> to vector<16xf32>
        %parallel_loop3A_997 = arith.addf %parallel_loop3A_996, %get3A_901 : vector<16xf32>
        %parallel_loop3A_998 = arith.index_cast %parallel_loop3A_990 : i32 to index
        %parallel_loop3A_999 = arith.index_cast %parallel_loop3A_992 : i32 to index
        %parallel_loop3A_1000 = tpu.vector_load %arg8[%parallel_loop3A_998, %parallel_loop3A_999] {strides = array<i32>} : memref<96x1024xf32, #tpu.memory_space<vmem>>, vector<1x16xf32>,
        %parallel_loop3A_1001 = vector.shape_cast %parallel_loop3A_1000 : vector<1x16xf32> to vector<16xf32>
        %parallel_loop3A_1002 = vector.shape_cast %parallel_loop3A_997 : vector<16xf32> to vector<1x16xf32>
        tpu.vector_store %arg8[%parallel_loop3A_998, %parallel_loop3A_999], %parallel_loop3A_1002 {strides = array<i32>} : memref<96x1024xf32, #tpu.memory_space<vmem>>, vector<1x16xf32>,
        %parallel_loop3A_1003 = arith.constant 32 : i32
        %parallel_loop3A_1004 = arith.addi %parallel_loop3A_1003, %parallel_loop3A_918 : i32
        %parallel_loop3A_1005 = arith.constant 96 : i32
        %parallel_loop3A_1006 = arith.addi %mul3A_860, %parallel_loop3A_1005 : i32
        %parallel_loop3A_1007 = arith.index_cast %parallel_loop3A_1004 : i32 to index
        %parallel_loop3A_1008 = arith.index_cast %parallel_loop3A_1006 : i32 to index
        %parallel_loop3A_1009 = tpu.vector_load %arg8[%parallel_loop3A_1007, %parallel_loop3A_1008] {strides = array<i32>} : memref<96x1024xf32, #tpu.memory_space<vmem>>, vector<1x16xf32>,
        %parallel_loop3A_1010 = vector.shape_cast %parallel_loop3A_1009 : vector<1x16xf32> to vector<16xf32>
        %parallel_loop3A_1011 = arith.addf %parallel_loop3A_1010, %get3A_908 : vector<16xf32>
        %parallel_loop3A_1012 = arith.index_cast %parallel_loop3A_1004 : i32 to index
        %parallel_loop3A_1013 = arith.index_cast %parallel_loop3A_1006 : i32 to index
        %parallel_loop3A_1014 = tpu.vector_load %arg8[%parallel_loop3A_1012, %parallel_loop3A_1013] {strides = array<i32>} : memref<96x1024xf32, #tpu.memory_space<vmem>>, vector<1x16xf32>,
        %parallel_loop3A_1015 = vector.shape_cast %parallel_loop3A_1014 : vector<1x16xf32> to vector<16xf32>
        %parallel_loop3A_1016 = vector.shape_cast %parallel_loop3A_1011 : vector<16xf32> to vector<1x16xf32>
        tpu.vector_store %arg8[%parallel_loop3A_1012, %parallel_loop3A_1013], %parallel_loop3A_1016 {strides = array<i32>} : memref<96x1024xf32, #tpu.memory_space<vmem>>, vector<1x16xf32>,
        %parallel_loop3A_1017 = arith.constant 32 : i32
        %parallel_loop3A_1018 = arith.addi %parallel_loop3A_1017, %parallel_loop3A_918 : i32
        %parallel_loop3A_1019 = arith.constant 112 : i32
        %parallel_loop3A_1020 = arith.addi %mul3A_860, %parallel_loop3A_1019 : i32
        %parallel_loop3A_1021 = arith.index_cast %parallel_loop3A_1018 : i32 to index
        %parallel_loop3A_1022 = arith.index_cast %parallel_loop3A_1020 : i32 to index
        %parallel_loop3A_1023 = tpu.vector_load %arg8[%parallel_loop3A_1021, %parallel_loop3A_1022] {strides = array<i32>} : memref<96x1024xf32, #tpu.memory_space<vmem>>, vector<1x16xf32>,
        %parallel_loop3A_1024 = vector.shape_cast %parallel_loop3A_1023 : vector<1x16xf32> to vector<16xf32>
        %parallel_loop3A_1025 = arith.addf %parallel_loop3A_1024, %get3A_915 : vector<16xf32>
        %parallel_loop3A_1026 = arith.index_cast %parallel_loop3A_1018 : i32 to index
        %parallel_loop3A_1027 = arith.index_cast %parallel_loop3A_1020 : i32 to index
        %parallel_loop3A_1028 = tpu.vector_load %arg8[%parallel_loop3A_1026, %parallel_loop3A_1027] {strides = array<i32>} : memref<96x1024xf32, #tpu.memory_space<vmem>>, vector<1x16xf32>,
        %parallel_loop3A_1029 = vector.shape_cast %parallel_loop3A_1028 : vector<1x16xf32> to vector<16xf32>
        %parallel_loop3A_1030 = vector.shape_cast %parallel_loop3A_1025 : vector<16xf32> to vector<1x16xf32>
        tpu.vector_store %arg8[%parallel_loop3A_1026, %parallel_loop3A_1027], %parallel_loop3A_1030 {strides = array<i32>} : memref<96x1024xf32, #tpu.memory_space<vmem>>, vector<1x16xf32>,
      } {sc.loop_unroll_factor = 2 : i64, sc.parallel_access}
    }
    %scan3A_723 = arith.constant 8 : i32
    %add3A_724 = arith.constant 416 : i32
    %add3A_725 = arith.addi %mul3A_2, %add3A_724 : i32
    %dma_start3A_726 = arith.constant 32 : i32
    %dma_start3A_727 = arith.constant 0 : i32
    %dma_start3A_728 = tpu.memref_slice %arg8[%dma_start3A_726, %dma_start3A_727] : memref<96x1024xf32, #tpu.memory_space<vmem>> -> memref<32x1024xf32, #tpu.memory_space<vmem>>
    %dma_start3A_729 = arith.constant 0 : i32
    %dma_start3A_730 = tpu.memref_slice %arg5[%add3A_725, %dma_start3A_729] : memref<16384x1024xf32, #tpu.memory_space<hbm>> -> memref<32x1024xf32, #tpu.memory_space<hbm>>
    %dma_start3A_731 = arith.constant 0 : i32
    %dma_start3A_732 = tpu.memref_slice %arg5[%add3A_725, %dma_start3A_731] : memref<16384x1024xf32, #tpu.memory_space<hbm>> -> memref<32x1024xf32, #tpu.memory_space<hbm>>
    %dma_start3A_733 = arith.constant 32 : i32
    %dma_start3A_734 = arith.constant 0 : i32
    %dma_start3A_735 = tpu.memref_slice %arg8[%dma_start3A_733, %dma_start3A_734] : memref<96x1024xf32, #tpu.memory_space<vmem>> -> memref<32x1024xf32, #tpu.memory_space<vmem>>
    tpu.enqueue_dma source(%dma_start3A_735 : memref<32x1024xf32, #tpu.memory_space<vmem>>) target(%dma_start3A_732 : memref<32x1024xf32, #tpu.memory_space<hbm>>) target_semaphore(%arg10 : memref<!tpu.dma_semaphore, #tpu.memory_space<semaphore_mem>>)
    %add3A_736 = arith.constant 384 : i32
    %add3A_737 = arith.addi %mul3A_2, %add3A_736 : i32
    %dma_wait3A_738 = arith.constant 0 : i32
    %dma_wait3A_739 = arith.constant 0 : i32
    %dma_wait3A_740 = tpu.memref_slice %arg8[%dma_wait3A_738, %dma_wait3A_739] : memref<96x1024xf32, #tpu.memory_space<vmem>> -> memref<32x1024xf32, #tpu.memory_space<vmem>>
    %dma_wait3A_741 = arith.constant 0 : i32
    %dma_wait3A_742 = tpu.memref_slice %arg5[%add3A_737, %dma_wait3A_741] : memref<16384x1024xf32, #tpu.memory_space<hbm>> -> memref<32x1024xf32, #tpu.memory_space<hbm>>
    %dma_wait3A_743 = arith.constant 0 : i32
    %dma_wait3A_744 = tpu.memref_slice %arg5[%add3A_737, %dma_wait3A_743] : memref<16384x1024xf32, #tpu.memory_space<hbm>> -> memref<32x1024xf32, #tpu.memory_space<hbm>>
    %dma_wait3A_745 = arith.constant 0 : i32
    %dma_wait3A_746 = arith.constant 0 : i32
    %dma_wait3A_747 = tpu.memref_slice %arg8[%dma_wait3A_745, %dma_wait3A_746] : memref<96x1024xf32, #tpu.memory_space<vmem>> -> memref<32x1024xf32, #tpu.memory_space<vmem>>
    tpu.wait_dma2 semaphore(%arg9 : memref<!tpu.dma_semaphore, #tpu.memory_space<semaphore_mem>>) src(%dma_wait3A_747 : memref<32x1024xf32, #tpu.memory_space<vmem>>) dst(%dma_wait3A_744 : memref<32x1024xf32, #tpu.memory_space<hbm>>)
    %add3A_748 = arith.constant 480 : i32
    %add3A_749 = arith.addi %mul3A_2, %add3A_748 : i32
    %dma_start3A_750 = arith.constant 0 : i32
    %dma_start3A_751 = arith.constant 0 : i32
    %dma_start3A_752 = tpu.memref_slice %arg8[%dma_start3A_750, %dma_start3A_751] : memref<96x1024xf32, #tpu.memory_space<vmem>> -> memref<32x1024xf32, #tpu.memory_space<vmem>>
    %dma_start3A_753 = arith.constant 0 : i32
    %dma_start3A_754 = tpu.memref_slice %arg4[%add3A_749, %dma_start3A_753] : memref<16384x1024xf32, #tpu.memory_space<hbm>> -> memref<32x1024xf32, #tpu.memory_space<hbm>>
    %dma_start3A_755 = arith.constant 0 : i32
    %dma_start3A_756 = arith.constant 0 : i32
    %dma_start3A_757 = tpu.memref_slice %arg8[%dma_start3A_755, %dma_start3A_756] : memref<96x1024xf32, #tpu.memory_space<vmem>> -> memref<32x1024xf32, #tpu.memory_space<vmem>>
    %dma_start3A_758 = arith.constant 0 : i32
    %dma_start3A_759 = tpu.memref_slice %arg4[%add3A_749, %dma_start3A_758] : memref<16384x1024xf32, #tpu.memory_space<hbm>> -> memref<32x1024xf32, #tpu.memory_space<hbm>>
    tpu.enqueue_dma source(%dma_start3A_759 : memref<32x1024xf32, #tpu.memory_space<hbm>>) target(%dma_start3A_757 : memref<32x1024xf32, #tpu.memory_space<vmem>>) target_semaphore(%arg9 : memref<!tpu.dma_semaphore, #tpu.memory_space<semaphore_mem>>)
    %add3A_760 = arith.constant 448 : i32
    %add3A_761 = arith.addi %mul3A_2, %add3A_760 : i32
    %dma_wait3A_762 = arith.constant 64 : i32
    %dma_wait3A_763 = arith.constant 0 : i32
    %dma_wait3A_764 = tpu.memref_slice %arg8[%dma_wait3A_762, %dma_wait3A_763] : memref<96x1024xf32, #tpu.memory_space<vmem>> -> memref<32x1024xf32, #tpu.memory_space<vmem>>
    %dma_wait3A_765 = arith.constant 0 : i32
    %dma_wait3A_766 = tpu.memref_slice %arg4[%add3A_761, %dma_wait3A_765] : memref<16384x1024xf32, #tpu.memory_space<hbm>> -> memref<32x1024xf32, #tpu.memory_space<hbm>>
    %dma_wait3A_767 = arith.constant 64 : i32
    %dma_wait3A_768 = arith.constant 0 : i32
    %dma_wait3A_769 = tpu.memref_slice %arg8[%dma_wait3A_767, %dma_wait3A_768] : memref<96x1024xf32, #tpu.memory_space<vmem>> -> memref<32x1024xf32, #tpu.memory_space<vmem>>
    %dma_wait3A_770 = arith.constant 0 : i32
    %dma_wait3A_771 = tpu.memref_slice %arg4[%add3A_761, %dma_wait3A_770] : memref<16384x1024xf32, #tpu.memory_space<hbm>> -> memref<32x1024xf32, #tpu.memory_space<hbm>>
    tpu.wait_dma2 semaphore(%arg11 : memref<!tpu.dma_semaphore, #tpu.memory_space<semaphore_mem>>) src(%dma_wait3A_771 : memref<32x1024xf32, #tpu.memory_space<hbm>>) dst(%dma_wait3A_769 : memref<32x1024xf32, #tpu.memory_space<vmem>>)
    %scan3A_772 = arith.constant 0 : i32
    %scan3A_773 = arith.constant 8 : i32
    %scan3A_774 = arith.addi %scan3A_772, %scan3A_773 : i32
    %scan3A_775 = arith.constant 1 : i32
    scf.for %scan3A_854 = %scan3A_772 to %scan3A_774 step %scan3A_775  : i32 {
      %mul3A_855 = arith.constant 1 : i32
      %mul3A_856 = arith.muli %scan3A_854, %mul3A_855 : i32
      %add3A_857 = arith.constant 0 : i32
      %add3A_858 = arith.addi %add3A_857, %mul3A_856 : i32
      %mul3A_859 = arith.constant 128 : i32
      %mul3A_860 = arith.muli %add3A_858, %mul3A_859 : i32
      %add3A_861 = arith.constant 0 : i32
      %add3A_862 = arith.addi %mul3A_860, %add3A_861 : i32
      %get3A = arith.constant 0 : i32
      %get3A_863 = arith.index_cast %get3A : i32 to index
      %get3A_864 = arith.index_cast %add3A_862 : i32 to index
      %get3A_865 = tpu.vector_load %arg7[%get3A_863, %get3A_864] {strides = array<i32>} : memref<8x1024xf32, #tpu.memory_space<vmem>>, vector<1x16xf32>,
      %get3A_866 = vector.shape_cast %get3A_865 : vector<1x16xf32> to vector<16xf32>
      %add3A_867 = arith.constant 16 : i32
      %add3A_868 = arith.addi %mul3A_860, %add3A_867 : i32
      %get3A_869 = arith.constant 0 : i32
      %get3A_870 = arith.index_cast %get3A_869 : i32 to index
      %get3A_871 = arith.index_cast %add3A_868 : i32 to index
      %get3A_872 = tpu.vector_load %arg7[%get3A_870, %get3A_871] {strides = array<i32>} : memref<8x1024xf32, #tpu.memory_space<vmem>>, vector<1x16xf32>,
      %get3A_873 = vector.shape_cast %get3A_872 : vector<1x16xf32> to vector<16xf32>
      %add3A_874 = arith.constant 32 : i32
      %add3A_875 = arith.addi %mul3A_860, %add3A_874 : i32
      %get3A_876 = arith.constant 0 : i32
      %get3A_877 = arith.index_cast %get3A_876 : i32 to index
      %get3A_878 = arith.index_cast %add3A_875 : i32 to index
      %get3A_879 = tpu.vector_load %arg7[%get3A_877, %get3A_878] {strides = array<i32>} : memref<8x1024xf32, #tpu.memory_space<vmem>>, vector<1x16xf32>,
      %get3A_880 = vector.shape_cast %get3A_879 : vector<1x16xf32> to vector<16xf32>
      %add3A_881 = arith.constant 48 : i32
      %add3A_882 = arith.addi %mul3A_860, %add3A_881 : i32
      %get3A_883 = arith.constant 0 : i32
      %get3A_884 = arith.index_cast %get3A_883 : i32 to index
      %get3A_885 = arith.index_cast %add3A_882 : i32 to index
      %get3A_886 = tpu.vector_load %arg7[%get3A_884, %get3A_885] {strides = array<i32>} : memref<8x1024xf32, #tpu.memory_space<vmem>>, vector<1x16xf32>,
      %get3A_887 = vector.shape_cast %get3A_886 : vector<1x16xf32> to vector<16xf32>
      %add3A_888 = arith.constant 64 : i32
      %add3A_889 = arith.addi %mul3A_860, %add3A_888 : i32
      %get3A_890 = arith.constant 0 : i32
      %get3A_891 = arith.index_cast %get3A_890 : i32 to index
      %get3A_892 = arith.index_cast %add3A_889 : i32 to index
      %get3A_893 = tpu.vector_load %arg7[%get3A_891, %get3A_892] {strides = array<i32>} : memref<8x1024xf32, #tpu.memory_space<vmem>>, vector<1x16xf32>,
      %get3A_894 = vector.shape_cast %get3A_893 : vector<1x16xf32> to vector<16xf32>
      %add3A_895 = arith.constant 80 : i32
      %add3A_896 = arith.addi %mul3A_860, %add3A_895 : i32
      %get3A_897 = arith.constant 0 : i32
      %get3A_898 = arith.index_cast %get3A_897 : i32 to index
      %get3A_899 = arith.index_cast %add3A_896 : i32 to index
      %get3A_900 = tpu.vector_load %arg7[%get3A_898, %get3A_899] {strides = array<i32>} : memref<8x1024xf32, #tpu.memory_space<vmem>>, vector<1x16xf32>,
      %get3A_901 = vector.shape_cast %get3A_900 : vector<1x16xf32> to vector<16xf32>
      %add3A_902 = arith.constant 96 : i32
      %add3A_903 = arith.addi %mul3A_860, %add3A_902 : i32
      %get3A_904 = arith.constant 0 : i32
      %get3A_905 = arith.index_cast %get3A_904 : i32 to index
      %get3A_906 = arith.index_cast %add3A_903 : i32 to index
      %get3A_907 = tpu.vector_load %arg7[%get3A_905, %get3A_906] {strides = array<i32>} : memref<8x1024xf32, #tpu.memory_space<vmem>>, vector<1x16xf32>,
      %get3A_908 = vector.shape_cast %get3A_907 : vector<1x16xf32> to vector<16xf32>
      %add3A_909 = arith.constant 112 : i32
      %add3A_910 = arith.addi %mul3A_860, %add3A_909 : i32
      %get3A_911 = arith.constant 0 : i32
      %get3A_912 = arith.index_cast %get3A_911 : i32 to index
      %get3A_913 = arith.index_cast %add3A_910 : i32 to index
      %get3A_914 = tpu.vector_load %arg7[%get3A_912, %get3A_913] {strides = array<i32>} : memref<8x1024xf32, #tpu.memory_space<vmem>>, vector<1x16xf32>,
      %get3A_915 = vector.shape_cast %get3A_914 : vector<1x16xf32> to vector<16xf32>
      %parallel_loop3A = arith.constant 0 : i32
      %parallel_loop3A_916 = arith.constant 32 : i32
      %parallel_loop3A_917 = arith.constant 1 : i32
      scf.for %parallel_loop3A_918 = %parallel_loop3A to %parallel_loop3A_916 step %parallel_loop3A_917  : i32 {
        %parallel_loop3A_919 = arith.constant 64 : i32
        %parallel_loop3A_920 = arith.addi %parallel_loop3A_919, %parallel_loop3A_918 : i32
        %parallel_loop3A_921 = arith.constant 0 : i32
        %parallel_loop3A_922 = arith.addi %mul3A_860, %parallel_loop3A_921 : i32
        %parallel_loop3A_923 = arith.index_cast %parallel_loop3A_920 : i32 to index
        %parallel_loop3A_924 = arith.index_cast %parallel_loop3A_922 : i32 to index
        %parallel_loop3A_925 = tpu.vector_load %arg8[%parallel_loop3A_923, %parallel_loop3A_924] {strides = array<i32>} : memref<96x1024xf32, #tpu.memory_space<vmem>>, vector<1x16xf32>,
        %parallel_loop3A_926 = vector.shape_cast %parallel_loop3A_925 : vector<1x16xf32> to vector<16xf32>
        %parallel_loop3A_927 = arith.addf %parallel_loop3A_926, %get3A_866 : vector<16xf32>
        %parallel_loop3A_928 = arith.index_cast %parallel_loop3A_920 : i32 to index
        %parallel_loop3A_929 = arith.index_cast %parallel_loop3A_922 : i32 to index
        %parallel_loop3A_930 = tpu.vector_load %arg8[%parallel_loop3A_928, %parallel_loop3A_929] {strides = array<i32>} : memref<96x1024xf32, #tpu.memory_space<vmem>>, vector<1x16xf32>,
        %parallel_loop3A_931 = vector.shape_cast %parallel_loop3A_930 : vector<1x16xf32> to vector<16xf32>
        %parallel_loop3A_932 = vector.shape_cast %parallel_loop3A_927 : vector<16xf32> to vector<1x16xf32>
        tpu.vector_store %arg8[%parallel_loop3A_928, %parallel_loop3A_929], %parallel_loop3A_932 {strides = array<i32>} : memref<96x1024xf32, #tpu.memory_space<vmem>>, vector<1x16xf32>,
        %parallel_loop3A_933 = arith.constant 64 : i32
        %parallel_loop3A_934 = arith.addi %parallel_loop3A_933, %parallel_loop3A_918 : i32
        %parallel_loop3A_935 = arith.constant 16 : i32
        %parallel_loop3A_936 = arith.addi %mul3A_860, %parallel_loop3A_935 : i32
        %parallel_loop3A_937 = arith.index_cast %parallel_loop3A_934 : i32 to index
        %parallel_loop3A_938 = arith.index_cast %parallel_loop3A_936 : i32 to index
        %parallel_loop3A_939 = tpu.vector_load %arg8[%parallel_loop3A_937, %parallel_loop3A_938] {strides = array<i32>} : memref<96x1024xf32, #tpu.memory_space<vmem>>, vector<1x16xf32>,
        %parallel_loop3A_940 = vector.shape_cast %parallel_loop3A_939 : vector<1x16xf32> to vector<16xf32>
        %parallel_loop3A_941 = arith.addf %parallel_loop3A_940, %get3A_873 : vector<16xf32>
        %parallel_loop3A_942 = arith.index_cast %parallel_loop3A_934 : i32 to index
        %parallel_loop3A_943 = arith.index_cast %parallel_loop3A_936 : i32 to index
        %parallel_loop3A_944 = tpu.vector_load %arg8[%parallel_loop3A_942, %parallel_loop3A_943] {strides = array<i32>} : memref<96x1024xf32, #tpu.memory_space<vmem>>, vector<1x16xf32>,
        %parallel_loop3A_945 = vector.shape_cast %parallel_loop3A_944 : vector<1x16xf32> to vector<16xf32>
        %parallel_loop3A_946 = vector.shape_cast %parallel_loop3A_941 : vector<16xf32> to vector<1x16xf32>
        tpu.vector_store %arg8[%parallel_loop3A_942, %parallel_loop3A_943], %parallel_loop3A_946 {strides = array<i32>} : memref<96x1024xf32, #tpu.memory_space<vmem>>, vector<1x16xf32>,
        %parallel_loop3A_947 = arith.constant 64 : i32
        %parallel_loop3A_948 = arith.addi %parallel_loop3A_947, %parallel_loop3A_918 : i32
        %parallel_loop3A_949 = arith.constant 32 : i32
        %parallel_loop3A_950 = arith.addi %mul3A_860, %parallel_loop3A_949 : i32
        %parallel_loop3A_951 = arith.index_cast %parallel_loop3A_948 : i32 to index
        %parallel_loop3A_952 = arith.index_cast %parallel_loop3A_950 : i32 to index
        %parallel_loop3A_953 = tpu.vector_load %arg8[%parallel_loop3A_951, %parallel_loop3A_952] {strides = array<i32>} : memref<96x1024xf32, #tpu.memory_space<vmem>>, vector<1x16xf32>,
        %parallel_loop3A_954 = vector.shape_cast %parallel_loop3A_953 : vector<1x16xf32> to vector<16xf32>
        %parallel_loop3A_955 = arith.addf %parallel_loop3A_954, %get3A_880 : vector<16xf32>
        %parallel_loop3A_956 = arith.index_cast %parallel_loop3A_948 : i32 to index
        %parallel_loop3A_957 = arith.index_cast %parallel_loop3A_950 : i32 to index
        %parallel_loop3A_958 = tpu.vector_load %arg8[%parallel_loop3A_956, %parallel_loop3A_957] {strides = array<i32>} : memref<96x1024xf32, #tpu.memory_space<vmem>>, vector<1x16xf32>,
        %parallel_loop3A_959 = vector.shape_cast %parallel_loop3A_958 : vector<1x16xf32> to vector<16xf32>
        %parallel_loop3A_960 = vector.shape_cast %parallel_loop3A_955 : vector<16xf32> to vector<1x16xf32>
        tpu.vector_store %arg8[%parallel_loop3A_956, %parallel_loop3A_957], %parallel_loop3A_960 {strides = array<i32>} : memref<96x1024xf32, #tpu.memory_space<vmem>>, vector<1x16xf32>,
        %parallel_loop3A_961 = arith.constant 64 : i32
        %parallel_loop3A_962 = arith.addi %parallel_loop3A_961, %parallel_loop3A_918 : i32
        %parallel_loop3A_963 = arith.constant 48 : i32
        %parallel_loop3A_964 = arith.addi %mul3A_860, %parallel_loop3A_963 : i32
        %parallel_loop3A_965 = arith.index_cast %parallel_loop3A_962 : i32 to index
        %parallel_loop3A_966 = arith.index_cast %parallel_loop3A_964 : i32 to index
        %parallel_loop3A_967 = tpu.vector_load %arg8[%parallel_loop3A_965, %parallel_loop3A_966] {strides = array<i32>} : memref<96x1024xf32, #tpu.memory_space<vmem>>, vector<1x16xf32>,
        %parallel_loop3A_968 = vector.shape_cast %parallel_loop3A_967 : vector<1x16xf32> to vector<16xf32>
        %parallel_loop3A_969 = arith.addf %parallel_loop3A_968, %get3A_887 : vector<16xf32>
        %parallel_loop3A_970 = arith.index_cast %parallel_loop3A_962 : i32 to index
        %parallel_loop3A_971 = arith.index_cast %parallel_loop3A_964 : i32 to index
        %parallel_loop3A_972 = tpu.vector_load %arg8[%parallel_loop3A_970, %parallel_loop3A_971] {strides = array<i32>} : memref<96x1024xf32, #tpu.memory_space<vmem>>, vector<1x16xf32>,
        %parallel_loop3A_973 = vector.shape_cast %parallel_loop3A_972 : vector<1x16xf32> to vector<16xf32>
        %parallel_loop3A_974 = vector.shape_cast %parallel_loop3A_969 : vector<16xf32> to vector<1x16xf32>
        tpu.vector_store %arg8[%parallel_loop3A_970, %parallel_loop3A_971], %parallel_loop3A_974 {strides = array<i32>} : memref<96x1024xf32, #tpu.memory_space<vmem>>, vector<1x16xf32>,
        %parallel_loop3A_975 = arith.constant 64 : i32
        %parallel_loop3A_976 = arith.addi %parallel_loop3A_975, %parallel_loop3A_918 : i32
        %parallel_loop3A_977 = arith.constant 64 : i32
        %parallel_loop3A_978 = arith.addi %mul3A_860, %parallel_loop3A_977 : i32
        %parallel_loop3A_979 = arith.index_cast %parallel_loop3A_976 : i32 to index
        %parallel_loop3A_980 = arith.index_cast %parallel_loop3A_978 : i32 to index
        %parallel_loop3A_981 = tpu.vector_load %arg8[%parallel_loop3A_979, %parallel_loop3A_980] {strides = array<i32>} : memref<96x1024xf32, #tpu.memory_space<vmem>>, vector<1x16xf32>,
        %parallel_loop3A_982 = vector.shape_cast %parallel_loop3A_981 : vector<1x16xf32> to vector<16xf32>
        %parallel_loop3A_983 = arith.addf %parallel_loop3A_982, %get3A_894 : vector<16xf32>
        %parallel_loop3A_984 = arith.index_cast %parallel_loop3A_976 : i32 to index
        %parallel_loop3A_985 = arith.index_cast %parallel_loop3A_978 : i32 to index
        %parallel_loop3A_986 = tpu.vector_load %arg8[%parallel_loop3A_984, %parallel_loop3A_985] {strides = array<i32>} : memref<96x1024xf32, #tpu.memory_space<vmem>>, vector<1x16xf32>,
        %parallel_loop3A_987 = vector.shape_cast %parallel_loop3A_986 : vector<1x16xf32> to vector<16xf32>
        %parallel_loop3A_988 = vector.shape_cast %parallel_loop3A_983 : vector<16xf32> to vector<1x16xf32>
        tpu.vector_store %arg8[%parallel_loop3A_984, %parallel_loop3A_985], %parallel_loop3A_988 {strides = array<i32>} : memref<96x1024xf32, #tpu.memory_space<vmem>>, vector<1x16xf32>,
        %parallel_loop3A_989 = arith.constant 64 : i32
        %parallel_loop3A_990 = arith.addi %parallel_loop3A_989, %parallel_loop3A_918 : i32
        %parallel_loop3A_991 = arith.constant 80 : i32
        %parallel_loop3A_992 = arith.addi %mul3A_860, %parallel_loop3A_991 : i32
        %parallel_loop3A_993 = arith.index_cast %parallel_loop3A_990 : i32 to index
        %parallel_loop3A_994 = arith.index_cast %parallel_loop3A_992 : i32 to index
        %parallel_loop3A_995 = tpu.vector_load %arg8[%parallel_loop3A_993, %parallel_loop3A_994] {strides = array<i32>} : memref<96x1024xf32, #tpu.memory_space<vmem>>, vector<1x16xf32>,
        %parallel_loop3A_996 = vector.shape_cast %parallel_loop3A_995 : vector<1x16xf32> to vector<16xf32>
        %parallel_loop3A_997 = arith.addf %parallel_loop3A_996, %get3A_901 : vector<16xf32>
        %parallel_loop3A_998 = arith.index_cast %parallel_loop3A_990 : i32 to index
        %parallel_loop3A_999 = arith.index_cast %parallel_loop3A_992 : i32 to index
        %parallel_loop3A_1000 = tpu.vector_load %arg8[%parallel_loop3A_998, %parallel_loop3A_999] {strides = array<i32>} : memref<96x1024xf32, #tpu.memory_space<vmem>>, vector<1x16xf32>,
        %parallel_loop3A_1001 = vector.shape_cast %parallel_loop3A_1000 : vector<1x16xf32> to vector<16xf32>
        %parallel_loop3A_1002 = vector.shape_cast %parallel_loop3A_997 : vector<16xf32> to vector<1x16xf32>
        tpu.vector_store %arg8[%parallel_loop3A_998, %parallel_loop3A_999], %parallel_loop3A_1002 {strides = array<i32>} : memref<96x1024xf32, #tpu.memory_space<vmem>>, vector<1x16xf32>,
        %parallel_loop3A_1003 = arith.constant 64 : i32
        %parallel_loop3A_1004 = arith.addi %parallel_loop3A_1003, %parallel_loop3A_918 : i32
        %parallel_loop3A_1005 = arith.constant 96 : i32
        %parallel_loop3A_1006 = arith.addi %mul3A_860, %parallel_loop3A_1005 : i32
        %parallel_loop3A_1007 = arith.index_cast %parallel_loop3A_1004 : i32 to index
        %parallel_loop3A_1008 = arith.index_cast %parallel_loop3A_1006 : i32 to index
        %parallel_loop3A_1009 = tpu.vector_load %arg8[%parallel_loop3A_1007, %parallel_loop3A_1008] {strides = array<i32>} : memref<96x1024xf32, #tpu.memory_space<vmem>>, vector<1x16xf32>,
        %parallel_loop3A_1010 = vector.shape_cast %parallel_loop3A_1009 : vector<1x16xf32> to vector<16xf32>
        %parallel_loop3A_1011 = arith.addf %parallel_loop3A_1010, %get3A_908 : vector<16xf32>
        %parallel_loop3A_1012 = arith.index_cast %parallel_loop3A_1004 : i32 to index
        %parallel_loop3A_1013 = arith.index_cast %parallel_loop3A_1006 : i32 to index
        %parallel_loop3A_1014 = tpu.vector_load %arg8[%parallel_loop3A_1012, %parallel_loop3A_1013] {strides = array<i32>} : memref<96x1024xf32, #tpu.memory_space<vmem>>, vector<1x16xf32>,
        %parallel_loop3A_1015 = vector.shape_cast %parallel_loop3A_1014 : vector<1x16xf32> to vector<16xf32>
        %parallel_loop3A_1016 = vector.shape_cast %parallel_loop3A_1011 : vector<16xf32> to vector<1x16xf32>
        tpu.vector_store %arg8[%parallel_loop3A_1012, %parallel_loop3A_1013], %parallel_loop3A_1016 {strides = array<i32>} : memref<96x1024xf32, #tpu.memory_space<vmem>>, vector<1x16xf32>,
        %parallel_loop3A_1017 = arith.constant 64 : i32
        %parallel_loop3A_1018 = arith.addi %parallel_loop3A_1017, %parallel_loop3A_918 : i32
        %parallel_loop3A_1019 = arith.constant 112 : i32
        %parallel_loop3A_1020 = arith.addi %mul3A_860, %parallel_loop3A_1019 : i32
        %parallel_loop3A_1021 = arith.index_cast %parallel_loop3A_1018 : i32 to index
        %parallel_loop3A_1022 = arith.index_cast %parallel_loop3A_1020 : i32 to index
        %parallel_loop3A_1023 = tpu.vector_load %arg8[%parallel_loop3A_1021, %parallel_loop3A_1022] {strides = array<i32>} : memref<96x1024xf32, #tpu.memory_space<vmem>>, vector<1x16xf32>,
        %parallel_loop3A_1024 = vector.shape_cast %parallel_loop3A_1023 : vector<1x16xf32> to vector<16xf32>
        %parallel_loop3A_1025 = arith.addf %parallel_loop3A_1024, %get3A_915 : vector<16xf32>
        %parallel_loop3A_1026 = arith.index_cast %parallel_loop3A_1018 : i32 to index
        %parallel_loop3A_1027 = arith.index_cast %parallel_loop3A_1020 : i32 to index
        %parallel_loop3A_1028 = tpu.vector_load %arg8[%parallel_loop3A_1026, %parallel_loop3A_1027] {strides = array<i32>} : memref<96x1024xf32, #tpu.memory_space<vmem>>, vector<1x16xf32>,
        %parallel_loop3A_1029 = vector.shape_cast %parallel_loop3A_1028 : vector<1x16xf32> to vector<16xf32>
        %parallel_loop3A_1030 = vector.shape_cast %parallel_loop3A_1025 : vector<16xf32> to vector<1x16xf32>
        tpu.vector_store %arg8[%parallel_loop3A_1026, %parallel_loop3A_1027], %parallel_loop3A_1030 {strides = array<i32>} : memref<96x1024xf32, #tpu.memory_space<vmem>>, vector<1x16xf32>,
      } {sc.loop_unroll_factor = 2 : i64, sc.parallel_access}
    }
    %scan3A_776 = arith.constant 8 : i32
    %add3A_777 = arith.constant 448 : i32
    %add3A_778 = arith.addi %mul3A_2, %add3A_777 : i32
    %dma_start3A_779 = arith.constant 64 : i32
    %dma_start3A_780 = arith.constant 0 : i32
    %dma_start3A_781 = tpu.memref_slice %arg8[%dma_start3A_779, %dma_start3A_780] : memref<96x1024xf32, #tpu.memory_space<vmem>> -> memref<32x1024xf32, #tpu.memory_space<vmem>>
    %dma_start3A_782 = arith.constant 0 : i32
    %dma_start3A_783 = tpu.memref_slice %arg5[%add3A_778, %dma_start3A_782] : memref<16384x1024xf32, #tpu.memory_space<hbm>> -> memref<32x1024xf32, #tpu.memory_space<hbm>>
    %dma_start3A_784 = arith.constant 0 : i32
    %dma_start3A_785 = tpu.memref_slice %arg5[%add3A_778, %dma_start3A_784] : memref<16384x1024xf32, #tpu.memory_space<hbm>> -> memref<32x1024xf32, #tpu.memory_space<hbm>>
    %dma_start3A_786 = arith.constant 64 : i32
    %dma_start3A_787 = arith.constant 0 : i32
    %dma_start3A_788 = tpu.memref_slice %arg8[%dma_start3A_786, %dma_start3A_787] : memref<96x1024xf32, #tpu.memory_space<vmem>> -> memref<32x1024xf32, #tpu.memory_space<vmem>>
    tpu.enqueue_dma source(%dma_start3A_788 : memref<32x1024xf32, #tpu.memory_space<vmem>>) target(%dma_start3A_785 : memref<32x1024xf32, #tpu.memory_space<hbm>>) target_semaphore(%arg11 : memref<!tpu.dma_semaphore, #tpu.memory_space<semaphore_mem>>)
    %add3A_789 = arith.constant 480 : i32
    %add3A_790 = arith.addi %mul3A_2, %add3A_789 : i32
    %dma_wait3A_791 = arith.constant 0 : i32
    %dma_wait3A_792 = arith.constant 0 : i32
    %dma_wait3A_793 = tpu.memref_slice %arg8[%dma_wait3A_791, %dma_wait3A_792] : memref<96x1024xf32, #tpu.memory_space<vmem>> -> memref<32x1024xf32, #tpu.memory_space<vmem>>
    %dma_wait3A_794 = arith.constant 0 : i32
    %dma_wait3A_795 = tpu.memref_slice %arg4[%add3A_790, %dma_wait3A_794] : memref<16384x1024xf32, #tpu.memory_space<hbm>> -> memref<32x1024xf32, #tpu.memory_space<hbm>>
    %dma_wait3A_796 = arith.constant 0 : i32
    %dma_wait3A_797 = arith.constant 0 : i32
    %dma_wait3A_798 = tpu.memref_slice %arg8[%dma_wait3A_796, %dma_wait3A_797] : memref<96x1024xf32, #tpu.memory_space<vmem>> -> memref<32x1024xf32, #tpu.memory_space<vmem>>
    %dma_wait3A_799 = arith.constant 0 : i32
    %dma_wait3A_800 = tpu.memref_slice %arg4[%add3A_790, %dma_wait3A_799] : memref<16384x1024xf32, #tpu.memory_space<hbm>> -> memref<32x1024xf32, #tpu.memory_space<hbm>>
    tpu.wait_dma2 semaphore(%arg9 : memref<!tpu.dma_semaphore, #tpu.memory_space<semaphore_mem>>) src(%dma_wait3A_800 : memref<32x1024xf32, #tpu.memory_space<hbm>>) dst(%dma_wait3A_798 : memref<32x1024xf32, #tpu.memory_space<vmem>>)
    %scan3A_801 = arith.constant 0 : i32
    %scan3A_802 = arith.constant 8 : i32
    %scan3A_803 = arith.addi %scan3A_801, %scan3A_802 : i32
    %scan3A_804 = arith.constant 1 : i32
    scf.for %scan3A_854 = %scan3A_801 to %scan3A_803 step %scan3A_804  : i32 {
      %mul3A_855 = arith.constant 1 : i32
      %mul3A_856 = arith.muli %scan3A_854, %mul3A_855 : i32
      %add3A_857 = arith.constant 0 : i32
      %add3A_858 = arith.addi %add3A_857, %mul3A_856 : i32
      %mul3A_859 = arith.constant 128 : i32
      %mul3A_860 = arith.muli %add3A_858, %mul3A_859 : i32
      %add3A_861 = arith.constant 0 : i32
      %add3A_862 = arith.addi %mul3A_860, %add3A_861 : i32
      %get3A = arith.constant 0 : i32
      %get3A_863 = arith.index_cast %get3A : i32 to index
      %get3A_864 = arith.index_cast %add3A_862 : i32 to index
      %get3A_865 = tpu.vector_load %arg7[%get3A_863, %get3A_864] {strides = array<i32>} : memref<8x1024xf32, #tpu.memory_space<vmem>>, vector<1x16xf32>,
      %get3A_866 = vector.shape_cast %get3A_865 : vector<1x16xf32> to vector<16xf32>
      %add3A_867 = arith.constant 16 : i32
      %add3A_868 = arith.addi %mul3A_860, %add3A_867 : i32
      %get3A_869 = arith.constant 0 : i32
      %get3A_870 = arith.index_cast %get3A_869 : i32 to index
      %get3A_871 = arith.index_cast %add3A_868 : i32 to index
      %get3A_872 = tpu.vector_load %arg7[%get3A_870, %get3A_871] {strides = array<i32>} : memref<8x1024xf32, #tpu.memory_space<vmem>>, vector<1x16xf32>,
      %get3A_873 = vector.shape_cast %get3A_872 : vector<1x16xf32> to vector<16xf32>
      %add3A_874 = arith.constant 32 : i32
      %add3A_875 = arith.addi %mul3A_860, %add3A_874 : i32
      %get3A_876 = arith.constant 0 : i32
      %get3A_877 = arith.index_cast %get3A_876 : i32 to index
      %get3A_878 = arith.index_cast %add3A_875 : i32 to index
      %get3A_879 = tpu.vector_load %arg7[%get3A_877, %get3A_878] {strides = array<i32>} : memref<8x1024xf32, #tpu.memory_space<vmem>>, vector<1x16xf32>,
      %get3A_880 = vector.shape_cast %get3A_879 : vector<1x16xf32> to vector<16xf32>
      %add3A_881 = arith.constant 48 : i32
      %add3A_882 = arith.addi %mul3A_860, %add3A_881 : i32
      %get3A_883 = arith.constant 0 : i32
      %get3A_884 = arith.index_cast %get3A_883 : i32 to index
      %get3A_885 = arith.index_cast %add3A_882 : i32 to index
      %get3A_886 = tpu.vector_load %arg7[%get3A_884, %get3A_885] {strides = array<i32>} : memref<8x1024xf32, #tpu.memory_space<vmem>>, vector<1x16xf32>,
      %get3A_887 = vector.shape_cast %get3A_886 : vector<1x16xf32> to vector<16xf32>
      %add3A_888 = arith.constant 64 : i32
      %add3A_889 = arith.addi %mul3A_860, %add3A_888 : i32
      %get3A_890 = arith.constant 0 : i32
      %get3A_891 = arith.index_cast %get3A_890 : i32 to index
      %get3A_892 = arith.index_cast %add3A_889 : i32 to index
      %get3A_893 = tpu.vector_load %arg7[%get3A_891, %get3A_892] {strides = array<i32>} : memref<8x1024xf32, #tpu.memory_space<vmem>>, vector<1x16xf32>,
      %get3A_894 = vector.shape_cast %get3A_893 : vector<1x16xf32> to vector<16xf32>
      %add3A_895 = arith.constant 80 : i32
      %add3A_896 = arith.addi %mul3A_860, %add3A_895 : i32
      %get3A_897 = arith.constant 0 : i32
      %get3A_898 = arith.index_cast %get3A_897 : i32 to index
      %get3A_899 = arith.index_cast %add3A_896 : i32 to index
      %get3A_900 = tpu.vector_load %arg7[%get3A_898, %get3A_899] {strides = array<i32>} : memref<8x1024xf32, #tpu.memory_space<vmem>>, vector<1x16xf32>,
      %get3A_901 = vector.shape_cast %get3A_900 : vector<1x16xf32> to vector<16xf32>
      %add3A_902 = arith.constant 96 : i32
      %add3A_903 = arith.addi %mul3A_860, %add3A_902 : i32
      %get3A_904 = arith.constant 0 : i32
      %get3A_905 = arith.index_cast %get3A_904 : i32 to index
      %get3A_906 = arith.index_cast %add3A_903 : i32 to index
      %get3A_907 = tpu.vector_load %arg7[%get3A_905, %get3A_906] {strides = array<i32>} : memref<8x1024xf32, #tpu.memory_space<vmem>>, vector<1x16xf32>,
      %get3A_908 = vector.shape_cast %get3A_907 : vector<1x16xf32> to vector<16xf32>
      %add3A_909 = arith.constant 112 : i32
      %add3A_910 = arith.addi %mul3A_860, %add3A_909 : i32
      %get3A_911 = arith.constant 0 : i32
      %get3A_912 = arith.index_cast %get3A_911 : i32 to index
      %get3A_913 = arith.index_cast %add3A_910 : i32 to index
      %get3A_914 = tpu.vector_load %arg7[%get3A_912, %get3A_913] {strides = array<i32>} : memref<8x1024xf32, #tpu.memory_space<vmem>>, vector<1x16xf32>,
      %get3A_915 = vector.shape_cast %get3A_914 : vector<1x16xf32> to vector<16xf32>
      %parallel_loop3A = arith.constant 0 : i32
      %parallel_loop3A_916 = arith.constant 32 : i32
      %parallel_loop3A_917 = arith.constant 1 : i32
      scf.for %parallel_loop3A_918 = %parallel_loop3A to %parallel_loop3A_916 step %parallel_loop3A_917  : i32 {
        %parallel_loop3A_919 = arith.constant 0 : i32
        %parallel_loop3A_920 = arith.addi %parallel_loop3A_919, %parallel_loop3A_918 : i32
        %parallel_loop3A_921 = arith.constant 0 : i32
        %parallel_loop3A_922 = arith.addi %mul3A_860, %parallel_loop3A_921 : i32
        %parallel_loop3A_923 = arith.index_cast %parallel_loop3A_920 : i32 to index
        %parallel_loop3A_924 = arith.index_cast %parallel_loop3A_922 : i32 to index
        %parallel_loop3A_925 = tpu.vector_load %arg8[%parallel_loop3A_923, %parallel_loop3A_924] {strides = array<i32>} : memref<96x1024xf32, #tpu.memory_space<vmem>>, vector<1x16xf32>,
        %parallel_loop3A_926 = vector.shape_cast %parallel_loop3A_925 : vector<1x16xf32> to vector<16xf32>
        %parallel_loop3A_927 = arith.addf %parallel_loop3A_926, %get3A_866 : vector<16xf32>
        %parallel_loop3A_928 = arith.index_cast %parallel_loop3A_920 : i32 to index
        %parallel_loop3A_929 = arith.index_cast %parallel_loop3A_922 : i32 to index
        %parallel_loop3A_930 = tpu.vector_load %arg8[%parallel_loop3A_928, %parallel_loop3A_929] {strides = array<i32>} : memref<96x1024xf32, #tpu.memory_space<vmem>>, vector<1x16xf32>,
        %parallel_loop3A_931 = vector.shape_cast %parallel_loop3A_930 : vector<1x16xf32> to vector<16xf32>
        %parallel_loop3A_932 = vector.shape_cast %parallel_loop3A_927 : vector<16xf32> to vector<1x16xf32>
        tpu.vector_store %arg8[%parallel_loop3A_928, %parallel_loop3A_929], %parallel_loop3A_932 {strides = array<i32>} : memref<96x1024xf32, #tpu.memory_space<vmem>>, vector<1x16xf32>,
        %parallel_loop3A_933 = arith.constant 0 : i32
        %parallel_loop3A_934 = arith.addi %parallel_loop3A_933, %parallel_loop3A_918 : i32
        %parallel_loop3A_935 = arith.constant 16 : i32
        %parallel_loop3A_936 = arith.addi %mul3A_860, %parallel_loop3A_935 : i32
        %parallel_loop3A_937 = arith.index_cast %parallel_loop3A_934 : i32 to index
        %parallel_loop3A_938 = arith.index_cast %parallel_loop3A_936 : i32 to index
        %parallel_loop3A_939 = tpu.vector_load %arg8[%parallel_loop3A_937, %parallel_loop3A_938] {strides = array<i32>} : memref<96x1024xf32, #tpu.memory_space<vmem>>, vector<1x16xf32>,
        %parallel_loop3A_940 = vector.shape_cast %parallel_loop3A_939 : vector<1x16xf32> to vector<16xf32>
        %parallel_loop3A_941 = arith.addf %parallel_loop3A_940, %get3A_873 : vector<16xf32>
        %parallel_loop3A_942 = arith.index_cast %parallel_loop3A_934 : i32 to index
        %parallel_loop3A_943 = arith.index_cast %parallel_loop3A_936 : i32 to index
        %parallel_loop3A_944 = tpu.vector_load %arg8[%parallel_loop3A_942, %parallel_loop3A_943] {strides = array<i32>} : memref<96x1024xf32, #tpu.memory_space<vmem>>, vector<1x16xf32>,
        %parallel_loop3A_945 = vector.shape_cast %parallel_loop3A_944 : vector<1x16xf32> to vector<16xf32>
        %parallel_loop3A_946 = vector.shape_cast %parallel_loop3A_941 : vector<16xf32> to vector<1x16xf32>
        tpu.vector_store %arg8[%parallel_loop3A_942, %parallel_loop3A_943], %parallel_loop3A_946 {strides = array<i32>} : memref<96x1024xf32, #tpu.memory_space<vmem>>, vector<1x16xf32>,
        %parallel_loop3A_947 = arith.constant 0 : i32
        %parallel_loop3A_948 = arith.addi %parallel_loop3A_947, %parallel_loop3A_918 : i32
        %parallel_loop3A_949 = arith.constant 32 : i32
        %parallel_loop3A_950 = arith.addi %mul3A_860, %parallel_loop3A_949 : i32
        %parallel_loop3A_951 = arith.index_cast %parallel_loop3A_948 : i32 to index
        %parallel_loop3A_952 = arith.index_cast %parallel_loop3A_950 : i32 to index
        %parallel_loop3A_953 = tpu.vector_load %arg8[%parallel_loop3A_951, %parallel_loop3A_952] {strides = array<i32>} : memref<96x1024xf32, #tpu.memory_space<vmem>>, vector<1x16xf32>,
        %parallel_loop3A_954 = vector.shape_cast %parallel_loop3A_953 : vector<1x16xf32> to vector<16xf32>
        %parallel_loop3A_955 = arith.addf %parallel_loop3A_954, %get3A_880 : vector<16xf32>
        %parallel_loop3A_956 = arith.index_cast %parallel_loop3A_948 : i32 to index
        %parallel_loop3A_957 = arith.index_cast %parallel_loop3A_950 : i32 to index
        %parallel_loop3A_958 = tpu.vector_load %arg8[%parallel_loop3A_956, %parallel_loop3A_957] {strides = array<i32>} : memref<96x1024xf32, #tpu.memory_space<vmem>>, vector<1x16xf32>,
        %parallel_loop3A_959 = vector.shape_cast %parallel_loop3A_958 : vector<1x16xf32> to vector<16xf32>
        %parallel_loop3A_960 = vector.shape_cast %parallel_loop3A_955 : vector<16xf32> to vector<1x16xf32>
        tpu.vector_store %arg8[%parallel_loop3A_956, %parallel_loop3A_957], %parallel_loop3A_960 {strides = array<i32>} : memref<96x1024xf32, #tpu.memory_space<vmem>>, vector<1x16xf32>,
        %parallel_loop3A_961 = arith.constant 0 : i32
        %parallel_loop3A_962 = arith.addi %parallel_loop3A_961, %parallel_loop3A_918 : i32
        %parallel_loop3A_963 = arith.constant 48 : i32
        %parallel_loop3A_964 = arith.addi %mul3A_860, %parallel_loop3A_963 : i32
        %parallel_loop3A_965 = arith.index_cast %parallel_loop3A_962 : i32 to index
        %parallel_loop3A_966 = arith.index_cast %parallel_loop3A_964 : i32 to index
        %parallel_loop3A_967 = tpu.vector_load %arg8[%parallel_loop3A_965, %parallel_loop3A_966] {strides = array<i32>} : memref<96x1024xf32, #tpu.memory_space<vmem>>, vector<1x16xf32>,
        %parallel_loop3A_968 = vector.shape_cast %parallel_loop3A_967 : vector<1x16xf32> to vector<16xf32>
        %parallel_loop3A_969 = arith.addf %parallel_loop3A_968, %get3A_887 : vector<16xf32>
        %parallel_loop3A_970 = arith.index_cast %parallel_loop3A_962 : i32 to index
        %parallel_loop3A_971 = arith.index_cast %parallel_loop3A_964 : i32 to index
        %parallel_loop3A_972 = tpu.vector_load %arg8[%parallel_loop3A_970, %parallel_loop3A_971] {strides = array<i32>} : memref<96x1024xf32, #tpu.memory_space<vmem>>, vector<1x16xf32>,
        %parallel_loop3A_973 = vector.shape_cast %parallel_loop3A_972 : vector<1x16xf32> to vector<16xf32>
        %parallel_loop3A_974 = vector.shape_cast %parallel_loop3A_969 : vector<16xf32> to vector<1x16xf32>
        tpu.vector_store %arg8[%parallel_loop3A_970, %parallel_loop3A_971], %parallel_loop3A_974 {strides = array<i32>} : memref<96x1024xf32, #tpu.memory_space<vmem>>, vector<1x16xf32>,
        %parallel_loop3A_975 = arith.constant 0 : i32
        %parallel_loop3A_976 = arith.addi %parallel_loop3A_975, %parallel_loop3A_918 : i32
        %parallel_loop3A_977 = arith.constant 64 : i32
        %parallel_loop3A_978 = arith.addi %mul3A_860, %parallel_loop3A_977 : i32
        %parallel_loop3A_979 = arith.index_cast %parallel_loop3A_976 : i32 to index
        %parallel_loop3A_980 = arith.index_cast %parallel_loop3A_978 : i32 to index
        %parallel_loop3A_981 = tpu.vector_load %arg8[%parallel_loop3A_979, %parallel_loop3A_980] {strides = array<i32>} : memref<96x1024xf32, #tpu.memory_space<vmem>>, vector<1x16xf32>,
        %parallel_loop3A_982 = vector.shape_cast %parallel_loop3A_981 : vector<1x16xf32> to vector<16xf32>
        %parallel_loop3A_983 = arith.addf %parallel_loop3A_982, %get3A_894 : vector<16xf32>
        %parallel_loop3A_984 = arith.index_cast %parallel_loop3A_976 : i32 to index
        %parallel_loop3A_985 = arith.index_cast %parallel_loop3A_978 : i32 to index
        %parallel_loop3A_986 = tpu.vector_load %arg8[%parallel_loop3A_984, %parallel_loop3A_985] {strides = array<i32>} : memref<96x1024xf32, #tpu.memory_space<vmem>>, vector<1x16xf32>,
        %parallel_loop3A_987 = vector.shape_cast %parallel_loop3A_986 : vector<1x16xf32> to vector<16xf32>
        %parallel_loop3A_988 = vector.shape_cast %parallel_loop3A_983 : vector<16xf32> to vector<1x16xf32>
        tpu.vector_store %arg8[%parallel_loop3A_984, %parallel_loop3A_985], %parallel_loop3A_988 {strides = array<i32>} : memref<96x1024xf32, #tpu.memory_space<vmem>>, vector<1x16xf32>,
        %parallel_loop3A_989 = arith.constant 0 : i32
        %parallel_loop3A_990 = arith.addi %parallel_loop3A_989, %parallel_loop3A_918 : i32
        %parallel_loop3A_991 = arith.constant 80 : i32
        %parallel_loop3A_992 = arith.addi %mul3A_860, %parallel_loop3A_991 : i32
        %parallel_loop3A_993 = arith.index_cast %parallel_loop3A_990 : i32 to index
        %parallel_loop3A_994 = arith.index_cast %parallel_loop3A_992 : i32 to index
        %parallel_loop3A_995 = tpu.vector_load %arg8[%parallel_loop3A_993, %parallel_loop3A_994] {strides = array<i32>} : memref<96x1024xf32, #tpu.memory_space<vmem>>, vector<1x16xf32>,
        %parallel_loop3A_996 = vector.shape_cast %parallel_loop3A_995 : vector<1x16xf32> to vector<16xf32>
        %parallel_loop3A_997 = arith.addf %parallel_loop3A_996, %get3A_901 : vector<16xf32>
        %parallel_loop3A_998 = arith.index_cast %parallel_loop3A_990 : i32 to index
        %parallel_loop3A_999 = arith.index_cast %parallel_loop3A_992 : i32 to index
        %parallel_loop3A_1000 = tpu.vector_load %arg8[%parallel_loop3A_998, %parallel_loop3A_999] {strides = array<i32>} : memref<96x1024xf32, #tpu.memory_space<vmem>>, vector<1x16xf32>,
        %parallel_loop3A_1001 = vector.shape_cast %parallel_loop3A_1000 : vector<1x16xf32> to vector<16xf32>
        %parallel_loop3A_1002 = vector.shape_cast %parallel_loop3A_997 : vector<16xf32> to vector<1x16xf32>
        tpu.vector_store %arg8[%parallel_loop3A_998, %parallel_loop3A_999], %parallel_loop3A_1002 {strides = array<i32>} : memref<96x1024xf32, #tpu.memory_space<vmem>>, vector<1x16xf32>,
        %parallel_loop3A_1003 = arith.constant 0 : i32
        %parallel_loop3A_1004 = arith.addi %parallel_loop3A_1003, %parallel_loop3A_918 : i32
        %parallel_loop3A_1005 = arith.constant 96 : i32
        %parallel_loop3A_1006 = arith.addi %mul3A_860, %parallel_loop3A_1005 : i32
        %parallel_loop3A_1007 = arith.index_cast %parallel_loop3A_1004 : i32 to index
        %parallel_loop3A_1008 = arith.index_cast %parallel_loop3A_1006 : i32 to index
        %parallel_loop3A_1009 = tpu.vector_load %arg8[%parallel_loop3A_1007, %parallel_loop3A_1008] {strides = array<i32>} : memref<96x1024xf32, #tpu.memory_space<vmem>>, vector<1x16xf32>,
        %parallel_loop3A_1010 = vector.shape_cast %parallel_loop3A_1009 : vector<1x16xf32> to vector<16xf32>
        %parallel_loop3A_1011 = arith.addf %parallel_loop3A_1010, %get3A_908 : vector<16xf32>
        %parallel_loop3A_1012 = arith.index_cast %parallel_loop3A_1004 : i32 to index
        %parallel_loop3A_1013 = arith.index_cast %parallel_loop3A_1006 : i32 to index
        %parallel_loop3A_1014 = tpu.vector_load %arg8[%parallel_loop3A_1012, %parallel_loop3A_1013] {strides = array<i32>} : memref<96x1024xf32, #tpu.memory_space<vmem>>, vector<1x16xf32>,
        %parallel_loop3A_1015 = vector.shape_cast %parallel_loop3A_1014 : vector<1x16xf32> to vector<16xf32>
        %parallel_loop3A_1016 = vector.shape_cast %parallel_loop3A_1011 : vector<16xf32> to vector<1x16xf32>
        tpu.vector_store %arg8[%parallel_loop3A_1012, %parallel_loop3A_1013], %parallel_loop3A_1016 {strides = array<i32>} : memref<96x1024xf32, #tpu.memory_space<vmem>>, vector<1x16xf32>,
        %parallel_loop3A_1017 = arith.constant 0 : i32
        %parallel_loop3A_1018 = arith.addi %parallel_loop3A_1017, %parallel_loop3A_918 : i32
        %parallel_loop3A_1019 = arith.constant 112 : i32
        %parallel_loop3A_1020 = arith.addi %mul3A_860, %parallel_loop3A_1019 : i32
        %parallel_loop3A_1021 = arith.index_cast %parallel_loop3A_1018 : i32 to index
        %parallel_loop3A_1022 = arith.index_cast %parallel_loop3A_1020 : i32 to index
        %parallel_loop3A_1023 = tpu.vector_load %arg8[%parallel_loop3A_1021, %parallel_loop3A_1022] {strides = array<i32>} : memref<96x1024xf32, #tpu.memory_space<vmem>>, vector<1x16xf32>,
        %parallel_loop3A_1024 = vector.shape_cast %parallel_loop3A_1023 : vector<1x16xf32> to vector<16xf32>
        %parallel_loop3A_1025 = arith.addf %parallel_loop3A_1024, %get3A_915 : vector<16xf32>
        %parallel_loop3A_1026 = arith.index_cast %parallel_loop3A_1018 : i32 to index
        %parallel_loop3A_1027 = arith.index_cast %parallel_loop3A_1020 : i32 to index
        %parallel_loop3A_1028 = tpu.vector_load %arg8[%parallel_loop3A_1026, %parallel_loop3A_1027] {strides = array<i32>} : memref<96x1024xf32, #tpu.memory_space<vmem>>, vector<1x16xf32>,
        %parallel_loop3A_1029 = vector.shape_cast %parallel_loop3A_1028 : vector<1x16xf32> to vector<16xf32>
        %parallel_loop3A_1030 = vector.shape_cast %parallel_loop3A_1025 : vector<16xf32> to vector<1x16xf32>
        tpu.vector_store %arg8[%parallel_loop3A_1026, %parallel_loop3A_1027], %parallel_loop3A_1030 {strides = array<i32>} : memref<96x1024xf32, #tpu.memory_space<vmem>>, vector<1x16xf32>,
      } {sc.loop_unroll_factor = 2 : i64, sc.parallel_access}
    }
    %scan3A_805 = arith.constant 8 : i32
    %add3A_806 = arith.constant 480 : i32
    %add3A_807 = arith.addi %mul3A_2, %add3A_806 : i32
    %dma_start3A_808 = arith.constant 0 : i32
    %dma_start3A_809 = arith.constant 0 : i32
    %dma_start3A_810 = tpu.memref_slice %arg8[%dma_start3A_808, %dma_start3A_809] : memref<96x1024xf32, #tpu.memory_space<vmem>> -> memref<32x1024xf32, #tpu.memory_space<vmem>>
    %dma_start3A_811 = arith.constant 0 : i32
    %dma_start3A_812 = tpu.memref_slice %arg5[%add3A_807, %dma_start3A_811] : memref<16384x1024xf32, #tpu.memory_space<hbm>> -> memref<32x1024xf32, #tpu.memory_space<hbm>>
    %dma_start3A_813 = arith.constant 0 : i32
    %dma_start3A_814 = tpu.memref_slice %arg5[%add3A_807, %dma_start3A_813] : memref<16384x1024xf32, #tpu.memory_space<hbm>> -> memref<32x1024xf32, #tpu.memory_space<hbm>>
    %dma_start3A_815 = arith.constant 0 : i32
    %dma_start3A_816 = arith.constant 0 : i32
    %dma_start3A_817 = tpu.memref_slice %arg8[%dma_start3A_815, %dma_start3A_816] : memref<96x1024xf32, #tpu.memory_space<vmem>> -> memref<32x1024xf32, #tpu.memory_space<vmem>>
    tpu.enqueue_dma source(%dma_start3A_817 : memref<32x1024xf32, #tpu.memory_space<vmem>>) target(%dma_start3A_814 : memref<32x1024xf32, #tpu.memory_space<hbm>>) target_semaphore(%arg9 : memref<!tpu.dma_semaphore, #tpu.memory_space<semaphore_mem>>)
    %add3A_818 = arith.constant 416 : i32
    %add3A_819 = arith.addi %mul3A_2, %add3A_818 : i32
    %dma_wait3A_820 = arith.constant 32 : i32
    %dma_wait3A_821 = arith.constant 0 : i32
    %dma_wait3A_822 = tpu.memref_slice %arg8[%dma_wait3A_820, %dma_wait3A_821] : memref<96x1024xf32, #tpu.memory_space<vmem>> -> memref<32x1024xf32, #tpu.memory_space<vmem>>
    %dma_wait3A_823 = arith.constant 0 : i32
    %dma_wait3A_824 = tpu.memref_slice %arg5[%add3A_819, %dma_wait3A_823] : memref<16384x1024xf32, #tpu.memory_space<hbm>> -> memref<32x1024xf32, #tpu.memory_space<hbm>>
    %dma_wait3A_825 = arith.constant 0 : i32
    %dma_wait3A_826 = tpu.memref_slice %arg5[%add3A_819, %dma_wait3A_825] : memref<16384x1024xf32, #tpu.memory_space<hbm>> -> memref<32x1024xf32, #tpu.memory_space<hbm>>
    %dma_wait3A_827 = arith.constant 32 : i32
    %dma_wait3A_828 = arith.constant 0 : i32
    %dma_wait3A_829 = tpu.memref_slice %arg8[%dma_wait3A_827, %dma_wait3A_828] : memref<96x1024xf32, #tpu.memory_space<vmem>> -> memref<32x1024xf32, #tpu.memory_space<vmem>>
    tpu.wait_dma2 semaphore(%arg10 : memref<!tpu.dma_semaphore, #tpu.memory_space<semaphore_mem>>) src(%dma_wait3A_829 : memref<32x1024xf32, #tpu.memory_space<vmem>>) dst(%dma_wait3A_826 : memref<32x1024xf32, #tpu.memory_space<hbm>>)
    %add3A_830 = arith.constant 448 : i32
    %add3A_831 = arith.addi %mul3A_2, %add3A_830 : i32
    %dma_wait3A_832 = arith.constant 64 : i32
    %dma_wait3A_833 = arith.constant 0 : i32
    %dma_wait3A_834 = tpu.memref_slice %arg8[%dma_wait3A_832, %dma_wait3A_833] : memref<96x1024xf32, #tpu.memory_space<vmem>> -> memref<32x1024xf32, #tpu.memory_space<vmem>>
    %dma_wait3A_835 = arith.constant 0 : i32
    %dma_wait3A_836 = tpu.memref_slice %arg5[%add3A_831, %dma_wait3A_835] : memref<16384x1024xf32, #tpu.memory_space<hbm>> -> memref<32x1024xf32, #tpu.memory_space<hbm>>
    %dma_wait3A_837 = arith.constant 0 : i32
    %dma_wait3A_838 = tpu.memref_slice %arg5[%add3A_831, %dma_wait3A_837] : memref<16384x1024xf32, #tpu.memory_space<hbm>> -> memref<32x1024xf32, #tpu.memory_space<hbm>>
    %dma_wait3A_839 = arith.constant 64 : i32
    %dma_wait3A_840 = arith.constant 0 : i32
    %dma_wait3A_841 = tpu.memref_slice %arg8[%dma_wait3A_839, %dma_wait3A_840] : memref<96x1024xf32, #tpu.memory_space<vmem>> -> memref<32x1024xf32, #tpu.memory_space<vmem>>
    tpu.wait_dma2 semaphore(%arg11 : memref<!tpu.dma_semaphore, #tpu.memory_space<semaphore_mem>>) src(%dma_wait3A_841 : memref<32x1024xf32, #tpu.memory_space<vmem>>) dst(%dma_wait3A_838 : memref<32x1024xf32, #tpu.memory_space<hbm>>)
    %add3A_842 = arith.constant 480 : i32
    %add3A_843 = arith.addi %mul3A_2, %add3A_842 : i32
    %dma_wait3A_844 = arith.constant 0 : i32
    %dma_wait3A_845 = arith.constant 0 : i32
    %dma_wait3A_846 = tpu.memref_slice %arg8[%dma_wait3A_844, %dma_wait3A_845] : memref<96x1024xf32, #tpu.memory_space<vmem>> -> memref<32x1024xf32, #tpu.memory_space<vmem>>
    %dma_wait3A_847 = arith.constant 0 : i32
    %dma_wait3A_848 = tpu.memref_slice %arg5[%add3A_843, %dma_wait3A_847] : memref<16384x1024xf32, #tpu.memory_space<hbm>> -> memref<32x1024xf32, #tpu.memory_space<hbm>>
    %dma_wait3A_849 = arith.constant 0 : i32
    %dma_wait3A_850 = tpu.memref_slice %arg5[%add3A_843, %dma_wait3A_849] : memref<16384x1024xf32, #tpu.memory_space<hbm>> -> memref<32x1024xf32, #tpu.memory_space<hbm>>
    %dma_wait3A_851 = arith.constant 0 : i32
    %dma_wait3A_852 = arith.constant 0 : i32
    %dma_wait3A_853 = tpu.memref_slice %arg8[%dma_wait3A_851, %dma_wait3A_852] : memref<96x1024xf32, #tpu.memory_space<vmem>> -> memref<32x1024xf32, #tpu.memory_space<vmem>>
    tpu.wait_dma2 semaphore(%arg9 : memref<!tpu.dma_semaphore, #tpu.memory_space<semaphore_mem>>) src(%dma_wait3A_853 : memref<32x1024xf32, #tpu.memory_space<vmem>>) dst(%dma_wait3A_850 : memref<32x1024xf32, #tpu.memory_space<hbm>>)
    return
  }
}

</mosaic_0001>

<sc_bundles>
// kernel: kernel.3.cloned.1.call-start
scs
__scs_entry_jumppad:
0x0: {  	(pc) =	sbr.rel $0x88, $3  }
0x1: {  	(tag) =	ssettag $0x0;
	lr =	simm.s32 $0x1  }
0x2: {  	[smem:$0x3F9E] =	sst lr;
	_ =	strace $0xD0000000  }
0x3: {  	_ = 	snop  }
0x4: {  	_ = 	snop  }
0x5: {  	_ = 	snop  }
0x6: {  	_ = 	snop  }
0x7: {  	_ = 	snop  }
__scs_overlays_trampoline_lowered:
0x8: {  	[smem:$0x3FAD] =	sst s0  }
0x9: {  	[smem:$0x3FAE] =	sst s1  }
0xa: {  	[smem:$0x3FAF] =	sst s2  }
0xb: {  	[smem:$0x3FB0] =	sst s3  }
0xc: {  	[smem:$0x3FB1] =	sst s4  }
0xd: {  	[smem:$0x3FB2] =	sst s5  }
0xe: {  	[smem:$0x3FB3] =	sst s6  }
0xf: {  	[smem:$0x3FB4] =	sst s7  }
0x10: {  	[smem:$0x3FB5] =	sst s8  }
0x11: {  	[smem:$0x3FB6] =	sst s9;
	s0 =	simm.s32 @!p0 $0x0  }
0x12: {  	s1 =	sld [smem:$0x3F9C];
	s0 =	simm.s32 @p0 $0x1  }
0x13: {  	[smem:$0x3FB7] =	sst s0;
	s0 =	simm.s32 @!p1 $0x0  }
0x14: {  	s2 =	sld [smem:$0x3F9B];
	s0 =	simm.s32 @p1 $0x1  }
0x15: {  	[smem:$0x3FB8] =	sst s0;
	s0 =	simm.s32 @!p2 $0x0  }
0x16: {  	s3 =	sld [smem:$0x3FDB];
	s0 =	simm.s32 @p2 $0x1  }
0x17: {  	s4 =	simm.s32 $0x1BF5;
	[smem:$0x3FBA] =	sst s0  }
0x18: {  	s0 =	sld [smem:$0x3F9D];
	_ =	swait.ge [sflag:s4], $0x0  }
0x19: {  	s7 =	sld [smem:$0x3F9E]  }
0x1a: {  	s8 =	sadd.s32 $0xFFFFE003, lr  }
0x1b: {  	s9 =	sadd.s32 $0xFFFFFEF7, lr;
	s5 =	simm.s32 $0xFFFFFFFF;
	p2 =	slt.u32 s8, $0xFFFFF086  }
0x1c: {  	p1 =	slt.u32 s9, $0xF7A;
	s5 =	simm.s32 @!p2 $0x0  }
0x1d: {  	s5 =	simm.s32 @p1 $0x1;
	p0 =	seq.s32 s7, s2  }
0x1e: {  	s7 =	smul.u32 @!p0 $0xF7A, s2;
	p2 =	seq.s32 @!p0 s5, $0x0  }
0x1f: {  	s9 =	smul.u32 $0xF7A, s1;
	s8 =	simm.s32 @!p0 $0x1BF5;
	p2 =	por !p2, p0  }
0x20: {  	[sflag:s8] =	ssyncset.s32 @!p0 $0xFFFFF086;
	s6 =	sadd.s32 @!p0 s3, s7;
	s7 =	simm.s32 @!p0 $0x108  }
0x21: {  	s3 =	sadd.s32 s3, s9;
	s6 =	sadd.s32 @!p0 $0x88, s6;
	s7 =	simm.s32 @p2 $0x1082  }
0x22: {  	[simem:s7], [sflag:s8] =	dma.local @!p0 [hbm:s6], $0xF7A  }
0x23: {  	s9 =	sor.u32 $0xD0000000, s2;
	s6 =	simm.s32 $0x108;
	_ =	swait.ge @!p0 [sflag:s8], $0x0  }
0x24: {  	s3 =	sadd.s32 $0x88, s3;
	s6 =	simm.s32 @!p1 $0x1082;
	[sflag:s4] =	ssyncset.s32 $0xFFFFF086  }
0x25: {  	[simem:s6], [sflag:s4] =	dma.local [hbm:s3], $0xF7A  }
0x26: {  	[smem:$0x3F9E] =	sst s1;
	(tag) =	ssettag s2;
	_ =	strace s9  }
0x27: {  	s1 =	sld [smem:$0x3FAE]  }
0x28: {  	s2 =	sld [smem:$0x3FAF]  }
0x29: {  	s4 =	sld [smem:$0x3FB1]  }
0x2a: {  	p0 =	seq.s32 s5, $0x0;
	s5 =	sld [smem:$0x3FB2]  }
0x2b: {  	s6 =	sld [smem:$0x3FB3]  }
0x2c: {  	s7 =	sld [smem:$0x3FB4]  }
0x2d: {  	s3 =	simm.s32 $0x108;
	s8 =	sld [smem:$0x3FB5]  }
0x2e: {  	s3 =	simm.s32 @!p0 $0x1082;
	s9 =	sld [smem:$0x3FB6]  }
0x2f: {  	lr =	sadd.s32 s0, s3;
	s0 =	sld [smem:$0x3FAD]  }
0x30: {  	s3 =	sld [smem:$0x3FB0]  }
0x31: {  	[smem:$0x3FB9] =	sst s10  }
0x32: {  	s10 =	sld [smem:$0x3FB7];
	_ =	sdelay $0x3  }
0x33: {  	p0 =	seq.s32 s10, $0x1;
	s10 =	sld [smem:$0x3FB9];
	_ =	sdelay $0x3  }
0x34: {  	[smem:$0x3FB9] =	sst s10  }
0x35: {  	s10 =	sld [smem:$0x3FB8];
	_ =	sdelay $0x3  }
0x36: {  	p1 =	seq.s32 s10, $0x1;
	s10 =	sld [smem:$0x3FB9];
	_ =	sdelay $0x3  }
0x37: {  	[smem:$0x3FB9] =	sst s10  }
0x38: {  	s10 =	sld [smem:$0x3FBA]  }
0x39: {  	_ = 	snop;
	(pc) =	sbr.ind lr, $3  }
0x3a: {  	_ = 	snop  }
0x3b: {  	_ = 	snop  }
0x3c: {  	p2 =	seq.s32 s10, $0x1;
	s10 =	sld [smem:$0x3FB9]  }
0x3d: {  	_ =	shalt  }
0x3e: {  	_ =	shalt  }
0x3f: {  	_ =	shalt  }
0x40: {  	_ =	shalt  }
0x41: {  	_ =	shalt  }
0x42: {  	_ =	shalt  }
0x43: {  	_ =	shalt  }
0x44: {  	_ =	shalt  }
0x45: {  	_ =	shalt  }
0x46: {  	_ =	shalt  }
0x47: {  	_ =	shalt  }
0x48: {  	_ =	shalt  }
0x49: {  	_ =	shalt  }
0x4a: {  	_ =	shalt  }
0x4b: {  	_ =	shalt  }
0x4c: {  	_ =	shalt  }
0x4d: {  	_ =	shalt  }
0x4e: {  	_ =	shalt  }
0x4f: {  	_ =	shalt  }
0x50: {  	_ =	shalt  }
0x51: {  	_ =	shalt  }
0x52: {  	_ =	shalt  }
0x53: {  	_ =	shalt  }
0x54: {  	_ =	shalt  }
0x55: {  	_ =	shalt  }
0x56: {  	_ =	shalt  }
0x57: {  	_ =	shalt  }
0x58: {  	_ =	shalt  }
0x59: {  	_ =	shalt  }
0x5a: {  	_ =	shalt  }
0x5b: {  	_ =	shalt  }
0x5c: {  	_ =	shalt  }
0x5d: {  	_ =	shalt  }
0x5e: {  	_ =	shalt  }
0x5f: {  	_ =	shalt  }
0x60: {  	_ =	shalt  }
0x61: {  	_ =	shalt  }
0x62: {  	_ =	shalt  }
0x63: {  	_ =	shalt  }
0x64: {  	_ =	shalt  }
0x65: {  	_ =	shalt  }
0x66: {  	_ =	shalt  }
0x67: {  	_ =	shalt  }
0x68: {  	_ =	shalt  }
0x69: {  	_ =	shalt  }
0x6a: {  	_ =	shalt  }
0x6b: {  	_ =	shalt  }
0x6c: {  	_ =	shalt  }
0x6d: {  	_ =	shalt  }
0x6e: {  	_ =	shalt  }
0x6f: {  	_ =	shalt  }
0x70: {  	_ =	shalt  }
0x71: {  	_ =	shalt  }
0x72: {  	_ =	shalt  }
0x73: {  	_ =	shalt  }
0x74: {  	_ =	shalt  }
0x75: {  	_ =	shalt  }
0x76: {  	_ =	shalt  }
0x77: {  	_ =	shalt  }
0x78: {  	_ =	shalt  }
0x79: {  	_ =	shalt  }
0x7a: {  	_ =	shalt  }
0x7b: {  	_ =	shalt  }
0x7c: {  	_ =	shalt  }
0x7d: {  	_ =	shalt  }
0x7e: {  	_ =	shalt  }
0x7f: {  	_ =	shalt  }
0x80: {  	_ =	shalt  }
0x81: {  	_ =	shalt  }
0x82: {  	_ =	shalt  }
0x83: {  	_ =	shalt  }
0x84: {  	_ =	shalt  }
0x85: {  	_ =	shalt  }
0x86: {  	_ =	shalt  }
0x87: {  	_ =	shalt  }
.Lfunc_end0:
.L_simem_size_0:
called_computation_lowered:
.L_overlay_start_0:
0x88: {  	s2 =	sld [smem:$0x3FD9]  }
0x89: {  	s3 =	sld [smem:$0x3FFE];
	_ =	sdelay $0x1  }
0x8a: {  	s1 =	srdreg.scid  }
0x8b: {  	s0 =	sand.u32 $0x1, s1  }
0x8c: {  	s17 =	sshll.u32 s0, $0xA;
	s2 =	sadd.s32 s3, s2  }
0x8d: {  	s2 =	sadd.s32 s2, s17  }
0x8e: {  	[smem:$0x3FC5] =	sst s2  }
0x8f: {  	_ = 	snop  }
0x90: {  	s2 =	sld [smem:$0x3FC9]  }
0x91: {  	s18 =	sld [smem:$0x3FC8]  }
0x92: {  	s4 =	sld [smem:$0x3FD0];
	(tm) =	ssettm $0x1  }
0x93: {  	s5 =	sld [smem:$0x3FFB];
	_ =	sdelay $0x3  }
0x94: {  	_ =	strace s5  }
0x95: {  	s5 =	sld [smem:$0x3FFC];
	_ =	sdelay $0x3  }
0x96: {  	_ =	strace s5  }
0x97: {  	s5 =	sld [smem:$0x3FFD];
	_ =	sdelay $0x3  }
0x98: {  	_ =	strace s5  }
0x99: {  	_ =	strace $0x8FFFFFFF  }
0x9a: {  	s19 =	sld [smem:$0x3FDB];
	_ =	sdelay $0x1  }
0x9b: {  	s6 =	simm.s32 $_scs_section_size  }
0x9c: {  	s7 =	simm.s32 $_size__tile_overlayer_lowered;
	s8 =	simm.s32 $_tile_overlayer_lowered  }
0x9d: {  	s22 =	simm.s32 $0x1BFF;
	s21 =	sshll.u32 s8, $0x1;
	s5 =	sadd.s32 s6, s19  }
0x9e: {  	s9 =	simm.s32 $0x0;
	s20 =	sshll.u32 s7, $0x1;
	s7 =	sadd.s32 s21, s5  }
0x9f: {  	[timem:s9], [sflag:s22] =	dma.local [hbm:s7], s20  }
0xa0: {  	_ =	swait.ge [sflag:s22], s20  }
0xa1: {  	s6 =	ssub.s32 $0x0, s20;
	[sflag:s22] =	ssyncset.done $0x0  }
0xa2: {  	[sflag:s22] =	ssyncadd.s32 s6;
	_ =	sdelay $0x1  }
0xa3: {  	s23 =	simm.s32 $0x1B8B  }
0xa4: {  	_ =	swait.ge [sflag:s23], $0x1  }
0xa5: {  	[sflag:s23] =	ssyncset.done $0x0  }
0xa6: {  	s25 =	simm.s32 $0x1B8E;
	s24 =	sld [smem:$0x3FFE];
	[sflag:s23] =	ssyncadd.s32 $0xFFFFFFFF  }
0xa7: {  	s26 =	simm.s32 $execute0_lowered;
	[smem:$0x3FD2] =	sst s25  }
0xa8: {  	s7 =	sshll.u32 s26, $0x1;
	_ =	strace $0x80000046;
	[dreg:$0x1] =	wrdreg $0xFFFFFFFF  }
0xa9: {  	s28 =	simm.s32 $_size_execute0_lowered;
	s5 =	sadd.s32 s5, s7;
	[dreg:$0x0] =	wrdreg $0x0  }
0xaa: {  	s7 =	sshll.u32 s28, $0x1;
	[dreg:$0x2] =	wrdreg s5  }
0xab: {  	[dreg:$0x3] =	wrdreg s7  }
0xac: {  	[dreg:$0x4] =	wrdreg $0xC0  }
0xad: {  	_ =	task [dreg:s9], $0x5FFFF  }
0xae: {  	[dreg:$0x1] =	wrdreg $0xFFFFFFFF  }
0xaf: {  	[dreg:$0x0] =	wrdreg $0x60  }
0xb0: {  	[dreg:$0x2] =	wrdreg s24  }
0xb1: {  	[dreg:$0x3] =	wrdreg s18  }
0xb2: {  	[dreg:$0x4] =	wrdreg s2  }
0xb3: {  	[dreg:$0x5] =	wrdreg s4  }
0xb4: {  	[dreg:$0x6] =	wrdreg $0x9  }
0xb5: {  	_ =	task.clear_ibuf [dreg:s9], $0x7FFFF;
	_ =	strace $0x90000046  }
0xb6: {  	s29 =	simm.s32 $0x9;
	_ =	strace $0x80000048  }
0xb7: {  	_ =	swait.ge [sflag:s29], $0x1  }
0xb8: {  	[sflag:s29] =	ssyncadd.s32 $0xFFFFFFFF  }
0xb9: {  	_ =	strace $0x90000048  }
0xba: {  	_ =	sfence  }
0xbb: {  	s30 =	sld [smem:$0x0];
	_ =	sdelay $0x2  }
0xbc: {  	s31 =	sshll.u32 s1, $0xD;
	s1 =	sshrl.u32 s1, $0x2  }
0xbd: {  	s3 =	sand.u32 $0x4000, s31;
	s1 =	sadd.s32 s1, s30  }
0xbe: {  	s0 =	sor.u32 s3, s0;
	s1 =	sshll.u32 s1, $0x11  }
0xbf: {  	s0 =	sor.u32 s1, s0  }
0xc0: {  	s0 =	sadd.s32 $0x8F2B, s0  }
0xc1: {  	[sflag:s0] =	ssyncadd.remote.s32 $0x1  }
0xc2: {  	_ =	sfence.sel $0xFFFF  }
0xc3: {  	[dreg:$0x0] =	wrdreg $0xFFFFFFFF;
	(pc) =	sbr.abs _section_cstart, $3  }
0xc4: {  	[dreg:$0x1] =	wrdreg $0xFFFFFFFF  }
0xc5: {  	_ =	task.clear_ibuf [dreg:s9], $0x2FFFF;
	_ =	strace $0x9FFFFFFF  }
0xc6: {  	(tm) =	ssettm $0x7FFFFFFF  }
0xc7: {  	_ =	shalt  }
tec
execute0_lowered:
.L_overlay_start_1:
0x0: {  	(tag) =	ssettag $0x1  }
0x1: {  	s2 =	srdreg.scid  }
0x2: {  	s0 =	rddreg [dreg:$0x2];
	s5 =	stileid.u32;
	s2 =	sand.u32 $0x1, s2  }
0x3: {  	s5 =	sshll.u32 s5, $0x11;
	s4 =	ssub.s32 $0x2, s2;
	s2 =	sshll.u32 s2, $0x10  }
0x4: {  	s3 =	rddreg [dreg:$0x3];
	s1 =	simm.s32 $0x0;
	s2 =	sor.u32 s2, s5  }
0x5: {  	[smem:$0x7FF] =	sst s1;
	s18 =	sor.u32 $0x1000, s2  }
0x6: {  	s6 =	sshrl.u32 s4, $0x1;
	s19 =	sor.u32 $0x2000, s2;
	s7 =	sadd.s32 s0, s18  }
0x7: {  	s5 =	ssub.s32 s4, s6;
	s20 =	sadd.s32 s0, s19;
	[dreg:$0x5] =	wrdreg s7  }
0x8: {  	s21 =	sor.u32 $0x3000, s2;
	s4 =	sadd.s32 s3, s18;
	[dreg:$0x6] =	wrdreg s20  }
0x9: {  	s22 =	sadd.s32 s0, s21;
	[dreg:$0x7] =	wrdreg s4  }
0xa: {  	s23 =	sor.u32 $0x4000, s2;
	s6 =	sadd.s32 s3, s19;
	[dreg:$0x8] =	wrdreg s22  }
0xb: {  	s25 =	sor.u32 $0x5000, s2;
	s24 =	sadd.s32 s0, s23;
	[dreg:$0x9] =	wrdreg s6  }
0xc: {  	s28 =	sor.u32 $0x6000, s2;
	s26 =	sadd.s32 s0, s25;
	[dreg:$0xa] =	wrdreg s24  }
0xd: {  	s30 =	sor.u32 $0x7000, s2;
	s29 =	sadd.s32 s0, s28;
	[dreg:$0xc] =	wrdreg s26  }
0xe: {  	s9 =	sor.u32 $0x8000, s2;
	s8 =	sadd.s32 s0, s30;
	[dreg:$0xe] =	wrdreg s29  }
0xf: {  	s11 =	sor.u32 $0x9000, s2;
	s10 =	sadd.s32 s0, s9;
	[dreg:$0x10] =	wrdreg s8  }
0x10: {  	s12 =	sadd.s32 s0, s11;
	[dreg:$0x12] =	wrdreg s10  }
0x11: {  	s13 =	sadd.s32 s3, s9;
	[dreg:$0x14] =	wrdreg s12  }
0x12: {  	s14 =	sor.u32 $0xA000, s2;
	s15 =	sadd.s32 s3, s11;
	[dreg:$0x15] =	wrdreg s13  }
0x13: {  	s16 =	sor.u32 $0xB000, s2;
	s17 =	sadd.s32 s0, s14;
	[dreg:$0x16] =	wrdreg s15  }
0x14: {  	s18 =	sadd.s32 s0, s16;
	[dreg:$0x17] =	wrdreg s17  }
0x15: {  	s19 =	sadd.s32 s3, s16;
	[dreg:$0x19] =	wrdreg s18  }
0x16: {  	[dreg:$0x1a] =	wrdreg s19  }
0x17: {  	s5 =	smax.u32 s5, $0x1;
	s7 =	sadd.s32 s3, s21;
	s8 =	rddreg [dreg:$0x1]  }
0x18: {  	s9 =	simm.s32 $0x4;
	s4 =	sadd.s32 s3, s23;
	[dreg:$0xb] =	wrdreg s7  }
0x19: {  	s11 =	simm.s32 $0x2080;
	s6 =	sadd.s32 s3, s25;
	[dreg:$0xd] =	wrdreg s4  }
0x1a: {  	s16 =	simm.s32 $0x0;
	s25 =	sadd.s32 s0, s2;
	[dreg:$0xf] =	wrdreg s6  }
0x1b: {  	s20 =	sor.u32 $0xC000, s2;
	s26 =	sadd.s32 s3, s2;
	[dreg:$0x1f] =	wrdreg s25  }
0x1c: {  	s21 =	sor.u32 $0xD000, s2;
	s29 =	sor.u32 $0xF000, s2;
	[smem:$0x7FD] =	sst s26  }
0x1d: {  	s7 =	sadd.s32 s3, s28;
	s4 =	sadd.s32 s3, s30;
	s30 =	rddreg [dreg:$0x0]  }
0x1e: {  	s10 =	simm.s32 $0x1;
	s12 =	simm.s32 $0xA080;
	[dreg:$0x11] =	wrdreg s7  }
0x1f: {  	s13 =	simm.s32 $0x12080;
	s22 =	sadd.s32 s0, s20;
	[dreg:$0x13] =	wrdreg s4  }
0x20: {  	s15 =	simm.s32 $0x3;
	s23 =	sadd.s32 s0, s21;
	[dreg:$0x1b] =	wrdreg s22  }
0x21: {  	s24 =	sadd.s32 s3, s21;
	s28 =	sor.u32 $0xE000, s2;
	[dreg:$0x1d] =	wrdreg s23  }
0x22: {  	s6 =	sadd.s32 $0x80, s8;
	s4 =	sadd.s32 s3, s14;
	[dreg:$0x1e] =	wrdreg s24  }
0x23: {  	s31 =	sadd.s32 s0, s28;
	s0 =	sadd.s32 s0, s29;
	s2 =	sadd.s32 s3, s28  }
0x24: {  	v0 =	vlaneseq.u32;
	s7 =	sadd.s32 $0x100, s8;
	[dreg:$0x18] =	wrdreg s4;
	s4 =	sadd.s32 s3, s20  }
0x25: {  	v1 =	vshrl.u32 v0, $0x3;
	s8 =	sadd.s32 $0x180, s8;
	s14 =	simm.s32 $0x2;
	[dreg:$0x1c] =	wrdreg s4  }
0x26: {  	vm0 =	vmmov $0xffff;
	v0 =	vand.u32 $0x7, v0;
	v1 =	vmul.u32 $0x4, v1;
	s3 =	sadd.s32 s3, s29;
	s4 =	sadd.s32 $0x400, s30;
	_ =	strace $0x80000047  }
.LBB2_1:
0x27: {  	[tilespmem:s1], [sflag:$0x4] =	stream.linear.gather [hbm4b:s4+s1], $0x80, $0x38;
	[tilespmem:$0x1A080] =	vst v63  }
0x28: {  	_ =	swait.ge [sflag:s9], $0x80  }
0x29: {  	[sflag:s9] =	ssyncset.done $0x0  }
0x2a: {  	[sflag:s9] =	ssyncadd.s32 $0xFFFFFF80  }
0x2b: {  	v2 =	vld.msk [tilespmem:$0x0], $0xff;
	_ =	sdelay $0x4  }
0x2c: {  	v3 =	vshll.u32 v2, $0x3  }
0x2d: {  	v2 =	vand.u32 $0x3, v2;
	v3 =	vand.u32 $0xFFFFFFE0, v3  }
0x2e: {  	v2 =	vor.u32 v2, v3  }
0x2f: {  	v2 =	vperm.xlane v2, v0;
	_ =	sdelay $0x1  }
0x30: {  	v2 =	vadd.s32 v1, v2;
	_ =	sdelay $0x3  }
0x31: {  	s18 =	simm.s32 $0x80;
	s17 =	rddreg [dreg:$0x1]  }
0x32: {  	[tilespmem:s18], [sflag:$0x1] =	stream.indirect_vreg.gather [hbm4b:s17+s1], $0x80, v2, vm0, $0xb8;
	[tilespmem:$0x1A080] =	vst v63  }
0x33: {  	s25 =	simm.s32 $0x880  }
0x34: {  	[tilespmem:s25], [sflag:$0x1] =	stream.indirect_vreg.gather [hbm4b:s6+s1], $0x80, v2, vm0, $0xb8;
	[tilespmem:$0x1A080] =	vst v63  }
0x35: {  	s26 =	simm.s32 $0x1080  }
0x36: {  	[tilespmem:s26], [sflag:$0x1] =	stream.indirect_vreg.gather [hbm4b:s7+s1], $0x80, v2, vm0, $0xb8;
	[tilespmem:$0x1A080] =	vst v63  }
0x37: {  	s28 =	simm.s32 $0x1880  }
0x38: {  	[tilespmem:s28], [sflag:$0x1] =	stream.indirect_vreg.gather [hbm4b:s8+s1], $0x80, v2, vm0, $0xb8;
	[tilespmem:$0x1A080] =	vst v63  }
0x39: {  	_ =	swait.ge [sflag:s10], $0x2000  }
0x3a: {  	[sflag:s10] =	ssyncset.done $0x0  }
0x3b: {  	s29 =	rddreg [dreg:$0x1f];
	[sflag:s10] =	ssyncadd.s32 $0xFFFFE000  }
0x3c: {  	[tilespmem:s11], [sflag:$0x1] =	stream.linear.gather [hbm4b:s29+s1], $0x8000, $0x38;
	[tilespmem:$0x1A080] =	vst v63  }
0x3d: {  	s30 =	rddreg [dreg:$0x5]  }
0x3e: {  	[tilespmem:s12], [sflag:$0x2] =	stream.linear.gather [hbm4b:s30+s1], $0x8000, $0x38;
	[tilespmem:$0x1A080] =	vst v63  }
0x3f: {  	_ =	swait.ge [sflag:s10], $0x8000  }
0x40: {  	[sflag:s10] =	ssyncset.done $0x0  }
0x41: {  	s17 =	simm.s32 $0x0;
	[sflag:s10] =	ssyncadd.s32 $0xFFFF8000  }
.LBB2_2:
0x42: {  	s18 =	sshll.u32 s17, $0xA  }
0x43: {  	v8 =	vld [tilespmem:s18+$0x80]  }
0x44: {  	v7 =	vld [tilespmem:s18+$0x90]  }
0x45: {  	v6 =	vld [tilespmem:s18+$0xA0]  }
0x46: {  	v4 =	vld [tilespmem:s18+$0xB0]  }
0x47: {  	s19 =	simm.s32 $0x0;
	v2 =	vld [tilespmem:s18+$0xC0]  }
0x48: {  	v3 =	vld [tilespmem:s18+$0xD0];
	s20 =	sadd.s32 $0x2080, s18;
	s21 =	sand.u32 $0x6000, s19  }
0x49: {  	v5 =	vld [tilespmem:s18+$0xE0];
	s22 =	sand.u32 $0x300, s19;
	s21 =	sadd.s32 s21, s20  }
0x4a: {  	v9 =	vld [tilespmem:s18+$0xF0];
	s18 =	sadd.s32 s22, s21  }
0x4b: {  	v11 =	vld [tilespmem:s18+$0x0]  }
0x4c: {  	v10 =	vld [tilespmem:s18+$0xF0]  }
0x4d: {  	v12 =	vld [tilespmem:s18+$0x10]  }
0x4e: {  	v13 =	vld [tilespmem:s18+$0x20]  }
0x4f: {  	v15 =	vld [tilespmem:s18+$0x30]  }
0x50: {  	v16 =	vld [tilespmem:s18+$0x40];
	v11 =	vadd.f32 v11, v8  }
0x51: {  	v17 =	vld [tilespmem:s18+$0x50];
	v10 =	vadd.f32 v10, v9  }
0x52: {  	v18 =	vld [tilespmem:s18+$0x60];
	v12 =	vadd.f32 v12, v7;
	[tilespmem:s18+$0x0] =	vst v11  }
0x53: {  	v14 =	vld [tilespmem:s18+$0x70];
	[tilespmem:s18+$0xF0] =	vst v10;
	v10 =	vadd.f32 v13, v6  }
0x54: {  	[tilespmem:s18+$0x10] =	vst v12;
	v13 =	vadd.f32 v15, v4;
	v12 =	vld [tilespmem:s18+$0x80]  }
0x55: {  	v15 =	vadd.f32 v16, v2;
	v11 =	vld [tilespmem:s18+$0x90];
	[tilespmem:s18+$0x20] =	vst v10  }
0x56: {  	v16 =	vadd.f32 v17, v3;
	[tilespmem:s18+$0x30] =	vst v13;
	v10 =	vld [tilespmem:s18+$0xA0]  }
0x57: {  	s21 =	simm.s32 $0x0;
	s22 =	simm.s32 $0x800;
	[tilespmem:s18+$0x40] =	vst v15;
	v15 =	vadd.f32 v18, v5;
	v13 =	vld [tilespmem:s18+$0xB0]  }
.LBB2_3:
0x58: {  	s23 =	sand.u32 $0x6000, s22;
	s21 =	sadd.s32 $0x2, s21;
	[tilespmem:s18+$0x50] =	vst v16;
	v14 =	vadd.f32 v14, v9;
	v16 =	vld [tilespmem:s18+$0xC0];
	s19 =	sadd.s32 $0x100, s19  }
0x59: {  	s24 =	sand.u32 $0x300, s19;
	s23 =	sadd.s32 s23, s20;
	p0 =	slt.u32 s21, $0x1E;
	[tilespmem:s18+$0x60] =	vst v15;
	v12 =	vadd.f32 v12, v8;
	v15 =	vld [tilespmem:s18+$0xD0]  }
0x5a: {  	s23 =	sadd.s32 s24, s23;
	[tilespmem:s18+$0x70] =	vst v14;
	v11 =	vadd.f32 v11, v7;
	v14 =	vld [tilespmem:s18+$0xE0]  }
0x5b: {  	v17 =	vld [tilespmem:s23+$0xF0];
	[tilespmem:s18+$0x80] =	vst v12;
	v10 =	vadd.f32 v10, v6  }
0x5c: {  	v12 =	vld [tilespmem:s23+$0x0];
	[tilespmem:s18+$0x90] =	vst v11;
	v11 =	vadd.f32 v13, v4  }
0x5d: {  	v13 =	vld [tilespmem:s23+$0x10];
	[tilespmem:s18+$0xA0] =	vst v10;
	v10 =	vadd.f32 v16, v2  }
0x5e: {  	v16 =	vld [tilespmem:s23+$0x20];
	[tilespmem:s18+$0xB0] =	vst v11;
	v11 =	vadd.f32 v15, v3  }
0x5f: {  	v15 =	vld [tilespmem:s23+$0x30];
	[tilespmem:s18+$0xC0] =	vst v10;
	v10 =	vadd.f32 v14, v5  }
0x60: {  	v18 =	vld [tilespmem:s23+$0x40];
	v14 =	vadd.f32 v17, v9;
	[tilespmem:s18+$0xD0] =	vst v11  }
0x61: {  	v11 =	vadd.f32 v12, v8;
	v17 =	vld [tilespmem:s23+$0x50];
	[tilespmem:s18+$0xE0] =	vst v10;
	s18 =	smov.u32 s23  }
0x62: {  	v10 =	vadd.f32 v13, v7;
	v13 =	vld [tilespmem:s18+$0x60];
	[tilespmem:s18+$0xF0] =	vst v14  }
.Ltmp0:
0x63: {  	[tilespmem:s18+$0x0] =	vst v11;
	v11 =	vadd.f32 v16, v6;
	v14 =	vld [tilespmem:s18+$0x70];
	(pc) =	sbr.rel @p0 .LBB2_3-.Ltmp0, $4  }
0x64: {  	[tilespmem:s18+$0x10] =	vst v10;
	v10 =	vadd.f32 v15, v4;
	v12 =	vld [tilespmem:s18+$0x80]  }
0x65: {  	[tilespmem:s18+$0x20] =	vst v11;
	v15 =	vadd.f32 v18, v2;
	v11 =	vld [tilespmem:s18+$0x90]  }
0x66: {  	[tilespmem:s18+$0x30] =	vst v10;
	v16 =	vadd.f32 v17, v3;
	v10 =	vld [tilespmem:s18+$0xA0]  }
0x67: {  	s22 =	sadd.s32 $0x800, s22;
	[tilespmem:s18+$0x40] =	vst v15;
	v15 =	vadd.f32 v13, v5;
	v13 =	vld [tilespmem:s18+$0xB0]  }
0x68: {  	[tilespmem:s18+$0x50] =	vst v16;
	v9 =	vadd.f32 v14, v9;
	v61 =	vld [tilespmem:s18+$0xC0]  }
0x69: {  	v62 =	vld [tilespmem:s18+$0xD0];
	[tilespmem:s18+$0x60] =	vst v15;
	v8 =	vadd.f32 v12, v8  }
0x6a: {  	v63 =	vld [tilespmem:s18+$0xE0];
	[tilespmem:s18+$0x70] =	vst v9;
	v7 =	vadd.f32 v11, v7  }
0x6b: {  	s17 =	sadd.s32 $0x1, s17;
	[tilespmem:s18+$0x80] =	vst v8;
	v6 =	vadd.f32 v10, v6  }
0x6c: {  	p0 =	sne.s32 s17, $0x8;
	[tilespmem:s18+$0x90] =	vst v7;
	v4 =	vadd.f32 v13, v4  }
.Ltmp1:
0x6d: {  	[tilespmem:s18+$0xA0] =	vst v6;
	v2 =	vadd.f32 v61, v2;
	(pc) =	sbr.rel @p0 .LBB2_2-.Ltmp1, $4  }
0x6e: {  	v3 =	vadd.f32 v62, v3;
	[tilespmem:s18+$0xB0] =	vst v4  }
0x6f: {  	[tilespmem:s18+$0xC0] =	vst v2;
	v2 =	vadd.f32 v63, v5  }
0x70: {  	[tilespmem:s18+$0xD0] =	vst v3  }
0x71: {  	[tilespmem:s18+$0xE0] =	vst v2  }
0x72: {  	s18 =	sld [smem:$0x7FD];
	_ =	sdelay $0x1  }
0x73: {  	s17 =	simm.s32 $0x0  }
0x74: {  	[hbm4b:s18+s17] =	stream.linear.scatter [tilespmem:s11], [sflag:$0x1], $0x8000, $0x38;
	[tilespmem:$0x1A080] =	vst v63  }
0x75: {  	s30 =	rddreg [dreg:$0x6]  }
0x76: {  	[tilespmem:s13], [sflag:$0x3] =	stream.linear.gather [hbm4b:s30+s17], $0x8000, $0x38;
	[tilespmem:$0x1A080] =	vst v63  }
0x77: {  	_ =	swait.ge [sflag:s14], $0x8000  }
0x78: {  	[sflag:s14] =	ssyncset.done $0x0  }
0x79: {  	s18 =	simm.s32 $0x0;
	[sflag:s14] =	ssyncadd.s32 $0xFFFF8000  }
.LBB2_6:
0x7a: {  	s19 =	sshll.u32 s18, $0xA  }
0x7b: {  	v9 =	vld [tilespmem:s19+$0x80]  }
0x7c: {  	v8 =	vld [tilespmem:s19+$0x90]  }
0x7d: {  	v6 =	vld [tilespmem:s19+$0xA0]  }
0x7e: {  	v4 =	vld [tilespmem:s19+$0xB0]  }
0x7f: {  	s20 =	simm.s32 $0x8400;
	v2 =	vld [tilespmem:s19+$0xC0]  }
0x80: {  	s22 =	simm.s32 $0x1080;
	v3 =	vld [tilespmem:s19+$0xD0];
	s21 =	sadd.s32 $0x2080, s19;
	s20 =	sand.u32 $0xE000, s20  }
0x81: {  	v5 =	vld [tilespmem:s19+$0xE0];
	s22 =	sand.u32 $0x380, s22;
	s20 =	sadd.s32 s20, s21  }
0x82: {  	v7 =	vld [tilespmem:s19+$0xF0];
	s22 =	sadd.s32 s22, s20  }
0x83: {  	v10 =	vld [tilespmem:s22+$0x70]  }
0x84: {  	v11 =	vld [tilespmem:s22+$0x0]  }
0x85: {  	v12 =	vld [tilespmem:s22+$0x10]  }
0x86: {  	v15 =	vld [tilespmem:s22+$0x20]  }
0x87: {  	v16 =	vld [tilespmem:s22+$0x30]  }
0x88: {  	s30 =	sand.u32 $0x6000, s17;
	v17 =	vld [tilespmem:s22+$0x40];
	v10 =	vadd.f32 v10, v7  }
0x89: {  	s23 =	sand.u32 $0x300, s17;
	s20 =	sadd.s32 s19, s30;
	v18 =	vld [tilespmem:s22+$0x50];
	v11 =	vadd.f32 v11, v9  }
0x8a: {  	v13 =	vld [tilespmem:s22+$0x60];
	s20 =	sadd.s32 s23, s20;
	v19 =	vadd.f32 v12, v8;
	[tilespmem:s22+$0x70] =	vst v10  }
0x8b: {  	v14 =	vld [tilespmem:s20+$0xA080];
	[tilespmem:s22+$0x0] =	vst v11;
	v10 =	vadd.f32 v15, v6  }
0x8c: {  	v12 =	vld [tilespmem:s20+$0xA090];
	[tilespmem:s22+$0x10] =	vst v19;
	v15 =	vadd.f32 v16, v4  }
0x8d: {  	v11 =	vld [tilespmem:s20+$0xA0A0];
	v16 =	vadd.f32 v17, v2;
	[tilespmem:s22+$0x20] =	vst v10  }
0x8e: {  	s24 =	simm.s32 $0x800;
	s25 =	simm.s32 $0x0;
	s23 =	simm.s32 $0x0;
	v10 =	vld [tilespmem:s20+$0xA0B0];
	[tilespmem:s22+$0x30] =	vst v15;
	v15 =	vadd.f32 v18, v3  }
.LBB2_7:
0x8f: {  	s26 =	sadd.s32 $0x8400, s24;
	s23 =	sadd.s32 $0x2, s23;
	v17 =	vld [tilespmem:s20+$0xA0C0];
	[tilespmem:s22+$0x40] =	vst v16;
	v13 =	vadd.f32 v13, v5;
	s25 =	sadd.s32 $0x100, s25  }
0x90: {  	s26 =	sand.u32 $0xE000, s26;
	s28 =	sadd.s32 $0x1080, s25;
	p0 =	slt.u32 s23, $0x1E;
	v14 =	vadd.f32 v14, v9;
	v16 =	vld [tilespmem:s20+$0xA0D0];
	[tilespmem:s22+$0x50] =	vst v15  }
0x91: {  	s29 =	sand.u32 $0x6000, s24;
	s28 =	sand.u32 $0x380, s28;
	s26 =	sadd.s32 s26, s21;
	v12 =	vadd.f32 v12, v8;
	v15 =	vld [tilespmem:s20+$0xA0E0];
	[tilespmem:s22+$0x60] =	vst v13  }
0x92: {  	s30 =	sand.u32 $0x300, s25;
	s29 =	sadd.s32 s19, s29;
	s22 =	sadd.s32 s28, s26;
	[tilespmem:s20+$0xA080] =	vst v14;
	v11 =	vadd.f32 v11, v6;
	v13 =	vld [tilespmem:s20+$0xA0F0]  }
0x93: {  	s26 =	sadd.s32 s30, s29;
	v14 =	vld [tilespmem:s22+$0x70];
	[tilespmem:s20+$0xA090] =	vst v12;
	v10 =	vadd.f32 v10, v4  }
0x94: {  	v12 =	vld [tilespmem:s22+$0x0];
	[tilespmem:s20+$0xA0A0] =	vst v11;
	v11 =	vadd.f32 v17, v2  }
0x95: {  	v17 =	vld [tilespmem:s22+$0x10];
	[tilespmem:s20+$0xA0B0] =	vst v10;
	v10 =	vadd.f32 v16, v3  }
0x96: {  	v16 =	vld [tilespmem:s22+$0x20];
	[tilespmem:s20+$0xA0C0] =	vst v11;
	v11 =	vadd.f32 v15, v5  }
0x97: {  	v15 =	vld [tilespmem:s22+$0x30];
	[tilespmem:s20+$0xA0D0] =	vst v10;
	v10 =	vadd.f32 v13, v7  }
0x98: {  	v18 =	vld [tilespmem:s22+$0x40];
	v14 =	vadd.f32 v14, v7;
	[tilespmem:s20+$0xA0E0] =	vst v11  }
0x99: {  	v11 =	vadd.f32 v12, v9;
	v19 =	vld [tilespmem:s22+$0x50];
	[tilespmem:s20+$0xA0F0] =	vst v10;
	s20 =	smov.u32 s26  }
.Ltmp2:
0x9a: {  	v10 =	vadd.f32 v17, v8;
	v13 =	vld [tilespmem:s22+$0x60];
	[tilespmem:s22+$0x70] =	vst v14;
	(pc) =	sbr.rel @p0 .LBB2_7-.Ltmp2, $4  }
0x9b: {  	v14 =	vld [tilespmem:s20+$0xA080];
	[tilespmem:s22+$0x0] =	vst v11;
	v16 =	vadd.f32 v16, v6  }
0x9c: {  	v12 =	vld [tilespmem:s20+$0xA090];
	[tilespmem:s22+$0x10] =	vst v10;
	v15 =	vadd.f32 v15, v4  }
0x9d: {  	v11 =	vld [tilespmem:s20+$0xA0A0];
	[tilespmem:s22+$0x20] =	vst v16;
	v16 =	vadd.f32 v18, v2  }
0x9e: {  	s24 =	sadd.s32 $0x800, s24;
	v10 =	vld [tilespmem:s20+$0xA0B0];
	[tilespmem:s22+$0x30] =	vst v15;
	v15 =	vadd.f32 v19, v3  }
0x9f: {  	v17 =	vld [tilespmem:s20+$0xA0C0];
	[tilespmem:s22+$0x40] =	vst v16;
	v13 =	vadd.f32 v13, v5  }
0xa0: {  	v61 =	vld [tilespmem:s20+$0xA0D0];
	v9 =	vadd.f32 v14, v9;
	[tilespmem:s22+$0x50] =	vst v15  }
0xa1: {  	v62 =	vld [tilespmem:s20+$0xA0E0];
	v8 =	vadd.f32 v12, v8;
	[tilespmem:s22+$0x60] =	vst v13  }
0xa2: {  	v63 =	vld [tilespmem:s20+$0xA0F0];
	[tilespmem:s20+$0xA080] =	vst v9;
	v6 =	vadd.f32 v11, v6  }
0xa3: {  	s18 =	sadd.s32 $0x1, s18;
	[tilespmem:s20+$0xA090] =	vst v8;
	v4 =	vadd.f32 v10, v4  }
0xa4: {  	p0 =	sne.s32 s18, $0x8;
	[tilespmem:s20+$0xA0A0] =	vst v6;
	v2 =	vadd.f32 v17, v2  }
.Ltmp3:
0xa5: {  	v3 =	vadd.f32 v61, v3;
	[tilespmem:s20+$0xA0B0] =	vst v4;
	(pc) =	sbr.rel @p0 .LBB2_6-.Ltmp3, $4  }
0xa6: {  	[tilespmem:s20+$0xA0C0] =	vst v2;
	v2 =	vadd.f32 v62, v5  }
0xa7: {  	[tilespmem:s20+$0xA0D0] =	vst v3;
	v3 =	vadd.f32 v63, v7  }
0xa8: {  	[tilespmem:s20+$0xA0E0] =	vst v2  }
0xa9: {  	[tilespmem:s20+$0xA0F0] =	vst v3  }
0xaa: {  	s17 =	simm.s32 $0x0;
	s18 =	rddreg [dreg:$0x7]  }
0xab: {  	[hbm4b:s18+s17] =	stream.linear.scatter [tilespmem:s12], [sflag:$0x2], $0x8000, $0x38;
	[tilespmem:$0x1A080] =	vst v63  }
0xac: {  	_ =	swait.ge [sflag:s10], $0x8000  }
0xad: {  	[sflag:s10] =	ssyncset.done $0x0  }
0xae: {  	s30 =	rddreg [dreg:$0x8];
	[sflag:s10] =	ssyncadd.s32 $0xFFFF8000  }
0xaf: {  	[tilespmem:s11], [sflag:$0x1] =	stream.linear.gather [hbm4b:s30+s17], $0x8000, $0x38;
	[tilespmem:$0x1A080] =	vst v63  }
0xb0: {  	_ =	swait.ge [sflag:s15], $0x8000  }
0xb1: {  	[sflag:s15] =	ssyncset.done $0x0  }
0xb2: {  	s18 =	simm.s32 $0x0;
	[sflag:s15] =	ssyncadd.s32 $0xFFFF8000  }
.LBB2_10:
0xb3: {  	s20 =	sshll.u32 s18, $0xA  }
0xb4: {  	v8 =	vld [tilespmem:s20+$0x80]  }
0xb5: {  	v7 =	vld [tilespmem:s20+$0x90]  }
0xb6: {  	v6 =	vld [tilespmem:s20+$0xA0]  }
0xb7: {  	s19 =	sand.u32 $0x6000, s17;
	v9 =	vld [tilespmem:s20+$0xB0]  }
0xb8: {  	s21 =	sand.u32 $0x300, s17;
	v5 =	vld [tilespmem:s20+$0xC0];
	s19 =	sadd.s32 s20, s19  }
0xb9: {  	s29 =	simm.s32 $0x10400;
	v2 =	vld [tilespmem:s20+$0xD0];
	s23 =	sadd.s32 s21, s19  }
0xba: {  	s30 =	simm.s32 $0x2080;
	s22 =	sadd.s32 $0x2080, s20;
	s19 =	sand.u32 $0x16000, s29;
	v10 =	vld [tilespmem:s23+$0x12080]  }
0xbb: {  	v3 =	vld [tilespmem:s20+$0xE0];
	s21 =	sand.u32 $0x380, s30;
	s19 =	sadd.s32 s19, s22  }
0xbc: {  	v4 =	vld [tilespmem:s20+$0xF0];
	s19 =	sadd.s32 s21, s19  }
0xbd: {  	v11 =	vld [tilespmem:s19+$0x0]  }
0xbe: {  	v12 =	vld [tilespmem:s19+$0x10]  }
0xbf: {  	v15 =	vld [tilespmem:s19+$0x20];
	v10 =	vadd.f32 v10, v8  }
0xc0: {  	v16 =	vld [tilespmem:s19+$0x30]  }
0xc1: {  	s21 =	sadd.s32 $0x12080, s23;
	v17 =	vld [tilespmem:s19+$0x40];
	[tilespmem:s23+$0x12080] =	vst v10  }
0xc2: {  	v10 =	vadd.f32 v11, v8;
	v14 =	vld [tilespmem:s21+$0x30]  }
0xc3: {  	v11 =	vadd.f32 v12, v7;
	v13 =	vld [tilespmem:s21+$0x10]  }
0xc4: {  	v15 =	vadd.f32 v15, v6;
	v12 =	vld [tilespmem:s21+$0x20];
	[tilespmem:s19+$0x0] =	vst v10  }
0xc5: {  	v16 =	vadd.f32 v16, v9;
	v10 =	vld [tilespmem:s21+$0x40];
	[tilespmem:s19+$0x10] =	vst v11  }
0xc6: {  	s24 =	simm.s32 $0x800;
	s25 =	simm.s32 $0x0;
	s23 =	simm.s32 $0x0;
	v11 =	vld [tilespmem:s21+$0x50];
	[tilespmem:s19+$0x20] =	vst v15;
	v15 =	vadd.f32 v17, v5  }
.LBB2_11:
0xc7: {  	s26 =	sand.u32 $0x6000, s24;
	s23 =	sadd.s32 $0x2, s23;
	v14 =	vadd.f32 v14, v9;
	v17 =	vld [tilespmem:s21+$0x60];
	[tilespmem:s19+$0x30] =	vst v16;
	s25 =	sadd.s32 $0x100, s25  }
0xc8: {  	s28 =	sand.u32 $0x300, s25;
	s26 =	sadd.s32 s20, s26;
	p0 =	slt.u32 s23, $0x1E;
	v13 =	vadd.f32 v13, v7;
	v16 =	vld [tilespmem:s21+$0x70];
	[tilespmem:s19+$0x40] =	vst v15  }
0xc9: {  	s29 =	sadd.s32 $0x2080, s25;
	s26 =	sadd.s32 s28, s26;
	s28 =	sadd.s32 $0x10400, s24;
	v12 =	vadd.f32 v12, v6;
	[tilespmem:s21+$0x30] =	vst v14;
	v14 =	vld [tilespmem:s19+$0x50]  }
0xca: {  	s29 =	sand.u32 $0x380, s29;
	v15 =	vld [tilespmem:s26+$0x12080];
	s28 =	sand.u32 $0x16000, s28;
	[tilespmem:s21+$0x10] =	vst v13;
	v10 =	vadd.f32 v10, v5  }
0xcb: {  	s28 =	sadd.s32 s28, s22;
	[tilespmem:s21+$0x20] =	vst v12;
	v11 =	vadd.f32 v11, v2;
	v12 =	vld [tilespmem:s19+$0x60]  }
0xcc: {  	s28 =	sadd.s32 s29, s28;
	[tilespmem:s21+$0x40] =	vst v10;
	v10 =	vadd.f32 v17, v3;
	v13 =	vld [tilespmem:s19+$0x70]  }
0xcd: {  	v17 =	vld [tilespmem:s28+$0x0];
	[tilespmem:s21+$0x50] =	vst v11;
	v11 =	vadd.f32 v16, v4  }
0xce: {  	v16 =	vld [tilespmem:s28+$0x10];
	[tilespmem:s21+$0x60] =	vst v10;
	v10 =	vadd.f32 v14, v2  }
0xcf: {  	v14 =	vadd.f32 v15, v8;
	v15 =	vld [tilespmem:s28+$0x20];
	[tilespmem:s21+$0x70] =	vst v11  }
0xd0: {  	v11 =	vld [tilespmem:s28+$0x30];
	[tilespmem:s19+$0x50] =	vst v10;
	v10 =	vadd.f32 v12, v3  }
0xd1: {  	s21 =	sadd.s32 $0x12080, s26;
	[tilespmem:s26+$0x12080] =	vst v14;
	v18 =	vld [tilespmem:s28+$0x40];
	v12 =	vadd.f32 v13, v4  }
.Ltmp4:
0xd2: {  	v14 =	vld [tilespmem:s21+$0x30];
	v17 =	vadd.f32 v17, v8;
	[tilespmem:s19+$0x60] =	vst v10;
	(pc) =	sbr.rel @p0 .LBB2_11-.Ltmp4, $4  }
0xd3: {  	v13 =	vld [tilespmem:s21+$0x10];
	v16 =	vadd.f32 v16, v7;
	[tilespmem:s19+$0x70] =	vst v12;
	s19 =	smov.u32 s28  }
0xd4: {  	v12 =	vld [tilespmem:s21+$0x20];
	[tilespmem:s19+$0x0] =	vst v17;
	v15 =	vadd.f32 v15, v6  }
0xd5: {  	v10 =	vld [tilespmem:s21+$0x40];
	[tilespmem:s19+$0x10] =	vst v16;
	v16 =	vadd.f32 v11, v9  }
0xd6: {  	s24 =	sadd.s32 $0x800, s24;
	v11 =	vld [tilespmem:s21+$0x50];
	[tilespmem:s19+$0x20] =	vst v15;
	v15 =	vadd.f32 v18, v5  }
0xd7: {  	v8 =	vadd.f32 v14, v9;
	v56 =	vld [tilespmem:s21+$0x60];
	[tilespmem:s19+$0x30] =	vst v16  }
0xd8: {  	v57 =	vld [tilespmem:s21+$0x70];
	v7 =	vadd.f32 v13, v7;
	[tilespmem:s19+$0x40] =	vst v15  }
0xd9: {  	v58 =	vld [tilespmem:s19+$0x50];
	v6 =	vadd.f32 v12, v6;
	[tilespmem:s21+$0x30] =	vst v8  }
0xda: {  	v59 =	vld [tilespmem:s19+$0x60];
	[tilespmem:s21+$0x10] =	vst v7;
	v5 =	vadd.f32 v10, v5  }
0xdb: {  	v61 =	vld [tilespmem:s19+$0x70];
	[tilespmem:s21+$0x20] =	vst v6;
	v60 =	vadd.f32 v11, v2  }
0xdc: {  	s18 =	sadd.s32 $0x1, s18;
	[tilespmem:s21+$0x40] =	vst v5;
	v62 =	vadd.f32 v56, v3  }
0xdd: {  	p0 =	sne.s32 s18, $0x8;
	v63 =	vadd.f32 v57, v4;
	[tilespmem:s21+$0x50] =	vst v60  }
.Ltmp5:
0xde: {  	v2 =	vadd.f32 v58, v2;
	[tilespmem:s21+$0x60] =	vst v62;
	(pc) =	sbr.rel @p0 .LBB2_10-.Ltmp5, $4  }
0xdf: {  	v3 =	vadd.f32 v59, v3;
	[tilespmem:s21+$0x70] =	vst v63  }
0xe0: {  	[tilespmem:s19+$0x50] =	vst v2;
	v2 =	vadd.f32 v61, v4  }
0xe1: {  	[tilespmem:s19+$0x60] =	vst v3  }
0xe2: {  	[tilespmem:s19+$0x70] =	vst v2  }
0xe3: {  	s17 =	simm.s32 $0x0;
	s18 =	rddreg [dreg:$0x9]  }
0xe4: {  	[hbm4b:s18+s17] =	stream.linear.scatter [tilespmem:s13], [sflag:$0x3], $0x8000, $0x38;
	[tilespmem:$0x1A080] =	vst v63  }
0xe5: {  	_ =	swait.ge [sflag:s14], $0x8000  }
0xe6: {  	[sflag:s14] =	ssyncset.done $0x0  }
0xe7: {  	s30 =	rddreg [dreg:$0xa];
	[sflag:s14] =	ssyncadd.s32 $0xFFFF8000  }
0xe8: {  	[tilespmem:s12], [sflag:$0x2] =	stream.linear.gather [hbm4b:s30+s17], $0x8000, $0x38;
	[tilespmem:$0x1A080] =	vst v63  }
0xe9: {  	_ =	swait.ge [sflag:s10], $0x8000  }
0xea: {  	[sflag:s10] =	ssyncset.done $0x0  }
0xeb: {  	s18 =	simm.s32 $0x0;
	[sflag:s10] =	ssyncadd.s32 $0xFFFF8000  }
.LBB2_14:
0xec: {  	s19 =	sshll.u32 s18, $0xA  }
0xed: {  	v8 =	vld [tilespmem:s19+$0x80]  }
0xee: {  	v7 =	vld [tilespmem:s19+$0x90]  }
0xef: {  	v6 =	vld [tilespmem:s19+$0xA0]  }
0xf0: {  	v5 =	vld [tilespmem:s19+$0xB0]  }
0xf1: {  	v3 =	vld [tilespmem:s19+$0xC0]  }
0xf2: {  	s21 =	sand.u32 $0x6000, s17;
	v2 =	vld [tilespmem:s19+$0xD0];
	s20 =	sadd.s32 $0x2080, s19  }
0xf3: {  	s22 =	sand.u32 $0x300, s17;
	v4 =	vld [tilespmem:s19+$0xE0];
	s21 =	sadd.s32 s21, s20  }
0xf4: {  	v9 =	vld [tilespmem:s19+$0xF0];
	s19 =	sadd.s32 s22, s21  }
0xf5: {  	v11 =	vld [tilespmem:s19+$0x0]  }
0xf6: {  	v10 =	vld [tilespmem:s19+$0xF0]  }
0xf7: {  	v12 =	vld [tilespmem:s19+$0x10]  }
0xf8: {  	v13 =	vld [tilespmem:s19+$0x20]  }
0xf9: {  	v15 =	vld [tilespmem:s19+$0x30]  }
0xfa: {  	v16 =	vld [tilespmem:s19+$0x40];
	v11 =	vadd.f32 v11, v8  }
0xfb: {  	v17 =	vld [tilespmem:s19+$0x50];
	v10 =	vadd.f32 v10, v9  }
0xfc: {  	v18 =	vld [tilespmem:s19+$0x60];
	v12 =	vadd.f32 v12, v7;
	[tilespmem:s19+$0x0] =	vst v11  }
0xfd: {  	v14 =	vld [tilespmem:s19+$0x70];
	[tilespmem:s19+$0xF0] =	vst v10;
	v10 =	vadd.f32 v13, v6  }
0xfe: {  	[tilespmem:s19+$0x10] =	vst v12;
	v13 =	vadd.f32 v15, v5;
	v12 =	vld [tilespmem:s19+$0x80]  }
0xff: {  	v15 =	vadd.f32 v16, v3;
	v11 =	vld [tilespmem:s19+$0x90];
	[tilespmem:s19+$0x20] =	vst v10  }
0x100: {  	v16 =	vadd.f32 v17, v2;
	[tilespmem:s19+$0x30] =	vst v13;
	v10 =	vld [tilespmem:s19+$0xA0]  }
0x101: {  	s23 =	simm.s32 $0x0;
	s21 =	simm.s32 $0x0;
	s22 =	simm.s32 $0x800;
	[tilespmem:s19+$0x40] =	vst v15;
	v15 =	vadd.f32 v18, v4;
	v13 =	vld [tilespmem:s19+$0xB0]  }
.LBB2_15:
0x102: {  	s24 =	sand.u32 $0x6000, s22;
	s21 =	sadd.s32 $0x2, s21;
	[tilespmem:s19+$0x50] =	vst v16;
	v14 =	vadd.f32 v14, v9;
	v16 =	vld [tilespmem:s19+$0xC0];
	s23 =	sadd.s32 $0x100, s23  }
0x103: {  	s25 =	sand.u32 $0x300, s23;
	s24 =	sadd.s32 s24, s20;
	p0 =	slt.u32 s21, $0x1E;
	[tilespmem:s19+$0x60] =	vst v15;
	v12 =	vadd.f32 v12, v8;
	v15 =	vld [tilespmem:s19+$0xD0]  }
0x104: {  	s24 =	sadd.s32 s25, s24;
	[tilespmem:s19+$0x70] =	vst v14;
	v11 =	vadd.f32 v11, v7;
	v14 =	vld [tilespmem:s19+$0xE0]  }
0x105: {  	v17 =	vld [tilespmem:s24+$0xF0];
	[tilespmem:s19+$0x80] =	vst v12;
	v10 =	vadd.f32 v10, v6  }
0x106: {  	v12 =	vld [tilespmem:s24+$0x0];
	[tilespmem:s19+$0x90] =	vst v11;
	v11 =	vadd.f32 v13, v5  }
0x107: {  	v13 =	vld [tilespmem:s24+$0x10];
	[tilespmem:s19+$0xA0] =	vst v10;
	v10 =	vadd.f32 v16, v3  }
0x108: {  	v16 =	vld [tilespmem:s24+$0x20];
	[tilespmem:s19+$0xB0] =	vst v11;
	v11 =	vadd.f32 v15, v2  }
0x109: {  	v15 =	vld [tilespmem:s24+$0x30];
	[tilespmem:s19+$0xC0] =	vst v10;
	v10 =	vadd.f32 v14, v4  }
0x10a: {  	v18 =	vld [tilespmem:s24+$0x40];
	v14 =	vadd.f32 v17, v9;
	[tilespmem:s19+$0xD0] =	vst v11  }
0x10b: {  	v11 =	vadd.f32 v12, v8;
	v17 =	vld [tilespmem:s24+$0x50];
	[tilespmem:s19+$0xE0] =	vst v10;
	s19 =	smov.u32 s24  }
0x10c: {  	v10 =	vadd.f32 v13, v7;
	v13 =	vld [tilespmem:s19+$0x60];
	[tilespmem:s19+$0xF0] =	vst v14  }
.Ltmp6:
0x10d: {  	[tilespmem:s19+$0x0] =	vst v11;
	v11 =	vadd.f32 v16, v6;
	v14 =	vld [tilespmem:s19+$0x70];
	(pc) =	sbr.rel @p0 .LBB2_15-.Ltmp6, $4  }
0x10e: {  	[tilespmem:s19+$0x10] =	vst v10;
	v10 =	vadd.f32 v15, v5;
	v12 =	vld [tilespmem:s19+$0x80]  }
0x10f: {  	[tilespmem:s19+$0x20] =	vst v11;
	v15 =	vadd.f32 v18, v3;
	v11 =	vld [tilespmem:s19+$0x90]  }
0x110: {  	[tilespmem:s19+$0x30] =	vst v10;
	v16 =	vadd.f32 v17, v2;
	v10 =	vld [tilespmem:s19+$0xA0]  }
0x111: {  	s22 =	sadd.s32 $0x800, s22;
	[tilespmem:s19+$0x40] =	vst v15;
	v15 =	vadd.f32 v13, v4;
	v13 =	vld [tilespmem:s19+$0xB0]  }
0x112: {  	[tilespmem:s19+$0x50] =	vst v16;
	v9 =	vadd.f32 v14, v9;
	v61 =	vld [tilespmem:s19+$0xC0]  }
0x113: {  	v62 =	vld [tilespmem:s19+$0xD0];
	[tilespmem:s19+$0x60] =	vst v15;
	v8 =	vadd.f32 v12, v8  }
0x114: {  	v63 =	vld [tilespmem:s19+$0xE0];
	[tilespmem:s19+$0x70] =	vst v9;
	v7 =	vadd.f32 v11, v7  }
0x115: {  	s18 =	sadd.s32 $0x1, s18;
	[tilespmem:s19+$0x80] =	vst v8;
	v6 =	vadd.f32 v10, v6  }
0x116: {  	p0 =	sne.s32 s18, $0x8;
	[tilespmem:s19+$0x90] =	vst v7;
	v5 =	vadd.f32 v13, v5  }
.Ltmp7:
0x117: {  	[tilespmem:s19+$0xA0] =	vst v6;
	v3 =	vadd.f32 v61, v3;
	(pc) =	sbr.rel @p0 .LBB2_14-.Ltmp7, $4  }
0x118: {  	v2 =	vadd.f32 v62, v2;
	[tilespmem:s19+$0xB0] =	vst v5  }
0x119: {  	[tilespmem:s19+$0xC0] =	vst v3;
	v3 =	vadd.f32 v63, v4  }
0x11a: {  	[tilespmem:s19+$0xD0] =	vst v2  }
0x11b: {  	[tilespmem:s19+$0xE0] =	vst v3  }
0x11c: {  	s17 =	simm.s32 $0x0;
	s18 =	rddreg [dreg:$0xb]  }
0x11d: {  	[hbm4b:s18+s17] =	stream.linear.scatter [tilespmem:s11], [sflag:$0x1], $0x8000, $0x38;
	[tilespmem:$0x1A080] =	vst v63  }
0x11e: {  	_ =	swait.ge [sflag:s15], $0x8000  }
0x11f: {  	[sflag:s15] =	ssyncset.done $0x0  }
0x120: {  	s30 =	rddreg [dreg:$0xc];
	[sflag:s15] =	ssyncadd.s32 $0xFFFF8000  }
0x121: {  	[tilespmem:s13], [sflag:$0x3] =	stream.linear.gather [hbm4b:s30+s17], $0x8000, $0x38;
	[tilespmem:$0x1A080] =	vst v63  }
0x122: {  	_ =	swait.ge [sflag:s14], $0x8000  }
0x123: {  	[sflag:s14] =	ssyncset.done $0x0  }
0x124: {  	s18 =	simm.s32 $0x0;
	[sflag:s14] =	ssyncadd.s32 $0xFFFF8000  }
.LBB2_18:
0x125: {  	s19 =	sshll.u32 s18, $0xA  }
0x126: {  	v9 =	vld [tilespmem:s19+$0x80]  }
0x127: {  	v8 =	vld [tilespmem:s19+$0x90]  }
0x128: {  	v6 =	vld [tilespmem:s19+$0xA0]  }
0x129: {  	v4 =	vld [tilespmem:s19+$0xB0]  }
0x12a: {  	s20 =	simm.s32 $0x8400;
	v2 =	vld [tilespmem:s19+$0xC0]  }
0x12b: {  	s22 =	simm.s32 $0x1080;
	v3 =	vld [tilespmem:s19+$0xD0];
	s21 =	sadd.s32 $0x2080, s19;
	s20 =	sand.u32 $0xE000, s20  }
0x12c: {  	v5 =	vld [tilespmem:s19+$0xE0];
	s22 =	sand.u32 $0x380, s22;
	s20 =	sadd.s32 s20, s21  }
0x12d: {  	v7 =	vld [tilespmem:s19+$0xF0];
	s22 =	sadd.s32 s22, s20  }
0x12e: {  	v10 =	vld [tilespmem:s22+$0x70]  }
0x12f: {  	v11 =	vld [tilespmem:s22+$0x0]  }
0x130: {  	v12 =	vld [tilespmem:s22+$0x10]  }
0x131: {  	v15 =	vld [tilespmem:s22+$0x20]  }
0x132: {  	v16 =	vld [tilespmem:s22+$0x30]  }
0x133: {  	s30 =	sand.u32 $0x6000, s17;
	v17 =	vld [tilespmem:s22+$0x40];
	v10 =	vadd.f32 v10, v7  }
0x134: {  	s23 =	sand.u32 $0x300, s17;
	s20 =	sadd.s32 s19, s30;
	v18 =	vld [tilespmem:s22+$0x50];
	v11 =	vadd.f32 v11, v9  }
0x135: {  	v13 =	vld [tilespmem:s22+$0x60];
	s20 =	sadd.s32 s23, s20;
	v19 =	vadd.f32 v12, v8;
	[tilespmem:s22+$0x70] =	vst v10  }
0x136: {  	v14 =	vld [tilespmem:s20+$0xA080];
	[tilespmem:s22+$0x0] =	vst v11;
	v10 =	vadd.f32 v15, v6  }
0x137: {  	v12 =	vld [tilespmem:s20+$0xA090];
	[tilespmem:s22+$0x10] =	vst v19;
	v15 =	vadd.f32 v16, v4  }
0x138: {  	v11 =	vld [tilespmem:s20+$0xA0A0];
	v16 =	vadd.f32 v17, v2;
	[tilespmem:s22+$0x20] =	vst v10  }
0x139: {  	s24 =	simm.s32 $0x800;
	s25 =	simm.s32 $0x0;
	s23 =	simm.s32 $0x0;
	v10 =	vld [tilespmem:s20+$0xA0B0];
	[tilespmem:s22+$0x30] =	vst v15;
	v15 =	vadd.f32 v18, v3  }
.LBB2_19:
0x13a: {  	s26 =	sadd.s32 $0x8400, s24;
	s23 =	sadd.s32 $0x2, s23;
	v17 =	vld [tilespmem:s20+$0xA0C0];
	[tilespmem:s22+$0x40] =	vst v16;
	v13 =	vadd.f32 v13, v5;
	s25 =	sadd.s32 $0x100, s25  }
0x13b: {  	s26 =	sand.u32 $0xE000, s26;
	s28 =	sadd.s32 $0x1080, s25;
	p0 =	slt.u32 s23, $0x1E;
	v14 =	vadd.f32 v14, v9;
	v16 =	vld [tilespmem:s20+$0xA0D0];
	[tilespmem:s22+$0x50] =	vst v15  }
0x13c: {  	s29 =	sand.u32 $0x6000, s24;
	s28 =	sand.u32 $0x380, s28;
	s26 =	sadd.s32 s26, s21;
	v12 =	vadd.f32 v12, v8;
	v15 =	vld [tilespmem:s20+$0xA0E0];
	[tilespmem:s22+$0x60] =	vst v13  }
0x13d: {  	s30 =	sand.u32 $0x300, s25;
	s29 =	sadd.s32 s19, s29;
	s22 =	sadd.s32 s28, s26;
	[tilespmem:s20+$0xA080] =	vst v14;
	v11 =	vadd.f32 v11, v6;
	v13 =	vld [tilespmem:s20+$0xA0F0]  }
0x13e: {  	s26 =	sadd.s32 s30, s29;
	v14 =	vld [tilespmem:s22+$0x70];
	[tilespmem:s20+$0xA090] =	vst v12;
	v10 =	vadd.f32 v10, v4  }
0x13f: {  	v12 =	vld [tilespmem:s22+$0x0];
	[tilespmem:s20+$0xA0A0] =	vst v11;
	v11 =	vadd.f32 v17, v2  }
0x140: {  	v17 =	vld [tilespmem:s22+$0x10];
	[tilespmem:s20+$0xA0B0] =	vst v10;
	v10 =	vadd.f32 v16, v3  }
0x141: {  	v16 =	vld [tilespmem:s22+$0x20];
	[tilespmem:s20+$0xA0C0] =	vst v11;
	v11 =	vadd.f32 v15, v5  }
0x142: {  	v15 =	vld [tilespmem:s22+$0x30];
	[tilespmem:s20+$0xA0D0] =	vst v10;
	v10 =	vadd.f32 v13, v7  }
0x143: {  	v18 =	vld [tilespmem:s22+$0x40];
	v14 =	vadd.f32 v14, v7;
	[tilespmem:s20+$0xA0E0] =	vst v11  }
0x144: {  	v11 =	vadd.f32 v12, v9;
	v19 =	vld [tilespmem:s22+$0x50];
	[tilespmem:s20+$0xA0F0] =	vst v10;
	s20 =	smov.u32 s26  }
.Ltmp8:
0x145: {  	v10 =	vadd.f32 v17, v8;
	v13 =	vld [tilespmem:s22+$0x60];
	[tilespmem:s22+$0x70] =	vst v14;
	(pc) =	sbr.rel @p0 .LBB2_19-.Ltmp8, $4  }
0x146: {  	v14 =	vld [tilespmem:s20+$0xA080];
	[tilespmem:s22+$0x0] =	vst v11;
	v16 =	vadd.f32 v16, v6  }
0x147: {  	v12 =	vld [tilespmem:s20+$0xA090];
	[tilespmem:s22+$0x10] =	vst v10;
	v15 =	vadd.f32 v15, v4  }
0x148: {  	v11 =	vld [tilespmem:s20+$0xA0A0];
	[tilespmem:s22+$0x20] =	vst v16;
	v16 =	vadd.f32 v18, v2  }
0x149: {  	s24 =	sadd.s32 $0x800, s24;
	v10 =	vld [tilespmem:s20+$0xA0B0];
	[tilespmem:s22+$0x30] =	vst v15;
	v15 =	vadd.f32 v19, v3  }
0x14a: {  	v17 =	vld [tilespmem:s20+$0xA0C0];
	[tilespmem:s22+$0x40] =	vst v16;
	v13 =	vadd.f32 v13, v5  }
0x14b: {  	v61 =	vld [tilespmem:s20+$0xA0D0];
	v9 =	vadd.f32 v14, v9;
	[tilespmem:s22+$0x50] =	vst v15  }
0x14c: {  	v62 =	vld [tilespmem:s20+$0xA0E0];
	v8 =	vadd.f32 v12, v8;
	[tilespmem:s22+$0x60] =	vst v13  }
0x14d: {  	v63 =	vld [tilespmem:s20+$0xA0F0];
	[tilespmem:s20+$0xA080] =	vst v9;
	v6 =	vadd.f32 v11, v6  }
0x14e: {  	s18 =	sadd.s32 $0x1, s18;
	[tilespmem:s20+$0xA090] =	vst v8;
	v4 =	vadd.f32 v10, v4  }
0x14f: {  	p0 =	sne.s32 s18, $0x8;
	[tilespmem:s20+$0xA0A0] =	vst v6;
	v2 =	vadd.f32 v17, v2  }
.Ltmp9:
0x150: {  	v3 =	vadd.f32 v61, v3;
	[tilespmem:s20+$0xA0B0] =	vst v4;
	(pc) =	sbr.rel @p0 .LBB2_18-.Ltmp9, $4  }
0x151: {  	[tilespmem:s20+$0xA0C0] =	vst v2;
	v2 =	vadd.f32 v62, v5  }
0x152: {  	[tilespmem:s20+$0xA0D0] =	vst v3;
	v3 =	vadd.f32 v63, v7  }
0x153: {  	[tilespmem:s20+$0xA0E0] =	vst v2  }
0x154: {  	[tilespmem:s20+$0xA0F0] =	vst v3  }
0x155: {  	s17 =	simm.s32 $0x0;
	s18 =	rddreg [dreg:$0xd]  }
0x156: {  	[hbm4b:s18+s17] =	stream.linear.scatter [tilespmem:s12], [sflag:$0x2], $0x8000, $0x38;
	[tilespmem:$0x1A080] =	vst v63  }
0x157: {  	_ =	swait.ge [sflag:s10], $0x8000  }
0x158: {  	[sflag:s10] =	ssyncset.done $0x0  }
0x159: {  	s30 =	rddreg [dreg:$0xe];
	[sflag:s10] =	ssyncadd.s32 $0xFFFF8000  }
0x15a: {  	[tilespmem:s11], [sflag:$0x1] =	stream.linear.gather [hbm4b:s30+s17], $0x8000, $0x38;
	[tilespmem:$0x1A080] =	vst v63  }
0x15b: {  	_ =	swait.ge [sflag:s15], $0x8000  }
0x15c: {  	[sflag:s15] =	ssyncset.done $0x0  }
0x15d: {  	s18 =	simm.s32 $0x0;
	[sflag:s15] =	ssyncadd.s32 $0xFFFF8000  }
.LBB2_22:
0x15e: {  	s20 =	sshll.u32 s18, $0xA  }
0x15f: {  	v8 =	vld [tilespmem:s20+$0x80]  }
0x160: {  	v7 =	vld [tilespmem:s20+$0x90]  }
0x161: {  	v6 =	vld [tilespmem:s20+$0xA0]  }
0x162: {  	s19 =	sand.u32 $0x6000, s17;
	v9 =	vld [tilespmem:s20+$0xB0]  }
0x163: {  	s21 =	sand.u32 $0x300, s17;
	v5 =	vld [tilespmem:s20+$0xC0];
	s19 =	sadd.s32 s20, s19  }
0x164: {  	s29 =	simm.s32 $0x10400;
	v2 =	vld [tilespmem:s20+$0xD0];
	s23 =	sadd.s32 s21, s19  }
0x165: {  	s30 =	simm.s32 $0x2080;
	s22 =	sadd.s32 $0x2080, s20;
	s19 =	sand.u32 $0x16000, s29;
	v10 =	vld [tilespmem:s23+$0x12080]  }
0x166: {  	v3 =	vld [tilespmem:s20+$0xE0];
	s21 =	sand.u32 $0x380, s30;
	s19 =	sadd.s32 s19, s22  }
0x167: {  	v4 =	vld [tilespmem:s20+$0xF0];
	s19 =	sadd.s32 s21, s19  }
0x168: {  	v11 =	vld [tilespmem:s19+$0x0]  }
0x169: {  	v12 =	vld [tilespmem:s19+$0x10]  }
0x16a: {  	v15 =	vld [tilespmem:s19+$0x20];
	v10 =	vadd.f32 v10, v8  }
0x16b: {  	v16 =	vld [tilespmem:s19+$0x30]  }
0x16c: {  	s21 =	sadd.s32 $0x12080, s23;
	v17 =	vld [tilespmem:s19+$0x40];
	[tilespmem:s23+$0x12080] =	vst v10  }
0x16d: {  	v10 =	vadd.f32 v11, v8;
	v14 =	vld [tilespmem:s21+$0x30]  }
0x16e: {  	v11 =	vadd.f32 v12, v7;
	v13 =	vld [tilespmem:s21+$0x10]  }
0x16f: {  	v15 =	vadd.f32 v15, v6;
	v12 =	vld [tilespmem:s21+$0x20];
	[tilespmem:s19+$0x0] =	vst v10  }
0x170: {  	v16 =	vadd.f32 v16, v9;
	v10 =	vld [tilespmem:s21+$0x40];
	[tilespmem:s19+$0x10] =	vst v11  }
0x171: {  	s24 =	simm.s32 $0x800;
	s25 =	simm.s32 $0x0;
	s23 =	simm.s32 $0x0;
	v11 =	vld [tilespmem:s21+$0x50];
	[tilespmem:s19+$0x20] =	vst v15;
	v15 =	vadd.f32 v17, v5  }
.LBB2_23:
0x172: {  	s26 =	sand.u32 $0x6000, s24;
	s23 =	sadd.s32 $0x2, s23;
	v14 =	vadd.f32 v14, v9;
	v17 =	vld [tilespmem:s21+$0x60];
	[tilespmem:s19+$0x30] =	vst v16;
	s25 =	sadd.s32 $0x100, s25  }
0x173: {  	s28 =	sand.u32 $0x300, s25;
	s26 =	sadd.s32 s20, s26;
	p0 =	slt.u32 s23, $0x1E;
	v13 =	vadd.f32 v13, v7;
	v16 =	vld [tilespmem:s21+$0x70];
	[tilespmem:s19+$0x40] =	vst v15  }
0x174: {  	s29 =	sadd.s32 $0x2080, s25;
	s26 =	sadd.s32 s28, s26;
	s28 =	sadd.s32 $0x10400, s24;
	v12 =	vadd.f32 v12, v6;
	[tilespmem:s21+$0x30] =	vst v14;
	v14 =	vld [tilespmem:s19+$0x50]  }
0x175: {  	s29 =	sand.u32 $0x380, s29;
	v15 =	vld [tilespmem:s26+$0x12080];
	s28 =	sand.u32 $0x16000, s28;
	[tilespmem:s21+$0x10] =	vst v13;
	v10 =	vadd.f32 v10, v5  }
0x176: {  	s28 =	sadd.s32 s28, s22;
	[tilespmem:s21+$0x20] =	vst v12;
	v11 =	vadd.f32 v11, v2;
	v12 =	vld [tilespmem:s19+$0x60]  }
0x177: {  	s28 =	sadd.s32 s29, s28;
	[tilespmem:s21+$0x40] =	vst v10;
	v10 =	vadd.f32 v17, v3;
	v13 =	vld [tilespmem:s19+$0x70]  }
0x178: {  	v17 =	vld [tilespmem:s28+$0x0];
	[tilespmem:s21+$0x50] =	vst v11;
	v11 =	vadd.f32 v16, v4  }
0x179: {  	v16 =	vld [tilespmem:s28+$0x10];
	[tilespmem:s21+$0x60] =	vst v10;
	v10 =	vadd.f32 v14, v2  }
0x17a: {  	v14 =	vadd.f32 v15, v8;
	v15 =	vld [tilespmem:s28+$0x20];
	[tilespmem:s21+$0x70] =	vst v11  }
0x17b: {  	v11 =	vld [tilespmem:s28+$0x30];
	[tilespmem:s19+$0x50] =	vst v10;
	v10 =	vadd.f32 v12, v3  }
0x17c: {  	s21 =	sadd.s32 $0x12080, s26;
	[tilespmem:s26+$0x12080] =	vst v14;
	v18 =	vld [tilespmem:s28+$0x40];
	v12 =	vadd.f32 v13, v4  }
.Ltmp10:
0x17d: {  	v14 =	vld [tilespmem:s21+$0x30];
	v17 =	vadd.f32 v17, v8;
	[tilespmem:s19+$0x60] =	vst v10;
	(pc) =	sbr.rel @p0 .LBB2_23-.Ltmp10, $4  }
0x17e: {  	v13 =	vld [tilespmem:s21+$0x10];
	v16 =	vadd.f32 v16, v7;
	[tilespmem:s19+$0x70] =	vst v12;
	s19 =	smov.u32 s28  }
0x17f: {  	v12 =	vld [tilespmem:s21+$0x20];
	[tilespmem:s19+$0x0] =	vst v17;
	v15 =	vadd.f32 v15, v6  }
0x180: {  	v10 =	vld [tilespmem:s21+$0x40];
	[tilespmem:s19+$0x10] =	vst v16;
	v16 =	vadd.f32 v11, v9  }
0x181: {  	s24 =	sadd.s32 $0x800, s24;
	v11 =	vld [tilespmem:s21+$0x50];
	[tilespmem:s19+$0x20] =	vst v15;
	v15 =	vadd.f32 v18, v5  }
0x182: {  	v8 =	vadd.f32 v14, v9;
	v56 =	vld [tilespmem:s21+$0x60];
	[tilespmem:s19+$0x30] =	vst v16  }
0x183: {  	v57 =	vld [tilespmem:s21+$0x70];
	v7 =	vadd.f32 v13, v7;
	[tilespmem:s19+$0x40] =	vst v15  }
0x184: {  	v58 =	vld [tilespmem:s19+$0x50];
	v6 =	vadd.f32 v12, v6;
	[tilespmem:s21+$0x30] =	vst v8  }
0x185: {  	v59 =	vld [tilespmem:s19+$0x60];
	[tilespmem:s21+$0x10] =	vst v7;
	v5 =	vadd.f32 v10, v5  }
0x186: {  	v61 =	vld [tilespmem:s19+$0x70];
	[tilespmem:s21+$0x20] =	vst v6;
	v60 =	vadd.f32 v11, v2  }
0x187: {  	s18 =	sadd.s32 $0x1, s18;
	[tilespmem:s21+$0x40] =	vst v5;
	v62 =	vadd.f32 v56, v3  }
0x188: {  	p0 =	sne.s32 s18, $0x8;
	v63 =	vadd.f32 v57, v4;
	[tilespmem:s21+$0x50] =	vst v60  }
.Ltmp11:
0x189: {  	v2 =	vadd.f32 v58, v2;
	[tilespmem:s21+$0x60] =	vst v62;
	(pc) =	sbr.rel @p0 .LBB2_22-.Ltmp11, $4  }
0x18a: {  	v3 =	vadd.f32 v59, v3;
	[tilespmem:s21+$0x70] =	vst v63  }
0x18b: {  	[tilespmem:s19+$0x50] =	vst v2;
	v2 =	vadd.f32 v61, v4  }
0x18c: {  	[tilespmem:s19+$0x60] =	vst v3  }
0x18d: {  	[tilespmem:s19+$0x70] =	vst v2  }
0x18e: {  	s17 =	simm.s32 $0x0;
	s18 =	rddreg [dreg:$0xf]  }
0x18f: {  	[hbm4b:s18+s17] =	stream.linear.scatter [tilespmem:s13], [sflag:$0x3], $0x8000, $0x38;
	[tilespmem:$0x1A080] =	vst v63  }
0x190: {  	_ =	swait.ge [sflag:s14], $0x8000  }
0x191: {  	[sflag:s14] =	ssyncset.done $0x0  }
0x192: {  	s30 =	rddreg [dreg:$0x10];
	[sflag:s14] =	ssyncadd.s32 $0xFFFF8000  }
0x193: {  	[tilespmem:s12], [sflag:$0x2] =	stream.linear.gather [hbm4b:s30+s17], $0x8000, $0x38;
	[tilespmem:$0x1A080] =	vst v63  }
0x194: {  	_ =	swait.ge [sflag:s10], $0x8000  }
0x195: {  	[sflag:s10] =	ssyncset.done $0x0  }
0x196: {  	s18 =	simm.s32 $0x0;
	[sflag:s10] =	ssyncadd.s32 $0xFFFF8000  }
.LBB2_26:
0x197: {  	s19 =	sshll.u32 s18, $0xA  }
0x198: {  	v8 =	vld [tilespmem:s19+$0x80]  }
0x199: {  	v7 =	vld [tilespmem:s19+$0x90]  }
0x19a: {  	v6 =	vld [tilespmem:s19+$0xA0]  }
0x19b: {  	v5 =	vld [tilespmem:s19+$0xB0]  }
0x19c: {  	v3 =	vld [tilespmem:s19+$0xC0]  }
0x19d: {  	s21 =	sand.u32 $0x6000, s17;
	v2 =	vld [tilespmem:s19+$0xD0];
	s20 =	sadd.s32 $0x2080, s19  }
0x19e: {  	s22 =	sand.u32 $0x300, s17;
	v4 =	vld [tilespmem:s19+$0xE0];
	s21 =	sadd.s32 s21, s20  }
0x19f: {  	v9 =	vld [tilespmem:s19+$0xF0];
	s19 =	sadd.s32 s22, s21  }
0x1a0: {  	v11 =	vld [tilespmem:s19+$0x0]  }
0x1a1: {  	v10 =	vld [tilespmem:s19+$0xF0]  }
0x1a2: {  	v12 =	vld [tilespmem:s19+$0x10]  }
0x1a3: {  	v13 =	vld [tilespmem:s19+$0x20]  }
0x1a4: {  	v15 =	vld [tilespmem:s19+$0x30]  }
0x1a5: {  	v16 =	vld [tilespmem:s19+$0x40];
	v11 =	vadd.f32 v11, v8  }
0x1a6: {  	v17 =	vld [tilespmem:s19+$0x50];
	v10 =	vadd.f32 v10, v9  }
0x1a7: {  	v18 =	vld [tilespmem:s19+$0x60];
	v12 =	vadd.f32 v12, v7;
	[tilespmem:s19+$0x0] =	vst v11  }
0x1a8: {  	v14 =	vld [tilespmem:s19+$0x70];
	[tilespmem:s19+$0xF0] =	vst v10;
	v10 =	vadd.f32 v13, v6  }
0x1a9: {  	[tilespmem:s19+$0x10] =	vst v12;
	v13 =	vadd.f32 v15, v5;
	v12 =	vld [tilespmem:s19+$0x80]  }
0x1aa: {  	v15 =	vadd.f32 v16, v3;
	v11 =	vld [tilespmem:s19+$0x90];
	[tilespmem:s19+$0x20] =	vst v10  }
0x1ab: {  	v16 =	vadd.f32 v17, v2;
	[tilespmem:s19+$0x30] =	vst v13;
	v10 =	vld [tilespmem:s19+$0xA0]  }
0x1ac: {  	s23 =	simm.s32 $0x0;
	s21 =	simm.s32 $0x0;
	s22 =	simm.s32 $0x800;
	[tilespmem:s19+$0x40] =	vst v15;
	v15 =	vadd.f32 v18, v4;
	v13 =	vld [tilespmem:s19+$0xB0]  }
.LBB2_27:
0x1ad: {  	s24 =	sand.u32 $0x6000, s22;
	s21 =	sadd.s32 $0x2, s21;
	[tilespmem:s19+$0x50] =	vst v16;
	v14 =	vadd.f32 v14, v9;
	v16 =	vld [tilespmem:s19+$0xC0];
	s23 =	sadd.s32 $0x100, s23  }
0x1ae: {  	s25 =	sand.u32 $0x300, s23;
	s24 =	sadd.s32 s24, s20;
	p0 =	slt.u32 s21, $0x1E;
	[tilespmem:s19+$0x60] =	vst v15;
	v12 =	vadd.f32 v12, v8;
	v15 =	vld [tilespmem:s19+$0xD0]  }
0x1af: {  	s24 =	sadd.s32 s25, s24;
	[tilespmem:s19+$0x70] =	vst v14;
	v11 =	vadd.f32 v11, v7;
	v14 =	vld [tilespmem:s19+$0xE0]  }
0x1b0: {  	v17 =	vld [tilespmem:s24+$0xF0];
	[tilespmem:s19+$0x80] =	vst v12;
	v10 =	vadd.f32 v10, v6  }
0x1b1: {  	v12 =	vld [tilespmem:s24+$0x0];
	[tilespmem:s19+$0x90] =	vst v11;
	v11 =	vadd.f32 v13, v5  }
0x1b2: {  	v13 =	vld [tilespmem:s24+$0x10];
	[tilespmem:s19+$0xA0] =	vst v10;
	v10 =	vadd.f32 v16, v3  }
0x1b3: {  	v16 =	vld [tilespmem:s24+$0x20];
	[tilespmem:s19+$0xB0] =	vst v11;
	v11 =	vadd.f32 v15, v2  }
0x1b4: {  	v15 =	vld [tilespmem:s24+$0x30];
	[tilespmem:s19+$0xC0] =	vst v10;
	v10 =	vadd.f32 v14, v4  }
0x1b5: {  	v18 =	vld [tilespmem:s24+$0x40];
	v14 =	vadd.f32 v17, v9;
	[tilespmem:s19+$0xD0] =	vst v11  }
0x1b6: {  	v11 =	vadd.f32 v12, v8;
	v17 =	vld [tilespmem:s24+$0x50];
	[tilespmem:s19+$0xE0] =	vst v10;
	s19 =	smov.u32 s24  }
0x1b7: {  	v10 =	vadd.f32 v13, v7;
	v13 =	vld [tilespmem:s19+$0x60];
	[tilespmem:s19+$0xF0] =	vst v14  }
.Ltmp12:
0x1b8: {  	[tilespmem:s19+$0x0] =	vst v11;
	v11 =	vadd.f32 v16, v6;
	v14 =	vld [tilespmem:s19+$0x70];
	(pc) =	sbr.rel @p0 .LBB2_27-.Ltmp12, $4  }
0x1b9: {  	[tilespmem:s19+$0x10] =	vst v10;
	v10 =	vadd.f32 v15, v5;
	v12 =	vld [tilespmem:s19+$0x80]  }
0x1ba: {  	[tilespmem:s19+$0x20] =	vst v11;
	v15 =	vadd.f32 v18, v3;
	v11 =	vld [tilespmem:s19+$0x90]  }
0x1bb: {  	[tilespmem:s19+$0x30] =	vst v10;
	v16 =	vadd.f32 v17, v2;
	v10 =	vld [tilespmem:s19+$0xA0]  }
0x1bc: {  	s22 =	sadd.s32 $0x800, s22;
	[tilespmem:s19+$0x40] =	vst v15;
	v15 =	vadd.f32 v13, v4;
	v13 =	vld [tilespmem:s19+$0xB0]  }
0x1bd: {  	[tilespmem:s19+$0x50] =	vst v16;
	v9 =	vadd.f32 v14, v9;
	v61 =	vld [tilespmem:s19+$0xC0]  }
0x1be: {  	v62 =	vld [tilespmem:s19+$0xD0];
	[tilespmem:s19+$0x60] =	vst v15;
	v8 =	vadd.f32 v12, v8  }
0x1bf: {  	v63 =	vld [tilespmem:s19+$0xE0];
	[tilespmem:s19+$0x70] =	vst v9;
	v7 =	vadd.f32 v11, v7  }
0x1c0: {  	s18 =	sadd.s32 $0x1, s18;
	[tilespmem:s19+$0x80] =	vst v8;
	v6 =	vadd.f32 v10, v6  }
0x1c1: {  	p0 =	sne.s32 s18, $0x8;
	[tilespmem:s19+$0x90] =	vst v7;
	v5 =	vadd.f32 v13, v5  }
.Ltmp13:
0x1c2: {  	[tilespmem:s19+$0xA0] =	vst v6;
	v3 =	vadd.f32 v61, v3;
	(pc) =	sbr.rel @p0 .LBB2_26-.Ltmp13, $4  }
0x1c3: {  	v2 =	vadd.f32 v62, v2;
	[tilespmem:s19+$0xB0] =	vst v5  }
0x1c4: {  	[tilespmem:s19+$0xC0] =	vst v3;
	v3 =	vadd.f32 v63, v4  }
0x1c5: {  	[tilespmem:s19+$0xD0] =	vst v2  }
0x1c6: {  	[tilespmem:s19+$0xE0] =	vst v3  }
0x1c7: {  	s17 =	simm.s32 $0x0;
	s18 =	rddreg [dreg:$0x11]  }
0x1c8: {  	[hbm4b:s18+s17] =	stream.linear.scatter [tilespmem:s11], [sflag:$0x1], $0x8000, $0x38;
	[tilespmem:$0x1A080] =	vst v63  }
0x1c9: {  	_ =	swait.ge [sflag:s15], $0x8000  }
0x1ca: {  	[sflag:s15] =	ssyncset.done $0x0  }
0x1cb: {  	s30 =	rddreg [dreg:$0x12];
	[sflag:s15] =	ssyncadd.s32 $0xFFFF8000  }
0x1cc: {  	[tilespmem:s13], [sflag:$0x3] =	stream.linear.gather [hbm4b:s30+s17], $0x8000, $0x38;
	[tilespmem:$0x1A080] =	vst v63  }
0x1cd: {  	_ =	swait.ge [sflag:s14], $0x8000  }
0x1ce: {  	[sflag:s14] =	ssyncset.done $0x0  }
0x1cf: {  	s18 =	simm.s32 $0x0;
	[sflag:s14] =	ssyncadd.s32 $0xFFFF8000  }
.LBB2_30:
0x1d0: {  	s19 =	sshll.u32 s18, $0xA  }
0x1d1: {  	v9 =	vld [tilespmem:s19+$0x80]  }
0x1d2: {  	v8 =	vld [tilespmem:s19+$0x90]  }
0x1d3: {  	v6 =	vld [tilespmem:s19+$0xA0]  }
0x1d4: {  	v4 =	vld [tilespmem:s19+$0xB0]  }
0x1d5: {  	s20 =	simm.s32 $0x8400;
	v2 =	vld [tilespmem:s19+$0xC0]  }
0x1d6: {  	s22 =	simm.s32 $0x1080;
	v3 =	vld [tilespmem:s19+$0xD0];
	s21 =	sadd.s32 $0x2080, s19;
	s20 =	sand.u32 $0xE000, s20  }
0x1d7: {  	v5 =	vld [tilespmem:s19+$0xE0];
	s22 =	sand.u32 $0x380, s22;
	s20 =	sadd.s32 s20, s21  }
0x1d8: {  	v7 =	vld [tilespmem:s19+$0xF0];
	s22 =	sadd.s32 s22, s20  }
0x1d9: {  	v10 =	vld [tilespmem:s22+$0x70]  }
0x1da: {  	v11 =	vld [tilespmem:s22+$0x0]  }
0x1db: {  	v12 =	vld [tilespmem:s22+$0x10]  }
0x1dc: {  	v15 =	vld [tilespmem:s22+$0x20]  }
0x1dd: {  	v16 =	vld [tilespmem:s22+$0x30]  }
0x1de: {  	s30 =	sand.u32 $0x6000, s17;
	v17 =	vld [tilespmem:s22+$0x40];
	v10 =	vadd.f32 v10, v7  }
0x1df: {  	s23 =	sand.u32 $0x300, s17;
	s20 =	sadd.s32 s19, s30;
	v18 =	vld [tilespmem:s22+$0x50];
	v11 =	vadd.f32 v11, v9  }
0x1e0: {  	v13 =	vld [tilespmem:s22+$0x60];
	s20 =	sadd.s32 s23, s20;
	v19 =	vadd.f32 v12, v8;
	[tilespmem:s22+$0x70] =	vst v10  }
0x1e1: {  	v14 =	vld [tilespmem:s20+$0xA080];
	[tilespmem:s22+$0x0] =	vst v11;
	v10 =	vadd.f32 v15, v6  }
0x1e2: {  	v12 =	vld [tilespmem:s20+$0xA090];
	[tilespmem:s22+$0x10] =	vst v19;
	v15 =	vadd.f32 v16, v4  }
0x1e3: {  	v11 =	vld [tilespmem:s20+$0xA0A0];
	v16 =	vadd.f32 v17, v2;
	[tilespmem:s22+$0x20] =	vst v10  }
0x1e4: {  	s24 =	simm.s32 $0x800;
	s25 =	simm.s32 $0x0;
	s23 =	simm.s32 $0x0;
	v10 =	vld [tilespmem:s20+$0xA0B0];
	[tilespmem:s22+$0x30] =	vst v15;
	v15 =	vadd.f32 v18, v3  }
.LBB2_31:
0x1e5: {  	s26 =	sadd.s32 $0x8400, s24;
	s23 =	sadd.s32 $0x2, s23;
	v17 =	vld [tilespmem:s20+$0xA0C0];
	[tilespmem:s22+$0x40] =	vst v16;
	v13 =	vadd.f32 v13, v5;
	s25 =	sadd.s32 $0x100, s25  }
0x1e6: {  	s26 =	sand.u32 $0xE000, s26;
	s28 =	sadd.s32 $0x1080, s25;
	p0 =	slt.u32 s23, $0x1E;
	v14 =	vadd.f32 v14, v9;
	v16 =	vld [tilespmem:s20+$0xA0D0];
	[tilespmem:s22+$0x50] =	vst v15  }
0x1e7: {  	s29 =	sand.u32 $0x6000, s24;
	s28 =	sand.u32 $0x380, s28;
	s26 =	sadd.s32 s26, s21;
	v12 =	vadd.f32 v12, v8;
	v15 =	vld [tilespmem:s20+$0xA0E0];
	[tilespmem:s22+$0x60] =	vst v13  }
0x1e8: {  	s30 =	sand.u32 $0x300, s25;
	s29 =	sadd.s32 s19, s29;
	s22 =	sadd.s32 s28, s26;
	[tilespmem:s20+$0xA080] =	vst v14;
	v11 =	vadd.f32 v11, v6;
	v13 =	vld [tilespmem:s20+$0xA0F0]  }
0x1e9: {  	s26 =	sadd.s32 s30, s29;
	v14 =	vld [tilespmem:s22+$0x70];
	[tilespmem:s20+$0xA090] =	vst v12;
	v10 =	vadd.f32 v10, v4  }
0x1ea: {  	v12 =	vld [tilespmem:s22+$0x0];
	[tilespmem:s20+$0xA0A0] =	vst v11;
	v11 =	vadd.f32 v17, v2  }
0x1eb: {  	v17 =	vld [tilespmem:s22+$0x10];
	[tilespmem:s20+$0xA0B0] =	vst v10;
	v10 =	vadd.f32 v16, v3  }
0x1ec: {  	v16 =	vld [tilespmem:s22+$0x20];
	[tilespmem:s20+$0xA0C0] =	vst v11;
	v11 =	vadd.f32 v15, v5  }
0x1ed: {  	v15 =	vld [tilespmem:s22+$0x30];
	[tilespmem:s20+$0xA0D0] =	vst v10;
	v10 =	vadd.f32 v13, v7  }
0x1ee: {  	v18 =	vld [tilespmem:s22+$0x40];
	v14 =	vadd.f32 v14, v7;
	[tilespmem:s20+$0xA0E0] =	vst v11  }
0x1ef: {  	v11 =	vadd.f32 v12, v9;
	v19 =	vld [tilespmem:s22+$0x50];
	[tilespmem:s20+$0xA0F0] =	vst v10;
	s20 =	smov.u32 s26  }
.Ltmp14:
0x1f0: {  	v10 =	vadd.f32 v17, v8;
	v13 =	vld [tilespmem:s22+$0x60];
	[tilespmem:s22+$0x70] =	vst v14;
	(pc) =	sbr.rel @p0 .LBB2_31-.Ltmp14, $4  }
0x1f1: {  	v14 =	vld [tilespmem:s20+$0xA080];
	[tilespmem:s22+$0x0] =	vst v11;
	v16 =	vadd.f32 v16, v6  }
0x1f2: {  	v12 =	vld [tilespmem:s20+$0xA090];
	[tilespmem:s22+$0x10] =	vst v10;
	v15 =	vadd.f32 v15, v4  }
0x1f3: {  	v11 =	vld [tilespmem:s20+$0xA0A0];
	[tilespmem:s22+$0x20] =	vst v16;
	v16 =	vadd.f32 v18, v2  }
0x1f4: {  	s24 =	sadd.s32 $0x800, s24;
	v10 =	vld [tilespmem:s20+$0xA0B0];
	[tilespmem:s22+$0x30] =	vst v15;
	v15 =	vadd.f32 v19, v3  }
0x1f5: {  	v17 =	vld [tilespmem:s20+$0xA0C0];
	[tilespmem:s22+$0x40] =	vst v16;
	v13 =	vadd.f32 v13, v5  }
0x1f6: {  	v61 =	vld [tilespmem:s20+$0xA0D0];
	v9 =	vadd.f32 v14, v9;
	[tilespmem:s22+$0x50] =	vst v15  }
0x1f7: {  	v62 =	vld [tilespmem:s20+$0xA0E0];
	v8 =	vadd.f32 v12, v8;
	[tilespmem:s22+$0x60] =	vst v13  }
0x1f8: {  	v63 =	vld [tilespmem:s20+$0xA0F0];
	[tilespmem:s20+$0xA080] =	vst v9;
	v6 =	vadd.f32 v11, v6  }
0x1f9: {  	s18 =	sadd.s32 $0x1, s18;
	[tilespmem:s20+$0xA090] =	vst v8;
	v4 =	vadd.f32 v10, v4  }
0x1fa: {  	p0 =	sne.s32 s18, $0x8;
	[tilespmem:s20+$0xA0A0] =	vst v6;
	v2 =	vadd.f32 v17, v2  }
.Ltmp15:
0x1fb: {  	v3 =	vadd.f32 v61, v3;
	[tilespmem:s20+$0xA0B0] =	vst v4;
	(pc) =	sbr.rel @p0 .LBB2_30-.Ltmp15, $4  }
0x1fc: {  	[tilespmem:s20+$0xA0C0] =	vst v2;
	v2 =	vadd.f32 v62, v5  }
0x1fd: {  	[tilespmem:s20+$0xA0D0] =	vst v3;
	v3 =	vadd.f32 v63, v7  }
0x1fe: {  	[tilespmem:s20+$0xA0E0] =	vst v2  }
0x1ff: {  	[tilespmem:s20+$0xA0F0] =	vst v3  }
0x200: {  	s17 =	simm.s32 $0x0;
	s18 =	rddreg [dreg:$0x13]  }
0x201: {  	[hbm4b:s18+s17] =	stream.linear.scatter [tilespmem:s12], [sflag:$0x2], $0x8000, $0x38;
	[tilespmem:$0x1A080] =	vst v63  }
0x202: {  	_ =	swait.ge [sflag:s10], $0x8000  }
0x203: {  	[sflag:s10] =	ssyncset.done $0x0  }
0x204: {  	s30 =	rddreg [dreg:$0x14];
	[sflag:s10] =	ssyncadd.s32 $0xFFFF8000  }
0x205: {  	[tilespmem:s11], [sflag:$0x1] =	stream.linear.gather [hbm4b:s30+s17], $0x8000, $0x38;
	[tilespmem:$0x1A080] =	vst v63  }
0x206: {  	_ =	swait.ge [sflag:s15], $0x8000  }
0x207: {  	[sflag:s15] =	ssyncset.done $0x0  }
0x208: {  	s18 =	simm.s32 $0x0;
	[sflag:s15] =	ssyncadd.s32 $0xFFFF8000  }
.LBB2_34:
0x209: {  	s20 =	sshll.u32 s18, $0xA  }
0x20a: {  	v8 =	vld [tilespmem:s20+$0x80]  }
0x20b: {  	v7 =	vld [tilespmem:s20+$0x90]  }
0x20c: {  	v6 =	vld [tilespmem:s20+$0xA0]  }
0x20d: {  	s19 =	sand.u32 $0x6000, s17;
	v9 =	vld [tilespmem:s20+$0xB0]  }
0x20e: {  	s21 =	sand.u32 $0x300, s17;
	v5 =	vld [tilespmem:s20+$0xC0];
	s19 =	sadd.s32 s20, s19  }
0x20f: {  	s29 =	simm.s32 $0x10400;
	v2 =	vld [tilespmem:s20+$0xD0];
	s23 =	sadd.s32 s21, s19  }
0x210: {  	s30 =	simm.s32 $0x2080;
	s22 =	sadd.s32 $0x2080, s20;
	s19 =	sand.u32 $0x16000, s29;
	v10 =	vld [tilespmem:s23+$0x12080]  }
0x211: {  	v3 =	vld [tilespmem:s20+$0xE0];
	s21 =	sand.u32 $0x380, s30;
	s19 =	sadd.s32 s19, s22  }
0x212: {  	v4 =	vld [tilespmem:s20+$0xF0];
	s19 =	sadd.s32 s21, s19  }
0x213: {  	v11 =	vld [tilespmem:s19+$0x0]  }
0x214: {  	v12 =	vld [tilespmem:s19+$0x10]  }
0x215: {  	v15 =	vld [tilespmem:s19+$0x20];
	v10 =	vadd.f32 v10, v8  }
0x216: {  	v16 =	vld [tilespmem:s19+$0x30]  }
0x217: {  	s21 =	sadd.s32 $0x12080, s23;
	v17 =	vld [tilespmem:s19+$0x40];
	[tilespmem:s23+$0x12080] =	vst v10  }
0x218: {  	v10 =	vadd.f32 v11, v8;
	v14 =	vld [tilespmem:s21+$0x30]  }
0x219: {  	v11 =	vadd.f32 v12, v7;
	v13 =	vld [tilespmem:s21+$0x10]  }
0x21a: {  	v15 =	vadd.f32 v15, v6;
	v12 =	vld [tilespmem:s21+$0x20];
	[tilespmem:s19+$0x0] =	vst v10  }
0x21b: {  	v16 =	vadd.f32 v16, v9;
	v10 =	vld [tilespmem:s21+$0x40];
	[tilespmem:s19+$0x10] =	vst v11  }
0x21c: {  	s24 =	simm.s32 $0x800;
	s25 =	simm.s32 $0x0;
	s23 =	simm.s32 $0x0;
	v11 =	vld [tilespmem:s21+$0x50];
	[tilespmem:s19+$0x20] =	vst v15;
	v15 =	vadd.f32 v17, v5  }
.LBB2_35:
0x21d: {  	s26 =	sand.u32 $0x6000, s24;
	s23 =	sadd.s32 $0x2, s23;
	v14 =	vadd.f32 v14, v9;
	v17 =	vld [tilespmem:s21+$0x60];
	[tilespmem:s19+$0x30] =	vst v16;
	s25 =	sadd.s32 $0x100, s25  }
0x21e: {  	s28 =	sand.u32 $0x300, s25;
	s26 =	sadd.s32 s20, s26;
	p0 =	slt.u32 s23, $0x1E;
	v13 =	vadd.f32 v13, v7;
	v16 =	vld [tilespmem:s21+$0x70];
	[tilespmem:s19+$0x40] =	vst v15  }
0x21f: {  	s29 =	sadd.s32 $0x2080, s25;
	s26 =	sadd.s32 s28, s26;
	s28 =	sadd.s32 $0x10400, s24;
	v12 =	vadd.f32 v12, v6;
	[tilespmem:s21+$0x30] =	vst v14;
	v14 =	vld [tilespmem:s19+$0x50]  }
0x220: {  	s29 =	sand.u32 $0x380, s29;
	v15 =	vld [tilespmem:s26+$0x12080];
	s28 =	sand.u32 $0x16000, s28;
	[tilespmem:s21+$0x10] =	vst v13;
	v10 =	vadd.f32 v10, v5  }
0x221: {  	s28 =	sadd.s32 s28, s22;
	[tilespmem:s21+$0x20] =	vst v12;
	v11 =	vadd.f32 v11, v2;
	v12 =	vld [tilespmem:s19+$0x60]  }
0x222: {  	s28 =	sadd.s32 s29, s28;
	[tilespmem:s21+$0x40] =	vst v10;
	v10 =	vadd.f32 v17, v3;
	v13 =	vld [tilespmem:s19+$0x70]  }
0x223: {  	v17 =	vld [tilespmem:s28+$0x0];
	[tilespmem:s21+$0x50] =	vst v11;
	v11 =	vadd.f32 v16, v4  }
0x224: {  	v16 =	vld [tilespmem:s28+$0x10];
	[tilespmem:s21+$0x60] =	vst v10;
	v10 =	vadd.f32 v14, v2  }
0x225: {  	v14 =	vadd.f32 v15, v8;
	v15 =	vld [tilespmem:s28+$0x20];
	[tilespmem:s21+$0x70] =	vst v11  }
0x226: {  	v11 =	vld [tilespmem:s28+$0x30];
	[tilespmem:s19+$0x50] =	vst v10;
	v10 =	vadd.f32 v12, v3  }
0x227: {  	s21 =	sadd.s32 $0x12080, s26;
	[tilespmem:s26+$0x12080] =	vst v14;
	v18 =	vld [tilespmem:s28+$0x40];
	v12 =	vadd.f32 v13, v4  }
.Ltmp16:
0x228: {  	v14 =	vld [tilespmem:s21+$0x30];
	v17 =	vadd.f32 v17, v8;
	[tilespmem:s19+$0x60] =	vst v10;
	(pc) =	sbr.rel @p0 .LBB2_35-.Ltmp16, $4  }
0x229: {  	v13 =	vld [tilespmem:s21+$0x10];
	v16 =	vadd.f32 v16, v7;
	[tilespmem:s19+$0x70] =	vst v12;
	s19 =	smov.u32 s28  }
0x22a: {  	v12 =	vld [tilespmem:s21+$0x20];
	[tilespmem:s19+$0x0] =	vst v17;
	v15 =	vadd.f32 v15, v6  }
0x22b: {  	v10 =	vld [tilespmem:s21+$0x40];
	[tilespmem:s19+$0x10] =	vst v16;
	v16 =	vadd.f32 v11, v9  }
0x22c: {  	s24 =	sadd.s32 $0x800, s24;
	v11 =	vld [tilespmem:s21+$0x50];
	[tilespmem:s19+$0x20] =	vst v15;
	v15 =	vadd.f32 v18, v5  }
0x22d: {  	v8 =	vadd.f32 v14, v9;
	v56 =	vld [tilespmem:s21+$0x60];
	[tilespmem:s19+$0x30] =	vst v16  }
0x22e: {  	v57 =	vld [tilespmem:s21+$0x70];
	v7 =	vadd.f32 v13, v7;
	[tilespmem:s19+$0x40] =	vst v15  }
0x22f: {  	v58 =	vld [tilespmem:s19+$0x50];
	v6 =	vadd.f32 v12, v6;
	[tilespmem:s21+$0x30] =	vst v8  }
0x230: {  	v59 =	vld [tilespmem:s19+$0x60];
	[tilespmem:s21+$0x10] =	vst v7;
	v5 =	vadd.f32 v10, v5  }
0x231: {  	v61 =	vld [tilespmem:s19+$0x70];
	[tilespmem:s21+$0x20] =	vst v6;
	v60 =	vadd.f32 v11, v2  }
0x232: {  	s18 =	sadd.s32 $0x1, s18;
	[tilespmem:s21+$0x40] =	vst v5;
	v62 =	vadd.f32 v56, v3  }
0x233: {  	p0 =	sne.s32 s18, $0x8;
	v63 =	vadd.f32 v57, v4;
	[tilespmem:s21+$0x50] =	vst v60  }
.Ltmp17:
0x234: {  	v2 =	vadd.f32 v58, v2;
	[tilespmem:s21+$0x60] =	vst v62;
	(pc) =	sbr.rel @p0 .LBB2_34-.Ltmp17, $4  }
0x235: {  	v3 =	vadd.f32 v59, v3;
	[tilespmem:s21+$0x70] =	vst v63  }
0x236: {  	[tilespmem:s19+$0x50] =	vst v2;
	v2 =	vadd.f32 v61, v4  }
0x237: {  	[tilespmem:s19+$0x60] =	vst v3  }
0x238: {  	[tilespmem:s19+$0x70] =	vst v2  }
0x239: {  	s17 =	simm.s32 $0x0;
	s18 =	rddreg [dreg:$0x15]  }
0x23a: {  	[hbm4b:s18+s17] =	stream.linear.scatter [tilespmem:s13], [sflag:$0x3], $0x8000, $0x38;
	[tilespmem:$0x1A080] =	vst v63  }
0x23b: {  	_ =	swait.ge [sflag:s14], $0x8000  }
0x23c: {  	[sflag:s14] =	ssyncset.done $0x0  }
0x23d: {  	s30 =	rddreg [dreg:$0x17];
	[sflag:s14] =	ssyncadd.s32 $0xFFFF8000  }
0x23e: {  	[tilespmem:s12], [sflag:$0x2] =	stream.linear.gather [hbm4b:s30+s17], $0x8000, $0x38;
	[tilespmem:$0x1A080] =	vst v63  }
0x23f: {  	_ =	swait.ge [sflag:s10], $0x8000  }
0x240: {  	[sflag:s10] =	ssyncset.done $0x0  }
0x241: {  	s18 =	simm.s32 $0x0;
	[sflag:s10] =	ssyncadd.s32 $0xFFFF8000  }
.LBB2_38:
0x242: {  	s19 =	sshll.u32 s18, $0xA  }
0x243: {  	v8 =	vld [tilespmem:s19+$0x80]  }
0x244: {  	v7 =	vld [tilespmem:s19+$0x90]  }
0x245: {  	v6 =	vld [tilespmem:s19+$0xA0]  }
0x246: {  	v5 =	vld [tilespmem:s19+$0xB0]  }
0x247: {  	v3 =	vld [tilespmem:s19+$0xC0]  }
0x248: {  	s21 =	sand.u32 $0x6000, s17;
	v2 =	vld [tilespmem:s19+$0xD0];
	s20 =	sadd.s32 $0x2080, s19  }
0x249: {  	s22 =	sand.u32 $0x300, s17;
	v4 =	vld [tilespmem:s19+$0xE0];
	s21 =	sadd.s32 s21, s20  }
0x24a: {  	v9 =	vld [tilespmem:s19+$0xF0];
	s19 =	sadd.s32 s22, s21  }
0x24b: {  	v11 =	vld [tilespmem:s19+$0x0]  }
0x24c: {  	v10 =	vld [tilespmem:s19+$0xF0]  }
0x24d: {  	v12 =	vld [tilespmem:s19+$0x10]  }
0x24e: {  	v13 =	vld [tilespmem:s19+$0x20]  }
0x24f: {  	v15 =	vld [tilespmem:s19+$0x30]  }
0x250: {  	v16 =	vld [tilespmem:s19+$0x40];
	v11 =	vadd.f32 v11, v8  }
0x251: {  	v17 =	vld [tilespmem:s19+$0x50];
	v10 =	vadd.f32 v10, v9  }
0x252: {  	v18 =	vld [tilespmem:s19+$0x60];
	v12 =	vadd.f32 v12, v7;
	[tilespmem:s19+$0x0] =	vst v11  }
0x253: {  	v14 =	vld [tilespmem:s19+$0x70];
	[tilespmem:s19+$0xF0] =	vst v10;
	v10 =	vadd.f32 v13, v6  }
0x254: {  	[tilespmem:s19+$0x10] =	vst v12;
	v13 =	vadd.f32 v15, v5;
	v12 =	vld [tilespmem:s19+$0x80]  }
0x255: {  	v15 =	vadd.f32 v16, v3;
	v11 =	vld [tilespmem:s19+$0x90];
	[tilespmem:s19+$0x20] =	vst v10  }
0x256: {  	v16 =	vadd.f32 v17, v2;
	[tilespmem:s19+$0x30] =	vst v13;
	v10 =	vld [tilespmem:s19+$0xA0]  }
0x257: {  	s23 =	simm.s32 $0x0;
	s21 =	simm.s32 $0x0;
	s22 =	simm.s32 $0x800;
	[tilespmem:s19+$0x40] =	vst v15;
	v15 =	vadd.f32 v18, v4;
	v13 =	vld [tilespmem:s19+$0xB0]  }
.LBB2_39:
0x258: {  	s24 =	sand.u32 $0x6000, s22;
	s21 =	sadd.s32 $0x2, s21;
	[tilespmem:s19+$0x50] =	vst v16;
	v14 =	vadd.f32 v14, v9;
	v16 =	vld [tilespmem:s19+$0xC0];
	s23 =	sadd.s32 $0x100, s23  }
0x259: {  	s25 =	sand.u32 $0x300, s23;
	s24 =	sadd.s32 s24, s20;
	p0 =	slt.u32 s21, $0x1E;
	[tilespmem:s19+$0x60] =	vst v15;
	v12 =	vadd.f32 v12, v8;
	v15 =	vld [tilespmem:s19+$0xD0]  }
0x25a: {  	s24 =	sadd.s32 s25, s24;
	[tilespmem:s19+$0x70] =	vst v14;
	v11 =	vadd.f32 v11, v7;
	v14 =	vld [tilespmem:s19+$0xE0]  }
0x25b: {  	v17 =	vld [tilespmem:s24+$0xF0];
	[tilespmem:s19+$0x80] =	vst v12;
	v10 =	vadd.f32 v10, v6  }
0x25c: {  	v12 =	vld [tilespmem:s24+$0x0];
	[tilespmem:s19+$0x90] =	vst v11;
	v11 =	vadd.f32 v13, v5  }
0x25d: {  	v13 =	vld [tilespmem:s24+$0x10];
	[tilespmem:s19+$0xA0] =	vst v10;
	v10 =	vadd.f32 v16, v3  }
0x25e: {  	v16 =	vld [tilespmem:s24+$0x20];
	[tilespmem:s19+$0xB0] =	vst v11;
	v11 =	vadd.f32 v15, v2  }
0x25f: {  	v15 =	vld [tilespmem:s24+$0x30];
	[tilespmem:s19+$0xC0] =	vst v10;
	v10 =	vadd.f32 v14, v4  }
0x260: {  	v18 =	vld [tilespmem:s24+$0x40];
	v14 =	vadd.f32 v17, v9;
	[tilespmem:s19+$0xD0] =	vst v11  }
0x261: {  	v11 =	vadd.f32 v12, v8;
	v17 =	vld [tilespmem:s24+$0x50];
	[tilespmem:s19+$0xE0] =	vst v10;
	s19 =	smov.u32 s24  }
0x262: {  	v10 =	vadd.f32 v13, v7;
	v13 =	vld [tilespmem:s19+$0x60];
	[tilespmem:s19+$0xF0] =	vst v14  }
.Ltmp18:
0x263: {  	[tilespmem:s19+$0x0] =	vst v11;
	v11 =	vadd.f32 v16, v6;
	v14 =	vld [tilespmem:s19+$0x70];
	(pc) =	sbr.rel @p0 .LBB2_39-.Ltmp18, $4  }
0x264: {  	[tilespmem:s19+$0x10] =	vst v10;
	v10 =	vadd.f32 v15, v5;
	v12 =	vld [tilespmem:s19+$0x80]  }
0x265: {  	[tilespmem:s19+$0x20] =	vst v11;
	v15 =	vadd.f32 v18, v3;
	v11 =	vld [tilespmem:s19+$0x90]  }
0x266: {  	[tilespmem:s19+$0x30] =	vst v10;
	v16 =	vadd.f32 v17, v2;
	v10 =	vld [tilespmem:s19+$0xA0]  }
0x267: {  	s22 =	sadd.s32 $0x800, s22;
	[tilespmem:s19+$0x40] =	vst v15;
	v15 =	vadd.f32 v13, v4;
	v13 =	vld [tilespmem:s19+$0xB0]  }
0x268: {  	[tilespmem:s19+$0x50] =	vst v16;
	v9 =	vadd.f32 v14, v9;
	v61 =	vld [tilespmem:s19+$0xC0]  }
0x269: {  	v62 =	vld [tilespmem:s19+$0xD0];
	[tilespmem:s19+$0x60] =	vst v15;
	v8 =	vadd.f32 v12, v8  }
0x26a: {  	v63 =	vld [tilespmem:s19+$0xE0];
	[tilespmem:s19+$0x70] =	vst v9;
	v7 =	vadd.f32 v11, v7  }
0x26b: {  	s18 =	sadd.s32 $0x1, s18;
	[tilespmem:s19+$0x80] =	vst v8;
	v6 =	vadd.f32 v10, v6  }
0x26c: {  	p0 =	sne.s32 s18, $0x8;
	[tilespmem:s19+$0x90] =	vst v7;
	v5 =	vadd.f32 v13, v5  }
.Ltmp19:
0x26d: {  	[tilespmem:s19+$0xA0] =	vst v6;
	v3 =	vadd.f32 v61, v3;
	(pc) =	sbr.rel @p0 .LBB2_38-.Ltmp19, $4  }
0x26e: {  	v2 =	vadd.f32 v62, v2;
	[tilespmem:s19+$0xB0] =	vst v5  }
0x26f: {  	[tilespmem:s19+$0xC0] =	vst v3;
	v3 =	vadd.f32 v63, v4  }
0x270: {  	[tilespmem:s19+$0xD0] =	vst v2  }
0x271: {  	[tilespmem:s19+$0xE0] =	vst v3  }
0x272: {  	s17 =	simm.s32 $0x0;
	s18 =	rddreg [dreg:$0x16]  }
0x273: {  	[hbm4b:s18+s17] =	stream.linear.scatter [tilespmem:s11], [sflag:$0x1], $0x8000, $0x38;
	[tilespmem:$0x1A080] =	vst v63  }
0x274: {  	_ =	swait.ge [sflag:s15], $0x8000  }
0x275: {  	[sflag:s15] =	ssyncset.done $0x0  }
0x276: {  	s30 =	rddreg [dreg:$0x19];
	[sflag:s15] =	ssyncadd.s32 $0xFFFF8000  }
0x277: {  	[tilespmem:s13], [sflag:$0x3] =	stream.linear.gather [hbm4b:s30+s17], $0x8000, $0x38;
	[tilespmem:$0x1A080] =	vst v63  }
0x278: {  	_ =	swait.ge [sflag:s14], $0x8000  }
0x279: {  	[sflag:s14] =	ssyncset.done $0x0  }
0x27a: {  	s18 =	simm.s32 $0x0;
	[sflag:s14] =	ssyncadd.s32 $0xFFFF8000  }
.LBB2_42:
0x27b: {  	s19 =	sshll.u32 s18, $0xA  }
0x27c: {  	v9 =	vld [tilespmem:s19+$0x80]  }
0x27d: {  	v8 =	vld [tilespmem:s19+$0x90]  }
0x27e: {  	v6 =	vld [tilespmem:s19+$0xA0]  }
0x27f: {  	v4 =	vld [tilespmem:s19+$0xB0]  }
0x280: {  	s20 =	simm.s32 $0x8400;
	v2 =	vld [tilespmem:s19+$0xC0]  }
0x281: {  	s22 =	simm.s32 $0x1080;
	v3 =	vld [tilespmem:s19+$0xD0];
	s21 =	sadd.s32 $0x2080, s19;
	s20 =	sand.u32 $0xE000, s20  }
0x282: {  	v5 =	vld [tilespmem:s19+$0xE0];
	s22 =	sand.u32 $0x380, s22;
	s20 =	sadd.s32 s20, s21  }
0x283: {  	v7 =	vld [tilespmem:s19+$0xF0];
	s22 =	sadd.s32 s22, s20  }
0x284: {  	v10 =	vld [tilespmem:s22+$0x70]  }
0x285: {  	v11 =	vld [tilespmem:s22+$0x0]  }
0x286: {  	v12 =	vld [tilespmem:s22+$0x10]  }
0x287: {  	v15 =	vld [tilespmem:s22+$0x20]  }
0x288: {  	v16 =	vld [tilespmem:s22+$0x30]  }
0x289: {  	s30 =	sand.u32 $0x6000, s17;
	v17 =	vld [tilespmem:s22+$0x40];
	v10 =	vadd.f32 v10, v7  }
0x28a: {  	s23 =	sand.u32 $0x300, s17;
	s20 =	sadd.s32 s19, s30;
	v18 =	vld [tilespmem:s22+$0x50];
	v11 =	vadd.f32 v11, v9  }
0x28b: {  	v13 =	vld [tilespmem:s22+$0x60];
	s20 =	sadd.s32 s23, s20;
	v19 =	vadd.f32 v12, v8;
	[tilespmem:s22+$0x70] =	vst v10  }
0x28c: {  	v14 =	vld [tilespmem:s20+$0xA080];
	[tilespmem:s22+$0x0] =	vst v11;
	v10 =	vadd.f32 v15, v6  }
0x28d: {  	v12 =	vld [tilespmem:s20+$0xA090];
	[tilespmem:s22+$0x10] =	vst v19;
	v15 =	vadd.f32 v16, v4  }
0x28e: {  	v11 =	vld [tilespmem:s20+$0xA0A0];
	v16 =	vadd.f32 v17, v2;
	[tilespmem:s22+$0x20] =	vst v10  }
0x28f: {  	s24 =	simm.s32 $0x800;
	s25 =	simm.s32 $0x0;
	s23 =	simm.s32 $0x0;
	v10 =	vld [tilespmem:s20+$0xA0B0];
	[tilespmem:s22+$0x30] =	vst v15;
	v15 =	vadd.f32 v18, v3  }
.LBB2_43:
0x290: {  	s26 =	sadd.s32 $0x8400, s24;
	s23 =	sadd.s32 $0x2, s23;
	v17 =	vld [tilespmem:s20+$0xA0C0];
	[tilespmem:s22+$0x40] =	vst v16;
	v13 =	vadd.f32 v13, v5;
	s25 =	sadd.s32 $0x100, s25  }
0x291: {  	s26 =	sand.u32 $0xE000, s26;
	s28 =	sadd.s32 $0x1080, s25;
	p0 =	slt.u32 s23, $0x1E;
	v14 =	vadd.f32 v14, v9;
	v16 =	vld [tilespmem:s20+$0xA0D0];
	[tilespmem:s22+$0x50] =	vst v15  }
0x292: {  	s29 =	sand.u32 $0x6000, s24;
	s28 =	sand.u32 $0x380, s28;
	s26 =	sadd.s32 s26, s21;
	v12 =	vadd.f32 v12, v8;
	v15 =	vld [tilespmem:s20+$0xA0E0];
	[tilespmem:s22+$0x60] =	vst v13  }
0x293: {  	s30 =	sand.u32 $0x300, s25;
	s29 =	sadd.s32 s19, s29;
	s22 =	sadd.s32 s28, s26;
	[tilespmem:s20+$0xA080] =	vst v14;
	v11 =	vadd.f32 v11, v6;
	v13 =	vld [tilespmem:s20+$0xA0F0]  }
0x294: {  	s26 =	sadd.s32 s30, s29;
	v14 =	vld [tilespmem:s22+$0x70];
	[tilespmem:s20+$0xA090] =	vst v12;
	v10 =	vadd.f32 v10, v4  }
0x295: {  	v12 =	vld [tilespmem:s22+$0x0];
	[tilespmem:s20+$0xA0A0] =	vst v11;
	v11 =	vadd.f32 v17, v2  }
0x296: {  	v17 =	vld [tilespmem:s22+$0x10];
	[tilespmem:s20+$0xA0B0] =	vst v10;
	v10 =	vadd.f32 v16, v3  }
0x297: {  	v16 =	vld [tilespmem:s22+$0x20];
	[tilespmem:s20+$0xA0C0] =	vst v11;
	v11 =	vadd.f32 v15, v5  }
0x298: {  	v15 =	vld [tilespmem:s22+$0x30];
	[tilespmem:s20+$0xA0D0] =	vst v10;
	v10 =	vadd.f32 v13, v7  }
0x299: {  	v18 =	vld [tilespmem:s22+$0x40];
	v14 =	vadd.f32 v14, v7;
	[tilespmem:s20+$0xA0E0] =	vst v11  }
0x29a: {  	v11 =	vadd.f32 v12, v9;
	v19 =	vld [tilespmem:s22+$0x50];
	[tilespmem:s20+$0xA0F0] =	vst v10;
	s20 =	smov.u32 s26  }
.Ltmp20:
0x29b: {  	v10 =	vadd.f32 v17, v8;
	v13 =	vld [tilespmem:s22+$0x60];
	[tilespmem:s22+$0x70] =	vst v14;
	(pc) =	sbr.rel @p0 .LBB2_43-.Ltmp20, $4  }
0x29c: {  	v14 =	vld [tilespmem:s20+$0xA080];
	[tilespmem:s22+$0x0] =	vst v11;
	v16 =	vadd.f32 v16, v6  }
0x29d: {  	v12 =	vld [tilespmem:s20+$0xA090];
	[tilespmem:s22+$0x10] =	vst v10;
	v15 =	vadd.f32 v15, v4  }
0x29e: {  	v11 =	vld [tilespmem:s20+$0xA0A0];
	[tilespmem:s22+$0x20] =	vst v16;
	v16 =	vadd.f32 v18, v2  }
0x29f: {  	s24 =	sadd.s32 $0x800, s24;
	v10 =	vld [tilespmem:s20+$0xA0B0];
	[tilespmem:s22+$0x30] =	vst v15;
	v15 =	vadd.f32 v19, v3  }
0x2a0: {  	v17 =	vld [tilespmem:s20+$0xA0C0];
	[tilespmem:s22+$0x40] =	vst v16;
	v13 =	vadd.f32 v13, v5  }
0x2a1: {  	v61 =	vld [tilespmem:s20+$0xA0D0];
	v9 =	vadd.f32 v14, v9;
	[tilespmem:s22+$0x50] =	vst v15  }
0x2a2: {  	v62 =	vld [tilespmem:s20+$0xA0E0];
	v8 =	vadd.f32 v12, v8;
	[tilespmem:s22+$0x60] =	vst v13  }
0x2a3: {  	v63 =	vld [tilespmem:s20+$0xA0F0];
	[tilespmem:s20+$0xA080] =	vst v9;
	v6 =	vadd.f32 v11, v6  }
0x2a4: {  	s18 =	sadd.s32 $0x1, s18;
	[tilespmem:s20+$0xA090] =	vst v8;
	v4 =	vadd.f32 v10, v4  }
0x2a5: {  	p0 =	sne.s32 s18, $0x8;
	[tilespmem:s20+$0xA0A0] =	vst v6;
	v2 =	vadd.f32 v17, v2  }
.Ltmp21:
0x2a6: {  	v3 =	vadd.f32 v61, v3;
	[tilespmem:s20+$0xA0B0] =	vst v4;
	(pc) =	sbr.rel @p0 .LBB2_42-.Ltmp21, $4  }
0x2a7: {  	[tilespmem:s20+$0xA0C0] =	vst v2;
	v2 =	vadd.f32 v62, v5  }
0x2a8: {  	[tilespmem:s20+$0xA0D0] =	vst v3;
	v3 =	vadd.f32 v63, v7  }
0x2a9: {  	[tilespmem:s20+$0xA0E0] =	vst v2  }
0x2aa: {  	[tilespmem:s20+$0xA0F0] =	vst v3  }
0x2ab: {  	s17 =	simm.s32 $0x0;
	s18 =	rddreg [dreg:$0x18]  }
0x2ac: {  	[hbm4b:s18+s17] =	stream.linear.scatter [tilespmem:s12], [sflag:$0x2], $0x8000, $0x38;
	[tilespmem:$0x1A080] =	vst v63  }
0x2ad: {  	_ =	swait.ge [sflag:s10], $0x8000  }
0x2ae: {  	[sflag:s10] =	ssyncset.done $0x0  }
0x2af: {  	s30 =	rddreg [dreg:$0x1b];
	[sflag:s10] =	ssyncadd.s32 $0xFFFF8000  }
0x2b0: {  	[tilespmem:s11], [sflag:$0x1] =	stream.linear.gather [hbm4b:s30+s17], $0x8000, $0x38;
	[tilespmem:$0x1A080] =	vst v63  }
0x2b1: {  	_ =	swait.ge [sflag:s15], $0x8000  }
0x2b2: {  	[sflag:s15] =	ssyncset.done $0x0  }
0x2b3: {  	s18 =	simm.s32 $0x0;
	[sflag:s15] =	ssyncadd.s32 $0xFFFF8000  }
.LBB2_46:
0x2b4: {  	s20 =	sshll.u32 s18, $0xA  }
0x2b5: {  	v8 =	vld [tilespmem:s20+$0x80]  }
0x2b6: {  	v7 =	vld [tilespmem:s20+$0x90]  }
0x2b7: {  	v6 =	vld [tilespmem:s20+$0xA0]  }
0x2b8: {  	s19 =	sand.u32 $0x6000, s17;
	v9 =	vld [tilespmem:s20+$0xB0]  }
0x2b9: {  	s21 =	sand.u32 $0x300, s17;
	v5 =	vld [tilespmem:s20+$0xC0];
	s19 =	sadd.s32 s20, s19  }
0x2ba: {  	s29 =	simm.s32 $0x10400;
	v2 =	vld [tilespmem:s20+$0xD0];
	s23 =	sadd.s32 s21, s19  }
0x2bb: {  	s30 =	simm.s32 $0x2080;
	s22 =	sadd.s32 $0x2080, s20;
	s19 =	sand.u32 $0x16000, s29;
	v10 =	vld [tilespmem:s23+$0x12080]  }
0x2bc: {  	v3 =	vld [tilespmem:s20+$0xE0];
	s21 =	sand.u32 $0x380, s30;
	s19 =	sadd.s32 s19, s22  }
0x2bd: {  	v4 =	vld [tilespmem:s20+$0xF0];
	s19 =	sadd.s32 s21, s19  }
0x2be: {  	v11 =	vld [tilespmem:s19+$0x0]  }
0x2bf: {  	v12 =	vld [tilespmem:s19+$0x10]  }
0x2c0: {  	v15 =	vld [tilespmem:s19+$0x20];
	v10 =	vadd.f32 v10, v8  }
0x2c1: {  	v16 =	vld [tilespmem:s19+$0x30]  }
0x2c2: {  	s21 =	sadd.s32 $0x12080, s23;
	v17 =	vld [tilespmem:s19+$0x40];
	[tilespmem:s23+$0x12080] =	vst v10  }
0x2c3: {  	v10 =	vadd.f32 v11, v8;
	v14 =	vld [tilespmem:s21+$0x30]  }
0x2c4: {  	v11 =	vadd.f32 v12, v7;
	v13 =	vld [tilespmem:s21+$0x10]  }
0x2c5: {  	v15 =	vadd.f32 v15, v6;
	v12 =	vld [tilespmem:s21+$0x20];
	[tilespmem:s19+$0x0] =	vst v10  }
0x2c6: {  	v16 =	vadd.f32 v16, v9;
	v10 =	vld [tilespmem:s21+$0x40];
	[tilespmem:s19+$0x10] =	vst v11  }
0x2c7: {  	s24 =	simm.s32 $0x800;
	s25 =	simm.s32 $0x0;
	s23 =	simm.s32 $0x0;
	v11 =	vld [tilespmem:s21+$0x50];
	[tilespmem:s19+$0x20] =	vst v15;
	v15 =	vadd.f32 v17, v5  }
.LBB2_47:
0x2c8: {  	s26 =	sand.u32 $0x6000, s24;
	s23 =	sadd.s32 $0x2, s23;
	v14 =	vadd.f32 v14, v9;
	v17 =	vld [tilespmem:s21+$0x60];
	[tilespmem:s19+$0x30] =	vst v16;
	s25 =	sadd.s32 $0x100, s25  }
0x2c9: {  	s28 =	sand.u32 $0x300, s25;
	s26 =	sadd.s32 s20, s26;
	p0 =	slt.u32 s23, $0x1E;
	v13 =	vadd.f32 v13, v7;
	v16 =	vld [tilespmem:s21+$0x70];
	[tilespmem:s19+$0x40] =	vst v15  }
0x2ca: {  	s29 =	sadd.s32 $0x2080, s25;
	s26 =	sadd.s32 s28, s26;
	s28 =	sadd.s32 $0x10400, s24;
	v12 =	vadd.f32 v12, v6;
	[tilespmem:s21+$0x30] =	vst v14;
	v14 =	vld [tilespmem:s19+$0x50]  }
0x2cb: {  	s29 =	sand.u32 $0x380, s29;
	v15 =	vld [tilespmem:s26+$0x12080];
	s28 =	sand.u32 $0x16000, s28;
	[tilespmem:s21+$0x10] =	vst v13;
	v10 =	vadd.f32 v10, v5  }
0x2cc: {  	s28 =	sadd.s32 s28, s22;
	[tilespmem:s21+$0x20] =	vst v12;
	v11 =	vadd.f32 v11, v2;
	v12 =	vld [tilespmem:s19+$0x60]  }
0x2cd: {  	s28 =	sadd.s32 s29, s28;
	[tilespmem:s21+$0x40] =	vst v10;
	v10 =	vadd.f32 v17, v3;
	v13 =	vld [tilespmem:s19+$0x70]  }
0x2ce: {  	v17 =	vld [tilespmem:s28+$0x0];
	[tilespmem:s21+$0x50] =	vst v11;
	v11 =	vadd.f32 v16, v4  }
0x2cf: {  	v16 =	vld [tilespmem:s28+$0x10];
	[tilespmem:s21+$0x60] =	vst v10;
	v10 =	vadd.f32 v14, v2  }
0x2d0: {  	v14 =	vadd.f32 v15, v8;
	v15 =	vld [tilespmem:s28+$0x20];
	[tilespmem:s21+$0x70] =	vst v11  }
0x2d1: {  	v11 =	vld [tilespmem:s28+$0x30];
	[tilespmem:s19+$0x50] =	vst v10;
	v10 =	vadd.f32 v12, v3  }
0x2d2: {  	s21 =	sadd.s32 $0x12080, s26;
	[tilespmem:s26+$0x12080] =	vst v14;
	v18 =	vld [tilespmem:s28+$0x40];
	v12 =	vadd.f32 v13, v4  }
.Ltmp22:
0x2d3: {  	v14 =	vld [tilespmem:s21+$0x30];
	v17 =	vadd.f32 v17, v8;
	[tilespmem:s19+$0x60] =	vst v10;
	(pc) =	sbr.rel @p0 .LBB2_47-.Ltmp22, $4  }
0x2d4: {  	v13 =	vld [tilespmem:s21+$0x10];
	v16 =	vadd.f32 v16, v7;
	[tilespmem:s19+$0x70] =	vst v12;
	s19 =	smov.u32 s28  }
0x2d5: {  	v12 =	vld [tilespmem:s21+$0x20];
	[tilespmem:s19+$0x0] =	vst v17;
	v15 =	vadd.f32 v15, v6  }
0x2d6: {  	v10 =	vld [tilespmem:s21+$0x40];
	[tilespmem:s19+$0x10] =	vst v16;
	v16 =	vadd.f32 v11, v9  }
0x2d7: {  	s24 =	sadd.s32 $0x800, s24;
	v11 =	vld [tilespmem:s21+$0x50];
	[tilespmem:s19+$0x20] =	vst v15;
	v15 =	vadd.f32 v18, v5  }
0x2d8: {  	v8 =	vadd.f32 v14, v9;
	v56 =	vld [tilespmem:s21+$0x60];
	[tilespmem:s19+$0x30] =	vst v16  }
0x2d9: {  	v57 =	vld [tilespmem:s21+$0x70];
	v7 =	vadd.f32 v13, v7;
	[tilespmem:s19+$0x40] =	vst v15  }
0x2da: {  	v58 =	vld [tilespmem:s19+$0x50];
	v6 =	vadd.f32 v12, v6;
	[tilespmem:s21+$0x30] =	vst v8  }
0x2db: {  	v59 =	vld [tilespmem:s19+$0x60];
	[tilespmem:s21+$0x10] =	vst v7;
	v5 =	vadd.f32 v10, v5  }
0x2dc: {  	v61 =	vld [tilespmem:s19+$0x70];
	[tilespmem:s21+$0x20] =	vst v6;
	v60 =	vadd.f32 v11, v2  }
0x2dd: {  	s18 =	sadd.s32 $0x1, s18;
	[tilespmem:s21+$0x40] =	vst v5;
	v62 =	vadd.f32 v56, v3  }
0x2de: {  	p0 =	sne.s32 s18, $0x8;
	v63 =	vadd.f32 v57, v4;
	[tilespmem:s21+$0x50] =	vst v60  }
.Ltmp23:
0x2df: {  	v2 =	vadd.f32 v58, v2;
	[tilespmem:s21+$0x60] =	vst v62;
	(pc) =	sbr.rel @p0 .LBB2_46-.Ltmp23, $4  }
0x2e0: {  	v3 =	vadd.f32 v59, v3;
	[tilespmem:s21+$0x70] =	vst v63  }
0x2e1: {  	[tilespmem:s19+$0x50] =	vst v2;
	v2 =	vadd.f32 v61, v4  }
0x2e2: {  	[tilespmem:s19+$0x60] =	vst v3  }
0x2e3: {  	[tilespmem:s19+$0x70] =	vst v2  }
0x2e4: {  	s17 =	simm.s32 $0x0;
	s18 =	rddreg [dreg:$0x1a]  }
0x2e5: {  	[hbm4b:s18+s17] =	stream.linear.scatter [tilespmem:s13], [sflag:$0x3], $0x8000, $0x38;
	[tilespmem:$0x1A080] =	vst v63  }
0x2e6: {  	_ =	swait.ge [sflag:s14], $0x8000  }
0x2e7: {  	[sflag:s14] =	ssyncset.done $0x0  }
0x2e8: {  	s30 =	rddreg [dreg:$0x1d];
	[sflag:s14] =	ssyncadd.s32 $0xFFFF8000  }
0x2e9: {  	[tilespmem:s12], [sflag:$0x2] =	stream.linear.gather [hbm4b:s30+s17], $0x8000, $0x38;
	[tilespmem:$0x1A080] =	vst v63  }
0x2ea: {  	_ =	swait.ge [sflag:s10], $0x8000  }
0x2eb: {  	[sflag:s10] =	ssyncset.done $0x0  }
0x2ec: {  	s18 =	simm.s32 $0x0;
	[sflag:s10] =	ssyncadd.s32 $0xFFFF8000  }
.LBB2_50:
0x2ed: {  	s19 =	sshll.u32 s18, $0xA  }
0x2ee: {  	v8 =	vld [tilespmem:s19+$0x80]  }
0x2ef: {  	v7 =	vld [tilespmem:s19+$0x90]  }
0x2f0: {  	v6 =	vld [tilespmem:s19+$0xA0]  }
0x2f1: {  	v5 =	vld [tilespmem:s19+$0xB0]  }
0x2f2: {  	v3 =	vld [tilespmem:s19+$0xC0]  }
0x2f3: {  	s21 =	sand.u32 $0x6000, s17;
	v2 =	vld [tilespmem:s19+$0xD0];
	s20 =	sadd.s32 $0x2080, s19  }
0x2f4: {  	s22 =	sand.u32 $0x300, s17;
	v4 =	vld [tilespmem:s19+$0xE0];
	s21 =	sadd.s32 s21, s20  }
0x2f5: {  	v9 =	vld [tilespmem:s19+$0xF0];
	s19 =	sadd.s32 s22, s21  }
0x2f6: {  	v11 =	vld [tilespmem:s19+$0x0]  }
0x2f7: {  	v10 =	vld [tilespmem:s19+$0xF0]  }
0x2f8: {  	v12 =	vld [tilespmem:s19+$0x10]  }
0x2f9: {  	v13 =	vld [tilespmem:s19+$0x20]  }
0x2fa: {  	v15 =	vld [tilespmem:s19+$0x30]  }
0x2fb: {  	v16 =	vld [tilespmem:s19+$0x40];
	v11 =	vadd.f32 v11, v8  }
0x2fc: {  	v17 =	vld [tilespmem:s19+$0x50];
	v10 =	vadd.f32 v10, v9  }
0x2fd: {  	v18 =	vld [tilespmem:s19+$0x60];
	v12 =	vadd.f32 v12, v7;
	[tilespmem:s19+$0x0] =	vst v11  }
0x2fe: {  	v14 =	vld [tilespmem:s19+$0x70];
	[tilespmem:s19+$0xF0] =	vst v10;
	v10 =	vadd.f32 v13, v6  }
0x2ff: {  	[tilespmem:s19+$0x10] =	vst v12;
	v13 =	vadd.f32 v15, v5;
	v12 =	vld [tilespmem:s19+$0x80]  }
0x300: {  	v15 =	vadd.f32 v16, v3;
	v11 =	vld [tilespmem:s19+$0x90];
	[tilespmem:s19+$0x20] =	vst v10  }
0x301: {  	v16 =	vadd.f32 v17, v2;
	[tilespmem:s19+$0x30] =	vst v13;
	v10 =	vld [tilespmem:s19+$0xA0]  }
0x302: {  	s23 =	simm.s32 $0x0;
	s21 =	simm.s32 $0x0;
	s22 =	simm.s32 $0x800;
	[tilespmem:s19+$0x40] =	vst v15;
	v15 =	vadd.f32 v18, v4;
	v13 =	vld [tilespmem:s19+$0xB0]  }
.LBB2_51:
0x303: {  	s24 =	sand.u32 $0x6000, s22;
	s21 =	sadd.s32 $0x2, s21;
	[tilespmem:s19+$0x50] =	vst v16;
	v14 =	vadd.f32 v14, v9;
	v16 =	vld [tilespmem:s19+$0xC0];
	s23 =	sadd.s32 $0x100, s23  }
0x304: {  	s25 =	sand.u32 $0x300, s23;
	s24 =	sadd.s32 s24, s20;
	p0 =	slt.u32 s21, $0x1E;
	[tilespmem:s19+$0x60] =	vst v15;
	v12 =	vadd.f32 v12, v8;
	v15 =	vld [tilespmem:s19+$0xD0]  }
0x305: {  	s24 =	sadd.s32 s25, s24;
	[tilespmem:s19+$0x70] =	vst v14;
	v11 =	vadd.f32 v11, v7;
	v14 =	vld [tilespmem:s19+$0xE0]  }
0x306: {  	v17 =	vld [tilespmem:s24+$0xF0];
	[tilespmem:s19+$0x80] =	vst v12;
	v10 =	vadd.f32 v10, v6  }
0x307: {  	v12 =	vld [tilespmem:s24+$0x0];
	[tilespmem:s19+$0x90] =	vst v11;
	v11 =	vadd.f32 v13, v5  }
0x308: {  	v13 =	vld [tilespmem:s24+$0x10];
	[tilespmem:s19+$0xA0] =	vst v10;
	v10 =	vadd.f32 v16, v3  }
0x309: {  	v16 =	vld [tilespmem:s24+$0x20];
	[tilespmem:s19+$0xB0] =	vst v11;
	v11 =	vadd.f32 v15, v2  }
0x30a: {  	v15 =	vld [tilespmem:s24+$0x30];
	[tilespmem:s19+$0xC0] =	vst v10;
	v10 =	vadd.f32 v14, v4  }
0x30b: {  	v18 =	vld [tilespmem:s24+$0x40];
	v14 =	vadd.f32 v17, v9;
	[tilespmem:s19+$0xD0] =	vst v11  }
0x30c: {  	v11 =	vadd.f32 v12, v8;
	v17 =	vld [tilespmem:s24+$0x50];
	[tilespmem:s19+$0xE0] =	vst v10;
	s19 =	smov.u32 s24  }
0x30d: {  	v10 =	vadd.f32 v13, v7;
	v13 =	vld [tilespmem:s19+$0x60];
	[tilespmem:s19+$0xF0] =	vst v14  }
.Ltmp24:
0x30e: {  	[tilespmem:s19+$0x0] =	vst v11;
	v11 =	vadd.f32 v16, v6;
	v14 =	vld [tilespmem:s19+$0x70];
	(pc) =	sbr.rel @p0 .LBB2_51-.Ltmp24, $4  }
0x30f: {  	[tilespmem:s19+$0x10] =	vst v10;
	v10 =	vadd.f32 v15, v5;
	v12 =	vld [tilespmem:s19+$0x80]  }
0x310: {  	[tilespmem:s19+$0x20] =	vst v11;
	v15 =	vadd.f32 v18, v3;
	v11 =	vld [tilespmem:s19+$0x90]  }
0x311: {  	[tilespmem:s19+$0x30] =	vst v10;
	v16 =	vadd.f32 v17, v2;
	v10 =	vld [tilespmem:s19+$0xA0]  }
0x312: {  	s22 =	sadd.s32 $0x800, s22;
	[tilespmem:s19+$0x40] =	vst v15;
	v15 =	vadd.f32 v13, v4;
	v13 =	vld [tilespmem:s19+$0xB0]  }
0x313: {  	[tilespmem:s19+$0x50] =	vst v16;
	v9 =	vadd.f32 v14, v9;
	v61 =	vld [tilespmem:s19+$0xC0]  }
0x314: {  	v62 =	vld [tilespmem:s19+$0xD0];
	[tilespmem:s19+$0x60] =	vst v15;
	v8 =	vadd.f32 v12, v8  }
0x315: {  	v63 =	vld [tilespmem:s19+$0xE0];
	[tilespmem:s19+$0x70] =	vst v9;
	v7 =	vadd.f32 v11, v7  }
0x316: {  	s18 =	sadd.s32 $0x1, s18;
	[tilespmem:s19+$0x80] =	vst v8;
	v6 =	vadd.f32 v10, v6  }
0x317: {  	p0 =	sne.s32 s18, $0x8;
	[tilespmem:s19+$0x90] =	vst v7;
	v5 =	vadd.f32 v13, v5  }
.Ltmp25:
0x318: {  	[tilespmem:s19+$0xA0] =	vst v6;
	v3 =	vadd.f32 v61, v3;
	(pc) =	sbr.rel @p0 .LBB2_50-.Ltmp25, $4  }
0x319: {  	v2 =	vadd.f32 v62, v2;
	[tilespmem:s19+$0xB0] =	vst v5  }
0x31a: {  	[tilespmem:s19+$0xC0] =	vst v3;
	v3 =	vadd.f32 v63, v4  }
0x31b: {  	[tilespmem:s19+$0xD0] =	vst v2  }
0x31c: {  	[tilespmem:s19+$0xE0] =	vst v3  }
0x31d: {  	s17 =	simm.s32 $0x0;
	s18 =	rddreg [dreg:$0x1c]  }
0x31e: {  	[hbm4b:s18+s17] =	stream.linear.scatter [tilespmem:s11], [sflag:$0x1], $0x8000, $0x38;
	[tilespmem:$0x1A080] =	vst v63  }
0x31f: {  	_ =	swait.ge [sflag:s15], $0x8000  }
0x320: {  	[sflag:s15] =	ssyncset.done $0x0  }
0x321: {  	[sflag:s15] =	ssyncadd.s32 $0xFFFF8000  }
0x322: {  	[tilespmem:s13], [sflag:$0x3] =	stream.linear.gather [hbm4b:s31+s17], $0x8000, $0x38;
	[tilespmem:$0x1A080] =	vst v63  }
0x323: {  	_ =	swait.ge [sflag:s14], $0x8000  }
0x324: {  	[sflag:s14] =	ssyncset.done $0x0  }
0x325: {  	s18 =	simm.s32 $0x0;
	[sflag:s14] =	ssyncadd.s32 $0xFFFF8000  }
.LBB2_54:
0x326: {  	s19 =	sshll.u32 s18, $0xA  }
0x327: {  	v9 =	vld [tilespmem:s19+$0x80]  }
0x328: {  	v8 =	vld [tilespmem:s19+$0x90]  }
0x329: {  	v6 =	vld [tilespmem:s19+$0xA0]  }
0x32a: {  	v4 =	vld [tilespmem:s19+$0xB0]  }
0x32b: {  	s20 =	simm.s32 $0x8400;
	v2 =	vld [tilespmem:s19+$0xC0]  }
0x32c: {  	s22 =	simm.s32 $0x1080;
	v3 =	vld [tilespmem:s19+$0xD0];
	s21 =	sadd.s32 $0x2080, s19;
	s20 =	sand.u32 $0xE000, s20  }
0x32d: {  	v5 =	vld [tilespmem:s19+$0xE0];
	s22 =	sand.u32 $0x380, s22;
	s20 =	sadd.s32 s20, s21  }
0x32e: {  	v7 =	vld [tilespmem:s19+$0xF0];
	s22 =	sadd.s32 s22, s20  }
0x32f: {  	v10 =	vld [tilespmem:s22+$0x70]  }
0x330: {  	v11 =	vld [tilespmem:s22+$0x0]  }
0x331: {  	v12 =	vld [tilespmem:s22+$0x10]  }
0x332: {  	v15 =	vld [tilespmem:s22+$0x20]  }
0x333: {  	v16 =	vld [tilespmem:s22+$0x30]  }
0x334: {  	s30 =	sand.u32 $0x6000, s17;
	v17 =	vld [tilespmem:s22+$0x40];
	v10 =	vadd.f32 v10, v7  }
0x335: {  	s23 =	sand.u32 $0x300, s17;
	s20 =	sadd.s32 s19, s30;
	v18 =	vld [tilespmem:s22+$0x50];
	v11 =	vadd.f32 v11, v9  }
0x336: {  	v13 =	vld [tilespmem:s22+$0x60];
	s20 =	sadd.s32 s23, s20;
	v19 =	vadd.f32 v12, v8;
	[tilespmem:s22+$0x70] =	vst v10  }
0x337: {  	v14 =	vld [tilespmem:s20+$0xA080];
	[tilespmem:s22+$0x0] =	vst v11;
	v10 =	vadd.f32 v15, v6  }
0x338: {  	v12 =	vld [tilespmem:s20+$0xA090];
	[tilespmem:s22+$0x10] =	vst v19;
	v15 =	vadd.f32 v16, v4  }
0x339: {  	v11 =	vld [tilespmem:s20+$0xA0A0];
	v16 =	vadd.f32 v17, v2;
	[tilespmem:s22+$0x20] =	vst v10  }
0x33a: {  	s24 =	simm.s32 $0x800;
	s25 =	simm.s32 $0x0;
	s23 =	simm.s32 $0x0;
	v10 =	vld [tilespmem:s20+$0xA0B0];
	[tilespmem:s22+$0x30] =	vst v15;
	v15 =	vadd.f32 v18, v3  }
.LBB2_55:
0x33b: {  	s26 =	sadd.s32 $0x8400, s24;
	s23 =	sadd.s32 $0x2, s23;
	v17 =	vld [tilespmem:s20+$0xA0C0];
	[tilespmem:s22+$0x40] =	vst v16;
	v13 =	vadd.f32 v13, v5;
	s25 =	sadd.s32 $0x100, s25  }
0x33c: {  	s26 =	sand.u32 $0xE000, s26;
	s28 =	sadd.s32 $0x1080, s25;
	p0 =	slt.u32 s23, $0x1E;
	v14 =	vadd.f32 v14, v9;
	v16 =	vld [tilespmem:s20+$0xA0D0];
	[tilespmem:s22+$0x50] =	vst v15  }
0x33d: {  	s29 =	sand.u32 $0x6000, s24;
	s28 =	sand.u32 $0x380, s28;
	s26 =	sadd.s32 s26, s21;
	v12 =	vadd.f32 v12, v8;
	v15 =	vld [tilespmem:s20+$0xA0E0];
	[tilespmem:s22+$0x60] =	vst v13  }
0x33e: {  	s30 =	sand.u32 $0x300, s25;
	s29 =	sadd.s32 s19, s29;
	s22 =	sadd.s32 s28, s26;
	[tilespmem:s20+$0xA080] =	vst v14;
	v11 =	vadd.f32 v11, v6;
	v13 =	vld [tilespmem:s20+$0xA0F0]  }
0x33f: {  	s26 =	sadd.s32 s30, s29;
	v14 =	vld [tilespmem:s22+$0x70];
	[tilespmem:s20+$0xA090] =	vst v12;
	v10 =	vadd.f32 v10, v4  }
0x340: {  	v12 =	vld [tilespmem:s22+$0x0];
	[tilespmem:s20+$0xA0A0] =	vst v11;
	v11 =	vadd.f32 v17, v2  }
0x341: {  	v17 =	vld [tilespmem:s22+$0x10];
	[tilespmem:s20+$0xA0B0] =	vst v10;
	v10 =	vadd.f32 v16, v3  }
0x342: {  	v16 =	vld [tilespmem:s22+$0x20];
	[tilespmem:s20+$0xA0C0] =	vst v11;
	v11 =	vadd.f32 v15, v5  }
0x343: {  	v15 =	vld [tilespmem:s22+$0x30];
	[tilespmem:s20+$0xA0D0] =	vst v10;
	v10 =	vadd.f32 v13, v7  }
0x344: {  	v18 =	vld [tilespmem:s22+$0x40];
	v14 =	vadd.f32 v14, v7;
	[tilespmem:s20+$0xA0E0] =	vst v11  }
0x345: {  	v11 =	vadd.f32 v12, v9;
	v19 =	vld [tilespmem:s22+$0x50];
	[tilespmem:s20+$0xA0F0] =	vst v10;
	s20 =	smov.u32 s26  }
.Ltmp26:
0x346: {  	v10 =	vadd.f32 v17, v8;
	v13 =	vld [tilespmem:s22+$0x60];
	[tilespmem:s22+$0x70] =	vst v14;
	(pc) =	sbr.rel @p0 .LBB2_55-.Ltmp26, $4  }
0x347: {  	v14 =	vld [tilespmem:s20+$0xA080];
	[tilespmem:s22+$0x0] =	vst v11;
	v16 =	vadd.f32 v16, v6  }
0x348: {  	v12 =	vld [tilespmem:s20+$0xA090];
	[tilespmem:s22+$0x10] =	vst v10;
	v15 =	vadd.f32 v15, v4  }
0x349: {  	v11 =	vld [tilespmem:s20+$0xA0A0];
	[tilespmem:s22+$0x20] =	vst v16;
	v16 =	vadd.f32 v18, v2  }
0x34a: {  	s24 =	sadd.s32 $0x800, s24;
	v10 =	vld [tilespmem:s20+$0xA0B0];
	[tilespmem:s22+$0x30] =	vst v15;
	v15 =	vadd.f32 v19, v3  }
0x34b: {  	v17 =	vld [tilespmem:s20+$0xA0C0];
	[tilespmem:s22+$0x40] =	vst v16;
	v13 =	vadd.f32 v13, v5  }
0x34c: {  	v61 =	vld [tilespmem:s20+$0xA0D0];
	v9 =	vadd.f32 v14, v9;
	[tilespmem:s22+$0x50] =	vst v15  }
0x34d: {  	v62 =	vld [tilespmem:s20+$0xA0E0];
	v8 =	vadd.f32 v12, v8;
	[tilespmem:s22+$0x60] =	vst v13  }
0x34e: {  	v63 =	vld [tilespmem:s20+$0xA0F0];
	[tilespmem:s20+$0xA080] =	vst v9;
	v6 =	vadd.f32 v11, v6  }
0x34f: {  	s18 =	sadd.s32 $0x1, s18;
	[tilespmem:s20+$0xA090] =	vst v8;
	v4 =	vadd.f32 v10, v4  }
0x350: {  	p0 =	sne.s32 s18, $0x8;
	[tilespmem:s20+$0xA0A0] =	vst v6;
	v2 =	vadd.f32 v17, v2  }
.Ltmp27:
0x351: {  	v3 =	vadd.f32 v61, v3;
	[tilespmem:s20+$0xA0B0] =	vst v4;
	(pc) =	sbr.rel @p0 .LBB2_54-.Ltmp27, $4  }
0x352: {  	[tilespmem:s20+$0xA0C0] =	vst v2;
	v2 =	vadd.f32 v62, v5  }
0x353: {  	[tilespmem:s20+$0xA0D0] =	vst v3;
	v3 =	vadd.f32 v63, v7  }
0x354: {  	[tilespmem:s20+$0xA0E0] =	vst v2  }
0x355: {  	[tilespmem:s20+$0xA0F0] =	vst v3  }
0x356: {  	s17 =	simm.s32 $0x0;
	s18 =	rddreg [dreg:$0x1e]  }
0x357: {  	[hbm4b:s18+s17] =	stream.linear.scatter [tilespmem:s12], [sflag:$0x2], $0x8000, $0x38;
	[tilespmem:$0x1A080] =	vst v63  }
0x358: {  	_ =	swait.ge [sflag:s10], $0x8000  }
0x359: {  	[sflag:s10] =	ssyncset.done $0x0  }
0x35a: {  	[sflag:s10] =	ssyncadd.s32 $0xFFFF8000  }
0x35b: {  	[tilespmem:s11], [sflag:$0x1] =	stream.linear.gather [hbm4b:s0+s17], $0x8000, $0x38;
	[tilespmem:$0x1A080] =	vst v63  }
0x35c: {  	_ =	swait.ge [sflag:s15], $0x8000  }
0x35d: {  	[sflag:s15] =	ssyncset.done $0x0  }
0x35e: {  	s18 =	simm.s32 $0x0;
	[sflag:s15] =	ssyncadd.s32 $0xFFFF8000  }
.LBB2_58:
0x35f: {  	s20 =	sshll.u32 s18, $0xA  }
0x360: {  	v8 =	vld [tilespmem:s20+$0x80]  }
0x361: {  	v7 =	vld [tilespmem:s20+$0x90]  }
0x362: {  	v6 =	vld [tilespmem:s20+$0xA0]  }
0x363: {  	s19 =	sand.u32 $0x6000, s17;
	v9 =	vld [tilespmem:s20+$0xB0]  }
0x364: {  	s21 =	sand.u32 $0x300, s17;
	v5 =	vld [tilespmem:s20+$0xC0];
	s19 =	sadd.s32 s20, s19  }
0x365: {  	s29 =	simm.s32 $0x10400;
	v2 =	vld [tilespmem:s20+$0xD0];
	s23 =	sadd.s32 s21, s19  }
0x366: {  	s30 =	simm.s32 $0x2080;
	s22 =	sadd.s32 $0x2080, s20;
	s19 =	sand.u32 $0x16000, s29;
	v10 =	vld [tilespmem:s23+$0x12080]  }
0x367: {  	v3 =	vld [tilespmem:s20+$0xE0];
	s21 =	sand.u32 $0x380, s30;
	s19 =	sadd.s32 s19, s22  }
0x368: {  	v4 =	vld [tilespmem:s20+$0xF0];
	s19 =	sadd.s32 s21, s19  }
0x369: {  	v11 =	vld [tilespmem:s19+$0x0]  }
0x36a: {  	v12 =	vld [tilespmem:s19+$0x10]  }
0x36b: {  	v15 =	vld [tilespmem:s19+$0x20];
	v10 =	vadd.f32 v10, v8  }
0x36c: {  	v16 =	vld [tilespmem:s19+$0x30]  }
0x36d: {  	s21 =	sadd.s32 $0x12080, s23;
	v17 =	vld [tilespmem:s19+$0x40];
	[tilespmem:s23+$0x12080] =	vst v10  }
0x36e: {  	v10 =	vadd.f32 v11, v8;
	v14 =	vld [tilespmem:s21+$0x30]  }
0x36f: {  	v11 =	vadd.f32 v12, v7;
	v13 =	vld [tilespmem:s21+$0x10]  }
0x370: {  	v15 =	vadd.f32 v15, v6;
	v12 =	vld [tilespmem:s21+$0x20];
	[tilespmem:s19+$0x0] =	vst v10  }
0x371: {  	v16 =	vadd.f32 v16, v9;
	v10 =	vld [tilespmem:s21+$0x40];
	[tilespmem:s19+$0x10] =	vst v11  }
0x372: {  	s24 =	simm.s32 $0x800;
	s25 =	simm.s32 $0x0;
	s23 =	simm.s32 $0x0;
	v11 =	vld [tilespmem:s21+$0x50];
	[tilespmem:s19+$0x20] =	vst v15;
	v15 =	vadd.f32 v17, v5  }
.LBB2_59:
0x373: {  	s26 =	sand.u32 $0x6000, s24;
	s23 =	sadd.s32 $0x2, s23;
	v14 =	vadd.f32 v14, v9;
	v17 =	vld [tilespmem:s21+$0x60];
	[tilespmem:s19+$0x30] =	vst v16;
	s25 =	sadd.s32 $0x100, s25  }
0x374: {  	s28 =	sand.u32 $0x300, s25;
	s26 =	sadd.s32 s20, s26;
	p0 =	slt.u32 s23, $0x1E;
	v13 =	vadd.f32 v13, v7;
	v16 =	vld [tilespmem:s21+$0x70];
	[tilespmem:s19+$0x40] =	vst v15  }
0x375: {  	s29 =	sadd.s32 $0x2080, s25;
	s26 =	sadd.s32 s28, s26;
	s28 =	sadd.s32 $0x10400, s24;
	v12 =	vadd.f32 v12, v6;
	[tilespmem:s21+$0x30] =	vst v14;
	v14 =	vld [tilespmem:s19+$0x50]  }
0x376: {  	s29 =	sand.u32 $0x380, s29;
	v15 =	vld [tilespmem:s26+$0x12080];
	s28 =	sand.u32 $0x16000, s28;
	[tilespmem:s21+$0x10] =	vst v13;
	v10 =	vadd.f32 v10, v5  }
0x377: {  	s28 =	sadd.s32 s28, s22;
	[tilespmem:s21+$0x20] =	vst v12;
	v11 =	vadd.f32 v11, v2;
	v12 =	vld [tilespmem:s19+$0x60]  }
0x378: {  	s28 =	sadd.s32 s29, s28;
	[tilespmem:s21+$0x40] =	vst v10;
	v10 =	vadd.f32 v17, v3;
	v13 =	vld [tilespmem:s19+$0x70]  }
0x379: {  	v17 =	vld [tilespmem:s28+$0x0];
	[tilespmem:s21+$0x50] =	vst v11;
	v11 =	vadd.f32 v16, v4  }
0x37a: {  	v16 =	vld [tilespmem:s28+$0x10];
	[tilespmem:s21+$0x60] =	vst v10;
	v10 =	vadd.f32 v14, v2  }
0x37b: {  	v14 =	vadd.f32 v15, v8;
	v15 =	vld [tilespmem:s28+$0x20];
	[tilespmem:s21+$0x70] =	vst v11  }
0x37c: {  	v11 =	vld [tilespmem:s28+$0x30];
	[tilespmem:s19+$0x50] =	vst v10;
	v10 =	vadd.f32 v12, v3  }
0x37d: {  	s21 =	sadd.s32 $0x12080, s26;
	[tilespmem:s26+$0x12080] =	vst v14;
	v18 =	vld [tilespmem:s28+$0x40];
	v12 =	vadd.f32 v13, v4  }
.Ltmp28:
0x37e: {  	v14 =	vld [tilespmem:s21+$0x30];
	v17 =	vadd.f32 v17, v8;
	[tilespmem:s19+$0x60] =	vst v10;
	(pc) =	sbr.rel @p0 .LBB2_59-.Ltmp28, $4  }
0x37f: {  	v13 =	vld [tilespmem:s21+$0x10];
	v16 =	vadd.f32 v16, v7;
	[tilespmem:s19+$0x70] =	vst v12;
	s19 =	smov.u32 s28  }
0x380: {  	v12 =	vld [tilespmem:s21+$0x20];
	[tilespmem:s19+$0x0] =	vst v17;
	v15 =	vadd.f32 v15, v6  }
0x381: {  	v10 =	vld [tilespmem:s21+$0x40];
	[tilespmem:s19+$0x10] =	vst v16;
	v16 =	vadd.f32 v11, v9  }
0x382: {  	s24 =	sadd.s32 $0x800, s24;
	v11 =	vld [tilespmem:s21+$0x50];
	[tilespmem:s19+$0x20] =	vst v15;
	v15 =	vadd.f32 v18, v5  }
0x383: {  	v8 =	vadd.f32 v14, v9;
	v56 =	vld [tilespmem:s21+$0x60];
	[tilespmem:s19+$0x30] =	vst v16  }
0x384: {  	v57 =	vld [tilespmem:s21+$0x70];
	v7 =	vadd.f32 v13, v7;
	[tilespmem:s19+$0x40] =	vst v15  }
0x385: {  	v58 =	vld [tilespmem:s19+$0x50];
	v6 =	vadd.f32 v12, v6;
	[tilespmem:s21+$0x30] =	vst v8  }
0x386: {  	v59 =	vld [tilespmem:s19+$0x60];
	[tilespmem:s21+$0x10] =	vst v7;
	v5 =	vadd.f32 v10, v5  }
0x387: {  	v61 =	vld [tilespmem:s19+$0x70];
	[tilespmem:s21+$0x20] =	vst v6;
	v60 =	vadd.f32 v11, v2  }
0x388: {  	s18 =	sadd.s32 $0x1, s18;
	[tilespmem:s21+$0x40] =	vst v5;
	v62 =	vadd.f32 v56, v3  }
0x389: {  	p0 =	sne.s32 s18, $0x8;
	v63 =	vadd.f32 v57, v4;
	[tilespmem:s21+$0x50] =	vst v60  }
.Ltmp29:
0x38a: {  	v2 =	vadd.f32 v58, v2;
	[tilespmem:s21+$0x60] =	vst v62;
	(pc) =	sbr.rel @p0 .LBB2_58-.Ltmp29, $4  }
0x38b: {  	v3 =	vadd.f32 v59, v3;
	[tilespmem:s21+$0x70] =	vst v63  }
0x38c: {  	[tilespmem:s19+$0x50] =	vst v2;
	v2 =	vadd.f32 v61, v4  }
0x38d: {  	[tilespmem:s19+$0x60] =	vst v3  }
0x38e: {  	[tilespmem:s19+$0x70] =	vst v2  }
0x38f: {  	s17 =	simm.s32 $0x0  }
0x390: {  	[hbm4b:s2+s17] =	stream.linear.scatter [tilespmem:s13], [sflag:$0x3], $0x8000, $0x38;
	[tilespmem:$0x1A080] =	vst v63  }
0x391: {  	_ =	swait.ge [sflag:s10], $0x8000  }
0x392: {  	[sflag:s10] =	ssyncset.done $0x0  }
0x393: {  	s18 =	simm.s32 $0x0;
	[sflag:s10] =	ssyncadd.s32 $0xFFFF8000  }
.LBB2_62:
0x394: {  	s19 =	sshll.u32 s18, $0xA  }
0x395: {  	v8 =	vld [tilespmem:s19+$0x80]  }
0x396: {  	v7 =	vld [tilespmem:s19+$0x90]  }
0x397: {  	v6 =	vld [tilespmem:s19+$0xA0]  }
0x398: {  	v5 =	vld [tilespmem:s19+$0xB0]  }
0x399: {  	v3 =	vld [tilespmem:s19+$0xC0]  }
0x39a: {  	s21 =	sand.u32 $0x6000, s17;
	v2 =	vld [tilespmem:s19+$0xD0];
	s20 =	sadd.s32 $0x2080, s19  }
0x39b: {  	s22 =	sand.u32 $0x300, s17;
	v4 =	vld [tilespmem:s19+$0xE0];
	s21 =	sadd.s32 s21, s20  }
0x39c: {  	v9 =	vld [tilespmem:s19+$0xF0];
	s19 =	sadd.s32 s22, s21  }
0x39d: {  	v11 =	vld [tilespmem:s19+$0x0]  }
0x39e: {  	v10 =	vld [tilespmem:s19+$0xF0]  }
0x39f: {  	v12 =	vld [tilespmem:s19+$0x10]  }
0x3a0: {  	v13 =	vld [tilespmem:s19+$0x20]  }
0x3a1: {  	v15 =	vld [tilespmem:s19+$0x30]  }
0x3a2: {  	v16 =	vld [tilespmem:s19+$0x40];
	v11 =	vadd.f32 v11, v8  }
0x3a3: {  	v17 =	vld [tilespmem:s19+$0x50];
	v10 =	vadd.f32 v10, v9  }
0x3a4: {  	v18 =	vld [tilespmem:s19+$0x60];
	v12 =	vadd.f32 v12, v7;
	[tilespmem:s19+$0x0] =	vst v11  }
0x3a5: {  	v14 =	vld [tilespmem:s19+$0x70];
	[tilespmem:s19+$0xF0] =	vst v10;
	v10 =	vadd.f32 v13, v6  }
0x3a6: {  	[tilespmem:s19+$0x10] =	vst v12;
	v13 =	vadd.f32 v15, v5;
	v12 =	vld [tilespmem:s19+$0x80]  }
0x3a7: {  	v15 =	vadd.f32 v16, v3;
	v11 =	vld [tilespmem:s19+$0x90];
	[tilespmem:s19+$0x20] =	vst v10  }
0x3a8: {  	v16 =	vadd.f32 v17, v2;
	[tilespmem:s19+$0x30] =	vst v13;
	v10 =	vld [tilespmem:s19+$0xA0]  }
0x3a9: {  	s23 =	simm.s32 $0x0;
	s21 =	simm.s32 $0x0;
	s22 =	simm.s32 $0x800;
	[tilespmem:s19+$0x40] =	vst v15;
	v15 =	vadd.f32 v18, v4;
	v13 =	vld [tilespmem:s19+$0xB0]  }
.LBB2_63:
0x3aa: {  	s24 =	sand.u32 $0x6000, s22;
	s21 =	sadd.s32 $0x2, s21;
	[tilespmem:s19+$0x50] =	vst v16;
	v14 =	vadd.f32 v14, v9;
	v16 =	vld [tilespmem:s19+$0xC0];
	s23 =	sadd.s32 $0x100, s23  }
0x3ab: {  	s25 =	sand.u32 $0x300, s23;
	s24 =	sadd.s32 s24, s20;
	p0 =	slt.u32 s21, $0x1E;
	[tilespmem:s19+$0x60] =	vst v15;
	v12 =	vadd.f32 v12, v8;
	v15 =	vld [tilespmem:s19+$0xD0]  }
0x3ac: {  	s24 =	sadd.s32 s25, s24;
	[tilespmem:s19+$0x70] =	vst v14;
	v11 =	vadd.f32 v11, v7;
	v14 =	vld [tilespmem:s19+$0xE0]  }
0x3ad: {  	v17 =	vld [tilespmem:s24+$0xF0];
	[tilespmem:s19+$0x80] =	vst v12;
	v10 =	vadd.f32 v10, v6  }
0x3ae: {  	v12 =	vld [tilespmem:s24+$0x0];
	[tilespmem:s19+$0x90] =	vst v11;
	v11 =	vadd.f32 v13, v5  }
0x3af: {  	v13 =	vld [tilespmem:s24+$0x10];
	[tilespmem:s19+$0xA0] =	vst v10;
	v10 =	vadd.f32 v16, v3  }
0x3b0: {  	v16 =	vld [tilespmem:s24+$0x20];
	[tilespmem:s19+$0xB0] =	vst v11;
	v11 =	vadd.f32 v15, v2  }
0x3b1: {  	v15 =	vld [tilespmem:s24+$0x30];
	[tilespmem:s19+$0xC0] =	vst v10;
	v10 =	vadd.f32 v14, v4  }
0x3b2: {  	v18 =	vld [tilespmem:s24+$0x40];
	v14 =	vadd.f32 v17, v9;
	[tilespmem:s19+$0xD0] =	vst v11  }
0x3b3: {  	v11 =	vadd.f32 v12, v8;
	v17 =	vld [tilespmem:s24+$0x50];
	[tilespmem:s19+$0xE0] =	vst v10;
	s19 =	smov.u32 s24  }
0x3b4: {  	v10 =	vadd.f32 v13, v7;
	v13 =	vld [tilespmem:s19+$0x60];
	[tilespmem:s19+$0xF0] =	vst v14  }
.Ltmp30:
0x3b5: {  	[tilespmem:s19+$0x0] =	vst v11;
	v11 =	vadd.f32 v16, v6;
	v14 =	vld [tilespmem:s19+$0x70];
	(pc) =	sbr.rel @p0 .LBB2_63-.Ltmp30, $4  }
0x3b6: {  	[tilespmem:s19+$0x10] =	vst v10;
	v10 =	vadd.f32 v15, v5;
	v12 =	vld [tilespmem:s19+$0x80]  }
0x3b7: {  	[tilespmem:s19+$0x20] =	vst v11;
	v15 =	vadd.f32 v18, v3;
	v11 =	vld [tilespmem:s19+$0x90]  }
0x3b8: {  	[tilespmem:s19+$0x30] =	vst v10;
	v16 =	vadd.f32 v17, v2;
	v10 =	vld [tilespmem:s19+$0xA0]  }
0x3b9: {  	s22 =	sadd.s32 $0x800, s22;
	[tilespmem:s19+$0x40] =	vst v15;
	v15 =	vadd.f32 v13, v4;
	v13 =	vld [tilespmem:s19+$0xB0]  }
0x3ba: {  	[tilespmem:s19+$0x50] =	vst v16;
	v9 =	vadd.f32 v14, v9;
	v61 =	vld [tilespmem:s19+$0xC0]  }
0x3bb: {  	v62 =	vld [tilespmem:s19+$0xD0];
	[tilespmem:s19+$0x60] =	vst v15;
	v8 =	vadd.f32 v12, v8  }
0x3bc: {  	v63 =	vld [tilespmem:s19+$0xE0];
	[tilespmem:s19+$0x70] =	vst v9;
	v7 =	vadd.f32 v11, v7  }
0x3bd: {  	s18 =	sadd.s32 $0x1, s18;
	[tilespmem:s19+$0x80] =	vst v8;
	v6 =	vadd.f32 v10, v6  }
0x3be: {  	p0 =	sne.s32 s18, $0x8;
	[tilespmem:s19+$0x90] =	vst v7;
	v5 =	vadd.f32 v13, v5  }
.Ltmp31:
0x3bf: {  	[tilespmem:s19+$0xA0] =	vst v6;
	v3 =	vadd.f32 v61, v3;
	(pc) =	sbr.rel @p0 .LBB2_62-.Ltmp31, $4  }
0x3c0: {  	v2 =	vadd.f32 v62, v2;
	[tilespmem:s19+$0xB0] =	vst v5  }
0x3c1: {  	[tilespmem:s19+$0xC0] =	vst v3;
	v3 =	vadd.f32 v63, v4  }
0x3c2: {  	[tilespmem:s19+$0xD0] =	vst v2  }
0x3c3: {  	[tilespmem:s19+$0xE0] =	vst v3  }
0x3c4: {  	[hbm4b:s3+s1] =	stream.linear.scatter [tilespmem:s11], [sflag:$0x1], $0x8000, $0x38;
	[tilespmem:$0x1A080] =	vst v63  }
0x3c5: {  	_ =	swait.ge [sflag:s14], $0x8000  }
0x3c6: {  	[sflag:s14] =	ssyncset.done $0x0  }
0x3c7: {  	s16 =	sadd.s32 $0x1, s16;
	[sflag:s14] =	ssyncadd.s32 $0xFFFF8000  }
0x3c8: {  	p0 =	sne.s32 s16, s5;
	_ =	swait.ge [sflag:s15], $0x8000  }
.Ltmp32:
0x3c9: {  	[sflag:s15] =	ssyncset.done $0x0;
	(pc) =	sbr.rel @p0 .LBB2_1-.Ltmp32, $4  }
0x3ca: {  	[sflag:s15] =	ssyncadd.s32 $0xFFFF8000  }
0x3cb: {  	_ =	swait.ge [sflag:s10], $0x8000  }
0x3cc: {  	[sflag:s10] =	ssyncset.done $0x0  }
0x3cd: {  	[sflag:s10] =	ssyncadd.s32 $0xFFFF8000  }
0x3ce: {  	_ =	sfence.sel $0x180000  }
0x3cf: {  	[bflag:$0x0] =	sbarrier.arrive $0xFFFF  }
0x3d0: {  	_ =	strace $0x90000047  }
0x3d1: {  	s0 =	stileid.u32;
	[bflag:$0x2] =	sbarrier.arrive $0xFFFF  }
0x3d2: {  	p0 =	sne.s32 s0, $0x0;
	s0 =	rddreg [dreg:$0x4]  }
0x3d3: {  	s0 =	sadd.s32 @!p0 $0x100000, s0  }
0x3d4: {  	[sflag:s0] =	ssyncadd.tile.s32 @!p0 $0x1;
	_ =	shalt  }
.Lfunc_end2:
_tile_overlayer_lowered:
.L_overlay_start_2:
0x3d5: {  	(tag) =	ssettag $0x2  }
0x3d6: {  	s0 =	rddreg [dreg:$0x0];
	s2 =	stileid.u32  }
0x3d7: {  	s1 =	rddreg [dreg:$0x1];
	p0 =	sne.s32 s2, $0x0  }
0x3d8: {  	s3 =	rddreg [dreg:$0x2];
	[bflag:$0x3] =	sbarrier.arrive $0xFFFF;
	s2 =	simm.s32 @!p0 $0x1C04  }
0x3d9: {  	[timem:s3], [sflag:s2] =	dma.local @!p0 [hbm:s0], s1  }
0x3da: {  	s0 =	simm.s32 @!p0 $0x4  }
0x3db: {  	_ =	swait.ge @!p0 [sflag:s0], s1  }
0x3dc: {  	s1 =	ssub.s32 @!p0 $0x0, s1;
	[sflag:s0] =	ssyncset.done @!p0 $0x0  }
0x3dd: {  	[sflag:s0] =	ssyncadd.s32 @!p0 s1  }
0x3de: {  	[bflag:$0x3] =	sbarrier.arrive $0xFFFF  }
0x3df: {  	_ =	shalt  }

</sc_bundles>
